<compile_context>
chip_gen: v7x
topology: tpu7x:2x2x1
jax: 0.10.2.dev20260603
libtpu: 0.0.44.dev20260713+nightly
codegen_flags: <defaults>
</compile_context>

<pallas_src>
import functools

import jax
import jax.numpy as jnp
import numpy as np
from jax import lax
from jax.experimental import pallas as pl
from jax.experimental.pallas import tpu as pltpu
from jax.experimental.pallas import tpu_sc as plsc

B, F, D, V, DIN = 4096, 26, 64, 1000000, 13
NF = F + 1
NFP = 32
NPAIR = NF * (NF - 1) // 2

_S = np.zeros((NPAIR, NFP * NF), np.float32)
_p = 0
for _n in range(NF):
  for _m in range(_n + 1, NF):
    _S[_p, _n * NFP + _m] = 1.0
    _p += 1

NC, NS = 2, 16
NW = NC * NS
TOTAL = B * F
PER_WB = B // NW
SEG = PER_WB * 128
PER_W = PER_WB * F
CHUNK = 832
NCHUNK = PER_W // CHUNK


def _sc_gather_body(table_hbm, idx_hbm, out_hbm, seg_v, idc_v, rows_v, sem):
  wid = lax.axis_index("s") * NC + lax.axis_index("c")
  pltpu.sync_copy(idx_hbm.at[pl.ds(wid * SEG, SEG)], seg_v)
  lanes = lax.iota(jnp.int32, 16)
  for f in range(F):
    for j in range(PER_WB // 16):
      pos = (j * 16 + lanes) * 128 + f
      vals = plsc.load_gather(seg_v, [pos])
      idc_v[pl.ds(f * PER_WB + j * 16, 16)] = vals.astype(jnp.int32)
  base = wid * PER_W
  for ci in range(NCHUNK):
    idx_sl = idc_v.at[pl.ds(ci * CHUNK, CHUNK)]
    pltpu.async_copy(table_hbm.at[idx_sl], rows_v, sem).wait()
    pltpu.sync_copy(rows_v, out_hbm.at[pl.ds(base + ci * CHUNK, CHUNK)])


def _sc_gather(table, idx_fl):
  mesh = plsc.VectorSubcoreMesh(core_axis_name="c", subcore_axis_name="s")
  fn = functools.partial(
      pl.kernel,
      mesh=mesh,
      out_type=jax.ShapeDtypeStruct((TOTAL, D), jnp.float32),
      scratch_types=[
          pltpu.VMEM((SEG,), jnp.float32),
          pltpu.VMEM((PER_W,), jnp.int32),
          pltpu.VMEM((CHUNK, D), jnp.float32),
          pltpu.SemaphoreType.DMA,
      ],
      compiler_params=pltpu.CompilerParams(
          use_tc_tiling_on_sc=False, needs_layout_passes=False),
  )(_sc_gather_body)
  return fn(table, idx_fl)


BT = 256
GRID = B // BT
H = BT // 4


def _tc_body(xdT_ref, emb_ref, dw1T_ref, db1_ref, dw2T_ref, db2_ref,
             dw3T_ref, db3_ref, ow1aT_ref, w2T_ref, ob1_ref, ow2T_ref,
             ob2_ref, ow3T_ref, ob3_ref, out_ref, c3_ref, g_ref):
  f32 = jnp.float32
  dot = lambda a, b: jax.lax.dot_general(
      a, b, (((1,), (0,)), ((), ())), preferred_element_type=f32)
  h = jnp.maximum(dot(dw1T_ref[...], xdT_ref[...]) + db1_ref[...], 0.0)
  h = jnp.maximum(dot(dw2T_ref[...], h) + db2_ref[...], 0.0)
  doT = jnp.maximum(dot(dw3T_ref[...], h) + db3_ref[...], 0.0)
  d4 = doT.reshape(D, 2, H, 2)
  doTp = jnp.concatenate(
      [d4[:, 0, :, 0], d4[:, 1, :, 0], d4[:, 0, :, 1], d4[:, 1, :, 1]],
      axis=1)
  c3_ref[0] = doTp
  for f in range(F):
    ef = jnp.concatenate([emb_ref[0, f], emb_ref[1, f]], axis=0)
    eT = ef.T
    c3_ref[1 + f] = jnp.concatenate([eT[:D], eT[D:]], axis=1)
  for f in range(NF, NFP):
    c3_ref[f] = jnp.zeros((D, BT), f32)
  c3 = c3_ref[...]
  for n in range(NF):
    prod = c3 * c3[n][None]
    g_ref[pl.ds(n * NFP, NFP)] = jnp.sum(prod, axis=1)
  acc = (dot(w2T_ref[...], g_ref[...]) + dot(ow1aT_ref[...], doTp)
         + ob1_ref[...])
  h = jnp.maximum(acc, 0.0)
  h = jnp.maximum(dot(ow2T_ref[...], h) + ob2_ref[...], 0.0)
  outp = dot(ow3T_ref[...], h) + ob3_ref[...]
  o4 = outp.reshape(8, 2, 2, H)
  nat0 = jnp.stack([o4[:, 0, 0], o4[:, 1, 0]], axis=-1).reshape(8, 2 * H)
  nat1 = jnp.stack([o4[:, 0, 1], o4[:, 1, 1]], axis=-1).reshape(8, 2 * H)
  out_ref[...] = jnp.concatenate([nat0, nat1], axis=1)


def _tc_main(xdT, emb4, dw1T, db1, dw2T, db2, dw3T, db3, ow1aT, w2T, ob1,
             ow2T, ob2, ow3T, ob3, *, interpret=False):
  full = lambda shape: pl.BlockSpec(shape, lambda i: (0,) * len(shape))
  return pl.pallas_call(
      _tc_body,
      grid=(GRID,),
      in_specs=[
          pl.BlockSpec((16, BT), lambda i: (0, i)),
          pl.BlockSpec((2, F, D, 128), lambda i: (i, 0, 0, 0)),
          full((512, 16)), full((512, 1)),
          full((256, 512)), full((256, 1)),
          full((D, 256)), full((D, 1)),
          full((512, D)), full((512, NF * NFP)),
          full((512, 1)), full((256, 512)), full((256, 1)),
          full((8, 256)), full((8, 1)),
      ],
      out_specs=pl.BlockSpec((8, BT), lambda i: (0, i)),
      out_shape=jax.ShapeDtypeStruct((8, B), jnp.float32),
      scratch_shapes=[
          pltpu.VMEM((NFP, D, BT), jnp.float32),
          pltpu.VMEM((NF * NFP, BT), jnp.float32),
      ],
      interpret=interpret,
  )(xdT, emb4, dw1T, db1, dw2T, db2, dw3T, db3, ow1aT, w2T, ob1, ow2T,
    ob2, ow3T, ob3)


def kernel(dense_features, sparse_indices, table, dw1, db1, dw2, db2, dw3,
           db3, ow1, ob1, ow2, ob2, ow3, ob3):
  idxf = lax.optimization_barrier(sparse_indices.astype(jnp.float32))
  idxp = lax.optimization_barrier(jnp.pad(idxf, ((0, 0), (0, 128 - F))))
  idx_fl = idxp.reshape(B * 128)
  xdT = jnp.pad(dense_features, ((0, 0), (0, 16 - DIN))).T
  dw1T = jnp.pad(dw1, ((0, 16 - DIN), (0, 0))).T
  ow1aT = ow1[:D].T
  w2T = jnp.dot(ow1[D:].T, jnp.asarray(_S))
  ow3T = jnp.pad(ow3, ((0, 0), (0, 7))).T
  ob3T = jnp.pad(ob3, ((0, 7),)).reshape(8, 1)
  col = lambda b: b.reshape(-1, 1)

  emb = _sc_gather(table, idx_fl)
  emb4 = emb.reshape(NW, F, D, 128)

  out = _tc_main(xdT, emb4, dw1T, col(db1), dw2.T, col(db2), dw3.T,
                 col(db3), ow1aT, w2T, col(ob1), ow2.T, col(ob2), ow3T,
                 ob3T)
  return out[0].reshape(B, 1)

# --- scband reference (transcript-rebuilt; emitter-appended) ---
"""Pipeline reference for scband-dlrm-48765058679604 (READ-ONLY COPY).

The authoritative reference and input builder live on the scoring server;
editing this copy changes nothing except your own understanding.
"""

import jax, jax.numpy as jnp
import numpy as np

B, F, D, V, DIN = 4096, 26, 64, 1000000, 13
NUM_INTER = (F + 1) * F // 2  # C(27,2) = 351
OVER_IN = D + NUM_INTER  # 415


def setup_inputs(seed: int = 0) -> dict:
    key = jax.random.key(seed)
    ks = jax.random.split(key, 16)
    inp = {}
    inp["dense_features"] = jax.random.normal(ks[0], (B, DIN), dtype=jnp.float32)
    inp["sparse_indices"] = jax.random.randint(ks[1], (B, F), 0, V, dtype=jnp.int64)
    # embedding table (shared reference table for all F features)
    inp["table"] = jax.random.normal(ks[2], (V, D), dtype=jnp.float32) * 0.01
    # DenseArch MLP: 13 -> 512 -> 256 -> 64, relu
    inp["dw1"] = jax.random.normal(ks[3], (DIN, 512), dtype=jnp.float32) * (1.0 / np.sqrt(DIN))
    inp["db1"] = jnp.zeros((512,), jnp.float32)
    inp["dw2"] = jax.random.normal(ks[4], (512, 256), dtype=jnp.float32) * (1.0 / np.sqrt(512))
    inp["db2"] = jnp.zeros((256,), jnp.float32)
    inp["dw3"] = jax.random.normal(ks[5], (256, D), dtype=jnp.float32) * (1.0 / np.sqrt(256))
    inp["db3"] = jnp.zeros((D,), jnp.float32)
    # OverArch MLP: 415 -> 512 -> 256 -> 1 (relu on first two, final linear)
    inp["ow1"] = jax.random.normal(ks[6], (OVER_IN, 512), dtype=jnp.float32) * (1.0 / np.sqrt(OVER_IN))
    inp["ob1"] = jnp.zeros((512,), jnp.float32)
    inp["ow2"] = jax.random.normal(ks[7], (512, 256), dtype=jnp.float32) * (1.0 / np.sqrt(512))
    inp["ob2"] = jnp.zeros((256,), jnp.float32)
    inp["ow3"] = jax.random.normal(ks[8], (256, 1), dtype=jnp.float32) * (1.0 / np.sqrt(256))
    inp["ob3"] = jnp.zeros((1,), jnp.float32)
    return inp


def reference(dense_features, sparse_indices, table, dw1, db1, dw2, db2, dw3, db3,
              ow1, ob1, ow2, ob2, ow3, ob3):
    # DenseArch
    h = jax.nn.relu(dense_features @ dw1 + db1)
    h = jax.nn.relu(h @ dw2 + db2)
    dense_out = jax.nn.relu(h @ dw3 + db3)  # [B, D]
    # SparseArch: embedding lookup (pooled per-feature, pool size 1 here)
    sparse_out = jnp.take(table, sparse_indices, axis=0)  # [B, F, D]
    # InteractionArch: pairwise dot products of (dense + F sparse) features
    combined = jnp.concatenate([dense_out[:, None, :], sparse_out], axis=1)  # [B, F+1, D]
    interactions = jnp.einsum("bnd,bmd->bnm", combined, combined)  # [B, F+1, F+1]
    iu0, iu1 = jnp.triu_indices(F + 1, k=1)
    interactions_flat = interactions[:, iu0, iu1]  # [B, C(F+1,2)]
    x = jnp.concatenate([dense_out, interactions_flat], axis=1)  # [B, D + C(F+1,2)]
    # OverArch
    h = jax.nn.relu(x @ ow1 + ob1)
    h = jax.nn.relu(h @ ow2 + ob2)
    logits = h @ ow3 + ob3  # [B, 1]
    return logits

if __name__ == "__main__":
    import jax
    _d = setup_inputs()
    print(jax.jit(kernel)(*tuple(_d.values())))

</pallas_src>

<mosaic_0001>
#map = affine_map<(d0, d1) -> (0, 0)>
#map1 = affine_map<(d0, d1) -> (0)>
module attributes {stable_mosaic.version = 14 : i64} {
  func.func @_sc_gather_body(%arg0: i32, %arg1: i32, %arg2: memref<1000000x64xf32, #tpu.memory_space<hbm>>, %arg3: memref<524288xf32, #tpu.memory_space<hbm>>, %arg4: memref<106496x64xf32, #tpu.memory_space<hbm>>, %arg5: memref<16384xf32, #tpu.memory_space<vmem>>, %arg6: memref<3328xi32, #tpu.memory_space<vmem>>, %arg7: memref<832x64xf32, #tpu.memory_space<vmem>>, %arg8: memref<!tpu.dma_semaphore, #tpu.memory_space<semaphore_mem>>) attributes {dimension_semantics = [#tpu.dimension_semantics<core_parallel>, #tpu.dimension_semantics<subcore_parallel>], iteration_bounds = array<i64: 2, 16>, scalar_prefetch = 0 : i64, scratch_operands = 4 : i64, tpu.core_type = #tpu.core_type<sc_vector_subcore>, window_params = [{transform_indices = #map}, {transform_indices = #map1}, {transform_indices = #map}]} {
    %mul3A = arith.constant 2 : i32
    %mul3A_0 = arith.muli %arg1, %mul3A : i32
    %add3A = arith.addi %mul3A_0, %arg0 : i32
    %mul3A_1 = arith.constant 16384 : i32
    %mul3A_2 = arith.muli %add3A, %mul3A_1 : i32
    "tpu.region"() ({
      %run_scoped3A = tpu.sem_alloc : memref<!tpu.dma_semaphore, #tpu.memory_space<semaphore_mem>>
      %dma_start3A_2752 = tpu.memref_slice %arg3[%mul3A_2] : memref<524288xf32, #tpu.memory_space<hbm>> -> memref<16384xf32, #tpu.memory_space<hbm>>
      %dma_start3A_2753 = tpu.memref_slice %arg3[%mul3A_2] : memref<524288xf32, #tpu.memory_space<hbm>> -> memref<16384xf32, #tpu.memory_space<hbm>>
      tpu.enqueue_dma source(%dma_start3A_2753 : memref<16384xf32, #tpu.memory_space<hbm>>) target(%arg5 : memref<16384xf32, #tpu.memory_space<vmem>>) target_semaphore(%run_scoped3A : memref<!tpu.dma_semaphore, #tpu.memory_space<semaphore_mem>>)
      %dma_wait3A_2754 = tpu.memref_slice %arg3[%mul3A_2] : memref<524288xf32, #tpu.memory_space<hbm>> -> memref<16384xf32, #tpu.memory_space<hbm>>
      %dma_wait3A_2755 = tpu.memref_slice %arg3[%mul3A_2] : memref<524288xf32, #tpu.memory_space<hbm>> -> memref<16384xf32, #tpu.memory_space<hbm>>
      tpu.wait_dma2 semaphore(%run_scoped3A : memref<!tpu.dma_semaphore, #tpu.memory_space<semaphore_mem>>) src(%dma_wait3A_2755 : memref<16384xf32, #tpu.memory_space<hbm>>) dst(%arg5 : memref<16384xf32, #tpu.memory_space<vmem>>)
      tpu.yield
    }) : () -> ()
    %iota3A = tpu.iota {dimensions = array<i32: 0>} : vector<16xi32>
    %add3A_3 = arith.constant 0 : i32
    %add3A_4 = vector.broadcast %add3A_3 : i32 to vector<16xi32>
    %add3A_5 = arith.addi %add3A_4, %iota3A : vector<16xi32>
    %mul3A_6 = arith.constant 128 : i32
    %mul3A_7 = vector.broadcast %mul3A_6 : i32 to vector<16xi32>
    %mul3A_8 = arith.muli %add3A_5, %mul3A_7 : vector<16xi32>
    %add3A_9 = arith.constant 0 : i32
    %add3A_10 = vector.broadcast %add3A_9 : i32 to vector<16xi32>
    %add3A_11 = arith.addi %mul3A_8, %add3A_10 : vector<16xi32>
    %gather3A = tpu.vector_load_idx %arg5[%add3A_11] : memref<16384xf32, #tpu.memory_space<vmem>>[vector<16xi32>], vector<16xf32>,
    %convert_element_type3A = arith.fptosi %gather3A : vector<16xf32> to vector<16xi32>
    %swap3A = arith.constant 0 : index
    %swap3A_12 = tpu.vector_load %arg6[%swap3A] {strides = array<i32>} : memref<3328xi32, #tpu.memory_space<vmem>>, vector<16xi32>,
    tpu.vector_store %arg6[%swap3A], %convert_element_type3A {strides = array<i32>} : memref<3328xi32, #tpu.memory_space<vmem>>, vector<16xi32>,
    %add3A_13 = arith.constant 16 : i32
    %add3A_14 = vector.broadcast %add3A_13 : i32 to vector<16xi32>
    %add3A_15 = arith.addi %add3A_14, %iota3A : vector<16xi32>
    %mul3A_16 = arith.constant 128 : i32
    %mul3A_17 = vector.broadcast %mul3A_16 : i32 to vector<16xi32>
    %mul3A_18 = arith.muli %add3A_15, %mul3A_17 : vector<16xi32>
    %add3A_19 = arith.constant 0 : i32
    %add3A_20 = vector.broadcast %add3A_19 : i32 to vector<16xi32>
    %add3A_21 = arith.addi %mul3A_18, %add3A_20 : vector<16xi32>
    %gather3A_22 = tpu.vector_load_idx %arg5[%add3A_21] : memref<16384xf32, #tpu.memory_space<vmem>>[vector<16xi32>], vector<16xf32>,
    %convert_element_type3A_23 = arith.fptosi %gather3A_22 : vector<16xf32> to vector<16xi32>
    %swap3A_24 = arith.constant 16 : index
    %swap3A_25 = tpu.vector_load %arg6[%swap3A_24] {strides = array<i32>} : memref<3328xi32, #tpu.memory_space<vmem>>, vector<16xi32>,
    tpu.vector_store %arg6[%swap3A_24], %convert_element_type3A_23 {strides = array<i32>} : memref<3328xi32, #tpu.memory_space<vmem>>, vector<16xi32>,
    %add3A_26 = arith.constant 32 : i32
    %add3A_27 = vector.broadcast %add3A_26 : i32 to vector<16xi32>
    %add3A_28 = arith.addi %add3A_27, %iota3A : vector<16xi32>
    %mul3A_29 = arith.constant 128 : i32
    %mul3A_30 = vector.broadcast %mul3A_29 : i32 to vector<16xi32>
    %mul3A_31 = arith.muli %add3A_28, %mul3A_30 : vector<16xi32>
    %add3A_32 = arith.constant 0 : i32
    %add3A_33 = vector.broadcast %add3A_32 : i32 to vector<16xi32>
    %add3A_34 = arith.addi %mul3A_31, %add3A_33 : vector<16xi32>
    %gather3A_35 = tpu.vector_load_idx %arg5[%add3A_34] : memref<16384xf32, #tpu.memory_space<vmem>>[vector<16xi32>], vector<16xf32>,
    %convert_element_type3A_36 = arith.fptosi %gather3A_35 : vector<16xf32> to vector<16xi32>
    %swap3A_37 = arith.constant 32 : index
    %swap3A_38 = tpu.vector_load %arg6[%swap3A_37] {strides = array<i32>} : memref<3328xi32, #tpu.memory_space<vmem>>, vector<16xi32>,
    tpu.vector_store %arg6[%swap3A_37], %convert_element_type3A_36 {strides = array<i32>} : memref<3328xi32, #tpu.memory_space<vmem>>, vector<16xi32>,
    %add3A_39 = arith.constant 48 : i32
    %add3A_40 = vector.broadcast %add3A_39 : i32 to vector<16xi32>
    %add3A_41 = arith.addi %add3A_40, %iota3A : vector<16xi32>
    %mul3A_42 = arith.constant 128 : i32
    %mul3A_43 = vector.broadcast %mul3A_42 : i32 to vector<16xi32>
    %mul3A_44 = arith.muli %add3A_41, %mul3A_43 : vector<16xi32>
    %add3A_45 = arith.constant 0 : i32
    %add3A_46 = vector.broadcast %add3A_45 : i32 to vector<16xi32>
    %add3A_47 = arith.addi %mul3A_44, %add3A_46 : vector<16xi32>
    %gather3A_48 = tpu.vector_load_idx %arg5[%add3A_47] : memref<16384xf32, #tpu.memory_space<vmem>>[vector<16xi32>], vector<16xf32>,
    %convert_element_type3A_49 = arith.fptosi %gather3A_48 : vector<16xf32> to vector<16xi32>
    %swap3A_50 = arith.constant 48 : index
    %swap3A_51 = tpu.vector_load %arg6[%swap3A_50] {strides = array<i32>} : memref<3328xi32, #tpu.memory_space<vmem>>, vector<16xi32>,
    tpu.vector_store %arg6[%swap3A_50], %convert_element_type3A_49 {strides = array<i32>} : memref<3328xi32, #tpu.memory_space<vmem>>, vector<16xi32>,
    %add3A_52 = arith.constant 64 : i32
    %add3A_53 = vector.broadcast %add3A_52 : i32 to vector<16xi32>
    %add3A_54 = arith.addi %add3A_53, %iota3A : vector<16xi32>
    %mul3A_55 = arith.constant 128 : i32
    %mul3A_56 = vector.broadcast %mul3A_55 : i32 to vector<16xi32>
    %mul3A_57 = arith.muli %add3A_54, %mul3A_56 : vector<16xi32>
    %add3A_58 = arith.constant 0 : i32
    %add3A_59 = vector.broadcast %add3A_58 : i32 to vector<16xi32>
    %add3A_60 = arith.addi %mul3A_57, %add3A_59 : vector<16xi32>
    %gather3A_61 = tpu.vector_load_idx %arg5[%add3A_60] : memref<16384xf32, #tpu.memory_space<vmem>>[vector<16xi32>], vector<16xf32>,
    %convert_element_type3A_62 = arith.fptosi %gather3A_61 : vector<16xf32> to vector<16xi32>
    %swap3A_63 = arith.constant 64 : index
    %swap3A_64 = tpu.vector_load %arg6[%swap3A_63] {strides = array<i32>} : memref<3328xi32, #tpu.memory_space<vmem>>, vector<16xi32>,
    tpu.vector_store %arg6[%swap3A_63], %convert_element_type3A_62 {strides = array<i32>} : memref<3328xi32, #tpu.memory_space<vmem>>, vector<16xi32>,
    %add3A_65 = arith.constant 80 : i32
    %add3A_66 = vector.broadcast %add3A_65 : i32 to vector<16xi32>
    %add3A_67 = arith.addi %add3A_66, %iota3A : vector<16xi32>
    %mul3A_68 = arith.constant 128 : i32
    %mul3A_69 = vector.broadcast %mul3A_68 : i32 to vector<16xi32>
    %mul3A_70 = arith.muli %add3A_67, %mul3A_69 : vector<16xi32>
    %add3A_71 = arith.constant 0 : i32
    %add3A_72 = vector.broadcast %add3A_71 : i32 to vector<16xi32>
    %add3A_73 = arith.addi %mul3A_70, %add3A_72 : vector<16xi32>
    %gather3A_74 = tpu.vector_load_idx %arg5[%add3A_73] : memref<16384xf32, #tpu.memory_space<vmem>>[vector<16xi32>], vector<16xf32>,
    %convert_element_type3A_75 = arith.fptosi %gather3A_74 : vector<16xf32> to vector<16xi32>
    %swap3A_76 = arith.constant 80 : index
    %swap3A_77 = tpu.vector_load %arg6[%swap3A_76] {strides = array<i32>} : memref<3328xi32, #tpu.memory_space<vmem>>, vector<16xi32>,
    tpu.vector_store %arg6[%swap3A_76], %convert_element_type3A_75 {strides = array<i32>} : memref<3328xi32, #tpu.memory_space<vmem>>, vector<16xi32>,
    %add3A_78 = arith.constant 96 : i32
    %add3A_79 = vector.broadcast %add3A_78 : i32 to vector<16xi32>
    %add3A_80 = arith.addi %add3A_79, %iota3A : vector<16xi32>
    %mul3A_81 = arith.constant 128 : i32
    %mul3A_82 = vector.broadcast %mul3A_81 : i32 to vector<16xi32>
    %mul3A_83 = arith.muli %add3A_80, %mul3A_82 : vector<16xi32>
    %add3A_84 = arith.constant 0 : i32
    %add3A_85 = vector.broadcast %add3A_84 : i32 to vector<16xi32>
    %add3A_86 = arith.addi %mul3A_83, %add3A_85 : vector<16xi32>
    %gather3A_87 = tpu.vector_load_idx %arg5[%add3A_86] : memref<16384xf32, #tpu.memory_space<vmem>>[vector<16xi32>], vector<16xf32>,
    %convert_element_type3A_88 = arith.fptosi %gather3A_87 : vector<16xf32> to vector<16xi32>
    %swap3A_89 = arith.constant 96 : index
    %swap3A_90 = tpu.vector_load %arg6[%swap3A_89] {strides = array<i32>} : memref<3328xi32, #tpu.memory_space<vmem>>, vector<16xi32>,
    tpu.vector_store %arg6[%swap3A_89], %convert_element_type3A_88 {strides = array<i32>} : memref<3328xi32, #tpu.memory_space<vmem>>, vector<16xi32>,
    %add3A_91 = arith.constant 112 : i32
    %add3A_92 = vector.broadcast %add3A_91 : i32 to vector<16xi32>
    %add3A_93 = arith.addi %add3A_92, %iota3A : vector<16xi32>
    %mul3A_94 = arith.constant 128 : i32
    %mul3A_95 = vector.broadcast %mul3A_94 : i32 to vector<16xi32>
    %mul3A_96 = arith.muli %add3A_93, %mul3A_95 : vector<16xi32>
    %add3A_97 = arith.constant 0 : i32
    %add3A_98 = vector.broadcast %add3A_97 : i32 to vector<16xi32>
    %add3A_99 = arith.addi %mul3A_96, %add3A_98 : vector<16xi32>
    %gather3A_100 = tpu.vector_load_idx %arg5[%add3A_99] : memref<16384xf32, #tpu.memory_space<vmem>>[vector<16xi32>], vector<16xf32>,
    %convert_element_type3A_101 = arith.fptosi %gather3A_100 : vector<16xf32> to vector<16xi32>
    %swap3A_102 = arith.constant 112 : index
    %swap3A_103 = tpu.vector_load %arg6[%swap3A_102] {strides = array<i32>} : memref<3328xi32, #tpu.memory_space<vmem>>, vector<16xi32>,
    tpu.vector_store %arg6[%swap3A_102], %convert_element_type3A_101 {strides = array<i32>} : memref<3328xi32, #tpu.memory_space<vmem>>, vector<16xi32>,
    %add3A_104 = arith.constant 0 : i32
    %add3A_105 = vector.broadcast %add3A_104 : i32 to vector<16xi32>
    %add3A_106 = arith.addi %add3A_105, %iota3A : vector<16xi32>
    %mul3A_107 = arith.constant 128 : i32
    %mul3A_108 = vector.broadcast %mul3A_107 : i32 to vector<16xi32>
    %mul3A_109 = arith.muli %add3A_106, %mul3A_108 : vector<16xi32>
    %add3A_110 = arith.constant 1 : i32
    %add3A_111 = vector.broadcast %add3A_110 : i32 to vector<16xi32>
    %add3A_112 = arith.addi %mul3A_109, %add3A_111 : vector<16xi32>
    %gather3A_113 = tpu.vector_load_idx %arg5[%add3A_112] : memref<16384xf32, #tpu.memory_space<vmem>>[vector<16xi32>], vector<16xf32>,
    %convert_element_type3A_114 = arith.fptosi %gather3A_113 : vector<16xf32> to vector<16xi32>
    %swap3A_115 = arith.constant 128 : index
    %swap3A_116 = tpu.vector_load %arg6[%swap3A_115] {strides = array<i32>} : memref<3328xi32, #tpu.memory_space<vmem>>, vector<16xi32>,
    tpu.vector_store %arg6[%swap3A_115], %convert_element_type3A_114 {strides = array<i32>} : memref<3328xi32, #tpu.memory_space<vmem>>, vector<16xi32>,
    %add3A_117 = arith.constant 16 : i32
    %add3A_118 = vector.broadcast %add3A_117 : i32 to vector<16xi32>
    %add3A_119 = arith.addi %add3A_118, %iota3A : vector<16xi32>
    %mul3A_120 = arith.constant 128 : i32
    %mul3A_121 = vector.broadcast %mul3A_120 : i32 to vector<16xi32>
    %mul3A_122 = arith.muli %add3A_119, %mul3A_121 : vector<16xi32>
    %add3A_123 = arith.constant 1 : i32
    %add3A_124 = vector.broadcast %add3A_123 : i32 to vector<16xi32>
    %add3A_125 = arith.addi %mul3A_122, %add3A_124 : vector<16xi32>
    %gather3A_126 = tpu.vector_load_idx %arg5[%add3A_125] : memref<16384xf32, #tpu.memory_space<vmem>>[vector<16xi32>], vector<16xf32>,
    %convert_element_type3A_127 = arith.fptosi %gather3A_126 : vector<16xf32> to vector<16xi32>
    %swap3A_128 = arith.constant 144 : index
    %swap3A_129 = tpu.vector_load %arg6[%swap3A_128] {strides = array<i32>} : memref<3328xi32, #tpu.memory_space<vmem>>, vector<16xi32>,
    tpu.vector_store %arg6[%swap3A_128], %convert_element_type3A_127 {strides = array<i32>} : memref<3328xi32, #tpu.memory_space<vmem>>, vector<16xi32>,
    %add3A_130 = arith.constant 32 : i32
    %add3A_131 = vector.broadcast %add3A_130 : i32 to vector<16xi32>
    %add3A_132 = arith.addi %add3A_131, %iota3A : vector<16xi32>
    %mul3A_133 = arith.constant 128 : i32
    %mul3A_134 = vector.broadcast %mul3A_133 : i32 to vector<16xi32>
    %mul3A_135 = arith.muli %add3A_132, %mul3A_134 : vector<16xi32>
    %add3A_136 = arith.constant 1 : i32
    %add3A_137 = vector.broadcast %add3A_136 : i32 to vector<16xi32>
    %add3A_138 = arith.addi %mul3A_135, %add3A_137 : vector<16xi32>
    %gather3A_139 = tpu.vector_load_idx %arg5[%add3A_138] : memref<16384xf32, #tpu.memory_space<vmem>>[vector<16xi32>], vector<16xf32>,
    %convert_element_type3A_140 = arith.fptosi %gather3A_139 : vector<16xf32> to vector<16xi32>
    %swap3A_141 = arith.constant 160 : index
    %swap3A_142 = tpu.vector_load %arg6[%swap3A_141] {strides = array<i32>} : memref<3328xi32, #tpu.memory_space<vmem>>, vector<16xi32>,
    tpu.vector_store %arg6[%swap3A_141], %convert_element_type3A_140 {strides = array<i32>} : memref<3328xi32, #tpu.memory_space<vmem>>, vector<16xi32>,
    %add3A_143 = arith.constant 48 : i32
    %add3A_144 = vector.broadcast %add3A_143 : i32 to vector<16xi32>
    %add3A_145 = arith.addi %add3A_144, %iota3A : vector<16xi32>
    %mul3A_146 = arith.constant 128 : i32
    %mul3A_147 = vector.broadcast %mul3A_146 : i32 to vector<16xi32>
    %mul3A_148 = arith.muli %add3A_145, %mul3A_147 : vector<16xi32>
    %add3A_149 = arith.constant 1 : i32
    %add3A_150 = vector.broadcast %add3A_149 : i32 to vector<16xi32>
    %add3A_151 = arith.addi %mul3A_148, %add3A_150 : vector<16xi32>
    %gather3A_152 = tpu.vector_load_idx %arg5[%add3A_151] : memref<16384xf32, #tpu.memory_space<vmem>>[vector<16xi32>], vector<16xf32>,
    %convert_element_type3A_153 = arith.fptosi %gather3A_152 : vector<16xf32> to vector<16xi32>
    %swap3A_154 = arith.constant 176 : index
    %swap3A_155 = tpu.vector_load %arg6[%swap3A_154] {strides = array<i32>} : memref<3328xi32, #tpu.memory_space<vmem>>, vector<16xi32>,
    tpu.vector_store %arg6[%swap3A_154], %convert_element_type3A_153 {strides = array<i32>} : memref<3328xi32, #tpu.memory_space<vmem>>, vector<16xi32>,
    %add3A_156 = arith.constant 64 : i32
    %add3A_157 = vector.broadcast %add3A_156 : i32 to vector<16xi32>
    %add3A_158 = arith.addi %add3A_157, %iota3A : vector<16xi32>
    %mul3A_159 = arith.constant 128 : i32
    %mul3A_160 = vector.broadcast %mul3A_159 : i32 to vector<16xi32>
    %mul3A_161 = arith.muli %add3A_158, %mul3A_160 : vector<16xi32>
    %add3A_162 = arith.constant 1 : i32
    %add3A_163 = vector.broadcast %add3A_162 : i32 to vector<16xi32>
    %add3A_164 = arith.addi %mul3A_161, %add3A_163 : vector<16xi32>
    %gather3A_165 = tpu.vector_load_idx %arg5[%add3A_164] : memref<16384xf32, #tpu.memory_space<vmem>>[vector<16xi32>], vector<16xf32>,
    %convert_element_type3A_166 = arith.fptosi %gather3A_165 : vector<16xf32> to vector<16xi32>
    %swap3A_167 = arith.constant 192 : index
    %swap3A_168 = tpu.vector_load %arg6[%swap3A_167] {strides = array<i32>} : memref<3328xi32, #tpu.memory_space<vmem>>, vector<16xi32>,
    tpu.vector_store %arg6[%swap3A_167], %convert_element_type3A_166 {strides = array<i32>} : memref<3328xi32, #tpu.memory_space<vmem>>, vector<16xi32>,
    %add3A_169 = arith.constant 80 : i32
    %add3A_170 = vector.broadcast %add3A_169 : i32 to vector<16xi32>
    %add3A_171 = arith.addi %add3A_170, %iota3A : vector<16xi32>
    %mul3A_172 = arith.constant 128 : i32
    %mul3A_173 = vector.broadcast %mul3A_172 : i32 to vector<16xi32>
    %mul3A_174 = arith.muli %add3A_171, %mul3A_173 : vector<16xi32>
    %add3A_175 = arith.constant 1 : i32
    %add3A_176 = vector.broadcast %add3A_175 : i32 to vector<16xi32>
    %add3A_177 = arith.addi %mul3A_174, %add3A_176 : vector<16xi32>
    %gather3A_178 = tpu.vector_load_idx %arg5[%add3A_177] : memref<16384xf32, #tpu.memory_space<vmem>>[vector<16xi32>], vector<16xf32>,
    %convert_element_type3A_179 = arith.fptosi %gather3A_178 : vector<16xf32> to vector<16xi32>
    %swap3A_180 = arith.constant 208 : index
    %swap3A_181 = tpu.vector_load %arg6[%swap3A_180] {strides = array<i32>} : memref<3328xi32, #tpu.memory_space<vmem>>, vector<16xi32>,
    tpu.vector_store %arg6[%swap3A_180], %convert_element_type3A_179 {strides = array<i32>} : memref<3328xi32, #tpu.memory_space<vmem>>, vector<16xi32>,
    %add3A_182 = arith.constant 96 : i32
    %add3A_183 = vector.broadcast %add3A_182 : i32 to vector<16xi32>
    %add3A_184 = arith.addi %add3A_183, %iota3A : vector<16xi32>
    %mul3A_185 = arith.constant 128 : i32
    %mul3A_186 = vector.broadcast %mul3A_185 : i32 to vector<16xi32>
    %mul3A_187 = arith.muli %add3A_184, %mul3A_186 : vector<16xi32>
    %add3A_188 = arith.constant 1 : i32
    %add3A_189 = vector.broadcast %add3A_188 : i32 to vector<16xi32>
    %add3A_190 = arith.addi %mul3A_187, %add3A_189 : vector<16xi32>
    %gather3A_191 = tpu.vector_load_idx %arg5[%add3A_190] : memref<16384xf32, #tpu.memory_space<vmem>>[vector<16xi32>], vector<16xf32>,
    %convert_element_type3A_192 = arith.fptosi %gather3A_191 : vector<16xf32> to vector<16xi32>
    %swap3A_193 = arith.constant 224 : index
    %swap3A_194 = tpu.vector_load %arg6[%swap3A_193] {strides = array<i32>} : memref<3328xi32, #tpu.memory_space<vmem>>, vector<16xi32>,
    tpu.vector_store %arg6[%swap3A_193], %convert_element_type3A_192 {strides = array<i32>} : memref<3328xi32, #tpu.memory_space<vmem>>, vector<16xi32>,
    %add3A_195 = arith.constant 112 : i32
    %add3A_196 = vector.broadcast %add3A_195 : i32 to vector<16xi32>
    %add3A_197 = arith.addi %add3A_196, %iota3A : vector<16xi32>
    %mul3A_198 = arith.constant 128 : i32
    %mul3A_199 = vector.broadcast %mul3A_198 : i32 to vector<16xi32>
    %mul3A_200 = arith.muli %add3A_197, %mul3A_199 : vector<16xi32>
    %add3A_201 = arith.constant 1 : i32
    %add3A_202 = vector.broadcast %add3A_201 : i32 to vector<16xi32>
    %add3A_203 = arith.addi %mul3A_200, %add3A_202 : vector<16xi32>
    %gather3A_204 = tpu.vector_load_idx %arg5[%add3A_203] : memref<16384xf32, #tpu.memory_space<vmem>>[vector<16xi32>], vector<16xf32>,
    %convert_element_type3A_205 = arith.fptosi %gather3A_204 : vector<16xf32> to vector<16xi32>
    %swap3A_206 = arith.constant 240 : index
    %swap3A_207 = tpu.vector_load %arg6[%swap3A_206] {strides = array<i32>} : memref<3328xi32, #tpu.memory_space<vmem>>, vector<16xi32>,
    tpu.vector_store %arg6[%swap3A_206], %convert_element_type3A_205 {strides = array<i32>} : memref<3328xi32, #tpu.memory_space<vmem>>, vector<16xi32>,
    %add3A_208 = arith.constant 0 : i32
    %add3A_209 = vector.broadcast %add3A_208 : i32 to vector<16xi32>
    %add3A_210 = arith.addi %add3A_209, %iota3A : vector<16xi32>
    %mul3A_211 = arith.constant 128 : i32
    %mul3A_212 = vector.broadcast %mul3A_211 : i32 to vector<16xi32>
    %mul3A_213 = arith.muli %add3A_210, %mul3A_212 : vector<16xi32>
    %add3A_214 = arith.constant 2 : i32
    %add3A_215 = vector.broadcast %add3A_214 : i32 to vector<16xi32>
    %add3A_216 = arith.addi %mul3A_213, %add3A_215 : vector<16xi32>
    %gather3A_217 = tpu.vector_load_idx %arg5[%add3A_216] : memref<16384xf32, #tpu.memory_space<vmem>>[vector<16xi32>], vector<16xf32>,
    %convert_element_type3A_218 = arith.fptosi %gather3A_217 : vector<16xf32> to vector<16xi32>
    %swap3A_219 = arith.constant 256 : index
    %swap3A_220 = tpu.vector_load %arg6[%swap3A_219] {strides = array<i32>} : memref<3328xi32, #tpu.memory_space<vmem>>, vector<16xi32>,
    tpu.vector_store %arg6[%swap3A_219], %convert_element_type3A_218 {strides = array<i32>} : memref<3328xi32, #tpu.memory_space<vmem>>, vector<16xi32>,
    %add3A_221 = arith.constant 16 : i32
    %add3A_222 = vector.broadcast %add3A_221 : i32 to vector<16xi32>
    %add3A_223 = arith.addi %add3A_222, %iota3A : vector<16xi32>
    %mul3A_224 = arith.constant 128 : i32
    %mul3A_225 = vector.broadcast %mul3A_224 : i32 to vector<16xi32>
    %mul3A_226 = arith.muli %add3A_223, %mul3A_225 : vector<16xi32>
    %add3A_227 = arith.constant 2 : i32
    %add3A_228 = vector.broadcast %add3A_227 : i32 to vector<16xi32>
    %add3A_229 = arith.addi %mul3A_226, %add3A_228 : vector<16xi32>
    %gather3A_230 = tpu.vector_load_idx %arg5[%add3A_229] : memref<16384xf32, #tpu.memory_space<vmem>>[vector<16xi32>], vector<16xf32>,
    %convert_element_type3A_231 = arith.fptosi %gather3A_230 : vector<16xf32> to vector<16xi32>
    %swap3A_232 = arith.constant 272 : index
    %swap3A_233 = tpu.vector_load %arg6[%swap3A_232] {strides = array<i32>} : memref<3328xi32, #tpu.memory_space<vmem>>, vector<16xi32>,
    tpu.vector_store %arg6[%swap3A_232], %convert_element_type3A_231 {strides = array<i32>} : memref<3328xi32, #tpu.memory_space<vmem>>, vector<16xi32>,
    %add3A_234 = arith.constant 32 : i32
    %add3A_235 = vector.broadcast %add3A_234 : i32 to vector<16xi32>
    %add3A_236 = arith.addi %add3A_235, %iota3A : vector<16xi32>
    %mul3A_237 = arith.constant 128 : i32
    %mul3A_238 = vector.broadcast %mul3A_237 : i32 to vector<16xi32>
    %mul3A_239 = arith.muli %add3A_236, %mul3A_238 : vector<16xi32>
    %add3A_240 = arith.constant 2 : i32
    %add3A_241 = vector.broadcast %add3A_240 : i32 to vector<16xi32>
    %add3A_242 = arith.addi %mul3A_239, %add3A_241 : vector<16xi32>
    %gather3A_243 = tpu.vector_load_idx %arg5[%add3A_242] : memref<16384xf32, #tpu.memory_space<vmem>>[vector<16xi32>], vector<16xf32>,
    %convert_element_type3A_244 = arith.fptosi %gather3A_243 : vector<16xf32> to vector<16xi32>
    %swap3A_245 = arith.constant 288 : index
    %swap3A_246 = tpu.vector_load %arg6[%swap3A_245] {strides = array<i32>} : memref<3328xi32, #tpu.memory_space<vmem>>, vector<16xi32>,
    tpu.vector_store %arg6[%swap3A_245], %convert_element_type3A_244 {strides = array<i32>} : memref<3328xi32, #tpu.memory_space<vmem>>, vector<16xi32>,
    %add3A_247 = arith.constant 48 : i32
    %add3A_248 = vector.broadcast %add3A_247 : i32 to vector<16xi32>
    %add3A_249 = arith.addi %add3A_248, %iota3A : vector<16xi32>
    %mul3A_250 = arith.constant 128 : i32
    %mul3A_251 = vector.broadcast %mul3A_250 : i32 to vector<16xi32>
    %mul3A_252 = arith.muli %add3A_249, %mul3A_251 : vector<16xi32>
    %add3A_253 = arith.constant 2 : i32
    %add3A_254 = vector.broadcast %add3A_253 : i32 to vector<16xi32>
    %add3A_255 = arith.addi %mul3A_252, %add3A_254 : vector<16xi32>
    %gather3A_256 = tpu.vector_load_idx %arg5[%add3A_255] : memref<16384xf32, #tpu.memory_space<vmem>>[vector<16xi32>], vector<16xf32>,
    %convert_element_type3A_257 = arith.fptosi %gather3A_256 : vector<16xf32> to vector<16xi32>
    %swap3A_258 = arith.constant 304 : index
    %swap3A_259 = tpu.vector_load %arg6[%swap3A_258] {strides = array<i32>} : memref<3328xi32, #tpu.memory_space<vmem>>, vector<16xi32>,
    tpu.vector_store %arg6[%swap3A_258], %convert_element_type3A_257 {strides = array<i32>} : memref<3328xi32, #tpu.memory_space<vmem>>, vector<16xi32>,
    %add3A_260 = arith.constant 64 : i32
    %add3A_261 = vector.broadcast %add3A_260 : i32 to vector<16xi32>
    %add3A_262 = arith.addi %add3A_261, %iota3A : vector<16xi32>
    %mul3A_263 = arith.constant 128 : i32
    %mul3A_264 = vector.broadcast %mul3A_263 : i32 to vector<16xi32>
    %mul3A_265 = arith.muli %add3A_262, %mul3A_264 : vector<16xi32>
    %add3A_266 = arith.constant 2 : i32
    %add3A_267 = vector.broadcast %add3A_266 : i32 to vector<16xi32>
    %add3A_268 = arith.addi %mul3A_265, %add3A_267 : vector<16xi32>
    %gather3A_269 = tpu.vector_load_idx %arg5[%add3A_268] : memref<16384xf32, #tpu.memory_space<vmem>>[vector<16xi32>], vector<16xf32>,
    %convert_element_type3A_270 = arith.fptosi %gather3A_269 : vector<16xf32> to vector<16xi32>
    %swap3A_271 = arith.constant 320 : index
    %swap3A_272 = tpu.vector_load %arg6[%swap3A_271] {strides = array<i32>} : memref<3328xi32, #tpu.memory_space<vmem>>, vector<16xi32>,
    tpu.vector_store %arg6[%swap3A_271], %convert_element_type3A_270 {strides = array<i32>} : memref<3328xi32, #tpu.memory_space<vmem>>, vector<16xi32>,
    %add3A_273 = arith.constant 80 : i32
    %add3A_274 = vector.broadcast %add3A_273 : i32 to vector<16xi32>
    %add3A_275 = arith.addi %add3A_274, %iota3A : vector<16xi32>
    %mul3A_276 = arith.constant 128 : i32
    %mul3A_277 = vector.broadcast %mul3A_276 : i32 to vector<16xi32>
    %mul3A_278 = arith.muli %add3A_275, %mul3A_277 : vector<16xi32>
    %add3A_279 = arith.constant 2 : i32
    %add3A_280 = vector.broadcast %add3A_279 : i32 to vector<16xi32>
    %add3A_281 = arith.addi %mul3A_278, %add3A_280 : vector<16xi32>
    %gather3A_282 = tpu.vector_load_idx %arg5[%add3A_281] : memref<16384xf32, #tpu.memory_space<vmem>>[vector<16xi32>], vector<16xf32>,
    %convert_element_type3A_283 = arith.fptosi %gather3A_282 : vector<16xf32> to vector<16xi32>
    %swap3A_284 = arith.constant 336 : index
    %swap3A_285 = tpu.vector_load %arg6[%swap3A_284] {strides = array<i32>} : memref<3328xi32, #tpu.memory_space<vmem>>, vector<16xi32>,
    tpu.vector_store %arg6[%swap3A_284], %convert_element_type3A_283 {strides = array<i32>} : memref<3328xi32, #tpu.memory_space<vmem>>, vector<16xi32>,
    %add3A_286 = arith.constant 96 : i32
    %add3A_287 = vector.broadcast %add3A_286 : i32 to vector<16xi32>
    %add3A_288 = arith.addi %add3A_287, %iota3A : vector<16xi32>
    %mul3A_289 = arith.constant 128 : i32
    %mul3A_290 = vector.broadcast %mul3A_289 : i32 to vector<16xi32>
    %mul3A_291 = arith.muli %add3A_288, %mul3A_290 : vector<16xi32>
    %add3A_292 = arith.constant 2 : i32
    %add3A_293 = vector.broadcast %add3A_292 : i32 to vector<16xi32>
    %add3A_294 = arith.addi %mul3A_291, %add3A_293 : vector<16xi32>
    %gather3A_295 = tpu.vector_load_idx %arg5[%add3A_294] : memref<16384xf32, #tpu.memory_space<vmem>>[vector<16xi32>], vector<16xf32>,
    %convert_element_type3A_296 = arith.fptosi %gather3A_295 : vector<16xf32> to vector<16xi32>
    %swap3A_297 = arith.constant 352 : index
    %swap3A_298 = tpu.vector_load %arg6[%swap3A_297] {strides = array<i32>} : memref<3328xi32, #tpu.memory_space<vmem>>, vector<16xi32>,
    tpu.vector_store %arg6[%swap3A_297], %convert_element_type3A_296 {strides = array<i32>} : memref<3328xi32, #tpu.memory_space<vmem>>, vector<16xi32>,
    %add3A_299 = arith.constant 112 : i32
    %add3A_300 = vector.broadcast %add3A_299 : i32 to vector<16xi32>
    %add3A_301 = arith.addi %add3A_300, %iota3A : vector<16xi32>
    %mul3A_302 = arith.constant 128 : i32
    %mul3A_303 = vector.broadcast %mul3A_302 : i32 to vector<16xi32>
    %mul3A_304 = arith.muli %add3A_301, %mul3A_303 : vector<16xi32>
    %add3A_305 = arith.constant 2 : i32
    %add3A_306 = vector.broadcast %add3A_305 : i32 to vector<16xi32>
    %add3A_307 = arith.addi %mul3A_304, %add3A_306 : vector<16xi32>
    %gather3A_308 = tpu.vector_load_idx %arg5[%add3A_307] : memref<16384xf32, #tpu.memory_space<vmem>>[vector<16xi32>], vector<16xf32>,
    %convert_element_type3A_309 = arith.fptosi %gather3A_308 : vector<16xf32> to vector<16xi32>
    %swap3A_310 = arith.constant 368 : index
    %swap3A_311 = tpu.vector_load %arg6[%swap3A_310] {strides = array<i32>} : memref<3328xi32, #tpu.memory_space<vmem>>, vector<16xi32>,
    tpu.vector_store %arg6[%swap3A_310], %convert_element_type3A_309 {strides = array<i32>} : memref<3328xi32, #tpu.memory_space<vmem>>, vector<16xi32>,
    %add3A_312 = arith.constant 0 : i32
    %add3A_313 = vector.broadcast %add3A_312 : i32 to vector<16xi32>
    %add3A_314 = arith.addi %add3A_313, %iota3A : vector<16xi32>
    %mul3A_315 = arith.constant 128 : i32
    %mul3A_316 = vector.broadcast %mul3A_315 : i32 to vector<16xi32>
    %mul3A_317 = arith.muli %add3A_314, %mul3A_316 : vector<16xi32>
    %add3A_318 = arith.constant 3 : i32
    %add3A_319 = vector.broadcast %add3A_318 : i32 to vector<16xi32>
    %add3A_320 = arith.addi %mul3A_317, %add3A_319 : vector<16xi32>
    %gather3A_321 = tpu.vector_load_idx %arg5[%add3A_320] : memref<16384xf32, #tpu.memory_space<vmem>>[vector<16xi32>], vector<16xf32>,
    %convert_element_type3A_322 = arith.fptosi %gather3A_321 : vector<16xf32> to vector<16xi32>
    %swap3A_323 = arith.constant 384 : index
    %swap3A_324 = tpu.vector_load %arg6[%swap3A_323] {strides = array<i32>} : memref<3328xi32, #tpu.memory_space<vmem>>, vector<16xi32>,
    tpu.vector_store %arg6[%swap3A_323], %convert_element_type3A_322 {strides = array<i32>} : memref<3328xi32, #tpu.memory_space<vmem>>, vector<16xi32>,
    %add3A_325 = arith.constant 16 : i32
    %add3A_326 = vector.broadcast %add3A_325 : i32 to vector<16xi32>
    %add3A_327 = arith.addi %add3A_326, %iota3A : vector<16xi32>
    %mul3A_328 = arith.constant 128 : i32
    %mul3A_329 = vector.broadcast %mul3A_328 : i32 to vector<16xi32>
    %mul3A_330 = arith.muli %add3A_327, %mul3A_329 : vector<16xi32>
    %add3A_331 = arith.constant 3 : i32
    %add3A_332 = vector.broadcast %add3A_331 : i32 to vector<16xi32>
    %add3A_333 = arith.addi %mul3A_330, %add3A_332 : vector<16xi32>
    %gather3A_334 = tpu.vector_load_idx %arg5[%add3A_333] : memref<16384xf32, #tpu.memory_space<vmem>>[vector<16xi32>], vector<16xf32>,
    %convert_element_type3A_335 = arith.fptosi %gather3A_334 : vector<16xf32> to vector<16xi32>
    %swap3A_336 = arith.constant 400 : index
    %swap3A_337 = tpu.vector_load %arg6[%swap3A_336] {strides = array<i32>} : memref<3328xi32, #tpu.memory_space<vmem>>, vector<16xi32>,
    tpu.vector_store %arg6[%swap3A_336], %convert_element_type3A_335 {strides = array<i32>} : memref<3328xi32, #tpu.memory_space<vmem>>, vector<16xi32>,
    %add3A_338 = arith.constant 32 : i32
    %add3A_339 = vector.broadcast %add3A_338 : i32 to vector<16xi32>
    %add3A_340 = arith.addi %add3A_339, %iota3A : vector<16xi32>
    %mul3A_341 = arith.constant 128 : i32
    %mul3A_342 = vector.broadcast %mul3A_341 : i32 to vector<16xi32>
    %mul3A_343 = arith.muli %add3A_340, %mul3A_342 : vector<16xi32>
    %add3A_344 = arith.constant 3 : i32
    %add3A_345 = vector.broadcast %add3A_344 : i32 to vector<16xi32>
    %add3A_346 = arith.addi %mul3A_343, %add3A_345 : vector<16xi32>
    %gather3A_347 = tpu.vector_load_idx %arg5[%add3A_346] : memref<16384xf32, #tpu.memory_space<vmem>>[vector<16xi32>], vector<16xf32>,
    %convert_element_type3A_348 = arith.fptosi %gather3A_347 : vector<16xf32> to vector<16xi32>
    %swap3A_349 = arith.constant 416 : index
    %swap3A_350 = tpu.vector_load %arg6[%swap3A_349] {strides = array<i32>} : memref<3328xi32, #tpu.memory_space<vmem>>, vector<16xi32>,
    tpu.vector_store %arg6[%swap3A_349], %convert_element_type3A_348 {strides = array<i32>} : memref<3328xi32, #tpu.memory_space<vmem>>, vector<16xi32>,
    %add3A_351 = arith.constant 48 : i32
    %add3A_352 = vector.broadcast %add3A_351 : i32 to vector<16xi32>
    %add3A_353 = arith.addi %add3A_352, %iota3A : vector<16xi32>
    %mul3A_354 = arith.constant 128 : i32
    %mul3A_355 = vector.broadcast %mul3A_354 : i32 to vector<16xi32>
    %mul3A_356 = arith.muli %add3A_353, %mul3A_355 : vector<16xi32>
    %add3A_357 = arith.constant 3 : i32
    %add3A_358 = vector.broadcast %add3A_357 : i32 to vector<16xi32>
    %add3A_359 = arith.addi %mul3A_356, %add3A_358 : vector<16xi32>
    %gather3A_360 = tpu.vector_load_idx %arg5[%add3A_359] : memref<16384xf32, #tpu.memory_space<vmem>>[vector<16xi32>], vector<16xf32>,
    %convert_element_type3A_361 = arith.fptosi %gather3A_360 : vector<16xf32> to vector<16xi32>
    %swap3A_362 = arith.constant 432 : index
    %swap3A_363 = tpu.vector_load %arg6[%swap3A_362] {strides = array<i32>} : memref<3328xi32, #tpu.memory_space<vmem>>, vector<16xi32>,
    tpu.vector_store %arg6[%swap3A_362], %convert_element_type3A_361 {strides = array<i32>} : memref<3328xi32, #tpu.memory_space<vmem>>, vector<16xi32>,
    %add3A_364 = arith.constant 64 : i32
    %add3A_365 = vector.broadcast %add3A_364 : i32 to vector<16xi32>
    %add3A_366 = arith.addi %add3A_365, %iota3A : vector<16xi32>
    %mul3A_367 = arith.constant 128 : i32
    %mul3A_368 = vector.broadcast %mul3A_367 : i32 to vector<16xi32>
    %mul3A_369 = arith.muli %add3A_366, %mul3A_368 : vector<16xi32>
    %add3A_370 = arith.constant 3 : i32
    %add3A_371 = vector.broadcast %add3A_370 : i32 to vector<16xi32>
    %add3A_372 = arith.addi %mul3A_369, %add3A_371 : vector<16xi32>
    %gather3A_373 = tpu.vector_load_idx %arg5[%add3A_372] : memref<16384xf32, #tpu.memory_space<vmem>>[vector<16xi32>], vector<16xf32>,
    %convert_element_type3A_374 = arith.fptosi %gather3A_373 : vector<16xf32> to vector<16xi32>
    %swap3A_375 = arith.constant 448 : index
    %swap3A_376 = tpu.vector_load %arg6[%swap3A_375] {strides = array<i32>} : memref<3328xi32, #tpu.memory_space<vmem>>, vector<16xi32>,
    tpu.vector_store %arg6[%swap3A_375], %convert_element_type3A_374 {strides = array<i32>} : memref<3328xi32, #tpu.memory_space<vmem>>, vector<16xi32>,
    %add3A_377 = arith.constant 80 : i32
    %add3A_378 = vector.broadcast %add3A_377 : i32 to vector<16xi32>
    %add3A_379 = arith.addi %add3A_378, %iota3A : vector<16xi32>
    %mul3A_380 = arith.constant 128 : i32
    %mul3A_381 = vector.broadcast %mul3A_380 : i32 to vector<16xi32>
    %mul3A_382 = arith.muli %add3A_379, %mul3A_381 : vector<16xi32>
    %add3A_383 = arith.constant 3 : i32
    %add3A_384 = vector.broadcast %add3A_383 : i32 to vector<16xi32>
    %add3A_385 = arith.addi %mul3A_382, %add3A_384 : vector<16xi32>
    %gather3A_386 = tpu.vector_load_idx %arg5[%add3A_385] : memref<16384xf32, #tpu.memory_space<vmem>>[vector<16xi32>], vector<16xf32>,
    %convert_element_type3A_387 = arith.fptosi %gather3A_386 : vector<16xf32> to vector<16xi32>
    %swap3A_388 = arith.constant 464 : index
    %swap3A_389 = tpu.vector_load %arg6[%swap3A_388] {strides = array<i32>} : memref<3328xi32, #tpu.memory_space<vmem>>, vector<16xi32>,
    tpu.vector_store %arg6[%swap3A_388], %convert_element_type3A_387 {strides = array<i32>} : memref<3328xi32, #tpu.memory_space<vmem>>, vector<16xi32>,
    %add3A_390 = arith.constant 96 : i32
    %add3A_391 = vector.broadcast %add3A_390 : i32 to vector<16xi32>
    %add3A_392 = arith.addi %add3A_391, %iota3A : vector<16xi32>
    %mul3A_393 = arith.constant 128 : i32
    %mul3A_394 = vector.broadcast %mul3A_393 : i32 to vector<16xi32>
    %mul3A_395 = arith.muli %add3A_392, %mul3A_394 : vector<16xi32>
    %add3A_396 = arith.constant 3 : i32
    %add3A_397 = vector.broadcast %add3A_396 : i32 to vector<16xi32>
    %add3A_398 = arith.addi %mul3A_395, %add3A_397 : vector<16xi32>
    %gather3A_399 = tpu.vector_load_idx %arg5[%add3A_398] : memref<16384xf32, #tpu.memory_space<vmem>>[vector<16xi32>], vector<16xf32>,
    %convert_element_type3A_400 = arith.fptosi %gather3A_399 : vector<16xf32> to vector<16xi32>
    %swap3A_401 = arith.constant 480 : index
    %swap3A_402 = tpu.vector_load %arg6[%swap3A_401] {strides = array<i32>} : memref<3328xi32, #tpu.memory_space<vmem>>, vector<16xi32>,
    tpu.vector_store %arg6[%swap3A_401], %convert_element_type3A_400 {strides = array<i32>} : memref<3328xi32, #tpu.memory_space<vmem>>, vector<16xi32>,
    %add3A_403 = arith.constant 112 : i32
    %add3A_404 = vector.broadcast %add3A_403 : i32 to vector<16xi32>
    %add3A_405 = arith.addi %add3A_404, %iota3A : vector<16xi32>
    %mul3A_406 = arith.constant 128 : i32
    %mul3A_407 = vector.broadcast %mul3A_406 : i32 to vector<16xi32>
    %mul3A_408 = arith.muli %add3A_405, %mul3A_407 : vector<16xi32>
    %add3A_409 = arith.constant 3 : i32
    %add3A_410 = vector.broadcast %add3A_409 : i32 to vector<16xi32>
    %add3A_411 = arith.addi %mul3A_408, %add3A_410 : vector<16xi32>
    %gather3A_412 = tpu.vector_load_idx %arg5[%add3A_411] : memref<16384xf32, #tpu.memory_space<vmem>>[vector<16xi32>], vector<16xf32>,
    %convert_element_type3A_413 = arith.fptosi %gather3A_412 : vector<16xf32> to vector<16xi32>
    %swap3A_414 = arith.constant 496 : index
    %swap3A_415 = tpu.vector_load %arg6[%swap3A_414] {strides = array<i32>} : memref<3328xi32, #tpu.memory_space<vmem>>, vector<16xi32>,
    tpu.vector_store %arg6[%swap3A_414], %convert_element_type3A_413 {strides = array<i32>} : memref<3328xi32, #tpu.memory_space<vmem>>, vector<16xi32>,
    %add3A_416 = arith.constant 0 : i32
    %add3A_417 = vector.broadcast %add3A_416 : i32 to vector<16xi32>
    %add3A_418 = arith.addi %add3A_417, %iota3A : vector<16xi32>
    %mul3A_419 = arith.constant 128 : i32
    %mul3A_420 = vector.broadcast %mul3A_419 : i32 to vector<16xi32>
    %mul3A_421 = arith.muli %add3A_418, %mul3A_420 : vector<16xi32>
    %add3A_422 = arith.constant 4 : i32
    %add3A_423 = vector.broadcast %add3A_422 : i32 to vector<16xi32>
    %add3A_424 = arith.addi %mul3A_421, %add3A_423 : vector<16xi32>
    %gather3A_425 = tpu.vector_load_idx %arg5[%add3A_424] : memref<16384xf32, #tpu.memory_space<vmem>>[vector<16xi32>], vector<16xf32>,
    %convert_element_type3A_426 = arith.fptosi %gather3A_425 : vector<16xf32> to vector<16xi32>
    %swap3A_427 = arith.constant 512 : index
    %swap3A_428 = tpu.vector_load %arg6[%swap3A_427] {strides = array<i32>} : memref<3328xi32, #tpu.memory_space<vmem>>, vector<16xi32>,
    tpu.vector_store %arg6[%swap3A_427], %convert_element_type3A_426 {strides = array<i32>} : memref<3328xi32, #tpu.memory_space<vmem>>, vector<16xi32>,
    %add3A_429 = arith.constant 16 : i32
    %add3A_430 = vector.broadcast %add3A_429 : i32 to vector<16xi32>
    %add3A_431 = arith.addi %add3A_430, %iota3A : vector<16xi32>
    %mul3A_432 = arith.constant 128 : i32
    %mul3A_433 = vector.broadcast %mul3A_432 : i32 to vector<16xi32>
    %mul3A_434 = arith.muli %add3A_431, %mul3A_433 : vector<16xi32>
    %add3A_435 = arith.constant 4 : i32
    %add3A_436 = vector.broadcast %add3A_435 : i32 to vector<16xi32>
    %add3A_437 = arith.addi %mul3A_434, %add3A_436 : vector<16xi32>
    %gather3A_438 = tpu.vector_load_idx %arg5[%add3A_437] : memref<16384xf32, #tpu.memory_space<vmem>>[vector<16xi32>], vector<16xf32>,
    %convert_element_type3A_439 = arith.fptosi %gather3A_438 : vector<16xf32> to vector<16xi32>
    %swap3A_440 = arith.constant 528 : index
    %swap3A_441 = tpu.vector_load %arg6[%swap3A_440] {strides = array<i32>} : memref<3328xi32, #tpu.memory_space<vmem>>, vector<16xi32>,
    tpu.vector_store %arg6[%swap3A_440], %convert_element_type3A_439 {strides = array<i32>} : memref<3328xi32, #tpu.memory_space<vmem>>, vector<16xi32>,
    %add3A_442 = arith.constant 32 : i32
    %add3A_443 = vector.broadcast %add3A_442 : i32 to vector<16xi32>
    %add3A_444 = arith.addi %add3A_443, %iota3A : vector<16xi32>
    %mul3A_445 = arith.constant 128 : i32
    %mul3A_446 = vector.broadcast %mul3A_445 : i32 to vector<16xi32>
    %mul3A_447 = arith.muli %add3A_444, %mul3A_446 : vector<16xi32>
    %add3A_448 = arith.constant 4 : i32
    %add3A_449 = vector.broadcast %add3A_448 : i32 to vector<16xi32>
    %add3A_450 = arith.addi %mul3A_447, %add3A_449 : vector<16xi32>
    %gather3A_451 = tpu.vector_load_idx %arg5[%add3A_450] : memref<16384xf32, #tpu.memory_space<vmem>>[vector<16xi32>], vector<16xf32>,
    %convert_element_type3A_452 = arith.fptosi %gather3A_451 : vector<16xf32> to vector<16xi32>
    %swap3A_453 = arith.constant 544 : index
    %swap3A_454 = tpu.vector_load %arg6[%swap3A_453] {strides = array<i32>} : memref<3328xi32, #tpu.memory_space<vmem>>, vector<16xi32>,
    tpu.vector_store %arg6[%swap3A_453], %convert_element_type3A_452 {strides = array<i32>} : memref<3328xi32, #tpu.memory_space<vmem>>, vector<16xi32>,
    %add3A_455 = arith.constant 48 : i32
    %add3A_456 = vector.broadcast %add3A_455 : i32 to vector<16xi32>
    %add3A_457 = arith.addi %add3A_456, %iota3A : vector<16xi32>
    %mul3A_458 = arith.constant 128 : i32
    %mul3A_459 = vector.broadcast %mul3A_458 : i32 to vector<16xi32>
    %mul3A_460 = arith.muli %add3A_457, %mul3A_459 : vector<16xi32>
    %add3A_461 = arith.constant 4 : i32
    %add3A_462 = vector.broadcast %add3A_461 : i32 to vector<16xi32>
    %add3A_463 = arith.addi %mul3A_460, %add3A_462 : vector<16xi32>
    %gather3A_464 = tpu.vector_load_idx %arg5[%add3A_463] : memref<16384xf32, #tpu.memory_space<vmem>>[vector<16xi32>], vector<16xf32>,
    %convert_element_type3A_465 = arith.fptosi %gather3A_464 : vector<16xf32> to vector<16xi32>
    %swap3A_466 = arith.constant 560 : index
    %swap3A_467 = tpu.vector_load %arg6[%swap3A_466] {strides = array<i32>} : memref<3328xi32, #tpu.memory_space<vmem>>, vector<16xi32>,
    tpu.vector_store %arg6[%swap3A_466], %convert_element_type3A_465 {strides = array<i32>} : memref<3328xi32, #tpu.memory_space<vmem>>, vector<16xi32>,
    %add3A_468 = arith.constant 64 : i32
    %add3A_469 = vector.broadcast %add3A_468 : i32 to vector<16xi32>
    %add3A_470 = arith.addi %add3A_469, %iota3A : vector<16xi32>
    %mul3A_471 = arith.constant 128 : i32
    %mul3A_472 = vector.broadcast %mul3A_471 : i32 to vector<16xi32>
    %mul3A_473 = arith.muli %add3A_470, %mul3A_472 : vector<16xi32>
    %add3A_474 = arith.constant 4 : i32
    %add3A_475 = vector.broadcast %add3A_474 : i32 to vector<16xi32>
    %add3A_476 = arith.addi %mul3A_473, %add3A_475 : vector<16xi32>
    %gather3A_477 = tpu.vector_load_idx %arg5[%add3A_476] : memref<16384xf32, #tpu.memory_space<vmem>>[vector<16xi32>], vector<16xf32>,
    %convert_element_type3A_478 = arith.fptosi %gather3A_477 : vector<16xf32> to vector<16xi32>
    %swap3A_479 = arith.constant 576 : index
    %swap3A_480 = tpu.vector_load %arg6[%swap3A_479] {strides = array<i32>} : memref<3328xi32, #tpu.memory_space<vmem>>, vector<16xi32>,
    tpu.vector_store %arg6[%swap3A_479], %convert_element_type3A_478 {strides = array<i32>} : memref<3328xi32, #tpu.memory_space<vmem>>, vector<16xi32>,
    %add3A_481 = arith.constant 80 : i32
    %add3A_482 = vector.broadcast %add3A_481 : i32 to vector<16xi32>
    %add3A_483 = arith.addi %add3A_482, %iota3A : vector<16xi32>
    %mul3A_484 = arith.constant 128 : i32
    %mul3A_485 = vector.broadcast %mul3A_484 : i32 to vector<16xi32>
    %mul3A_486 = arith.muli %add3A_483, %mul3A_485 : vector<16xi32>
    %add3A_487 = arith.constant 4 : i32
    %add3A_488 = vector.broadcast %add3A_487 : i32 to vector<16xi32>
    %add3A_489 = arith.addi %mul3A_486, %add3A_488 : vector<16xi32>
    %gather3A_490 = tpu.vector_load_idx %arg5[%add3A_489] : memref<16384xf32, #tpu.memory_space<vmem>>[vector<16xi32>], vector<16xf32>,
    %convert_element_type3A_491 = arith.fptosi %gather3A_490 : vector<16xf32> to vector<16xi32>
    %swap3A_492 = arith.constant 592 : index
    %swap3A_493 = tpu.vector_load %arg6[%swap3A_492] {strides = array<i32>} : memref<3328xi32, #tpu.memory_space<vmem>>, vector<16xi32>,
    tpu.vector_store %arg6[%swap3A_492], %convert_element_type3A_491 {strides = array<i32>} : memref<3328xi32, #tpu.memory_space<vmem>>, vector<16xi32>,
    %add3A_494 = arith.constant 96 : i32
    %add3A_495 = vector.broadcast %add3A_494 : i32 to vector<16xi32>
    %add3A_496 = arith.addi %add3A_495, %iota3A : vector<16xi32>
    %mul3A_497 = arith.constant 128 : i32
    %mul3A_498 = vector.broadcast %mul3A_497 : i32 to vector<16xi32>
    %mul3A_499 = arith.muli %add3A_496, %mul3A_498 : vector<16xi32>
    %add3A_500 = arith.constant 4 : i32
    %add3A_501 = vector.broadcast %add3A_500 : i32 to vector<16xi32>
    %add3A_502 = arith.addi %mul3A_499, %add3A_501 : vector<16xi32>
    %gather3A_503 = tpu.vector_load_idx %arg5[%add3A_502] : memref<16384xf32, #tpu.memory_space<vmem>>[vector<16xi32>], vector<16xf32>,
    %convert_element_type3A_504 = arith.fptosi %gather3A_503 : vector<16xf32> to vector<16xi32>
    %swap3A_505 = arith.constant 608 : index
    %swap3A_506 = tpu.vector_load %arg6[%swap3A_505] {strides = array<i32>} : memref<3328xi32, #tpu.memory_space<vmem>>, vector<16xi32>,
    tpu.vector_store %arg6[%swap3A_505], %convert_element_type3A_504 {strides = array<i32>} : memref<3328xi32, #tpu.memory_space<vmem>>, vector<16xi32>,
    %add3A_507 = arith.constant 112 : i32
    %add3A_508 = vector.broadcast %add3A_507 : i32 to vector<16xi32>
    %add3A_509 = arith.addi %add3A_508, %iota3A : vector<16xi32>
    %mul3A_510 = arith.constant 128 : i32
    %mul3A_511 = vector.broadcast %mul3A_510 : i32 to vector<16xi32>
    %mul3A_512 = arith.muli %add3A_509, %mul3A_511 : vector<16xi32>
    %add3A_513 = arith.constant 4 : i32
    %add3A_514 = vector.broadcast %add3A_513 : i32 to vector<16xi32>
    %add3A_515 = arith.addi %mul3A_512, %add3A_514 : vector<16xi32>
    %gather3A_516 = tpu.vector_load_idx %arg5[%add3A_515] : memref<16384xf32, #tpu.memory_space<vmem>>[vector<16xi32>], vector<16xf32>,
    %convert_element_type3A_517 = arith.fptosi %gather3A_516 : vector<16xf32> to vector<16xi32>
    %swap3A_518 = arith.constant 624 : index
    %swap3A_519 = tpu.vector_load %arg6[%swap3A_518] {strides = array<i32>} : memref<3328xi32, #tpu.memory_space<vmem>>, vector<16xi32>,
    tpu.vector_store %arg6[%swap3A_518], %convert_element_type3A_517 {strides = array<i32>} : memref<3328xi32, #tpu.memory_space<vmem>>, vector<16xi32>,
    %add3A_520 = arith.constant 0 : i32
    %add3A_521 = vector.broadcast %add3A_520 : i32 to vector<16xi32>
    %add3A_522 = arith.addi %add3A_521, %iota3A : vector<16xi32>
    %mul3A_523 = arith.constant 128 : i32
    %mul3A_524 = vector.broadcast %mul3A_523 : i32 to vector<16xi32>
    %mul3A_525 = arith.muli %add3A_522, %mul3A_524 : vector<16xi32>
    %add3A_526 = arith.constant 5 : i32
    %add3A_527 = vector.broadcast %add3A_526 : i32 to vector<16xi32>
    %add3A_528 = arith.addi %mul3A_525, %add3A_527 : vector<16xi32>
    %gather3A_529 = tpu.vector_load_idx %arg5[%add3A_528] : memref<16384xf32, #tpu.memory_space<vmem>>[vector<16xi32>], vector<16xf32>,
    %convert_element_type3A_530 = arith.fptosi %gather3A_529 : vector<16xf32> to vector<16xi32>
    %swap3A_531 = arith.constant 640 : index
    %swap3A_532 = tpu.vector_load %arg6[%swap3A_531] {strides = array<i32>} : memref<3328xi32, #tpu.memory_space<vmem>>, vector<16xi32>,
    tpu.vector_store %arg6[%swap3A_531], %convert_element_type3A_530 {strides = array<i32>} : memref<3328xi32, #tpu.memory_space<vmem>>, vector<16xi32>,
    %add3A_533 = arith.constant 16 : i32
    %add3A_534 = vector.broadcast %add3A_533 : i32 to vector<16xi32>
    %add3A_535 = arith.addi %add3A_534, %iota3A : vector<16xi32>
    %mul3A_536 = arith.constant 128 : i32
    %mul3A_537 = vector.broadcast %mul3A_536 : i32 to vector<16xi32>
    %mul3A_538 = arith.muli %add3A_535, %mul3A_537 : vector<16xi32>
    %add3A_539 = arith.constant 5 : i32
    %add3A_540 = vector.broadcast %add3A_539 : i32 to vector<16xi32>
    %add3A_541 = arith.addi %mul3A_538, %add3A_540 : vector<16xi32>
    %gather3A_542 = tpu.vector_load_idx %arg5[%add3A_541] : memref<16384xf32, #tpu.memory_space<vmem>>[vector<16xi32>], vector<16xf32>,
    %convert_element_type3A_543 = arith.fptosi %gather3A_542 : vector<16xf32> to vector<16xi32>
    %swap3A_544 = arith.constant 656 : index
    %swap3A_545 = tpu.vector_load %arg6[%swap3A_544] {strides = array<i32>} : memref<3328xi32, #tpu.memory_space<vmem>>, vector<16xi32>,
    tpu.vector_store %arg6[%swap3A_544], %convert_element_type3A_543 {strides = array<i32>} : memref<3328xi32, #tpu.memory_space<vmem>>, vector<16xi32>,
    %add3A_546 = arith.constant 32 : i32
    %add3A_547 = vector.broadcast %add3A_546 : i32 to vector<16xi32>
    %add3A_548 = arith.addi %add3A_547, %iota3A : vector<16xi32>
    %mul3A_549 = arith.constant 128 : i32
    %mul3A_550 = vector.broadcast %mul3A_549 : i32 to vector<16xi32>
    %mul3A_551 = arith.muli %add3A_548, %mul3A_550 : vector<16xi32>
    %add3A_552 = arith.constant 5 : i32
    %add3A_553 = vector.broadcast %add3A_552 : i32 to vector<16xi32>
    %add3A_554 = arith.addi %mul3A_551, %add3A_553 : vector<16xi32>
    %gather3A_555 = tpu.vector_load_idx %arg5[%add3A_554] : memref<16384xf32, #tpu.memory_space<vmem>>[vector<16xi32>], vector<16xf32>,
    %convert_element_type3A_556 = arith.fptosi %gather3A_555 : vector<16xf32> to vector<16xi32>
    %swap3A_557 = arith.constant 672 : index
    %swap3A_558 = tpu.vector_load %arg6[%swap3A_557] {strides = array<i32>} : memref<3328xi32, #tpu.memory_space<vmem>>, vector<16xi32>,
    tpu.vector_store %arg6[%swap3A_557], %convert_element_type3A_556 {strides = array<i32>} : memref<3328xi32, #tpu.memory_space<vmem>>, vector<16xi32>,
    %add3A_559 = arith.constant 48 : i32
    %add3A_560 = vector.broadcast %add3A_559 : i32 to vector<16xi32>
    %add3A_561 = arith.addi %add3A_560, %iota3A : vector<16xi32>
    %mul3A_562 = arith.constant 128 : i32
    %mul3A_563 = vector.broadcast %mul3A_562 : i32 to vector<16xi32>
    %mul3A_564 = arith.muli %add3A_561, %mul3A_563 : vector<16xi32>
    %add3A_565 = arith.constant 5 : i32
    %add3A_566 = vector.broadcast %add3A_565 : i32 to vector<16xi32>
    %add3A_567 = arith.addi %mul3A_564, %add3A_566 : vector<16xi32>
    %gather3A_568 = tpu.vector_load_idx %arg5[%add3A_567] : memref<16384xf32, #tpu.memory_space<vmem>>[vector<16xi32>], vector<16xf32>,
    %convert_element_type3A_569 = arith.fptosi %gather3A_568 : vector<16xf32> to vector<16xi32>
    %swap3A_570 = arith.constant 688 : index
    %swap3A_571 = tpu.vector_load %arg6[%swap3A_570] {strides = array<i32>} : memref<3328xi32, #tpu.memory_space<vmem>>, vector<16xi32>,
    tpu.vector_store %arg6[%swap3A_570], %convert_element_type3A_569 {strides = array<i32>} : memref<3328xi32, #tpu.memory_space<vmem>>, vector<16xi32>,
    %add3A_572 = arith.constant 64 : i32
    %add3A_573 = vector.broadcast %add3A_572 : i32 to vector<16xi32>
    %add3A_574 = arith.addi %add3A_573, %iota3A : vector<16xi32>
    %mul3A_575 = arith.constant 128 : i32
    %mul3A_576 = vector.broadcast %mul3A_575 : i32 to vector<16xi32>
    %mul3A_577 = arith.muli %add3A_574, %mul3A_576 : vector<16xi32>
    %add3A_578 = arith.constant 5 : i32
    %add3A_579 = vector.broadcast %add3A_578 : i32 to vector<16xi32>
    %add3A_580 = arith.addi %mul3A_577, %add3A_579 : vector<16xi32>
    %gather3A_581 = tpu.vector_load_idx %arg5[%add3A_580] : memref<16384xf32, #tpu.memory_space<vmem>>[vector<16xi32>], vector<16xf32>,
    %convert_element_type3A_582 = arith.fptosi %gather3A_581 : vector<16xf32> to vector<16xi32>
    %swap3A_583 = arith.constant 704 : index
    %swap3A_584 = tpu.vector_load %arg6[%swap3A_583] {strides = array<i32>} : memref<3328xi32, #tpu.memory_space<vmem>>, vector<16xi32>,
    tpu.vector_store %arg6[%swap3A_583], %convert_element_type3A_582 {strides = array<i32>} : memref<3328xi32, #tpu.memory_space<vmem>>, vector<16xi32>,
    %add3A_585 = arith.constant 80 : i32
    %add3A_586 = vector.broadcast %add3A_585 : i32 to vector<16xi32>
    %add3A_587 = arith.addi %add3A_586, %iota3A : vector<16xi32>
    %mul3A_588 = arith.constant 128 : i32
    %mul3A_589 = vector.broadcast %mul3A_588 : i32 to vector<16xi32>
    %mul3A_590 = arith.muli %add3A_587, %mul3A_589 : vector<16xi32>
    %add3A_591 = arith.constant 5 : i32
    %add3A_592 = vector.broadcast %add3A_591 : i32 to vector<16xi32>
    %add3A_593 = arith.addi %mul3A_590, %add3A_592 : vector<16xi32>
    %gather3A_594 = tpu.vector_load_idx %arg5[%add3A_593] : memref<16384xf32, #tpu.memory_space<vmem>>[vector<16xi32>], vector<16xf32>,
    %convert_element_type3A_595 = arith.fptosi %gather3A_594 : vector<16xf32> to vector<16xi32>
    %swap3A_596 = arith.constant 720 : index
    %swap3A_597 = tpu.vector_load %arg6[%swap3A_596] {strides = array<i32>} : memref<3328xi32, #tpu.memory_space<vmem>>, vector<16xi32>,
    tpu.vector_store %arg6[%swap3A_596], %convert_element_type3A_595 {strides = array<i32>} : memref<3328xi32, #tpu.memory_space<vmem>>, vector<16xi32>,
    %add3A_598 = arith.constant 96 : i32
    %add3A_599 = vector.broadcast %add3A_598 : i32 to vector<16xi32>
    %add3A_600 = arith.addi %add3A_599, %iota3A : vector<16xi32>
    %mul3A_601 = arith.constant 128 : i32
    %mul3A_602 = vector.broadcast %mul3A_601 : i32 to vector<16xi32>
    %mul3A_603 = arith.muli %add3A_600, %mul3A_602 : vector<16xi32>
    %add3A_604 = arith.constant 5 : i32
    %add3A_605 = vector.broadcast %add3A_604 : i32 to vector<16xi32>
    %add3A_606 = arith.addi %mul3A_603, %add3A_605 : vector<16xi32>
    %gather3A_607 = tpu.vector_load_idx %arg5[%add3A_606] : memref<16384xf32, #tpu.memory_space<vmem>>[vector<16xi32>], vector<16xf32>,
    %convert_element_type3A_608 = arith.fptosi %gather3A_607 : vector<16xf32> to vector<16xi32>
    %swap3A_609 = arith.constant 736 : index
    %swap3A_610 = tpu.vector_load %arg6[%swap3A_609] {strides = array<i32>} : memref<3328xi32, #tpu.memory_space<vmem>>, vector<16xi32>,
    tpu.vector_store %arg6[%swap3A_609], %convert_element_type3A_608 {strides = array<i32>} : memref<3328xi32, #tpu.memory_space<vmem>>, vector<16xi32>,
    %add3A_611 = arith.constant 112 : i32
    %add3A_612 = vector.broadcast %add3A_611 : i32 to vector<16xi32>
    %add3A_613 = arith.addi %add3A_612, %iota3A : vector<16xi32>
    %mul3A_614 = arith.constant 128 : i32
    %mul3A_615 = vector.broadcast %mul3A_614 : i32 to vector<16xi32>
    %mul3A_616 = arith.muli %add3A_613, %mul3A_615 : vector<16xi32>
    %add3A_617 = arith.constant 5 : i32
    %add3A_618 = vector.broadcast %add3A_617 : i32 to vector<16xi32>
    %add3A_619 = arith.addi %mul3A_616, %add3A_618 : vector<16xi32>
    %gather3A_620 = tpu.vector_load_idx %arg5[%add3A_619] : memref<16384xf32, #tpu.memory_space<vmem>>[vector<16xi32>], vector<16xf32>,
    %convert_element_type3A_621 = arith.fptosi %gather3A_620 : vector<16xf32> to vector<16xi32>
    %swap3A_622 = arith.constant 752 : index
    %swap3A_623 = tpu.vector_load %arg6[%swap3A_622] {strides = array<i32>} : memref<3328xi32, #tpu.memory_space<vmem>>, vector<16xi32>,
    tpu.vector_store %arg6[%swap3A_622], %convert_element_type3A_621 {strides = array<i32>} : memref<3328xi32, #tpu.memory_space<vmem>>, vector<16xi32>,
    %add3A_624 = arith.constant 0 : i32
    %add3A_625 = vector.broadcast %add3A_624 : i32 to vector<16xi32>
    %add3A_626 = arith.addi %add3A_625, %iota3A : vector<16xi32>
    %mul3A_627 = arith.constant 128 : i32
    %mul3A_628 = vector.broadcast %mul3A_627 : i32 to vector<16xi32>
    %mul3A_629 = arith.muli %add3A_626, %mul3A_628 : vector<16xi32>
    %add3A_630 = arith.constant 6 : i32
    %add3A_631 = vector.broadcast %add3A_630 : i32 to vector<16xi32>
    %add3A_632 = arith.addi %mul3A_629, %add3A_631 : vector<16xi32>
    %gather3A_633 = tpu.vector_load_idx %arg5[%add3A_632] : memref<16384xf32, #tpu.memory_space<vmem>>[vector<16xi32>], vector<16xf32>,
    %convert_element_type3A_634 = arith.fptosi %gather3A_633 : vector<16xf32> to vector<16xi32>
    %swap3A_635 = arith.constant 768 : index
    %swap3A_636 = tpu.vector_load %arg6[%swap3A_635] {strides = array<i32>} : memref<3328xi32, #tpu.memory_space<vmem>>, vector<16xi32>,
    tpu.vector_store %arg6[%swap3A_635], %convert_element_type3A_634 {strides = array<i32>} : memref<3328xi32, #tpu.memory_space<vmem>>, vector<16xi32>,
    %add3A_637 = arith.constant 16 : i32
    %add3A_638 = vector.broadcast %add3A_637 : i32 to vector<16xi32>
    %add3A_639 = arith.addi %add3A_638, %iota3A : vector<16xi32>
    %mul3A_640 = arith.constant 128 : i32
    %mul3A_641 = vector.broadcast %mul3A_640 : i32 to vector<16xi32>
    %mul3A_642 = arith.muli %add3A_639, %mul3A_641 : vector<16xi32>
    %add3A_643 = arith.constant 6 : i32
    %add3A_644 = vector.broadcast %add3A_643 : i32 to vector<16xi32>
    %add3A_645 = arith.addi %mul3A_642, %add3A_644 : vector<16xi32>
    %gather3A_646 = tpu.vector_load_idx %arg5[%add3A_645] : memref<16384xf32, #tpu.memory_space<vmem>>[vector<16xi32>], vector<16xf32>,
    %convert_element_type3A_647 = arith.fptosi %gather3A_646 : vector<16xf32> to vector<16xi32>
    %swap3A_648 = arith.constant 784 : index
    %swap3A_649 = tpu.vector_load %arg6[%swap3A_648] {strides = array<i32>} : memref<3328xi32, #tpu.memory_space<vmem>>, vector<16xi32>,
    tpu.vector_store %arg6[%swap3A_648], %convert_element_type3A_647 {strides = array<i32>} : memref<3328xi32, #tpu.memory_space<vmem>>, vector<16xi32>,
    %add3A_650 = arith.constant 32 : i32
    %add3A_651 = vector.broadcast %add3A_650 : i32 to vector<16xi32>
    %add3A_652 = arith.addi %add3A_651, %iota3A : vector<16xi32>
    %mul3A_653 = arith.constant 128 : i32
    %mul3A_654 = vector.broadcast %mul3A_653 : i32 to vector<16xi32>
    %mul3A_655 = arith.muli %add3A_652, %mul3A_654 : vector<16xi32>
    %add3A_656 = arith.constant 6 : i32
    %add3A_657 = vector.broadcast %add3A_656 : i32 to vector<16xi32>
    %add3A_658 = arith.addi %mul3A_655, %add3A_657 : vector<16xi32>
    %gather3A_659 = tpu.vector_load_idx %arg5[%add3A_658] : memref<16384xf32, #tpu.memory_space<vmem>>[vector<16xi32>], vector<16xf32>,
    %convert_element_type3A_660 = arith.fptosi %gather3A_659 : vector<16xf32> to vector<16xi32>
    %swap3A_661 = arith.constant 800 : index
    %swap3A_662 = tpu.vector_load %arg6[%swap3A_661] {strides = array<i32>} : memref<3328xi32, #tpu.memory_space<vmem>>, vector<16xi32>,
    tpu.vector_store %arg6[%swap3A_661], %convert_element_type3A_660 {strides = array<i32>} : memref<3328xi32, #tpu.memory_space<vmem>>, vector<16xi32>,
    %add3A_663 = arith.constant 48 : i32
    %add3A_664 = vector.broadcast %add3A_663 : i32 to vector<16xi32>
    %add3A_665 = arith.addi %add3A_664, %iota3A : vector<16xi32>
    %mul3A_666 = arith.constant 128 : i32
    %mul3A_667 = vector.broadcast %mul3A_666 : i32 to vector<16xi32>
    %mul3A_668 = arith.muli %add3A_665, %mul3A_667 : vector<16xi32>
    %add3A_669 = arith.constant 6 : i32
    %add3A_670 = vector.broadcast %add3A_669 : i32 to vector<16xi32>
    %add3A_671 = arith.addi %mul3A_668, %add3A_670 : vector<16xi32>
    %gather3A_672 = tpu.vector_load_idx %arg5[%add3A_671] : memref<16384xf32, #tpu.memory_space<vmem>>[vector<16xi32>], vector<16xf32>,
    %convert_element_type3A_673 = arith.fptosi %gather3A_672 : vector<16xf32> to vector<16xi32>
    %swap3A_674 = arith.constant 816 : index
    %swap3A_675 = tpu.vector_load %arg6[%swap3A_674] {strides = array<i32>} : memref<3328xi32, #tpu.memory_space<vmem>>, vector<16xi32>,
    tpu.vector_store %arg6[%swap3A_674], %convert_element_type3A_673 {strides = array<i32>} : memref<3328xi32, #tpu.memory_space<vmem>>, vector<16xi32>,
    %add3A_676 = arith.constant 64 : i32
    %add3A_677 = vector.broadcast %add3A_676 : i32 to vector<16xi32>
    %add3A_678 = arith.addi %add3A_677, %iota3A : vector<16xi32>
    %mul3A_679 = arith.constant 128 : i32
    %mul3A_680 = vector.broadcast %mul3A_679 : i32 to vector<16xi32>
    %mul3A_681 = arith.muli %add3A_678, %mul3A_680 : vector<16xi32>
    %add3A_682 = arith.constant 6 : i32
    %add3A_683 = vector.broadcast %add3A_682 : i32 to vector<16xi32>
    %add3A_684 = arith.addi %mul3A_681, %add3A_683 : vector<16xi32>
    %gather3A_685 = tpu.vector_load_idx %arg5[%add3A_684] : memref<16384xf32, #tpu.memory_space<vmem>>[vector<16xi32>], vector<16xf32>,
    %convert_element_type3A_686 = arith.fptosi %gather3A_685 : vector<16xf32> to vector<16xi32>
    %swap3A_687 = arith.constant 832 : index
    %swap3A_688 = tpu.vector_load %arg6[%swap3A_687] {strides = array<i32>} : memref<3328xi32, #tpu.memory_space<vmem>>, vector<16xi32>,
    tpu.vector_store %arg6[%swap3A_687], %convert_element_type3A_686 {strides = array<i32>} : memref<3328xi32, #tpu.memory_space<vmem>>, vector<16xi32>,
    %add3A_689 = arith.constant 80 : i32
    %add3A_690 = vector.broadcast %add3A_689 : i32 to vector<16xi32>
    %add3A_691 = arith.addi %add3A_690, %iota3A : vector<16xi32>
    %mul3A_692 = arith.constant 128 : i32
    %mul3A_693 = vector.broadcast %mul3A_692 : i32 to vector<16xi32>
    %mul3A_694 = arith.muli %add3A_691, %mul3A_693 : vector<16xi32>
    %add3A_695 = arith.constant 6 : i32
    %add3A_696 = vector.broadcast %add3A_695 : i32 to vector<16xi32>
    %add3A_697 = arith.addi %mul3A_694, %add3A_696 : vector<16xi32>
    %gather3A_698 = tpu.vector_load_idx %arg5[%add3A_697] : memref<16384xf32, #tpu.memory_space<vmem>>[vector<16xi32>], vector<16xf32>,
    %convert_element_type3A_699 = arith.fptosi %gather3A_698 : vector<16xf32> to vector<16xi32>
    %swap3A_700 = arith.constant 848 : index
    %swap3A_701 = tpu.vector_load %arg6[%swap3A_700] {strides = array<i32>} : memref<3328xi32, #tpu.memory_space<vmem>>, vector<16xi32>,
    tpu.vector_store %arg6[%swap3A_700], %convert_element_type3A_699 {strides = array<i32>} : memref<3328xi32, #tpu.memory_space<vmem>>, vector<16xi32>,
    %add3A_702 = arith.constant 96 : i32
    %add3A_703 = vector.broadcast %add3A_702 : i32 to vector<16xi32>
    %add3A_704 = arith.addi %add3A_703, %iota3A : vector<16xi32>
    %mul3A_705 = arith.constant 128 : i32
    %mul3A_706 = vector.broadcast %mul3A_705 : i32 to vector<16xi32>
    %mul3A_707 = arith.muli %add3A_704, %mul3A_706 : vector<16xi32>
    %add3A_708 = arith.constant 6 : i32
    %add3A_709 = vector.broadcast %add3A_708 : i32 to vector<16xi32>
    %add3A_710 = arith.addi %mul3A_707, %add3A_709 : vector<16xi32>
    %gather3A_711 = tpu.vector_load_idx %arg5[%add3A_710] : memref<16384xf32, #tpu.memory_space<vmem>>[vector<16xi32>], vector<16xf32>,
    %convert_element_type3A_712 = arith.fptosi %gather3A_711 : vector<16xf32> to vector<16xi32>
    %swap3A_713 = arith.constant 864 : index
    %swap3A_714 = tpu.vector_load %arg6[%swap3A_713] {strides = array<i32>} : memref<3328xi32, #tpu.memory_space<vmem>>, vector<16xi32>,
    tpu.vector_store %arg6[%swap3A_713], %convert_element_type3A_712 {strides = array<i32>} : memref<3328xi32, #tpu.memory_space<vmem>>, vector<16xi32>,
    %add3A_715 = arith.constant 112 : i32
    %add3A_716 = vector.broadcast %add3A_715 : i32 to vector<16xi32>
    %add3A_717 = arith.addi %add3A_716, %iota3A : vector<16xi32>
    %mul3A_718 = arith.constant 128 : i32
    %mul3A_719 = vector.broadcast %mul3A_718 : i32 to vector<16xi32>
    %mul3A_720 = arith.muli %add3A_717, %mul3A_719 : vector<16xi32>
    %add3A_721 = arith.constant 6 : i32
    %add3A_722 = vector.broadcast %add3A_721 : i32 to vector<16xi32>
    %add3A_723 = arith.addi %mul3A_720, %add3A_722 : vector<16xi32>
    %gather3A_724 = tpu.vector_load_idx %arg5[%add3A_723] : memref<16384xf32, #tpu.memory_space<vmem>>[vector<16xi32>], vector<16xf32>,
    %convert_element_type3A_725 = arith.fptosi %gather3A_724 : vector<16xf32> to vector<16xi32>
    %swap3A_726 = arith.constant 880 : index
    %swap3A_727 = tpu.vector_load %arg6[%swap3A_726] {strides = array<i32>} : memref<3328xi32, #tpu.memory_space<vmem>>, vector<16xi32>,
    tpu.vector_store %arg6[%swap3A_726], %convert_element_type3A_725 {strides = array<i32>} : memref<3328xi32, #tpu.memory_space<vmem>>, vector<16xi32>,
    %add3A_728 = arith.constant 0 : i32
    %add3A_729 = vector.broadcast %add3A_728 : i32 to vector<16xi32>
    %add3A_730 = arith.addi %add3A_729, %iota3A : vector<16xi32>
    %mul3A_731 = arith.constant 128 : i32
    %mul3A_732 = vector.broadcast %mul3A_731 : i32 to vector<16xi32>
    %mul3A_733 = arith.muli %add3A_730, %mul3A_732 : vector<16xi32>
    %add3A_734 = arith.constant 7 : i32
    %add3A_735 = vector.broadcast %add3A_734 : i32 to vector<16xi32>
    %add3A_736 = arith.addi %mul3A_733, %add3A_735 : vector<16xi32>
    %gather3A_737 = tpu.vector_load_idx %arg5[%add3A_736] : memref<16384xf32, #tpu.memory_space<vmem>>[vector<16xi32>], vector<16xf32>,
    %convert_element_type3A_738 = arith.fptosi %gather3A_737 : vector<16xf32> to vector<16xi32>
    %swap3A_739 = arith.constant 896 : index
    %swap3A_740 = tpu.vector_load %arg6[%swap3A_739] {strides = array<i32>} : memref<3328xi32, #tpu.memory_space<vmem>>, vector<16xi32>,
    tpu.vector_store %arg6[%swap3A_739], %convert_element_type3A_738 {strides = array<i32>} : memref<3328xi32, #tpu.memory_space<vmem>>, vector<16xi32>,
    %add3A_741 = arith.constant 16 : i32
    %add3A_742 = vector.broadcast %add3A_741 : i32 to vector<16xi32>
    %add3A_743 = arith.addi %add3A_742, %iota3A : vector<16xi32>
    %mul3A_744 = arith.constant 128 : i32
    %mul3A_745 = vector.broadcast %mul3A_744 : i32 to vector<16xi32>
    %mul3A_746 = arith.muli %add3A_743, %mul3A_745 : vector<16xi32>
    %add3A_747 = arith.constant 7 : i32
    %add3A_748 = vector.broadcast %add3A_747 : i32 to vector<16xi32>
    %add3A_749 = arith.addi %mul3A_746, %add3A_748 : vector<16xi32>
    %gather3A_750 = tpu.vector_load_idx %arg5[%add3A_749] : memref<16384xf32, #tpu.memory_space<vmem>>[vector<16xi32>], vector<16xf32>,
    %convert_element_type3A_751 = arith.fptosi %gather3A_750 : vector<16xf32> to vector<16xi32>
    %swap3A_752 = arith.constant 912 : index
    %swap3A_753 = tpu.vector_load %arg6[%swap3A_752] {strides = array<i32>} : memref<3328xi32, #tpu.memory_space<vmem>>, vector<16xi32>,
    tpu.vector_store %arg6[%swap3A_752], %convert_element_type3A_751 {strides = array<i32>} : memref<3328xi32, #tpu.memory_space<vmem>>, vector<16xi32>,
    %add3A_754 = arith.constant 32 : i32
    %add3A_755 = vector.broadcast %add3A_754 : i32 to vector<16xi32>
    %add3A_756 = arith.addi %add3A_755, %iota3A : vector<16xi32>
    %mul3A_757 = arith.constant 128 : i32
    %mul3A_758 = vector.broadcast %mul3A_757 : i32 to vector<16xi32>
    %mul3A_759 = arith.muli %add3A_756, %mul3A_758 : vector<16xi32>
    %add3A_760 = arith.constant 7 : i32
    %add3A_761 = vector.broadcast %add3A_760 : i32 to vector<16xi32>
    %add3A_762 = arith.addi %mul3A_759, %add3A_761 : vector<16xi32>
    %gather3A_763 = tpu.vector_load_idx %arg5[%add3A_762] : memref<16384xf32, #tpu.memory_space<vmem>>[vector<16xi32>], vector<16xf32>,
    %convert_element_type3A_764 = arith.fptosi %gather3A_763 : vector<16xf32> to vector<16xi32>
    %swap3A_765 = arith.constant 928 : index
    %swap3A_766 = tpu.vector_load %arg6[%swap3A_765] {strides = array<i32>} : memref<3328xi32, #tpu.memory_space<vmem>>, vector<16xi32>,
    tpu.vector_store %arg6[%swap3A_765], %convert_element_type3A_764 {strides = array<i32>} : memref<3328xi32, #tpu.memory_space<vmem>>, vector<16xi32>,
    %add3A_767 = arith.constant 48 : i32
    %add3A_768 = vector.broadcast %add3A_767 : i32 to vector<16xi32>
    %add3A_769 = arith.addi %add3A_768, %iota3A : vector<16xi32>
    %mul3A_770 = arith.constant 128 : i32
    %mul3A_771 = vector.broadcast %mul3A_770 : i32 to vector<16xi32>
    %mul3A_772 = arith.muli %add3A_769, %mul3A_771 : vector<16xi32>
    %add3A_773 = arith.constant 7 : i32
    %add3A_774 = vector.broadcast %add3A_773 : i32 to vector<16xi32>
    %add3A_775 = arith.addi %mul3A_772, %add3A_774 : vector<16xi32>
    %gather3A_776 = tpu.vector_load_idx %arg5[%add3A_775] : memref<16384xf32, #tpu.memory_space<vmem>>[vector<16xi32>], vector<16xf32>,
    %convert_element_type3A_777 = arith.fptosi %gather3A_776 : vector<16xf32> to vector<16xi32>
    %swap3A_778 = arith.constant 944 : index
    %swap3A_779 = tpu.vector_load %arg6[%swap3A_778] {strides = array<i32>} : memref<3328xi32, #tpu.memory_space<vmem>>, vector<16xi32>,
    tpu.vector_store %arg6[%swap3A_778], %convert_element_type3A_777 {strides = array<i32>} : memref<3328xi32, #tpu.memory_space<vmem>>, vector<16xi32>,
    %add3A_780 = arith.constant 64 : i32
    %add3A_781 = vector.broadcast %add3A_780 : i32 to vector<16xi32>
    %add3A_782 = arith.addi %add3A_781, %iota3A : vector<16xi32>
    %mul3A_783 = arith.constant 128 : i32
    %mul3A_784 = vector.broadcast %mul3A_783 : i32 to vector<16xi32>
    %mul3A_785 = arith.muli %add3A_782, %mul3A_784 : vector<16xi32>
    %add3A_786 = arith.constant 7 : i32
    %add3A_787 = vector.broadcast %add3A_786 : i32 to vector<16xi32>
    %add3A_788 = arith.addi %mul3A_785, %add3A_787 : vector<16xi32>
    %gather3A_789 = tpu.vector_load_idx %arg5[%add3A_788] : memref<16384xf32, #tpu.memory_space<vmem>>[vector<16xi32>], vector<16xf32>,
    %convert_element_type3A_790 = arith.fptosi %gather3A_789 : vector<16xf32> to vector<16xi32>
    %swap3A_791 = arith.constant 960 : index
    %swap3A_792 = tpu.vector_load %arg6[%swap3A_791] {strides = array<i32>} : memref<3328xi32, #tpu.memory_space<vmem>>, vector<16xi32>,
    tpu.vector_store %arg6[%swap3A_791], %convert_element_type3A_790 {strides = array<i32>} : memref<3328xi32, #tpu.memory_space<vmem>>, vector<16xi32>,
    %add3A_793 = arith.constant 80 : i32
    %add3A_794 = vector.broadcast %add3A_793 : i32 to vector<16xi32>
    %add3A_795 = arith.addi %add3A_794, %iota3A : vector<16xi32>
    %mul3A_796 = arith.constant 128 : i32
    %mul3A_797 = vector.broadcast %mul3A_796 : i32 to vector<16xi32>
    %mul3A_798 = arith.muli %add3A_795, %mul3A_797 : vector<16xi32>
    %add3A_799 = arith.constant 7 : i32
    %add3A_800 = vector.broadcast %add3A_799 : i32 to vector<16xi32>
    %add3A_801 = arith.addi %mul3A_798, %add3A_800 : vector<16xi32>
    %gather3A_802 = tpu.vector_load_idx %arg5[%add3A_801] : memref<16384xf32, #tpu.memory_space<vmem>>[vector<16xi32>], vector<16xf32>,
    %convert_element_type3A_803 = arith.fptosi %gather3A_802 : vector<16xf32> to vector<16xi32>
    %swap3A_804 = arith.constant 976 : index
    %swap3A_805 = tpu.vector_load %arg6[%swap3A_804] {strides = array<i32>} : memref<3328xi32, #tpu.memory_space<vmem>>, vector<16xi32>,
    tpu.vector_store %arg6[%swap3A_804], %convert_element_type3A_803 {strides = array<i32>} : memref<3328xi32, #tpu.memory_space<vmem>>, vector<16xi32>,
    %add3A_806 = arith.constant 96 : i32
    %add3A_807 = vector.broadcast %add3A_806 : i32 to vector<16xi32>
    %add3A_808 = arith.addi %add3A_807, %iota3A : vector<16xi32>
    %mul3A_809 = arith.constant 128 : i32
    %mul3A_810 = vector.broadcast %mul3A_809 : i32 to vector<16xi32>
    %mul3A_811 = arith.muli %add3A_808, %mul3A_810 : vector<16xi32>
    %add3A_812 = arith.constant 7 : i32
    %add3A_813 = vector.broadcast %add3A_812 : i32 to vector<16xi32>
    %add3A_814 = arith.addi %mul3A_811, %add3A_813 : vector<16xi32>
    %gather3A_815 = tpu.vector_load_idx %arg5[%add3A_814] : memref<16384xf32, #tpu.memory_space<vmem>>[vector<16xi32>], vector<16xf32>,
    %convert_element_type3A_816 = arith.fptosi %gather3A_815 : vector<16xf32> to vector<16xi32>
    %swap3A_817 = arith.constant 992 : index
    %swap3A_818 = tpu.vector_load %arg6[%swap3A_817] {strides = array<i32>} : memref<3328xi32, #tpu.memory_space<vmem>>, vector<16xi32>,
    tpu.vector_store %arg6[%swap3A_817], %convert_element_type3A_816 {strides = array<i32>} : memref<3328xi32, #tpu.memory_space<vmem>>, vector<16xi32>,
    %add3A_819 = arith.constant 112 : i32
    %add3A_820 = vector.broadcast %add3A_819 : i32 to vector<16xi32>
    %add3A_821 = arith.addi %add3A_820, %iota3A : vector<16xi32>
    %mul3A_822 = arith.constant 128 : i32
    %mul3A_823 = vector.broadcast %mul3A_822 : i32 to vector<16xi32>
    %mul3A_824 = arith.muli %add3A_821, %mul3A_823 : vector<16xi32>
    %add3A_825 = arith.constant 7 : i32
    %add3A_826 = vector.broadcast %add3A_825 : i32 to vector<16xi32>
    %add3A_827 = arith.addi %mul3A_824, %add3A_826 : vector<16xi32>
    %gather3A_828 = tpu.vector_load_idx %arg5[%add3A_827] : memref<16384xf32, #tpu.memory_space<vmem>>[vector<16xi32>], vector<16xf32>,
    %convert_element_type3A_829 = arith.fptosi %gather3A_828 : vector<16xf32> to vector<16xi32>
    %swap3A_830 = arith.constant 1008 : index
    %swap3A_831 = tpu.vector_load %arg6[%swap3A_830] {strides = array<i32>} : memref<3328xi32, #tpu.memory_space<vmem>>, vector<16xi32>,
    tpu.vector_store %arg6[%swap3A_830], %convert_element_type3A_829 {strides = array<i32>} : memref<3328xi32, #tpu.memory_space<vmem>>, vector<16xi32>,
    %add3A_832 = arith.constant 0 : i32
    %add3A_833 = vector.broadcast %add3A_832 : i32 to vector<16xi32>
    %add3A_834 = arith.addi %add3A_833, %iota3A : vector<16xi32>
    %mul3A_835 = arith.constant 128 : i32
    %mul3A_836 = vector.broadcast %mul3A_835 : i32 to vector<16xi32>
    %mul3A_837 = arith.muli %add3A_834, %mul3A_836 : vector<16xi32>
    %add3A_838 = arith.constant 8 : i32
    %add3A_839 = vector.broadcast %add3A_838 : i32 to vector<16xi32>
    %add3A_840 = arith.addi %mul3A_837, %add3A_839 : vector<16xi32>
    %gather3A_841 = tpu.vector_load_idx %arg5[%add3A_840] : memref<16384xf32, #tpu.memory_space<vmem>>[vector<16xi32>], vector<16xf32>,
    %convert_element_type3A_842 = arith.fptosi %gather3A_841 : vector<16xf32> to vector<16xi32>
    %swap3A_843 = arith.constant 1024 : index
    %swap3A_844 = tpu.vector_load %arg6[%swap3A_843] {strides = array<i32>} : memref<3328xi32, #tpu.memory_space<vmem>>, vector<16xi32>,
    tpu.vector_store %arg6[%swap3A_843], %convert_element_type3A_842 {strides = array<i32>} : memref<3328xi32, #tpu.memory_space<vmem>>, vector<16xi32>,
    %add3A_845 = arith.constant 16 : i32
    %add3A_846 = vector.broadcast %add3A_845 : i32 to vector<16xi32>
    %add3A_847 = arith.addi %add3A_846, %iota3A : vector<16xi32>
    %mul3A_848 = arith.constant 128 : i32
    %mul3A_849 = vector.broadcast %mul3A_848 : i32 to vector<16xi32>
    %mul3A_850 = arith.muli %add3A_847, %mul3A_849 : vector<16xi32>
    %add3A_851 = arith.constant 8 : i32
    %add3A_852 = vector.broadcast %add3A_851 : i32 to vector<16xi32>
    %add3A_853 = arith.addi %mul3A_850, %add3A_852 : vector<16xi32>
    %gather3A_854 = tpu.vector_load_idx %arg5[%add3A_853] : memref<16384xf32, #tpu.memory_space<vmem>>[vector<16xi32>], vector<16xf32>,
    %convert_element_type3A_855 = arith.fptosi %gather3A_854 : vector<16xf32> to vector<16xi32>
    %swap3A_856 = arith.constant 1040 : index
    %swap3A_857 = tpu.vector_load %arg6[%swap3A_856] {strides = array<i32>} : memref<3328xi32, #tpu.memory_space<vmem>>, vector<16xi32>,
    tpu.vector_store %arg6[%swap3A_856], %convert_element_type3A_855 {strides = array<i32>} : memref<3328xi32, #tpu.memory_space<vmem>>, vector<16xi32>,
    %add3A_858 = arith.constant 32 : i32
    %add3A_859 = vector.broadcast %add3A_858 : i32 to vector<16xi32>
    %add3A_860 = arith.addi %add3A_859, %iota3A : vector<16xi32>
    %mul3A_861 = arith.constant 128 : i32
    %mul3A_862 = vector.broadcast %mul3A_861 : i32 to vector<16xi32>
    %mul3A_863 = arith.muli %add3A_860, %mul3A_862 : vector<16xi32>
    %add3A_864 = arith.constant 8 : i32
    %add3A_865 = vector.broadcast %add3A_864 : i32 to vector<16xi32>
    %add3A_866 = arith.addi %mul3A_863, %add3A_865 : vector<16xi32>
    %gather3A_867 = tpu.vector_load_idx %arg5[%add3A_866] : memref<16384xf32, #tpu.memory_space<vmem>>[vector<16xi32>], vector<16xf32>,
    %convert_element_type3A_868 = arith.fptosi %gather3A_867 : vector<16xf32> to vector<16xi32>
    %swap3A_869 = arith.constant 1056 : index
    %swap3A_870 = tpu.vector_load %arg6[%swap3A_869] {strides = array<i32>} : memref<3328xi32, #tpu.memory_space<vmem>>, vector<16xi32>,
    tpu.vector_store %arg6[%swap3A_869], %convert_element_type3A_868 {strides = array<i32>} : memref<3328xi32, #tpu.memory_space<vmem>>, vector<16xi32>,
    %add3A_871 = arith.constant 48 : i32
    %add3A_872 = vector.broadcast %add3A_871 : i32 to vector<16xi32>
    %add3A_873 = arith.addi %add3A_872, %iota3A : vector<16xi32>
    %mul3A_874 = arith.constant 128 : i32
    %mul3A_875 = vector.broadcast %mul3A_874 : i32 to vector<16xi32>
    %mul3A_876 = arith.muli %add3A_873, %mul3A_875 : vector<16xi32>
    %add3A_877 = arith.constant 8 : i32
    %add3A_878 = vector.broadcast %add3A_877 : i32 to vector<16xi32>
    %add3A_879 = arith.addi %mul3A_876, %add3A_878 : vector<16xi32>
    %gather3A_880 = tpu.vector_load_idx %arg5[%add3A_879] : memref<16384xf32, #tpu.memory_space<vmem>>[vector<16xi32>], vector<16xf32>,
    %convert_element_type3A_881 = arith.fptosi %gather3A_880 : vector<16xf32> to vector<16xi32>
    %swap3A_882 = arith.constant 1072 : index
    %swap3A_883 = tpu.vector_load %arg6[%swap3A_882] {strides = array<i32>} : memref<3328xi32, #tpu.memory_space<vmem>>, vector<16xi32>,
    tpu.vector_store %arg6[%swap3A_882], %convert_element_type3A_881 {strides = array<i32>} : memref<3328xi32, #tpu.memory_space<vmem>>, vector<16xi32>,
    %add3A_884 = arith.constant 64 : i32
    %add3A_885 = vector.broadcast %add3A_884 : i32 to vector<16xi32>
    %add3A_886 = arith.addi %add3A_885, %iota3A : vector<16xi32>
    %mul3A_887 = arith.constant 128 : i32
    %mul3A_888 = vector.broadcast %mul3A_887 : i32 to vector<16xi32>
    %mul3A_889 = arith.muli %add3A_886, %mul3A_888 : vector<16xi32>
    %add3A_890 = arith.constant 8 : i32
    %add3A_891 = vector.broadcast %add3A_890 : i32 to vector<16xi32>
    %add3A_892 = arith.addi %mul3A_889, %add3A_891 : vector<16xi32>
    %gather3A_893 = tpu.vector_load_idx %arg5[%add3A_892] : memref<16384xf32, #tpu.memory_space<vmem>>[vector<16xi32>], vector<16xf32>,
    %convert_element_type3A_894 = arith.fptosi %gather3A_893 : vector<16xf32> to vector<16xi32>
    %swap3A_895 = arith.constant 1088 : index
    %swap3A_896 = tpu.vector_load %arg6[%swap3A_895] {strides = array<i32>} : memref<3328xi32, #tpu.memory_space<vmem>>, vector<16xi32>,
    tpu.vector_store %arg6[%swap3A_895], %convert_element_type3A_894 {strides = array<i32>} : memref<3328xi32, #tpu.memory_space<vmem>>, vector<16xi32>,
    %add3A_897 = arith.constant 80 : i32
    %add3A_898 = vector.broadcast %add3A_897 : i32 to vector<16xi32>
    %add3A_899 = arith.addi %add3A_898, %iota3A : vector<16xi32>
    %mul3A_900 = arith.constant 128 : i32
    %mul3A_901 = vector.broadcast %mul3A_900 : i32 to vector<16xi32>
    %mul3A_902 = arith.muli %add3A_899, %mul3A_901 : vector<16xi32>
    %add3A_903 = arith.constant 8 : i32
    %add3A_904 = vector.broadcast %add3A_903 : i32 to vector<16xi32>
    %add3A_905 = arith.addi %mul3A_902, %add3A_904 : vector<16xi32>
    %gather3A_906 = tpu.vector_load_idx %arg5[%add3A_905] : memref<16384xf32, #tpu.memory_space<vmem>>[vector<16xi32>], vector<16xf32>,
    %convert_element_type3A_907 = arith.fptosi %gather3A_906 : vector<16xf32> to vector<16xi32>
    %swap3A_908 = arith.constant 1104 : index
    %swap3A_909 = tpu.vector_load %arg6[%swap3A_908] {strides = array<i32>} : memref<3328xi32, #tpu.memory_space<vmem>>, vector<16xi32>,
    tpu.vector_store %arg6[%swap3A_908], %convert_element_type3A_907 {strides = array<i32>} : memref<3328xi32, #tpu.memory_space<vmem>>, vector<16xi32>,
    %add3A_910 = arith.constant 96 : i32
    %add3A_911 = vector.broadcast %add3A_910 : i32 to vector<16xi32>
    %add3A_912 = arith.addi %add3A_911, %iota3A : vector<16xi32>
    %mul3A_913 = arith.constant 128 : i32
    %mul3A_914 = vector.broadcast %mul3A_913 : i32 to vector<16xi32>
    %mul3A_915 = arith.muli %add3A_912, %mul3A_914 : vector<16xi32>
    %add3A_916 = arith.constant 8 : i32
    %add3A_917 = vector.broadcast %add3A_916 : i32 to vector<16xi32>
    %add3A_918 = arith.addi %mul3A_915, %add3A_917 : vector<16xi32>
    %gather3A_919 = tpu.vector_load_idx %arg5[%add3A_918] : memref<16384xf32, #tpu.memory_space<vmem>>[vector<16xi32>], vector<16xf32>,
    %convert_element_type3A_920 = arith.fptosi %gather3A_919 : vector<16xf32> to vector<16xi32>
    %swap3A_921 = arith.constant 1120 : index
    %swap3A_922 = tpu.vector_load %arg6[%swap3A_921] {strides = array<i32>} : memref<3328xi32, #tpu.memory_space<vmem>>, vector<16xi32>,
    tpu.vector_store %arg6[%swap3A_921], %convert_element_type3A_920 {strides = array<i32>} : memref<3328xi32, #tpu.memory_space<vmem>>, vector<16xi32>,
    %add3A_923 = arith.constant 112 : i32
    %add3A_924 = vector.broadcast %add3A_923 : i32 to vector<16xi32>
    %add3A_925 = arith.addi %add3A_924, %iota3A : vector<16xi32>
    %mul3A_926 = arith.constant 128 : i32
    %mul3A_927 = vector.broadcast %mul3A_926 : i32 to vector<16xi32>
    %mul3A_928 = arith.muli %add3A_925, %mul3A_927 : vector<16xi32>
    %add3A_929 = arith.constant 8 : i32
    %add3A_930 = vector.broadcast %add3A_929 : i32 to vector<16xi32>
    %add3A_931 = arith.addi %mul3A_928, %add3A_930 : vector<16xi32>
    %gather3A_932 = tpu.vector_load_idx %arg5[%add3A_931] : memref<16384xf32, #tpu.memory_space<vmem>>[vector<16xi32>], vector<16xf32>,
    %convert_element_type3A_933 = arith.fptosi %gather3A_932 : vector<16xf32> to vector<16xi32>
    %swap3A_934 = arith.constant 1136 : index
    %swap3A_935 = tpu.vector_load %arg6[%swap3A_934] {strides = array<i32>} : memref<3328xi32, #tpu.memory_space<vmem>>, vector<16xi32>,
    tpu.vector_store %arg6[%swap3A_934], %convert_element_type3A_933 {strides = array<i32>} : memref<3328xi32, #tpu.memory_space<vmem>>, vector<16xi32>,
    %add3A_936 = arith.constant 0 : i32
    %add3A_937 = vector.broadcast %add3A_936 : i32 to vector<16xi32>
    %add3A_938 = arith.addi %add3A_937, %iota3A : vector<16xi32>
    %mul3A_939 = arith.constant 128 : i32
    %mul3A_940 = vector.broadcast %mul3A_939 : i32 to vector<16xi32>
    %mul3A_941 = arith.muli %add3A_938, %mul3A_940 : vector<16xi32>
    %add3A_942 = arith.constant 9 : i32
    %add3A_943 = vector.broadcast %add3A_942 : i32 to vector<16xi32>
    %add3A_944 = arith.addi %mul3A_941, %add3A_943 : vector<16xi32>
    %gather3A_945 = tpu.vector_load_idx %arg5[%add3A_944] : memref<16384xf32, #tpu.memory_space<vmem>>[vector<16xi32>], vector<16xf32>,
    %convert_element_type3A_946 = arith.fptosi %gather3A_945 : vector<16xf32> to vector<16xi32>
    %swap3A_947 = arith.constant 1152 : index
    %swap3A_948 = tpu.vector_load %arg6[%swap3A_947] {strides = array<i32>} : memref<3328xi32, #tpu.memory_space<vmem>>, vector<16xi32>,
    tpu.vector_store %arg6[%swap3A_947], %convert_element_type3A_946 {strides = array<i32>} : memref<3328xi32, #tpu.memory_space<vmem>>, vector<16xi32>,
    %add3A_949 = arith.constant 16 : i32
    %add3A_950 = vector.broadcast %add3A_949 : i32 to vector<16xi32>
    %add3A_951 = arith.addi %add3A_950, %iota3A : vector<16xi32>
    %mul3A_952 = arith.constant 128 : i32
    %mul3A_953 = vector.broadcast %mul3A_952 : i32 to vector<16xi32>
    %mul3A_954 = arith.muli %add3A_951, %mul3A_953 : vector<16xi32>
    %add3A_955 = arith.constant 9 : i32
    %add3A_956 = vector.broadcast %add3A_955 : i32 to vector<16xi32>
    %add3A_957 = arith.addi %mul3A_954, %add3A_956 : vector<16xi32>
    %gather3A_958 = tpu.vector_load_idx %arg5[%add3A_957] : memref<16384xf32, #tpu.memory_space<vmem>>[vector<16xi32>], vector<16xf32>,
    %convert_element_type3A_959 = arith.fptosi %gather3A_958 : vector<16xf32> to vector<16xi32>
    %swap3A_960 = arith.constant 1168 : index
    %swap3A_961 = tpu.vector_load %arg6[%swap3A_960] {strides = array<i32>} : memref<3328xi32, #tpu.memory_space<vmem>>, vector<16xi32>,
    tpu.vector_store %arg6[%swap3A_960], %convert_element_type3A_959 {strides = array<i32>} : memref<3328xi32, #tpu.memory_space<vmem>>, vector<16xi32>,
    %add3A_962 = arith.constant 32 : i32
    %add3A_963 = vector.broadcast %add3A_962 : i32 to vector<16xi32>
    %add3A_964 = arith.addi %add3A_963, %iota3A : vector<16xi32>
    %mul3A_965 = arith.constant 128 : i32
    %mul3A_966 = vector.broadcast %mul3A_965 : i32 to vector<16xi32>
    %mul3A_967 = arith.muli %add3A_964, %mul3A_966 : vector<16xi32>
    %add3A_968 = arith.constant 9 : i32
    %add3A_969 = vector.broadcast %add3A_968 : i32 to vector<16xi32>
    %add3A_970 = arith.addi %mul3A_967, %add3A_969 : vector<16xi32>
    %gather3A_971 = tpu.vector_load_idx %arg5[%add3A_970] : memref<16384xf32, #tpu.memory_space<vmem>>[vector<16xi32>], vector<16xf32>,
    %convert_element_type3A_972 = arith.fptosi %gather3A_971 : vector<16xf32> to vector<16xi32>
    %swap3A_973 = arith.constant 1184 : index
    %swap3A_974 = tpu.vector_load %arg6[%swap3A_973] {strides = array<i32>} : memref<3328xi32, #tpu.memory_space<vmem>>, vector<16xi32>,
    tpu.vector_store %arg6[%swap3A_973], %convert_element_type3A_972 {strides = array<i32>} : memref<3328xi32, #tpu.memory_space<vmem>>, vector<16xi32>,
    %add3A_975 = arith.constant 48 : i32
    %add3A_976 = vector.broadcast %add3A_975 : i32 to vector<16xi32>
    %add3A_977 = arith.addi %add3A_976, %iota3A : vector<16xi32>
    %mul3A_978 = arith.constant 128 : i32
    %mul3A_979 = vector.broadcast %mul3A_978 : i32 to vector<16xi32>
    %mul3A_980 = arith.muli %add3A_977, %mul3A_979 : vector<16xi32>
    %add3A_981 = arith.constant 9 : i32
    %add3A_982 = vector.broadcast %add3A_981 : i32 to vector<16xi32>
    %add3A_983 = arith.addi %mul3A_980, %add3A_982 : vector<16xi32>
    %gather3A_984 = tpu.vector_load_idx %arg5[%add3A_983] : memref<16384xf32, #tpu.memory_space<vmem>>[vector<16xi32>], vector<16xf32>,
    %convert_element_type3A_985 = arith.fptosi %gather3A_984 : vector<16xf32> to vector<16xi32>
    %swap3A_986 = arith.constant 1200 : index
    %swap3A_987 = tpu.vector_load %arg6[%swap3A_986] {strides = array<i32>} : memref<3328xi32, #tpu.memory_space<vmem>>, vector<16xi32>,
    tpu.vector_store %arg6[%swap3A_986], %convert_element_type3A_985 {strides = array<i32>} : memref<3328xi32, #tpu.memory_space<vmem>>, vector<16xi32>,
    %add3A_988 = arith.constant 64 : i32
    %add3A_989 = vector.broadcast %add3A_988 : i32 to vector<16xi32>
    %add3A_990 = arith.addi %add3A_989, %iota3A : vector<16xi32>
    %mul3A_991 = arith.constant 128 : i32
    %mul3A_992 = vector.broadcast %mul3A_991 : i32 to vector<16xi32>
    %mul3A_993 = arith.muli %add3A_990, %mul3A_992 : vector<16xi32>
    %add3A_994 = arith.constant 9 : i32
    %add3A_995 = vector.broadcast %add3A_994 : i32 to vector<16xi32>
    %add3A_996 = arith.addi %mul3A_993, %add3A_995 : vector<16xi32>
    %gather3A_997 = tpu.vector_load_idx %arg5[%add3A_996] : memref<16384xf32, #tpu.memory_space<vmem>>[vector<16xi32>], vector<16xf32>,
    %convert_element_type3A_998 = arith.fptosi %gather3A_997 : vector<16xf32> to vector<16xi32>
    %swap3A_999 = arith.constant 1216 : index
    %swap3A_1000 = tpu.vector_load %arg6[%swap3A_999] {strides = array<i32>} : memref<3328xi32, #tpu.memory_space<vmem>>, vector<16xi32>,
    tpu.vector_store %arg6[%swap3A_999], %convert_element_type3A_998 {strides = array<i32>} : memref<3328xi32, #tpu.memory_space<vmem>>, vector<16xi32>,
    %add3A_1001 = arith.constant 80 : i32
    %add3A_1002 = vector.broadcast %add3A_1001 : i32 to vector<16xi32>
    %add3A_1003 = arith.addi %add3A_1002, %iota3A : vector<16xi32>
    %mul3A_1004 = arith.constant 128 : i32
    %mul3A_1005 = vector.broadcast %mul3A_1004 : i32 to vector<16xi32>
    %mul3A_1006 = arith.muli %add3A_1003, %mul3A_1005 : vector<16xi32>
    %add3A_1007 = arith.constant 9 : i32
    %add3A_1008 = vector.broadcast %add3A_1007 : i32 to vector<16xi32>
    %add3A_1009 = arith.addi %mul3A_1006, %add3A_1008 : vector<16xi32>
    %gather3A_1010 = tpu.vector_load_idx %arg5[%add3A_1009] : memref<16384xf32, #tpu.memory_space<vmem>>[vector<16xi32>], vector<16xf32>,
    %convert_element_type3A_1011 = arith.fptosi %gather3A_1010 : vector<16xf32> to vector<16xi32>
    %swap3A_1012 = arith.constant 1232 : index
    %swap3A_1013 = tpu.vector_load %arg6[%swap3A_1012] {strides = array<i32>} : memref<3328xi32, #tpu.memory_space<vmem>>, vector<16xi32>,
    tpu.vector_store %arg6[%swap3A_1012], %convert_element_type3A_1011 {strides = array<i32>} : memref<3328xi32, #tpu.memory_space<vmem>>, vector<16xi32>,
    %add3A_1014 = arith.constant 96 : i32
    %add3A_1015 = vector.broadcast %add3A_1014 : i32 to vector<16xi32>
    %add3A_1016 = arith.addi %add3A_1015, %iota3A : vector<16xi32>
    %mul3A_1017 = arith.constant 128 : i32
    %mul3A_1018 = vector.broadcast %mul3A_1017 : i32 to vector<16xi32>
    %mul3A_1019 = arith.muli %add3A_1016, %mul3A_1018 : vector<16xi32>
    %add3A_1020 = arith.constant 9 : i32
    %add3A_1021 = vector.broadcast %add3A_1020 : i32 to vector<16xi32>
    %add3A_1022 = arith.addi %mul3A_1019, %add3A_1021 : vector<16xi32>
    %gather3A_1023 = tpu.vector_load_idx %arg5[%add3A_1022] : memref<16384xf32, #tpu.memory_space<vmem>>[vector<16xi32>], vector<16xf32>,
    %convert_element_type3A_1024 = arith.fptosi %gather3A_1023 : vector<16xf32> to vector<16xi32>
    %swap3A_1025 = arith.constant 1248 : index
    %swap3A_1026 = tpu.vector_load %arg6[%swap3A_1025] {strides = array<i32>} : memref<3328xi32, #tpu.memory_space<vmem>>, vector<16xi32>,
    tpu.vector_store %arg6[%swap3A_1025], %convert_element_type3A_1024 {strides = array<i32>} : memref<3328xi32, #tpu.memory_space<vmem>>, vector<16xi32>,
    %add3A_1027 = arith.constant 112 : i32
    %add3A_1028 = vector.broadcast %add3A_1027 : i32 to vector<16xi32>
    %add3A_1029 = arith.addi %add3A_1028, %iota3A : vector<16xi32>
    %mul3A_1030 = arith.constant 128 : i32
    %mul3A_1031 = vector.broadcast %mul3A_1030 : i32 to vector<16xi32>
    %mul3A_1032 = arith.muli %add3A_1029, %mul3A_1031 : vector<16xi32>
    %add3A_1033 = arith.constant 9 : i32
    %add3A_1034 = vector.broadcast %add3A_1033 : i32 to vector<16xi32>
    %add3A_1035 = arith.addi %mul3A_1032, %add3A_1034 : vector<16xi32>
    %gather3A_1036 = tpu.vector_load_idx %arg5[%add3A_1035] : memref<16384xf32, #tpu.memory_space<vmem>>[vector<16xi32>], vector<16xf32>,
    %convert_element_type3A_1037 = arith.fptosi %gather3A_1036 : vector<16xf32> to vector<16xi32>
    %swap3A_1038 = arith.constant 1264 : index
    %swap3A_1039 = tpu.vector_load %arg6[%swap3A_1038] {strides = array<i32>} : memref<3328xi32, #tpu.memory_space<vmem>>, vector<16xi32>,
    tpu.vector_store %arg6[%swap3A_1038], %convert_element_type3A_1037 {strides = array<i32>} : memref<3328xi32, #tpu.memory_space<vmem>>, vector<16xi32>,
    %add3A_1040 = arith.constant 0 : i32
    %add3A_1041 = vector.broadcast %add3A_1040 : i32 to vector<16xi32>
    %add3A_1042 = arith.addi %add3A_1041, %iota3A : vector<16xi32>
    %mul3A_1043 = arith.constant 128 : i32
    %mul3A_1044 = vector.broadcast %mul3A_1043 : i32 to vector<16xi32>
    %mul3A_1045 = arith.muli %add3A_1042, %mul3A_1044 : vector<16xi32>
    %add3A_1046 = arith.constant 10 : i32
    %add3A_1047 = vector.broadcast %add3A_1046 : i32 to vector<16xi32>
    %add3A_1048 = arith.addi %mul3A_1045, %add3A_1047 : vector<16xi32>
    %gather3A_1049 = tpu.vector_load_idx %arg5[%add3A_1048] : memref<16384xf32, #tpu.memory_space<vmem>>[vector<16xi32>], vector<16xf32>,
    %convert_element_type3A_1050 = arith.fptosi %gather3A_1049 : vector<16xf32> to vector<16xi32>
    %swap3A_1051 = arith.constant 1280 : index
    %swap3A_1052 = tpu.vector_load %arg6[%swap3A_1051] {strides = array<i32>} : memref<3328xi32, #tpu.memory_space<vmem>>, vector<16xi32>,
    tpu.vector_store %arg6[%swap3A_1051], %convert_element_type3A_1050 {strides = array<i32>} : memref<3328xi32, #tpu.memory_space<vmem>>, vector<16xi32>,
    %add3A_1053 = arith.constant 16 : i32
    %add3A_1054 = vector.broadcast %add3A_1053 : i32 to vector<16xi32>
    %add3A_1055 = arith.addi %add3A_1054, %iota3A : vector<16xi32>
    %mul3A_1056 = arith.constant 128 : i32
    %mul3A_1057 = vector.broadcast %mul3A_1056 : i32 to vector<16xi32>
    %mul3A_1058 = arith.muli %add3A_1055, %mul3A_1057 : vector<16xi32>
    %add3A_1059 = arith.constant 10 : i32
    %add3A_1060 = vector.broadcast %add3A_1059 : i32 to vector<16xi32>
    %add3A_1061 = arith.addi %mul3A_1058, %add3A_1060 : vector<16xi32>
    %gather3A_1062 = tpu.vector_load_idx %arg5[%add3A_1061] : memref<16384xf32, #tpu.memory_space<vmem>>[vector<16xi32>], vector<16xf32>,
    %convert_element_type3A_1063 = arith.fptosi %gather3A_1062 : vector<16xf32> to vector<16xi32>
    %swap3A_1064 = arith.constant 1296 : index
    %swap3A_1065 = tpu.vector_load %arg6[%swap3A_1064] {strides = array<i32>} : memref<3328xi32, #tpu.memory_space<vmem>>, vector<16xi32>,
    tpu.vector_store %arg6[%swap3A_1064], %convert_element_type3A_1063 {strides = array<i32>} : memref<3328xi32, #tpu.memory_space<vmem>>, vector<16xi32>,
    %add3A_1066 = arith.constant 32 : i32
    %add3A_1067 = vector.broadcast %add3A_1066 : i32 to vector<16xi32>
    %add3A_1068 = arith.addi %add3A_1067, %iota3A : vector<16xi32>
    %mul3A_1069 = arith.constant 128 : i32
    %mul3A_1070 = vector.broadcast %mul3A_1069 : i32 to vector<16xi32>
    %mul3A_1071 = arith.muli %add3A_1068, %mul3A_1070 : vector<16xi32>
    %add3A_1072 = arith.constant 10 : i32
    %add3A_1073 = vector.broadcast %add3A_1072 : i32 to vector<16xi32>
    %add3A_1074 = arith.addi %mul3A_1071, %add3A_1073 : vector<16xi32>
    %gather3A_1075 = tpu.vector_load_idx %arg5[%add3A_1074] : memref<16384xf32, #tpu.memory_space<vmem>>[vector<16xi32>], vector<16xf32>,
    %convert_element_type3A_1076 = arith.fptosi %gather3A_1075 : vector<16xf32> to vector<16xi32>
    %swap3A_1077 = arith.constant 1312 : index
    %swap3A_1078 = tpu.vector_load %arg6[%swap3A_1077] {strides = array<i32>} : memref<3328xi32, #tpu.memory_space<vmem>>, vector<16xi32>,
    tpu.vector_store %arg6[%swap3A_1077], %convert_element_type3A_1076 {strides = array<i32>} : memref<3328xi32, #tpu.memory_space<vmem>>, vector<16xi32>,
    %add3A_1079 = arith.constant 48 : i32
    %add3A_1080 = vector.broadcast %add3A_1079 : i32 to vector<16xi32>
    %add3A_1081 = arith.addi %add3A_1080, %iota3A : vector<16xi32>
    %mul3A_1082 = arith.constant 128 : i32
    %mul3A_1083 = vector.broadcast %mul3A_1082 : i32 to vector<16xi32>
    %mul3A_1084 = arith.muli %add3A_1081, %mul3A_1083 : vector<16xi32>
    %add3A_1085 = arith.constant 10 : i32
    %add3A_1086 = vector.broadcast %add3A_1085 : i32 to vector<16xi32>
    %add3A_1087 = arith.addi %mul3A_1084, %add3A_1086 : vector<16xi32>
    %gather3A_1088 = tpu.vector_load_idx %arg5[%add3A_1087] : memref<16384xf32, #tpu.memory_space<vmem>>[vector<16xi32>], vector<16xf32>,
    %convert_element_type3A_1089 = arith.fptosi %gather3A_1088 : vector<16xf32> to vector<16xi32>
    %swap3A_1090 = arith.constant 1328 : index
    %swap3A_1091 = tpu.vector_load %arg6[%swap3A_1090] {strides = array<i32>} : memref<3328xi32, #tpu.memory_space<vmem>>, vector<16xi32>,
    tpu.vector_store %arg6[%swap3A_1090], %convert_element_type3A_1089 {strides = array<i32>} : memref<3328xi32, #tpu.memory_space<vmem>>, vector<16xi32>,
    %add3A_1092 = arith.constant 64 : i32
    %add3A_1093 = vector.broadcast %add3A_1092 : i32 to vector<16xi32>
    %add3A_1094 = arith.addi %add3A_1093, %iota3A : vector<16xi32>
    %mul3A_1095 = arith.constant 128 : i32
    %mul3A_1096 = vector.broadcast %mul3A_1095 : i32 to vector<16xi32>
    %mul3A_1097 = arith.muli %add3A_1094, %mul3A_1096 : vector<16xi32>
    %add3A_1098 = arith.constant 10 : i32
    %add3A_1099 = vector.broadcast %add3A_1098 : i32 to vector<16xi32>
    %add3A_1100 = arith.addi %mul3A_1097, %add3A_1099 : vector<16xi32>
    %gather3A_1101 = tpu.vector_load_idx %arg5[%add3A_1100] : memref<16384xf32, #tpu.memory_space<vmem>>[vector<16xi32>], vector<16xf32>,
    %convert_element_type3A_1102 = arith.fptosi %gather3A_1101 : vector<16xf32> to vector<16xi32>
    %swap3A_1103 = arith.constant 1344 : index
    %swap3A_1104 = tpu.vector_load %arg6[%swap3A_1103] {strides = array<i32>} : memref<3328xi32, #tpu.memory_space<vmem>>, vector<16xi32>,
    tpu.vector_store %arg6[%swap3A_1103], %convert_element_type3A_1102 {strides = array<i32>} : memref<3328xi32, #tpu.memory_space<vmem>>, vector<16xi32>,
    %add3A_1105 = arith.constant 80 : i32
    %add3A_1106 = vector.broadcast %add3A_1105 : i32 to vector<16xi32>
    %add3A_1107 = arith.addi %add3A_1106, %iota3A : vector<16xi32>
    %mul3A_1108 = arith.constant 128 : i32
    %mul3A_1109 = vector.broadcast %mul3A_1108 : i32 to vector<16xi32>
    %mul3A_1110 = arith.muli %add3A_1107, %mul3A_1109 : vector<16xi32>
    %add3A_1111 = arith.constant 10 : i32
    %add3A_1112 = vector.broadcast %add3A_1111 : i32 to vector<16xi32>
    %add3A_1113 = arith.addi %mul3A_1110, %add3A_1112 : vector<16xi32>
    %gather3A_1114 = tpu.vector_load_idx %arg5[%add3A_1113] : memref<16384xf32, #tpu.memory_space<vmem>>[vector<16xi32>], vector<16xf32>,
    %convert_element_type3A_1115 = arith.fptosi %gather3A_1114 : vector<16xf32> to vector<16xi32>
    %swap3A_1116 = arith.constant 1360 : index
    %swap3A_1117 = tpu.vector_load %arg6[%swap3A_1116] {strides = array<i32>} : memref<3328xi32, #tpu.memory_space<vmem>>, vector<16xi32>,
    tpu.vector_store %arg6[%swap3A_1116], %convert_element_type3A_1115 {strides = array<i32>} : memref<3328xi32, #tpu.memory_space<vmem>>, vector<16xi32>,
    %add3A_1118 = arith.constant 96 : i32
    %add3A_1119 = vector.broadcast %add3A_1118 : i32 to vector<16xi32>
    %add3A_1120 = arith.addi %add3A_1119, %iota3A : vector<16xi32>
    %mul3A_1121 = arith.constant 128 : i32
    %mul3A_1122 = vector.broadcast %mul3A_1121 : i32 to vector<16xi32>
    %mul3A_1123 = arith.muli %add3A_1120, %mul3A_1122 : vector<16xi32>
    %add3A_1124 = arith.constant 10 : i32
    %add3A_1125 = vector.broadcast %add3A_1124 : i32 to vector<16xi32>
    %add3A_1126 = arith.addi %mul3A_1123, %add3A_1125 : vector<16xi32>
    %gather3A_1127 = tpu.vector_load_idx %arg5[%add3A_1126] : memref<16384xf32, #tpu.memory_space<vmem>>[vector<16xi32>], vector<16xf32>,
    %convert_element_type3A_1128 = arith.fptosi %gather3A_1127 : vector<16xf32> to vector<16xi32>
    %swap3A_1129 = arith.constant 1376 : index
    %swap3A_1130 = tpu.vector_load %arg6[%swap3A_1129] {strides = array<i32>} : memref<3328xi32, #tpu.memory_space<vmem>>, vector<16xi32>,
    tpu.vector_store %arg6[%swap3A_1129], %convert_element_type3A_1128 {strides = array<i32>} : memref<3328xi32, #tpu.memory_space<vmem>>, vector<16xi32>,
    %add3A_1131 = arith.constant 112 : i32
    %add3A_1132 = vector.broadcast %add3A_1131 : i32 to vector<16xi32>
    %add3A_1133 = arith.addi %add3A_1132, %iota3A : vector<16xi32>
    %mul3A_1134 = arith.constant 128 : i32
    %mul3A_1135 = vector.broadcast %mul3A_1134 : i32 to vector<16xi32>
    %mul3A_1136 = arith.muli %add3A_1133, %mul3A_1135 : vector<16xi32>
    %add3A_1137 = arith.constant 10 : i32
    %add3A_1138 = vector.broadcast %add3A_1137 : i32 to vector<16xi32>
    %add3A_1139 = arith.addi %mul3A_1136, %add3A_1138 : vector<16xi32>
    %gather3A_1140 = tpu.vector_load_idx %arg5[%add3A_1139] : memref<16384xf32, #tpu.memory_space<vmem>>[vector<16xi32>], vector<16xf32>,
    %convert_element_type3A_1141 = arith.fptosi %gather3A_1140 : vector<16xf32> to vector<16xi32>
    %swap3A_1142 = arith.constant 1392 : index
    %swap3A_1143 = tpu.vector_load %arg6[%swap3A_1142] {strides = array<i32>} : memref<3328xi32, #tpu.memory_space<vmem>>, vector<16xi32>,
    tpu.vector_store %arg6[%swap3A_1142], %convert_element_type3A_1141 {strides = array<i32>} : memref<3328xi32, #tpu.memory_space<vmem>>, vector<16xi32>,
    %add3A_1144 = arith.constant 0 : i32
    %add3A_1145 = vector.broadcast %add3A_1144 : i32 to vector<16xi32>
    %add3A_1146 = arith.addi %add3A_1145, %iota3A : vector<16xi32>
    %mul3A_1147 = arith.constant 128 : i32
    %mul3A_1148 = vector.broadcast %mul3A_1147 : i32 to vector<16xi32>
    %mul3A_1149 = arith.muli %add3A_1146, %mul3A_1148 : vector<16xi32>
    %add3A_1150 = arith.constant 11 : i32
    %add3A_1151 = vector.broadcast %add3A_1150 : i32 to vector<16xi32>
    %add3A_1152 = arith.addi %mul3A_1149, %add3A_1151 : vector<16xi32>
    %gather3A_1153 = tpu.vector_load_idx %arg5[%add3A_1152] : memref<16384xf32, #tpu.memory_space<vmem>>[vector<16xi32>], vector<16xf32>,
    %convert_element_type3A_1154 = arith.fptosi %gather3A_1153 : vector<16xf32> to vector<16xi32>
    %swap3A_1155 = arith.constant 1408 : index
    %swap3A_1156 = tpu.vector_load %arg6[%swap3A_1155] {strides = array<i32>} : memref<3328xi32, #tpu.memory_space<vmem>>, vector<16xi32>,
    tpu.vector_store %arg6[%swap3A_1155], %convert_element_type3A_1154 {strides = array<i32>} : memref<3328xi32, #tpu.memory_space<vmem>>, vector<16xi32>,
    %add3A_1157 = arith.constant 16 : i32
    %add3A_1158 = vector.broadcast %add3A_1157 : i32 to vector<16xi32>
    %add3A_1159 = arith.addi %add3A_1158, %iota3A : vector<16xi32>
    %mul3A_1160 = arith.constant 128 : i32
    %mul3A_1161 = vector.broadcast %mul3A_1160 : i32 to vector<16xi32>
    %mul3A_1162 = arith.muli %add3A_1159, %mul3A_1161 : vector<16xi32>
    %add3A_1163 = arith.constant 11 : i32
    %add3A_1164 = vector.broadcast %add3A_1163 : i32 to vector<16xi32>
    %add3A_1165 = arith.addi %mul3A_1162, %add3A_1164 : vector<16xi32>
    %gather3A_1166 = tpu.vector_load_idx %arg5[%add3A_1165] : memref<16384xf32, #tpu.memory_space<vmem>>[vector<16xi32>], vector<16xf32>,
    %convert_element_type3A_1167 = arith.fptosi %gather3A_1166 : vector<16xf32> to vector<16xi32>
    %swap3A_1168 = arith.constant 1424 : index
    %swap3A_1169 = tpu.vector_load %arg6[%swap3A_1168] {strides = array<i32>} : memref<3328xi32, #tpu.memory_space<vmem>>, vector<16xi32>,
    tpu.vector_store %arg6[%swap3A_1168], %convert_element_type3A_1167 {strides = array<i32>} : memref<3328xi32, #tpu.memory_space<vmem>>, vector<16xi32>,
    %add3A_1170 = arith.constant 32 : i32
    %add3A_1171 = vector.broadcast %add3A_1170 : i32 to vector<16xi32>
    %add3A_1172 = arith.addi %add3A_1171, %iota3A : vector<16xi32>
    %mul3A_1173 = arith.constant 128 : i32
    %mul3A_1174 = vector.broadcast %mul3A_1173 : i32 to vector<16xi32>
    %mul3A_1175 = arith.muli %add3A_1172, %mul3A_1174 : vector<16xi32>
    %add3A_1176 = arith.constant 11 : i32
    %add3A_1177 = vector.broadcast %add3A_1176 : i32 to vector<16xi32>
    %add3A_1178 = arith.addi %mul3A_1175, %add3A_1177 : vector<16xi32>
    %gather3A_1179 = tpu.vector_load_idx %arg5[%add3A_1178] : memref<16384xf32, #tpu.memory_space<vmem>>[vector<16xi32>], vector<16xf32>,
    %convert_element_type3A_1180 = arith.fptosi %gather3A_1179 : vector<16xf32> to vector<16xi32>
    %swap3A_1181 = arith.constant 1440 : index
    %swap3A_1182 = tpu.vector_load %arg6[%swap3A_1181] {strides = array<i32>} : memref<3328xi32, #tpu.memory_space<vmem>>, vector<16xi32>,
    tpu.vector_store %arg6[%swap3A_1181], %convert_element_type3A_1180 {strides = array<i32>} : memref<3328xi32, #tpu.memory_space<vmem>>, vector<16xi32>,
    %add3A_1183 = arith.constant 48 : i32
    %add3A_1184 = vector.broadcast %add3A_1183 : i32 to vector<16xi32>
    %add3A_1185 = arith.addi %add3A_1184, %iota3A : vector<16xi32>
    %mul3A_1186 = arith.constant 128 : i32
    %mul3A_1187 = vector.broadcast %mul3A_1186 : i32 to vector<16xi32>
    %mul3A_1188 = arith.muli %add3A_1185, %mul3A_1187 : vector<16xi32>
    %add3A_1189 = arith.constant 11 : i32
    %add3A_1190 = vector.broadcast %add3A_1189 : i32 to vector<16xi32>
    %add3A_1191 = arith.addi %mul3A_1188, %add3A_1190 : vector<16xi32>
    %gather3A_1192 = tpu.vector_load_idx %arg5[%add3A_1191] : memref<16384xf32, #tpu.memory_space<vmem>>[vector<16xi32>], vector<16xf32>,
    %convert_element_type3A_1193 = arith.fptosi %gather3A_1192 : vector<16xf32> to vector<16xi32>
    %swap3A_1194 = arith.constant 1456 : index
    %swap3A_1195 = tpu.vector_load %arg6[%swap3A_1194] {strides = array<i32>} : memref<3328xi32, #tpu.memory_space<vmem>>, vector<16xi32>,
    tpu.vector_store %arg6[%swap3A_1194], %convert_element_type3A_1193 {strides = array<i32>} : memref<3328xi32, #tpu.memory_space<vmem>>, vector<16xi32>,
    %add3A_1196 = arith.constant 64 : i32
    %add3A_1197 = vector.broadcast %add3A_1196 : i32 to vector<16xi32>
    %add3A_1198 = arith.addi %add3A_1197, %iota3A : vector<16xi32>
    %mul3A_1199 = arith.constant 128 : i32
    %mul3A_1200 = vector.broadcast %mul3A_1199 : i32 to vector<16xi32>
    %mul3A_1201 = arith.muli %add3A_1198, %mul3A_1200 : vector<16xi32>
    %add3A_1202 = arith.constant 11 : i32
    %add3A_1203 = vector.broadcast %add3A_1202 : i32 to vector<16xi32>
    %add3A_1204 = arith.addi %mul3A_1201, %add3A_1203 : vector<16xi32>
    %gather3A_1205 = tpu.vector_load_idx %arg5[%add3A_1204] : memref<16384xf32, #tpu.memory_space<vmem>>[vector<16xi32>], vector<16xf32>,
    %convert_element_type3A_1206 = arith.fptosi %gather3A_1205 : vector<16xf32> to vector<16xi32>
    %swap3A_1207 = arith.constant 1472 : index
    %swap3A_1208 = tpu.vector_load %arg6[%swap3A_1207] {strides = array<i32>} : memref<3328xi32, #tpu.memory_space<vmem>>, vector<16xi32>,
    tpu.vector_store %arg6[%swap3A_1207], %convert_element_type3A_1206 {strides = array<i32>} : memref<3328xi32, #tpu.memory_space<vmem>>, vector<16xi32>,
    %add3A_1209 = arith.constant 80 : i32
    %add3A_1210 = vector.broadcast %add3A_1209 : i32 to vector<16xi32>
    %add3A_1211 = arith.addi %add3A_1210, %iota3A : vector<16xi32>
    %mul3A_1212 = arith.constant 128 : i32
    %mul3A_1213 = vector.broadcast %mul3A_1212 : i32 to vector<16xi32>
    %mul3A_1214 = arith.muli %add3A_1211, %mul3A_1213 : vector<16xi32>
    %add3A_1215 = arith.constant 11 : i32
    %add3A_1216 = vector.broadcast %add3A_1215 : i32 to vector<16xi32>
    %add3A_1217 = arith.addi %mul3A_1214, %add3A_1216 : vector<16xi32>
    %gather3A_1218 = tpu.vector_load_idx %arg5[%add3A_1217] : memref<16384xf32, #tpu.memory_space<vmem>>[vector<16xi32>], vector<16xf32>,
    %convert_element_type3A_1219 = arith.fptosi %gather3A_1218 : vector<16xf32> to vector<16xi32>
    %swap3A_1220 = arith.constant 1488 : index
    %swap3A_1221 = tpu.vector_load %arg6[%swap3A_1220] {strides = array<i32>} : memref<3328xi32, #tpu.memory_space<vmem>>, vector<16xi32>,
    tpu.vector_store %arg6[%swap3A_1220], %convert_element_type3A_1219 {strides = array<i32>} : memref<3328xi32, #tpu.memory_space<vmem>>, vector<16xi32>,
    %add3A_1222 = arith.constant 96 : i32
    %add3A_1223 = vector.broadcast %add3A_1222 : i32 to vector<16xi32>
    %add3A_1224 = arith.addi %add3A_1223, %iota3A : vector<16xi32>
    %mul3A_1225 = arith.constant 128 : i32
    %mul3A_1226 = vector.broadcast %mul3A_1225 : i32 to vector<16xi32>
    %mul3A_1227 = arith.muli %add3A_1224, %mul3A_1226 : vector<16xi32>
    %add3A_1228 = arith.constant 11 : i32
    %add3A_1229 = vector.broadcast %add3A_1228 : i32 to vector<16xi32>
    %add3A_1230 = arith.addi %mul3A_1227, %add3A_1229 : vector<16xi32>
    %gather3A_1231 = tpu.vector_load_idx %arg5[%add3A_1230] : memref<16384xf32, #tpu.memory_space<vmem>>[vector<16xi32>], vector<16xf32>,
    %convert_element_type3A_1232 = arith.fptosi %gather3A_1231 : vector<16xf32> to vector<16xi32>
    %swap3A_1233 = arith.constant 1504 : index
    %swap3A_1234 = tpu.vector_load %arg6[%swap3A_1233] {strides = array<i32>} : memref<3328xi32, #tpu.memory_space<vmem>>, vector<16xi32>,
    tpu.vector_store %arg6[%swap3A_1233], %convert_element_type3A_1232 {strides = array<i32>} : memref<3328xi32, #tpu.memory_space<vmem>>, vector<16xi32>,
    %add3A_1235 = arith.constant 112 : i32
    %add3A_1236 = vector.broadcast %add3A_1235 : i32 to vector<16xi32>
    %add3A_1237 = arith.addi %add3A_1236, %iota3A : vector<16xi32>
    %mul3A_1238 = arith.constant 128 : i32
    %mul3A_1239 = vector.broadcast %mul3A_1238 : i32 to vector<16xi32>
    %mul3A_1240 = arith.muli %add3A_1237, %mul3A_1239 : vector<16xi32>
    %add3A_1241 = arith.constant 11 : i32
    %add3A_1242 = vector.broadcast %add3A_1241 : i32 to vector<16xi32>
    %add3A_1243 = arith.addi %mul3A_1240, %add3A_1242 : vector<16xi32>
    %gather3A_1244 = tpu.vector_load_idx %arg5[%add3A_1243] : memref<16384xf32, #tpu.memory_space<vmem>>[vector<16xi32>], vector<16xf32>,
    %convert_element_type3A_1245 = arith.fptosi %gather3A_1244 : vector<16xf32> to vector<16xi32>
    %swap3A_1246 = arith.constant 1520 : index
    %swap3A_1247 = tpu.vector_load %arg6[%swap3A_1246] {strides = array<i32>} : memref<3328xi32, #tpu.memory_space<vmem>>, vector<16xi32>,
    tpu.vector_store %arg6[%swap3A_1246], %convert_element_type3A_1245 {strides = array<i32>} : memref<3328xi32, #tpu.memory_space<vmem>>, vector<16xi32>,
    %add3A_1248 = arith.constant 0 : i32
    %add3A_1249 = vector.broadcast %add3A_1248 : i32 to vector<16xi32>
    %add3A_1250 = arith.addi %add3A_1249, %iota3A : vector<16xi32>
    %mul3A_1251 = arith.constant 128 : i32
    %mul3A_1252 = vector.broadcast %mul3A_1251 : i32 to vector<16xi32>
    %mul3A_1253 = arith.muli %add3A_1250, %mul3A_1252 : vector<16xi32>
    %add3A_1254 = arith.constant 12 : i32
    %add3A_1255 = vector.broadcast %add3A_1254 : i32 to vector<16xi32>
    %add3A_1256 = arith.addi %mul3A_1253, %add3A_1255 : vector<16xi32>
    %gather3A_1257 = tpu.vector_load_idx %arg5[%add3A_1256] : memref<16384xf32, #tpu.memory_space<vmem>>[vector<16xi32>], vector<16xf32>,
    %convert_element_type3A_1258 = arith.fptosi %gather3A_1257 : vector<16xf32> to vector<16xi32>
    %swap3A_1259 = arith.constant 1536 : index
    %swap3A_1260 = tpu.vector_load %arg6[%swap3A_1259] {strides = array<i32>} : memref<3328xi32, #tpu.memory_space<vmem>>, vector<16xi32>,
    tpu.vector_store %arg6[%swap3A_1259], %convert_element_type3A_1258 {strides = array<i32>} : memref<3328xi32, #tpu.memory_space<vmem>>, vector<16xi32>,
    %add3A_1261 = arith.constant 16 : i32
    %add3A_1262 = vector.broadcast %add3A_1261 : i32 to vector<16xi32>
    %add3A_1263 = arith.addi %add3A_1262, %iota3A : vector<16xi32>
    %mul3A_1264 = arith.constant 128 : i32
    %mul3A_1265 = vector.broadcast %mul3A_1264 : i32 to vector<16xi32>
    %mul3A_1266 = arith.muli %add3A_1263, %mul3A_1265 : vector<16xi32>
    %add3A_1267 = arith.constant 12 : i32
    %add3A_1268 = vector.broadcast %add3A_1267 : i32 to vector<16xi32>
    %add3A_1269 = arith.addi %mul3A_1266, %add3A_1268 : vector<16xi32>
    %gather3A_1270 = tpu.vector_load_idx %arg5[%add3A_1269] : memref<16384xf32, #tpu.memory_space<vmem>>[vector<16xi32>], vector<16xf32>,
    %convert_element_type3A_1271 = arith.fptosi %gather3A_1270 : vector<16xf32> to vector<16xi32>
    %swap3A_1272 = arith.constant 1552 : index
    %swap3A_1273 = tpu.vector_load %arg6[%swap3A_1272] {strides = array<i32>} : memref<3328xi32, #tpu.memory_space<vmem>>, vector<16xi32>,
    tpu.vector_store %arg6[%swap3A_1272], %convert_element_type3A_1271 {strides = array<i32>} : memref<3328xi32, #tpu.memory_space<vmem>>, vector<16xi32>,
    %add3A_1274 = arith.constant 32 : i32
    %add3A_1275 = vector.broadcast %add3A_1274 : i32 to vector<16xi32>
    %add3A_1276 = arith.addi %add3A_1275, %iota3A : vector<16xi32>
    %mul3A_1277 = arith.constant 128 : i32
    %mul3A_1278 = vector.broadcast %mul3A_1277 : i32 to vector<16xi32>
    %mul3A_1279 = arith.muli %add3A_1276, %mul3A_1278 : vector<16xi32>
    %add3A_1280 = arith.constant 12 : i32
    %add3A_1281 = vector.broadcast %add3A_1280 : i32 to vector<16xi32>
    %add3A_1282 = arith.addi %mul3A_1279, %add3A_1281 : vector<16xi32>
    %gather3A_1283 = tpu.vector_load_idx %arg5[%add3A_1282] : memref<16384xf32, #tpu.memory_space<vmem>>[vector<16xi32>], vector<16xf32>,
    %convert_element_type3A_1284 = arith.fptosi %gather3A_1283 : vector<16xf32> to vector<16xi32>
    %swap3A_1285 = arith.constant 1568 : index
    %swap3A_1286 = tpu.vector_load %arg6[%swap3A_1285] {strides = array<i32>} : memref<3328xi32, #tpu.memory_space<vmem>>, vector<16xi32>,
    tpu.vector_store %arg6[%swap3A_1285], %convert_element_type3A_1284 {strides = array<i32>} : memref<3328xi32, #tpu.memory_space<vmem>>, vector<16xi32>,
    %add3A_1287 = arith.constant 48 : i32
    %add3A_1288 = vector.broadcast %add3A_1287 : i32 to vector<16xi32>
    %add3A_1289 = arith.addi %add3A_1288, %iota3A : vector<16xi32>
    %mul3A_1290 = arith.constant 128 : i32
    %mul3A_1291 = vector.broadcast %mul3A_1290 : i32 to vector<16xi32>
    %mul3A_1292 = arith.muli %add3A_1289, %mul3A_1291 : vector<16xi32>
    %add3A_1293 = arith.constant 12 : i32
    %add3A_1294 = vector.broadcast %add3A_1293 : i32 to vector<16xi32>
    %add3A_1295 = arith.addi %mul3A_1292, %add3A_1294 : vector<16xi32>
    %gather3A_1296 = tpu.vector_load_idx %arg5[%add3A_1295] : memref<16384xf32, #tpu.memory_space<vmem>>[vector<16xi32>], vector<16xf32>,
    %convert_element_type3A_1297 = arith.fptosi %gather3A_1296 : vector<16xf32> to vector<16xi32>
    %swap3A_1298 = arith.constant 1584 : index
    %swap3A_1299 = tpu.vector_load %arg6[%swap3A_1298] {strides = array<i32>} : memref<3328xi32, #tpu.memory_space<vmem>>, vector<16xi32>,
    tpu.vector_store %arg6[%swap3A_1298], %convert_element_type3A_1297 {strides = array<i32>} : memref<3328xi32, #tpu.memory_space<vmem>>, vector<16xi32>,
    %add3A_1300 = arith.constant 64 : i32
    %add3A_1301 = vector.broadcast %add3A_1300 : i32 to vector<16xi32>
    %add3A_1302 = arith.addi %add3A_1301, %iota3A : vector<16xi32>
    %mul3A_1303 = arith.constant 128 : i32
    %mul3A_1304 = vector.broadcast %mul3A_1303 : i32 to vector<16xi32>
    %mul3A_1305 = arith.muli %add3A_1302, %mul3A_1304 : vector<16xi32>
    %add3A_1306 = arith.constant 12 : i32
    %add3A_1307 = vector.broadcast %add3A_1306 : i32 to vector<16xi32>
    %add3A_1308 = arith.addi %mul3A_1305, %add3A_1307 : vector<16xi32>
    %gather3A_1309 = tpu.vector_load_idx %arg5[%add3A_1308] : memref<16384xf32, #tpu.memory_space<vmem>>[vector<16xi32>], vector<16xf32>,
    %convert_element_type3A_1310 = arith.fptosi %gather3A_1309 : vector<16xf32> to vector<16xi32>
    %swap3A_1311 = arith.constant 1600 : index
    %swap3A_1312 = tpu.vector_load %arg6[%swap3A_1311] {strides = array<i32>} : memref<3328xi32, #tpu.memory_space<vmem>>, vector<16xi32>,
    tpu.vector_store %arg6[%swap3A_1311], %convert_element_type3A_1310 {strides = array<i32>} : memref<3328xi32, #tpu.memory_space<vmem>>, vector<16xi32>,
    %add3A_1313 = arith.constant 80 : i32
    %add3A_1314 = vector.broadcast %add3A_1313 : i32 to vector<16xi32>
    %add3A_1315 = arith.addi %add3A_1314, %iota3A : vector<16xi32>
    %mul3A_1316 = arith.constant 128 : i32
    %mul3A_1317 = vector.broadcast %mul3A_1316 : i32 to vector<16xi32>
    %mul3A_1318 = arith.muli %add3A_1315, %mul3A_1317 : vector<16xi32>
    %add3A_1319 = arith.constant 12 : i32
    %add3A_1320 = vector.broadcast %add3A_1319 : i32 to vector<16xi32>
    %add3A_1321 = arith.addi %mul3A_1318, %add3A_1320 : vector<16xi32>
    %gather3A_1322 = tpu.vector_load_idx %arg5[%add3A_1321] : memref<16384xf32, #tpu.memory_space<vmem>>[vector<16xi32>], vector<16xf32>,
    %convert_element_type3A_1323 = arith.fptosi %gather3A_1322 : vector<16xf32> to vector<16xi32>
    %swap3A_1324 = arith.constant 1616 : index
    %swap3A_1325 = tpu.vector_load %arg6[%swap3A_1324] {strides = array<i32>} : memref<3328xi32, #tpu.memory_space<vmem>>, vector<16xi32>,
    tpu.vector_store %arg6[%swap3A_1324], %convert_element_type3A_1323 {strides = array<i32>} : memref<3328xi32, #tpu.memory_space<vmem>>, vector<16xi32>,
    %add3A_1326 = arith.constant 96 : i32
    %add3A_1327 = vector.broadcast %add3A_1326 : i32 to vector<16xi32>
    %add3A_1328 = arith.addi %add3A_1327, %iota3A : vector<16xi32>
    %mul3A_1329 = arith.constant 128 : i32
    %mul3A_1330 = vector.broadcast %mul3A_1329 : i32 to vector<16xi32>
    %mul3A_1331 = arith.muli %add3A_1328, %mul3A_1330 : vector<16xi32>
    %add3A_1332 = arith.constant 12 : i32
    %add3A_1333 = vector.broadcast %add3A_1332 : i32 to vector<16xi32>
    %add3A_1334 = arith.addi %mul3A_1331, %add3A_1333 : vector<16xi32>
    %gather3A_1335 = tpu.vector_load_idx %arg5[%add3A_1334] : memref<16384xf32, #tpu.memory_space<vmem>>[vector<16xi32>], vector<16xf32>,
    %convert_element_type3A_1336 = arith.fptosi %gather3A_1335 : vector<16xf32> to vector<16xi32>
    %swap3A_1337 = arith.constant 1632 : index
    %swap3A_1338 = tpu.vector_load %arg6[%swap3A_1337] {strides = array<i32>} : memref<3328xi32, #tpu.memory_space<vmem>>, vector<16xi32>,
    tpu.vector_store %arg6[%swap3A_1337], %convert_element_type3A_1336 {strides = array<i32>} : memref<3328xi32, #tpu.memory_space<vmem>>, vector<16xi32>,
    %add3A_1339 = arith.constant 112 : i32
    %add3A_1340 = vector.broadcast %add3A_1339 : i32 to vector<16xi32>
    %add3A_1341 = arith.addi %add3A_1340, %iota3A : vector<16xi32>
    %mul3A_1342 = arith.constant 128 : i32
    %mul3A_1343 = vector.broadcast %mul3A_1342 : i32 to vector<16xi32>
    %mul3A_1344 = arith.muli %add3A_1341, %mul3A_1343 : vector<16xi32>
    %add3A_1345 = arith.constant 12 : i32
    %add3A_1346 = vector.broadcast %add3A_1345 : i32 to vector<16xi32>
    %add3A_1347 = arith.addi %mul3A_1344, %add3A_1346 : vector<16xi32>
    %gather3A_1348 = tpu.vector_load_idx %arg5[%add3A_1347] : memref<16384xf32, #tpu.memory_space<vmem>>[vector<16xi32>], vector<16xf32>,
    %convert_element_type3A_1349 = arith.fptosi %gather3A_1348 : vector<16xf32> to vector<16xi32>
    %swap3A_1350 = arith.constant 1648 : index
    %swap3A_1351 = tpu.vector_load %arg6[%swap3A_1350] {strides = array<i32>} : memref<3328xi32, #tpu.memory_space<vmem>>, vector<16xi32>,
    tpu.vector_store %arg6[%swap3A_1350], %convert_element_type3A_1349 {strides = array<i32>} : memref<3328xi32, #tpu.memory_space<vmem>>, vector<16xi32>,
    %add3A_1352 = arith.constant 0 : i32
    %add3A_1353 = vector.broadcast %add3A_1352 : i32 to vector<16xi32>
    %add3A_1354 = arith.addi %add3A_1353, %iota3A : vector<16xi32>
    %mul3A_1355 = arith.constant 128 : i32
    %mul3A_1356 = vector.broadcast %mul3A_1355 : i32 to vector<16xi32>
    %mul3A_1357 = arith.muli %add3A_1354, %mul3A_1356 : vector<16xi32>
    %add3A_1358 = arith.constant 13 : i32
    %add3A_1359 = vector.broadcast %add3A_1358 : i32 to vector<16xi32>
    %add3A_1360 = arith.addi %mul3A_1357, %add3A_1359 : vector<16xi32>
    %gather3A_1361 = tpu.vector_load_idx %arg5[%add3A_1360] : memref<16384xf32, #tpu.memory_space<vmem>>[vector<16xi32>], vector<16xf32>,
    %convert_element_type3A_1362 = arith.fptosi %gather3A_1361 : vector<16xf32> to vector<16xi32>
    %swap3A_1363 = arith.constant 1664 : index
    %swap3A_1364 = tpu.vector_load %arg6[%swap3A_1363] {strides = array<i32>} : memref<3328xi32, #tpu.memory_space<vmem>>, vector<16xi32>,
    tpu.vector_store %arg6[%swap3A_1363], %convert_element_type3A_1362 {strides = array<i32>} : memref<3328xi32, #tpu.memory_space<vmem>>, vector<16xi32>,
    %add3A_1365 = arith.constant 16 : i32
    %add3A_1366 = vector.broadcast %add3A_1365 : i32 to vector<16xi32>
    %add3A_1367 = arith.addi %add3A_1366, %iota3A : vector<16xi32>
    %mul3A_1368 = arith.constant 128 : i32
    %mul3A_1369 = vector.broadcast %mul3A_1368 : i32 to vector<16xi32>
    %mul3A_1370 = arith.muli %add3A_1367, %mul3A_1369 : vector<16xi32>
    %add3A_1371 = arith.constant 13 : i32
    %add3A_1372 = vector.broadcast %add3A_1371 : i32 to vector<16xi32>
    %add3A_1373 = arith.addi %mul3A_1370, %add3A_1372 : vector<16xi32>
    %gather3A_1374 = tpu.vector_load_idx %arg5[%add3A_1373] : memref<16384xf32, #tpu.memory_space<vmem>>[vector<16xi32>], vector<16xf32>,
    %convert_element_type3A_1375 = arith.fptosi %gather3A_1374 : vector<16xf32> to vector<16xi32>
    %swap3A_1376 = arith.constant 1680 : index
    %swap3A_1377 = tpu.vector_load %arg6[%swap3A_1376] {strides = array<i32>} : memref<3328xi32, #tpu.memory_space<vmem>>, vector<16xi32>,
    tpu.vector_store %arg6[%swap3A_1376], %convert_element_type3A_1375 {strides = array<i32>} : memref<3328xi32, #tpu.memory_space<vmem>>, vector<16xi32>,
    %add3A_1378 = arith.constant 32 : i32
    %add3A_1379 = vector.broadcast %add3A_1378 : i32 to vector<16xi32>
    %add3A_1380 = arith.addi %add3A_1379, %iota3A : vector<16xi32>
    %mul3A_1381 = arith.constant 128 : i32
    %mul3A_1382 = vector.broadcast %mul3A_1381 : i32 to vector<16xi32>
    %mul3A_1383 = arith.muli %add3A_1380, %mul3A_1382 : vector<16xi32>
    %add3A_1384 = arith.constant 13 : i32
    %add3A_1385 = vector.broadcast %add3A_1384 : i32 to vector<16xi32>
    %add3A_1386 = arith.addi %mul3A_1383, %add3A_1385 : vector<16xi32>
    %gather3A_1387 = tpu.vector_load_idx %arg5[%add3A_1386] : memref<16384xf32, #tpu.memory_space<vmem>>[vector<16xi32>], vector<16xf32>,
    %convert_element_type3A_1388 = arith.fptosi %gather3A_1387 : vector<16xf32> to vector<16xi32>
    %swap3A_1389 = arith.constant 1696 : index
    %swap3A_1390 = tpu.vector_load %arg6[%swap3A_1389] {strides = array<i32>} : memref<3328xi32, #tpu.memory_space<vmem>>, vector<16xi32>,
    tpu.vector_store %arg6[%swap3A_1389], %convert_element_type3A_1388 {strides = array<i32>} : memref<3328xi32, #tpu.memory_space<vmem>>, vector<16xi32>,
    %add3A_1391 = arith.constant 48 : i32
    %add3A_1392 = vector.broadcast %add3A_1391 : i32 to vector<16xi32>
    %add3A_1393 = arith.addi %add3A_1392, %iota3A : vector<16xi32>
    %mul3A_1394 = arith.constant 128 : i32
    %mul3A_1395 = vector.broadcast %mul3A_1394 : i32 to vector<16xi32>
    %mul3A_1396 = arith.muli %add3A_1393, %mul3A_1395 : vector<16xi32>
    %add3A_1397 = arith.constant 13 : i32
    %add3A_1398 = vector.broadcast %add3A_1397 : i32 to vector<16xi32>
    %add3A_1399 = arith.addi %mul3A_1396, %add3A_1398 : vector<16xi32>
    %gather3A_1400 = tpu.vector_load_idx %arg5[%add3A_1399] : memref<16384xf32, #tpu.memory_space<vmem>>[vector<16xi32>], vector<16xf32>,
    %convert_element_type3A_1401 = arith.fptosi %gather3A_1400 : vector<16xf32> to vector<16xi32>
    %swap3A_1402 = arith.constant 1712 : index
    %swap3A_1403 = tpu.vector_load %arg6[%swap3A_1402] {strides = array<i32>} : memref<3328xi32, #tpu.memory_space<vmem>>, vector<16xi32>,
    tpu.vector_store %arg6[%swap3A_1402], %convert_element_type3A_1401 {strides = array<i32>} : memref<3328xi32, #tpu.memory_space<vmem>>, vector<16xi32>,
    %add3A_1404 = arith.constant 64 : i32
    %add3A_1405 = vector.broadcast %add3A_1404 : i32 to vector<16xi32>
    %add3A_1406 = arith.addi %add3A_1405, %iota3A : vector<16xi32>
    %mul3A_1407 = arith.constant 128 : i32
    %mul3A_1408 = vector.broadcast %mul3A_1407 : i32 to vector<16xi32>
    %mul3A_1409 = arith.muli %add3A_1406, %mul3A_1408 : vector<16xi32>
    %add3A_1410 = arith.constant 13 : i32
    %add3A_1411 = vector.broadcast %add3A_1410 : i32 to vector<16xi32>
    %add3A_1412 = arith.addi %mul3A_1409, %add3A_1411 : vector<16xi32>
    %gather3A_1413 = tpu.vector_load_idx %arg5[%add3A_1412] : memref<16384xf32, #tpu.memory_space<vmem>>[vector<16xi32>], vector<16xf32>,
    %convert_element_type3A_1414 = arith.fptosi %gather3A_1413 : vector<16xf32> to vector<16xi32>
    %swap3A_1415 = arith.constant 1728 : index
    %swap3A_1416 = tpu.vector_load %arg6[%swap3A_1415] {strides = array<i32>} : memref<3328xi32, #tpu.memory_space<vmem>>, vector<16xi32>,
    tpu.vector_store %arg6[%swap3A_1415], %convert_element_type3A_1414 {strides = array<i32>} : memref<3328xi32, #tpu.memory_space<vmem>>, vector<16xi32>,
    %add3A_1417 = arith.constant 80 : i32
    %add3A_1418 = vector.broadcast %add3A_1417 : i32 to vector<16xi32>
    %add3A_1419 = arith.addi %add3A_1418, %iota3A : vector<16xi32>
    %mul3A_1420 = arith.constant 128 : i32
    %mul3A_1421 = vector.broadcast %mul3A_1420 : i32 to vector<16xi32>
    %mul3A_1422 = arith.muli %add3A_1419, %mul3A_1421 : vector<16xi32>
    %add3A_1423 = arith.constant 13 : i32
    %add3A_1424 = vector.broadcast %add3A_1423 : i32 to vector<16xi32>
    %add3A_1425 = arith.addi %mul3A_1422, %add3A_1424 : vector<16xi32>
    %gather3A_1426 = tpu.vector_load_idx %arg5[%add3A_1425] : memref<16384xf32, #tpu.memory_space<vmem>>[vector<16xi32>], vector<16xf32>,
    %convert_element_type3A_1427 = arith.fptosi %gather3A_1426 : vector<16xf32> to vector<16xi32>
    %swap3A_1428 = arith.constant 1744 : index
    %swap3A_1429 = tpu.vector_load %arg6[%swap3A_1428] {strides = array<i32>} : memref<3328xi32, #tpu.memory_space<vmem>>, vector<16xi32>,
    tpu.vector_store %arg6[%swap3A_1428], %convert_element_type3A_1427 {strides = array<i32>} : memref<3328xi32, #tpu.memory_space<vmem>>, vector<16xi32>,
    %add3A_1430 = arith.constant 96 : i32
    %add3A_1431 = vector.broadcast %add3A_1430 : i32 to vector<16xi32>
    %add3A_1432 = arith.addi %add3A_1431, %iota3A : vector<16xi32>
    %mul3A_1433 = arith.constant 128 : i32
    %mul3A_1434 = vector.broadcast %mul3A_1433 : i32 to vector<16xi32>
    %mul3A_1435 = arith.muli %add3A_1432, %mul3A_1434 : vector<16xi32>
    %add3A_1436 = arith.constant 13 : i32
    %add3A_1437 = vector.broadcast %add3A_1436 : i32 to vector<16xi32>
    %add3A_1438 = arith.addi %mul3A_1435, %add3A_1437 : vector<16xi32>
    %gather3A_1439 = tpu.vector_load_idx %arg5[%add3A_1438] : memref<16384xf32, #tpu.memory_space<vmem>>[vector<16xi32>], vector<16xf32>,
    %convert_element_type3A_1440 = arith.fptosi %gather3A_1439 : vector<16xf32> to vector<16xi32>
    %swap3A_1441 = arith.constant 1760 : index
    %swap3A_1442 = tpu.vector_load %arg6[%swap3A_1441] {strides = array<i32>} : memref<3328xi32, #tpu.memory_space<vmem>>, vector<16xi32>,
    tpu.vector_store %arg6[%swap3A_1441], %convert_element_type3A_1440 {strides = array<i32>} : memref<3328xi32, #tpu.memory_space<vmem>>, vector<16xi32>,
    %add3A_1443 = arith.constant 112 : i32
    %add3A_1444 = vector.broadcast %add3A_1443 : i32 to vector<16xi32>
    %add3A_1445 = arith.addi %add3A_1444, %iota3A : vector<16xi32>
    %mul3A_1446 = arith.constant 128 : i32
    %mul3A_1447 = vector.broadcast %mul3A_1446 : i32 to vector<16xi32>
    %mul3A_1448 = arith.muli %add3A_1445, %mul3A_1447 : vector<16xi32>
    %add3A_1449 = arith.constant 13 : i32
    %add3A_1450 = vector.broadcast %add3A_1449 : i32 to vector<16xi32>
    %add3A_1451 = arith.addi %mul3A_1448, %add3A_1450 : vector<16xi32>
    %gather3A_1452 = tpu.vector_load_idx %arg5[%add3A_1451] : memref<16384xf32, #tpu.memory_space<vmem>>[vector<16xi32>], vector<16xf32>,
    %convert_element_type3A_1453 = arith.fptosi %gather3A_1452 : vector<16xf32> to vector<16xi32>
    %swap3A_1454 = arith.constant 1776 : index
    %swap3A_1455 = tpu.vector_load %arg6[%swap3A_1454] {strides = array<i32>} : memref<3328xi32, #tpu.memory_space<vmem>>, vector<16xi32>,
    tpu.vector_store %arg6[%swap3A_1454], %convert_element_type3A_1453 {strides = array<i32>} : memref<3328xi32, #tpu.memory_space<vmem>>, vector<16xi32>,
    %add3A_1456 = arith.constant 0 : i32
    %add3A_1457 = vector.broadcast %add3A_1456 : i32 to vector<16xi32>
    %add3A_1458 = arith.addi %add3A_1457, %iota3A : vector<16xi32>
    %mul3A_1459 = arith.constant 128 : i32
    %mul3A_1460 = vector.broadcast %mul3A_1459 : i32 to vector<16xi32>
    %mul3A_1461 = arith.muli %add3A_1458, %mul3A_1460 : vector<16xi32>
    %add3A_1462 = arith.constant 14 : i32
    %add3A_1463 = vector.broadcast %add3A_1462 : i32 to vector<16xi32>
    %add3A_1464 = arith.addi %mul3A_1461, %add3A_1463 : vector<16xi32>
    %gather3A_1465 = tpu.vector_load_idx %arg5[%add3A_1464] : memref<16384xf32, #tpu.memory_space<vmem>>[vector<16xi32>], vector<16xf32>,
    %convert_element_type3A_1466 = arith.fptosi %gather3A_1465 : vector<16xf32> to vector<16xi32>
    %swap3A_1467 = arith.constant 1792 : index
    %swap3A_1468 = tpu.vector_load %arg6[%swap3A_1467] {strides = array<i32>} : memref<3328xi32, #tpu.memory_space<vmem>>, vector<16xi32>,
    tpu.vector_store %arg6[%swap3A_1467], %convert_element_type3A_1466 {strides = array<i32>} : memref<3328xi32, #tpu.memory_space<vmem>>, vector<16xi32>,
    %add3A_1469 = arith.constant 16 : i32
    %add3A_1470 = vector.broadcast %add3A_1469 : i32 to vector<16xi32>
    %add3A_1471 = arith.addi %add3A_1470, %iota3A : vector<16xi32>
    %mul3A_1472 = arith.constant 128 : i32
    %mul3A_1473 = vector.broadcast %mul3A_1472 : i32 to vector<16xi32>
    %mul3A_1474 = arith.muli %add3A_1471, %mul3A_1473 : vector<16xi32>
    %add3A_1475 = arith.constant 14 : i32
    %add3A_1476 = vector.broadcast %add3A_1475 : i32 to vector<16xi32>
    %add3A_1477 = arith.addi %mul3A_1474, %add3A_1476 : vector<16xi32>
    %gather3A_1478 = tpu.vector_load_idx %arg5[%add3A_1477] : memref<16384xf32, #tpu.memory_space<vmem>>[vector<16xi32>], vector<16xf32>,
    %convert_element_type3A_1479 = arith.fptosi %gather3A_1478 : vector<16xf32> to vector<16xi32>
    %swap3A_1480 = arith.constant 1808 : index
    %swap3A_1481 = tpu.vector_load %arg6[%swap3A_1480] {strides = array<i32>} : memref<3328xi32, #tpu.memory_space<vmem>>, vector<16xi32>,
    tpu.vector_store %arg6[%swap3A_1480], %convert_element_type3A_1479 {strides = array<i32>} : memref<3328xi32, #tpu.memory_space<vmem>>, vector<16xi32>,
    %add3A_1482 = arith.constant 32 : i32
    %add3A_1483 = vector.broadcast %add3A_1482 : i32 to vector<16xi32>
    %add3A_1484 = arith.addi %add3A_1483, %iota3A : vector<16xi32>
    %mul3A_1485 = arith.constant 128 : i32
    %mul3A_1486 = vector.broadcast %mul3A_1485 : i32 to vector<16xi32>
    %mul3A_1487 = arith.muli %add3A_1484, %mul3A_1486 : vector<16xi32>
    %add3A_1488 = arith.constant 14 : i32
    %add3A_1489 = vector.broadcast %add3A_1488 : i32 to vector<16xi32>
    %add3A_1490 = arith.addi %mul3A_1487, %add3A_1489 : vector<16xi32>
    %gather3A_1491 = tpu.vector_load_idx %arg5[%add3A_1490] : memref<16384xf32, #tpu.memory_space<vmem>>[vector<16xi32>], vector<16xf32>,
    %convert_element_type3A_1492 = arith.fptosi %gather3A_1491 : vector<16xf32> to vector<16xi32>
    %swap3A_1493 = arith.constant 1824 : index
    %swap3A_1494 = tpu.vector_load %arg6[%swap3A_1493] {strides = array<i32>} : memref<3328xi32, #tpu.memory_space<vmem>>, vector<16xi32>,
    tpu.vector_store %arg6[%swap3A_1493], %convert_element_type3A_1492 {strides = array<i32>} : memref<3328xi32, #tpu.memory_space<vmem>>, vector<16xi32>,
    %add3A_1495 = arith.constant 48 : i32
    %add3A_1496 = vector.broadcast %add3A_1495 : i32 to vector<16xi32>
    %add3A_1497 = arith.addi %add3A_1496, %iota3A : vector<16xi32>
    %mul3A_1498 = arith.constant 128 : i32
    %mul3A_1499 = vector.broadcast %mul3A_1498 : i32 to vector<16xi32>
    %mul3A_1500 = arith.muli %add3A_1497, %mul3A_1499 : vector<16xi32>
    %add3A_1501 = arith.constant 14 : i32
    %add3A_1502 = vector.broadcast %add3A_1501 : i32 to vector<16xi32>
    %add3A_1503 = arith.addi %mul3A_1500, %add3A_1502 : vector<16xi32>
    %gather3A_1504 = tpu.vector_load_idx %arg5[%add3A_1503] : memref<16384xf32, #tpu.memory_space<vmem>>[vector<16xi32>], vector<16xf32>,
    %convert_element_type3A_1505 = arith.fptosi %gather3A_1504 : vector<16xf32> to vector<16xi32>
    %swap3A_1506 = arith.constant 1840 : index
    %swap3A_1507 = tpu.vector_load %arg6[%swap3A_1506] {strides = array<i32>} : memref<3328xi32, #tpu.memory_space<vmem>>, vector<16xi32>,
    tpu.vector_store %arg6[%swap3A_1506], %convert_element_type3A_1505 {strides = array<i32>} : memref<3328xi32, #tpu.memory_space<vmem>>, vector<16xi32>,
    %add3A_1508 = arith.constant 64 : i32
    %add3A_1509 = vector.broadcast %add3A_1508 : i32 to vector<16xi32>
    %add3A_1510 = arith.addi %add3A_1509, %iota3A : vector<16xi32>
    %mul3A_1511 = arith.constant 128 : i32
    %mul3A_1512 = vector.broadcast %mul3A_1511 : i32 to vector<16xi32>
    %mul3A_1513 = arith.muli %add3A_1510, %mul3A_1512 : vector<16xi32>
    %add3A_1514 = arith.constant 14 : i32
    %add3A_1515 = vector.broadcast %add3A_1514 : i32 to vector<16xi32>
    %add3A_1516 = arith.addi %mul3A_1513, %add3A_1515 : vector<16xi32>
    %gather3A_1517 = tpu.vector_load_idx %arg5[%add3A_1516] : memref<16384xf32, #tpu.memory_space<vmem>>[vector<16xi32>], vector<16xf32>,
    %convert_element_type3A_1518 = arith.fptosi %gather3A_1517 : vector<16xf32> to vector<16xi32>
    %swap3A_1519 = arith.constant 1856 : index
    %swap3A_1520 = tpu.vector_load %arg6[%swap3A_1519] {strides = array<i32>} : memref<3328xi32, #tpu.memory_space<vmem>>, vector<16xi32>,
    tpu.vector_store %arg6[%swap3A_1519], %convert_element_type3A_1518 {strides = array<i32>} : memref<3328xi32, #tpu.memory_space<vmem>>, vector<16xi32>,
    %add3A_1521 = arith.constant 80 : i32
    %add3A_1522 = vector.broadcast %add3A_1521 : i32 to vector<16xi32>
    %add3A_1523 = arith.addi %add3A_1522, %iota3A : vector<16xi32>
    %mul3A_1524 = arith.constant 128 : i32
    %mul3A_1525 = vector.broadcast %mul3A_1524 : i32 to vector<16xi32>
    %mul3A_1526 = arith.muli %add3A_1523, %mul3A_1525 : vector<16xi32>
    %add3A_1527 = arith.constant 14 : i32
    %add3A_1528 = vector.broadcast %add3A_1527 : i32 to vector<16xi32>
    %add3A_1529 = arith.addi %mul3A_1526, %add3A_1528 : vector<16xi32>
    %gather3A_1530 = tpu.vector_load_idx %arg5[%add3A_1529] : memref<16384xf32, #tpu.memory_space<vmem>>[vector<16xi32>], vector<16xf32>,
    %convert_element_type3A_1531 = arith.fptosi %gather3A_1530 : vector<16xf32> to vector<16xi32>
    %swap3A_1532 = arith.constant 1872 : index
    %swap3A_1533 = tpu.vector_load %arg6[%swap3A_1532] {strides = array<i32>} : memref<3328xi32, #tpu.memory_space<vmem>>, vector<16xi32>,
    tpu.vector_store %arg6[%swap3A_1532], %convert_element_type3A_1531 {strides = array<i32>} : memref<3328xi32, #tpu.memory_space<vmem>>, vector<16xi32>,
    %add3A_1534 = arith.constant 96 : i32
    %add3A_1535 = vector.broadcast %add3A_1534 : i32 to vector<16xi32>
    %add3A_1536 = arith.addi %add3A_1535, %iota3A : vector<16xi32>
    %mul3A_1537 = arith.constant 128 : i32
    %mul3A_1538 = vector.broadcast %mul3A_1537 : i32 to vector<16xi32>
    %mul3A_1539 = arith.muli %add3A_1536, %mul3A_1538 : vector<16xi32>
    %add3A_1540 = arith.constant 14 : i32
    %add3A_1541 = vector.broadcast %add3A_1540 : i32 to vector<16xi32>
    %add3A_1542 = arith.addi %mul3A_1539, %add3A_1541 : vector<16xi32>
    %gather3A_1543 = tpu.vector_load_idx %arg5[%add3A_1542] : memref<16384xf32, #tpu.memory_space<vmem>>[vector<16xi32>], vector<16xf32>,
    %convert_element_type3A_1544 = arith.fptosi %gather3A_1543 : vector<16xf32> to vector<16xi32>
    %swap3A_1545 = arith.constant 1888 : index
    %swap3A_1546 = tpu.vector_load %arg6[%swap3A_1545] {strides = array<i32>} : memref<3328xi32, #tpu.memory_space<vmem>>, vector<16xi32>,
    tpu.vector_store %arg6[%swap3A_1545], %convert_element_type3A_1544 {strides = array<i32>} : memref<3328xi32, #tpu.memory_space<vmem>>, vector<16xi32>,
    %add3A_1547 = arith.constant 112 : i32
    %add3A_1548 = vector.broadcast %add3A_1547 : i32 to vector<16xi32>
    %add3A_1549 = arith.addi %add3A_1548, %iota3A : vector<16xi32>
    %mul3A_1550 = arith.constant 128 : i32
    %mul3A_1551 = vector.broadcast %mul3A_1550 : i32 to vector<16xi32>
    %mul3A_1552 = arith.muli %add3A_1549, %mul3A_1551 : vector<16xi32>
    %add3A_1553 = arith.constant 14 : i32
    %add3A_1554 = vector.broadcast %add3A_1553 : i32 to vector<16xi32>
    %add3A_1555 = arith.addi %mul3A_1552, %add3A_1554 : vector<16xi32>
    %gather3A_1556 = tpu.vector_load_idx %arg5[%add3A_1555] : memref<16384xf32, #tpu.memory_space<vmem>>[vector<16xi32>], vector<16xf32>,
    %convert_element_type3A_1557 = arith.fptosi %gather3A_1556 : vector<16xf32> to vector<16xi32>
    %swap3A_1558 = arith.constant 1904 : index
    %swap3A_1559 = tpu.vector_load %arg6[%swap3A_1558] {strides = array<i32>} : memref<3328xi32, #tpu.memory_space<vmem>>, vector<16xi32>,
    tpu.vector_store %arg6[%swap3A_1558], %convert_element_type3A_1557 {strides = array<i32>} : memref<3328xi32, #tpu.memory_space<vmem>>, vector<16xi32>,
    %add3A_1560 = arith.constant 0 : i32
    %add3A_1561 = vector.broadcast %add3A_1560 : i32 to vector<16xi32>
    %add3A_1562 = arith.addi %add3A_1561, %iota3A : vector<16xi32>
    %mul3A_1563 = arith.constant 128 : i32
    %mul3A_1564 = vector.broadcast %mul3A_1563 : i32 to vector<16xi32>
    %mul3A_1565 = arith.muli %add3A_1562, %mul3A_1564 : vector<16xi32>
    %add3A_1566 = arith.constant 15 : i32
    %add3A_1567 = vector.broadcast %add3A_1566 : i32 to vector<16xi32>
    %add3A_1568 = arith.addi %mul3A_1565, %add3A_1567 : vector<16xi32>
    %gather3A_1569 = tpu.vector_load_idx %arg5[%add3A_1568] : memref<16384xf32, #tpu.memory_space<vmem>>[vector<16xi32>], vector<16xf32>,
    %convert_element_type3A_1570 = arith.fptosi %gather3A_1569 : vector<16xf32> to vector<16xi32>
    %swap3A_1571 = arith.constant 1920 : index
    %swap3A_1572 = tpu.vector_load %arg6[%swap3A_1571] {strides = array<i32>} : memref<3328xi32, #tpu.memory_space<vmem>>, vector<16xi32>,
    tpu.vector_store %arg6[%swap3A_1571], %convert_element_type3A_1570 {strides = array<i32>} : memref<3328xi32, #tpu.memory_space<vmem>>, vector<16xi32>,
    %add3A_1573 = arith.constant 16 : i32
    %add3A_1574 = vector.broadcast %add3A_1573 : i32 to vector<16xi32>
    %add3A_1575 = arith.addi %add3A_1574, %iota3A : vector<16xi32>
    %mul3A_1576 = arith.constant 128 : i32
    %mul3A_1577 = vector.broadcast %mul3A_1576 : i32 to vector<16xi32>
    %mul3A_1578 = arith.muli %add3A_1575, %mul3A_1577 : vector<16xi32>
    %add3A_1579 = arith.constant 15 : i32
    %add3A_1580 = vector.broadcast %add3A_1579 : i32 to vector<16xi32>
    %add3A_1581 = arith.addi %mul3A_1578, %add3A_1580 : vector<16xi32>
    %gather3A_1582 = tpu.vector_load_idx %arg5[%add3A_1581] : memref<16384xf32, #tpu.memory_space<vmem>>[vector<16xi32>], vector<16xf32>,
    %convert_element_type3A_1583 = arith.fptosi %gather3A_1582 : vector<16xf32> to vector<16xi32>
    %swap3A_1584 = arith.constant 1936 : index
    %swap3A_1585 = tpu.vector_load %arg6[%swap3A_1584] {strides = array<i32>} : memref<3328xi32, #tpu.memory_space<vmem>>, vector<16xi32>,
    tpu.vector_store %arg6[%swap3A_1584], %convert_element_type3A_1583 {strides = array<i32>} : memref<3328xi32, #tpu.memory_space<vmem>>, vector<16xi32>,
    %add3A_1586 = arith.constant 32 : i32
    %add3A_1587 = vector.broadcast %add3A_1586 : i32 to vector<16xi32>
    %add3A_1588 = arith.addi %add3A_1587, %iota3A : vector<16xi32>
    %mul3A_1589 = arith.constant 128 : i32
    %mul3A_1590 = vector.broadcast %mul3A_1589 : i32 to vector<16xi32>
    %mul3A_1591 = arith.muli %add3A_1588, %mul3A_1590 : vector<16xi32>
    %add3A_1592 = arith.constant 15 : i32
    %add3A_1593 = vector.broadcast %add3A_1592 : i32 to vector<16xi32>
    %add3A_1594 = arith.addi %mul3A_1591, %add3A_1593 : vector<16xi32>
    %gather3A_1595 = tpu.vector_load_idx %arg5[%add3A_1594] : memref<16384xf32, #tpu.memory_space<vmem>>[vector<16xi32>], vector<16xf32>,
    %convert_element_type3A_1596 = arith.fptosi %gather3A_1595 : vector<16xf32> to vector<16xi32>
    %swap3A_1597 = arith.constant 1952 : index
    %swap3A_1598 = tpu.vector_load %arg6[%swap3A_1597] {strides = array<i32>} : memref<3328xi32, #tpu.memory_space<vmem>>, vector<16xi32>,
    tpu.vector_store %arg6[%swap3A_1597], %convert_element_type3A_1596 {strides = array<i32>} : memref<3328xi32, #tpu.memory_space<vmem>>, vector<16xi32>,
    %add3A_1599 = arith.constant 48 : i32
    %add3A_1600 = vector.broadcast %add3A_1599 : i32 to vector<16xi32>
    %add3A_1601 = arith.addi %add3A_1600, %iota3A : vector<16xi32>
    %mul3A_1602 = arith.constant 128 : i32
    %mul3A_1603 = vector.broadcast %mul3A_1602 : i32 to vector<16xi32>
    %mul3A_1604 = arith.muli %add3A_1601, %mul3A_1603 : vector<16xi32>
    %add3A_1605 = arith.constant 15 : i32
    %add3A_1606 = vector.broadcast %add3A_1605 : i32 to vector<16xi32>
    %add3A_1607 = arith.addi %mul3A_1604, %add3A_1606 : vector<16xi32>
    %gather3A_1608 = tpu.vector_load_idx %arg5[%add3A_1607] : memref<16384xf32, #tpu.memory_space<vmem>>[vector<16xi32>], vector<16xf32>,
    %convert_element_type3A_1609 = arith.fptosi %gather3A_1608 : vector<16xf32> to vector<16xi32>
    %swap3A_1610 = arith.constant 1968 : index
    %swap3A_1611 = tpu.vector_load %arg6[%swap3A_1610] {strides = array<i32>} : memref<3328xi32, #tpu.memory_space<vmem>>, vector<16xi32>,
    tpu.vector_store %arg6[%swap3A_1610], %convert_element_type3A_1609 {strides = array<i32>} : memref<3328xi32, #tpu.memory_space<vmem>>, vector<16xi32>,
    %add3A_1612 = arith.constant 64 : i32
    %add3A_1613 = vector.broadcast %add3A_1612 : i32 to vector<16xi32>
    %add3A_1614 = arith.addi %add3A_1613, %iota3A : vector<16xi32>
    %mul3A_1615 = arith.constant 128 : i32
    %mul3A_1616 = vector.broadcast %mul3A_1615 : i32 to vector<16xi32>
    %mul3A_1617 = arith.muli %add3A_1614, %mul3A_1616 : vector<16xi32>
    %add3A_1618 = arith.constant 15 : i32
    %add3A_1619 = vector.broadcast %add3A_1618 : i32 to vector<16xi32>
    %add3A_1620 = arith.addi %mul3A_1617, %add3A_1619 : vector<16xi32>
    %gather3A_1621 = tpu.vector_load_idx %arg5[%add3A_1620] : memref<16384xf32, #tpu.memory_space<vmem>>[vector<16xi32>], vector<16xf32>,
    %convert_element_type3A_1622 = arith.fptosi %gather3A_1621 : vector<16xf32> to vector<16xi32>
    %swap3A_1623 = arith.constant 1984 : index
    %swap3A_1624 = tpu.vector_load %arg6[%swap3A_1623] {strides = array<i32>} : memref<3328xi32, #tpu.memory_space<vmem>>, vector<16xi32>,
    tpu.vector_store %arg6[%swap3A_1623], %convert_element_type3A_1622 {strides = array<i32>} : memref<3328xi32, #tpu.memory_space<vmem>>, vector<16xi32>,
    %add3A_1625 = arith.constant 80 : i32
    %add3A_1626 = vector.broadcast %add3A_1625 : i32 to vector<16xi32>
    %add3A_1627 = arith.addi %add3A_1626, %iota3A : vector<16xi32>
    %mul3A_1628 = arith.constant 128 : i32
    %mul3A_1629 = vector.broadcast %mul3A_1628 : i32 to vector<16xi32>
    %mul3A_1630 = arith.muli %add3A_1627, %mul3A_1629 : vector<16xi32>
    %add3A_1631 = arith.constant 15 : i32
    %add3A_1632 = vector.broadcast %add3A_1631 : i32 to vector<16xi32>
    %add3A_1633 = arith.addi %mul3A_1630, %add3A_1632 : vector<16xi32>
    %gather3A_1634 = tpu.vector_load_idx %arg5[%add3A_1633] : memref<16384xf32, #tpu.memory_space<vmem>>[vector<16xi32>], vector<16xf32>,
    %convert_element_type3A_1635 = arith.fptosi %gather3A_1634 : vector<16xf32> to vector<16xi32>
    %swap3A_1636 = arith.constant 2000 : index
    %swap3A_1637 = tpu.vector_load %arg6[%swap3A_1636] {strides = array<i32>} : memref<3328xi32, #tpu.memory_space<vmem>>, vector<16xi32>,
    tpu.vector_store %arg6[%swap3A_1636], %convert_element_type3A_1635 {strides = array<i32>} : memref<3328xi32, #tpu.memory_space<vmem>>, vector<16xi32>,
    %add3A_1638 = arith.constant 96 : i32
    %add3A_1639 = vector.broadcast %add3A_1638 : i32 to vector<16xi32>
    %add3A_1640 = arith.addi %add3A_1639, %iota3A : vector<16xi32>
    %mul3A_1641 = arith.constant 128 : i32
    %mul3A_1642 = vector.broadcast %mul3A_1641 : i32 to vector<16xi32>
    %mul3A_1643 = arith.muli %add3A_1640, %mul3A_1642 : vector<16xi32>
    %add3A_1644 = arith.constant 15 : i32
    %add3A_1645 = vector.broadcast %add3A_1644 : i32 to vector<16xi32>
    %add3A_1646 = arith.addi %mul3A_1643, %add3A_1645 : vector<16xi32>
    %gather3A_1647 = tpu.vector_load_idx %arg5[%add3A_1646] : memref<16384xf32, #tpu.memory_space<vmem>>[vector<16xi32>], vector<16xf32>,
    %convert_element_type3A_1648 = arith.fptosi %gather3A_1647 : vector<16xf32> to vector<16xi32>
    %swap3A_1649 = arith.constant 2016 : index
    %swap3A_1650 = tpu.vector_load %arg6[%swap3A_1649] {strides = array<i32>} : memref<3328xi32, #tpu.memory_space<vmem>>, vector<16xi32>,
    tpu.vector_store %arg6[%swap3A_1649], %convert_element_type3A_1648 {strides = array<i32>} : memref<3328xi32, #tpu.memory_space<vmem>>, vector<16xi32>,
    %add3A_1651 = arith.constant 112 : i32
    %add3A_1652 = vector.broadcast %add3A_1651 : i32 to vector<16xi32>
    %add3A_1653 = arith.addi %add3A_1652, %iota3A : vector<16xi32>
    %mul3A_1654 = arith.constant 128 : i32
    %mul3A_1655 = vector.broadcast %mul3A_1654 : i32 to vector<16xi32>
    %mul3A_1656 = arith.muli %add3A_1653, %mul3A_1655 : vector<16xi32>
    %add3A_1657 = arith.constant 15 : i32
    %add3A_1658 = vector.broadcast %add3A_1657 : i32 to vector<16xi32>
    %add3A_1659 = arith.addi %mul3A_1656, %add3A_1658 : vector<16xi32>
    %gather3A_1660 = tpu.vector_load_idx %arg5[%add3A_1659] : memref<16384xf32, #tpu.memory_space<vmem>>[vector<16xi32>], vector<16xf32>,
    %convert_element_type3A_1661 = arith.fptosi %gather3A_1660 : vector<16xf32> to vector<16xi32>
    %swap3A_1662 = arith.constant 2032 : index
    %swap3A_1663 = tpu.vector_load %arg6[%swap3A_1662] {strides = array<i32>} : memref<3328xi32, #tpu.memory_space<vmem>>, vector<16xi32>,
    tpu.vector_store %arg6[%swap3A_1662], %convert_element_type3A_1661 {strides = array<i32>} : memref<3328xi32, #tpu.memory_space<vmem>>, vector<16xi32>,
    %add3A_1664 = arith.constant 0 : i32
    %add3A_1665 = vector.broadcast %add3A_1664 : i32 to vector<16xi32>
    %add3A_1666 = arith.addi %add3A_1665, %iota3A : vector<16xi32>
    %mul3A_1667 = arith.constant 128 : i32
    %mul3A_1668 = vector.broadcast %mul3A_1667 : i32 to vector<16xi32>
    %mul3A_1669 = arith.muli %add3A_1666, %mul3A_1668 : vector<16xi32>
    %add3A_1670 = arith.constant 16 : i32
    %add3A_1671 = vector.broadcast %add3A_1670 : i32 to vector<16xi32>
    %add3A_1672 = arith.addi %mul3A_1669, %add3A_1671 : vector<16xi32>
    %gather3A_1673 = tpu.vector_load_idx %arg5[%add3A_1672] : memref<16384xf32, #tpu.memory_space<vmem>>[vector<16xi32>], vector<16xf32>,
    %convert_element_type3A_1674 = arith.fptosi %gather3A_1673 : vector<16xf32> to vector<16xi32>
    %swap3A_1675 = arith.constant 2048 : index
    %swap3A_1676 = tpu.vector_load %arg6[%swap3A_1675] {strides = array<i32>} : memref<3328xi32, #tpu.memory_space<vmem>>, vector<16xi32>,
    tpu.vector_store %arg6[%swap3A_1675], %convert_element_type3A_1674 {strides = array<i32>} : memref<3328xi32, #tpu.memory_space<vmem>>, vector<16xi32>,
    %add3A_1677 = arith.constant 16 : i32
    %add3A_1678 = vector.broadcast %add3A_1677 : i32 to vector<16xi32>
    %add3A_1679 = arith.addi %add3A_1678, %iota3A : vector<16xi32>
    %mul3A_1680 = arith.constant 128 : i32
    %mul3A_1681 = vector.broadcast %mul3A_1680 : i32 to vector<16xi32>
    %mul3A_1682 = arith.muli %add3A_1679, %mul3A_1681 : vector<16xi32>
    %add3A_1683 = arith.constant 16 : i32
    %add3A_1684 = vector.broadcast %add3A_1683 : i32 to vector<16xi32>
    %add3A_1685 = arith.addi %mul3A_1682, %add3A_1684 : vector<16xi32>
    %gather3A_1686 = tpu.vector_load_idx %arg5[%add3A_1685] : memref<16384xf32, #tpu.memory_space<vmem>>[vector<16xi32>], vector<16xf32>,
    %convert_element_type3A_1687 = arith.fptosi %gather3A_1686 : vector<16xf32> to vector<16xi32>
    %swap3A_1688 = arith.constant 2064 : index
    %swap3A_1689 = tpu.vector_load %arg6[%swap3A_1688] {strides = array<i32>} : memref<3328xi32, #tpu.memory_space<vmem>>, vector<16xi32>,
    tpu.vector_store %arg6[%swap3A_1688], %convert_element_type3A_1687 {strides = array<i32>} : memref<3328xi32, #tpu.memory_space<vmem>>, vector<16xi32>,
    %add3A_1690 = arith.constant 32 : i32
    %add3A_1691 = vector.broadcast %add3A_1690 : i32 to vector<16xi32>
    %add3A_1692 = arith.addi %add3A_1691, %iota3A : vector<16xi32>
    %mul3A_1693 = arith.constant 128 : i32
    %mul3A_1694 = vector.broadcast %mul3A_1693 : i32 to vector<16xi32>
    %mul3A_1695 = arith.muli %add3A_1692, %mul3A_1694 : vector<16xi32>
    %add3A_1696 = arith.constant 16 : i32
    %add3A_1697 = vector.broadcast %add3A_1696 : i32 to vector<16xi32>
    %add3A_1698 = arith.addi %mul3A_1695, %add3A_1697 : vector<16xi32>
    %gather3A_1699 = tpu.vector_load_idx %arg5[%add3A_1698] : memref<16384xf32, #tpu.memory_space<vmem>>[vector<16xi32>], vector<16xf32>,
    %convert_element_type3A_1700 = arith.fptosi %gather3A_1699 : vector<16xf32> to vector<16xi32>
    %swap3A_1701 = arith.constant 2080 : index
    %swap3A_1702 = tpu.vector_load %arg6[%swap3A_1701] {strides = array<i32>} : memref<3328xi32, #tpu.memory_space<vmem>>, vector<16xi32>,
    tpu.vector_store %arg6[%swap3A_1701], %convert_element_type3A_1700 {strides = array<i32>} : memref<3328xi32, #tpu.memory_space<vmem>>, vector<16xi32>,
    %add3A_1703 = arith.constant 48 : i32
    %add3A_1704 = vector.broadcast %add3A_1703 : i32 to vector<16xi32>
    %add3A_1705 = arith.addi %add3A_1704, %iota3A : vector<16xi32>
    %mul3A_1706 = arith.constant 128 : i32
    %mul3A_1707 = vector.broadcast %mul3A_1706 : i32 to vector<16xi32>
    %mul3A_1708 = arith.muli %add3A_1705, %mul3A_1707 : vector<16xi32>
    %add3A_1709 = arith.constant 16 : i32
    %add3A_1710 = vector.broadcast %add3A_1709 : i32 to vector<16xi32>
    %add3A_1711 = arith.addi %mul3A_1708, %add3A_1710 : vector<16xi32>
    %gather3A_1712 = tpu.vector_load_idx %arg5[%add3A_1711] : memref<16384xf32, #tpu.memory_space<vmem>>[vector<16xi32>], vector<16xf32>,
    %convert_element_type3A_1713 = arith.fptosi %gather3A_1712 : vector<16xf32> to vector<16xi32>
    %swap3A_1714 = arith.constant 2096 : index
    %swap3A_1715 = tpu.vector_load %arg6[%swap3A_1714] {strides = array<i32>} : memref<3328xi32, #tpu.memory_space<vmem>>, vector<16xi32>,
    tpu.vector_store %arg6[%swap3A_1714], %convert_element_type3A_1713 {strides = array<i32>} : memref<3328xi32, #tpu.memory_space<vmem>>, vector<16xi32>,
    %add3A_1716 = arith.constant 64 : i32
    %add3A_1717 = vector.broadcast %add3A_1716 : i32 to vector<16xi32>
    %add3A_1718 = arith.addi %add3A_1717, %iota3A : vector<16xi32>
    %mul3A_1719 = arith.constant 128 : i32
    %mul3A_1720 = vector.broadcast %mul3A_1719 : i32 to vector<16xi32>
    %mul3A_1721 = arith.muli %add3A_1718, %mul3A_1720 : vector<16xi32>
    %add3A_1722 = arith.constant 16 : i32
    %add3A_1723 = vector.broadcast %add3A_1722 : i32 to vector<16xi32>
    %add3A_1724 = arith.addi %mul3A_1721, %add3A_1723 : vector<16xi32>
    %gather3A_1725 = tpu.vector_load_idx %arg5[%add3A_1724] : memref<16384xf32, #tpu.memory_space<vmem>>[vector<16xi32>], vector<16xf32>,
    %convert_element_type3A_1726 = arith.fptosi %gather3A_1725 : vector<16xf32> to vector<16xi32>
    %swap3A_1727 = arith.constant 2112 : index
    %swap3A_1728 = tpu.vector_load %arg6[%swap3A_1727] {strides = array<i32>} : memref<3328xi32, #tpu.memory_space<vmem>>, vector<16xi32>,
    tpu.vector_store %arg6[%swap3A_1727], %convert_element_type3A_1726 {strides = array<i32>} : memref<3328xi32, #tpu.memory_space<vmem>>, vector<16xi32>,
    %add3A_1729 = arith.constant 80 : i32
    %add3A_1730 = vector.broadcast %add3A_1729 : i32 to vector<16xi32>
    %add3A_1731 = arith.addi %add3A_1730, %iota3A : vector<16xi32>
    %mul3A_1732 = arith.constant 128 : i32
    %mul3A_1733 = vector.broadcast %mul3A_1732 : i32 to vector<16xi32>
    %mul3A_1734 = arith.muli %add3A_1731, %mul3A_1733 : vector<16xi32>
    %add3A_1735 = arith.constant 16 : i32
    %add3A_1736 = vector.broadcast %add3A_1735 : i32 to vector<16xi32>
    %add3A_1737 = arith.addi %mul3A_1734, %add3A_1736 : vector<16xi32>
    %gather3A_1738 = tpu.vector_load_idx %arg5[%add3A_1737] : memref<16384xf32, #tpu.memory_space<vmem>>[vector<16xi32>], vector<16xf32>,
    %convert_element_type3A_1739 = arith.fptosi %gather3A_1738 : vector<16xf32> to vector<16xi32>
    %swap3A_1740 = arith.constant 2128 : index
    %swap3A_1741 = tpu.vector_load %arg6[%swap3A_1740] {strides = array<i32>} : memref<3328xi32, #tpu.memory_space<vmem>>, vector<16xi32>,
    tpu.vector_store %arg6[%swap3A_1740], %convert_element_type3A_1739 {strides = array<i32>} : memref<3328xi32, #tpu.memory_space<vmem>>, vector<16xi32>,
    %add3A_1742 = arith.constant 96 : i32
    %add3A_1743 = vector.broadcast %add3A_1742 : i32 to vector<16xi32>
    %add3A_1744 = arith.addi %add3A_1743, %iota3A : vector<16xi32>
    %mul3A_1745 = arith.constant 128 : i32
    %mul3A_1746 = vector.broadcast %mul3A_1745 : i32 to vector<16xi32>
    %mul3A_1747 = arith.muli %add3A_1744, %mul3A_1746 : vector<16xi32>
    %add3A_1748 = arith.constant 16 : i32
    %add3A_1749 = vector.broadcast %add3A_1748 : i32 to vector<16xi32>
    %add3A_1750 = arith.addi %mul3A_1747, %add3A_1749 : vector<16xi32>
    %gather3A_1751 = tpu.vector_load_idx %arg5[%add3A_1750] : memref<16384xf32, #tpu.memory_space<vmem>>[vector<16xi32>], vector<16xf32>,
    %convert_element_type3A_1752 = arith.fptosi %gather3A_1751 : vector<16xf32> to vector<16xi32>
    %swap3A_1753 = arith.constant 2144 : index
    %swap3A_1754 = tpu.vector_load %arg6[%swap3A_1753] {strides = array<i32>} : memref<3328xi32, #tpu.memory_space<vmem>>, vector<16xi32>,
    tpu.vector_store %arg6[%swap3A_1753], %convert_element_type3A_1752 {strides = array<i32>} : memref<3328xi32, #tpu.memory_space<vmem>>, vector<16xi32>,
    %add3A_1755 = arith.constant 112 : i32
    %add3A_1756 = vector.broadcast %add3A_1755 : i32 to vector<16xi32>
    %add3A_1757 = arith.addi %add3A_1756, %iota3A : vector<16xi32>
    %mul3A_1758 = arith.constant 128 : i32
    %mul3A_1759 = vector.broadcast %mul3A_1758 : i32 to vector<16xi32>
    %mul3A_1760 = arith.muli %add3A_1757, %mul3A_1759 : vector<16xi32>
    %add3A_1761 = arith.constant 16 : i32
    %add3A_1762 = vector.broadcast %add3A_1761 : i32 to vector<16xi32>
    %add3A_1763 = arith.addi %mul3A_1760, %add3A_1762 : vector<16xi32>
    %gather3A_1764 = tpu.vector_load_idx %arg5[%add3A_1763] : memref<16384xf32, #tpu.memory_space<vmem>>[vector<16xi32>], vector<16xf32>,
    %convert_element_type3A_1765 = arith.fptosi %gather3A_1764 : vector<16xf32> to vector<16xi32>
    %swap3A_1766 = arith.constant 2160 : index
    %swap3A_1767 = tpu.vector_load %arg6[%swap3A_1766] {strides = array<i32>} : memref<3328xi32, #tpu.memory_space<vmem>>, vector<16xi32>,
    tpu.vector_store %arg6[%swap3A_1766], %convert_element_type3A_1765 {strides = array<i32>} : memref<3328xi32, #tpu.memory_space<vmem>>, vector<16xi32>,
    %add3A_1768 = arith.constant 0 : i32
    %add3A_1769 = vector.broadcast %add3A_1768 : i32 to vector<16xi32>
    %add3A_1770 = arith.addi %add3A_1769, %iota3A : vector<16xi32>
    %mul3A_1771 = arith.constant 128 : i32
    %mul3A_1772 = vector.broadcast %mul3A_1771 : i32 to vector<16xi32>
    %mul3A_1773 = arith.muli %add3A_1770, %mul3A_1772 : vector<16xi32>
    %add3A_1774 = arith.constant 17 : i32
    %add3A_1775 = vector.broadcast %add3A_1774 : i32 to vector<16xi32>
    %add3A_1776 = arith.addi %mul3A_1773, %add3A_1775 : vector<16xi32>
    %gather3A_1777 = tpu.vector_load_idx %arg5[%add3A_1776] : memref<16384xf32, #tpu.memory_space<vmem>>[vector<16xi32>], vector<16xf32>,
    %convert_element_type3A_1778 = arith.fptosi %gather3A_1777 : vector<16xf32> to vector<16xi32>
    %swap3A_1779 = arith.constant 2176 : index
    %swap3A_1780 = tpu.vector_load %arg6[%swap3A_1779] {strides = array<i32>} : memref<3328xi32, #tpu.memory_space<vmem>>, vector<16xi32>,
    tpu.vector_store %arg6[%swap3A_1779], %convert_element_type3A_1778 {strides = array<i32>} : memref<3328xi32, #tpu.memory_space<vmem>>, vector<16xi32>,
    %add3A_1781 = arith.constant 16 : i32
    %add3A_1782 = vector.broadcast %add3A_1781 : i32 to vector<16xi32>
    %add3A_1783 = arith.addi %add3A_1782, %iota3A : vector<16xi32>
    %mul3A_1784 = arith.constant 128 : i32
    %mul3A_1785 = vector.broadcast %mul3A_1784 : i32 to vector<16xi32>
    %mul3A_1786 = arith.muli %add3A_1783, %mul3A_1785 : vector<16xi32>
    %add3A_1787 = arith.constant 17 : i32
    %add3A_1788 = vector.broadcast %add3A_1787 : i32 to vector<16xi32>
    %add3A_1789 = arith.addi %mul3A_1786, %add3A_1788 : vector<16xi32>
    %gather3A_1790 = tpu.vector_load_idx %arg5[%add3A_1789] : memref<16384xf32, #tpu.memory_space<vmem>>[vector<16xi32>], vector<16xf32>,
    %convert_element_type3A_1791 = arith.fptosi %gather3A_1790 : vector<16xf32> to vector<16xi32>
    %swap3A_1792 = arith.constant 2192 : index
    %swap3A_1793 = tpu.vector_load %arg6[%swap3A_1792] {strides = array<i32>} : memref<3328xi32, #tpu.memory_space<vmem>>, vector<16xi32>,
    tpu.vector_store %arg6[%swap3A_1792], %convert_element_type3A_1791 {strides = array<i32>} : memref<3328xi32, #tpu.memory_space<vmem>>, vector<16xi32>,
    %add3A_1794 = arith.constant 32 : i32
    %add3A_1795 = vector.broadcast %add3A_1794 : i32 to vector<16xi32>
    %add3A_1796 = arith.addi %add3A_1795, %iota3A : vector<16xi32>
    %mul3A_1797 = arith.constant 128 : i32
    %mul3A_1798 = vector.broadcast %mul3A_1797 : i32 to vector<16xi32>
    %mul3A_1799 = arith.muli %add3A_1796, %mul3A_1798 : vector<16xi32>
    %add3A_1800 = arith.constant 17 : i32
    %add3A_1801 = vector.broadcast %add3A_1800 : i32 to vector<16xi32>
    %add3A_1802 = arith.addi %mul3A_1799, %add3A_1801 : vector<16xi32>
    %gather3A_1803 = tpu.vector_load_idx %arg5[%add3A_1802] : memref<16384xf32, #tpu.memory_space<vmem>>[vector<16xi32>], vector<16xf32>,
    %convert_element_type3A_1804 = arith.fptosi %gather3A_1803 : vector<16xf32> to vector<16xi32>
    %swap3A_1805 = arith.constant 2208 : index
    %swap3A_1806 = tpu.vector_load %arg6[%swap3A_1805] {strides = array<i32>} : memref<3328xi32, #tpu.memory_space<vmem>>, vector<16xi32>,
    tpu.vector_store %arg6[%swap3A_1805], %convert_element_type3A_1804 {strides = array<i32>} : memref<3328xi32, #tpu.memory_space<vmem>>, vector<16xi32>,
    %add3A_1807 = arith.constant 48 : i32
    %add3A_1808 = vector.broadcast %add3A_1807 : i32 to vector<16xi32>
    %add3A_1809 = arith.addi %add3A_1808, %iota3A : vector<16xi32>
    %mul3A_1810 = arith.constant 128 : i32
    %mul3A_1811 = vector.broadcast %mul3A_1810 : i32 to vector<16xi32>
    %mul3A_1812 = arith.muli %add3A_1809, %mul3A_1811 : vector<16xi32>
    %add3A_1813 = arith.constant 17 : i32
    %add3A_1814 = vector.broadcast %add3A_1813 : i32 to vector<16xi32>
    %add3A_1815 = arith.addi %mul3A_1812, %add3A_1814 : vector<16xi32>
    %gather3A_1816 = tpu.vector_load_idx %arg5[%add3A_1815] : memref<16384xf32, #tpu.memory_space<vmem>>[vector<16xi32>], vector<16xf32>,
    %convert_element_type3A_1817 = arith.fptosi %gather3A_1816 : vector<16xf32> to vector<16xi32>
    %swap3A_1818 = arith.constant 2224 : index
    %swap3A_1819 = tpu.vector_load %arg6[%swap3A_1818] {strides = array<i32>} : memref<3328xi32, #tpu.memory_space<vmem>>, vector<16xi32>,
    tpu.vector_store %arg6[%swap3A_1818], %convert_element_type3A_1817 {strides = array<i32>} : memref<3328xi32, #tpu.memory_space<vmem>>, vector<16xi32>,
    %add3A_1820 = arith.constant 64 : i32
    %add3A_1821 = vector.broadcast %add3A_1820 : i32 to vector<16xi32>
    %add3A_1822 = arith.addi %add3A_1821, %iota3A : vector<16xi32>
    %mul3A_1823 = arith.constant 128 : i32
    %mul3A_1824 = vector.broadcast %mul3A_1823 : i32 to vector<16xi32>
    %mul3A_1825 = arith.muli %add3A_1822, %mul3A_1824 : vector<16xi32>
    %add3A_1826 = arith.constant 17 : i32
    %add3A_1827 = vector.broadcast %add3A_1826 : i32 to vector<16xi32>
    %add3A_1828 = arith.addi %mul3A_1825, %add3A_1827 : vector<16xi32>
    %gather3A_1829 = tpu.vector_load_idx %arg5[%add3A_1828] : memref<16384xf32, #tpu.memory_space<vmem>>[vector<16xi32>], vector<16xf32>,
    %convert_element_type3A_1830 = arith.fptosi %gather3A_1829 : vector<16xf32> to vector<16xi32>
    %swap3A_1831 = arith.constant 2240 : index
    %swap3A_1832 = tpu.vector_load %arg6[%swap3A_1831] {strides = array<i32>} : memref<3328xi32, #tpu.memory_space<vmem>>, vector<16xi32>,
    tpu.vector_store %arg6[%swap3A_1831], %convert_element_type3A_1830 {strides = array<i32>} : memref<3328xi32, #tpu.memory_space<vmem>>, vector<16xi32>,
    %add3A_1833 = arith.constant 80 : i32
    %add3A_1834 = vector.broadcast %add3A_1833 : i32 to vector<16xi32>
    %add3A_1835 = arith.addi %add3A_1834, %iota3A : vector<16xi32>
    %mul3A_1836 = arith.constant 128 : i32
    %mul3A_1837 = vector.broadcast %mul3A_1836 : i32 to vector<16xi32>
    %mul3A_1838 = arith.muli %add3A_1835, %mul3A_1837 : vector<16xi32>
    %add3A_1839 = arith.constant 17 : i32
    %add3A_1840 = vector.broadcast %add3A_1839 : i32 to vector<16xi32>
    %add3A_1841 = arith.addi %mul3A_1838, %add3A_1840 : vector<16xi32>
    %gather3A_1842 = tpu.vector_load_idx %arg5[%add3A_1841] : memref<16384xf32, #tpu.memory_space<vmem>>[vector<16xi32>], vector<16xf32>,
    %convert_element_type3A_1843 = arith.fptosi %gather3A_1842 : vector<16xf32> to vector<16xi32>
    %swap3A_1844 = arith.constant 2256 : index
    %swap3A_1845 = tpu.vector_load %arg6[%swap3A_1844] {strides = array<i32>} : memref<3328xi32, #tpu.memory_space<vmem>>, vector<16xi32>,
    tpu.vector_store %arg6[%swap3A_1844], %convert_element_type3A_1843 {strides = array<i32>} : memref<3328xi32, #tpu.memory_space<vmem>>, vector<16xi32>,
    %add3A_1846 = arith.constant 96 : i32
    %add3A_1847 = vector.broadcast %add3A_1846 : i32 to vector<16xi32>
    %add3A_1848 = arith.addi %add3A_1847, %iota3A : vector<16xi32>
    %mul3A_1849 = arith.constant 128 : i32
    %mul3A_1850 = vector.broadcast %mul3A_1849 : i32 to vector<16xi32>
    %mul3A_1851 = arith.muli %add3A_1848, %mul3A_1850 : vector<16xi32>
    %add3A_1852 = arith.constant 17 : i32
    %add3A_1853 = vector.broadcast %add3A_1852 : i32 to vector<16xi32>
    %add3A_1854 = arith.addi %mul3A_1851, %add3A_1853 : vector<16xi32>
    %gather3A_1855 = tpu.vector_load_idx %arg5[%add3A_1854] : memref<16384xf32, #tpu.memory_space<vmem>>[vector<16xi32>], vector<16xf32>,
    %convert_element_type3A_1856 = arith.fptosi %gather3A_1855 : vector<16xf32> to vector<16xi32>
    %swap3A_1857 = arith.constant 2272 : index
    %swap3A_1858 = tpu.vector_load %arg6[%swap3A_1857] {strides = array<i32>} : memref<3328xi32, #tpu.memory_space<vmem>>, vector<16xi32>,
    tpu.vector_store %arg6[%swap3A_1857], %convert_element_type3A_1856 {strides = array<i32>} : memref<3328xi32, #tpu.memory_space<vmem>>, vector<16xi32>,
    %add3A_1859 = arith.constant 112 : i32
    %add3A_1860 = vector.broadcast %add3A_1859 : i32 to vector<16xi32>
    %add3A_1861 = arith.addi %add3A_1860, %iota3A : vector<16xi32>
    %mul3A_1862 = arith.constant 128 : i32
    %mul3A_1863 = vector.broadcast %mul3A_1862 : i32 to vector<16xi32>
    %mul3A_1864 = arith.muli %add3A_1861, %mul3A_1863 : vector<16xi32>
    %add3A_1865 = arith.constant 17 : i32
    %add3A_1866 = vector.broadcast %add3A_1865 : i32 to vector<16xi32>
    %add3A_1867 = arith.addi %mul3A_1864, %add3A_1866 : vector<16xi32>
    %gather3A_1868 = tpu.vector_load_idx %arg5[%add3A_1867] : memref<16384xf32, #tpu.memory_space<vmem>>[vector<16xi32>], vector<16xf32>,
    %convert_element_type3A_1869 = arith.fptosi %gather3A_1868 : vector<16xf32> to vector<16xi32>
    %swap3A_1870 = arith.constant 2288 : index
    %swap3A_1871 = tpu.vector_load %arg6[%swap3A_1870] {strides = array<i32>} : memref<3328xi32, #tpu.memory_space<vmem>>, vector<16xi32>,
    tpu.vector_store %arg6[%swap3A_1870], %convert_element_type3A_1869 {strides = array<i32>} : memref<3328xi32, #tpu.memory_space<vmem>>, vector<16xi32>,
    %add3A_1872 = arith.constant 0 : i32
    %add3A_1873 = vector.broadcast %add3A_1872 : i32 to vector<16xi32>
    %add3A_1874 = arith.addi %add3A_1873, %iota3A : vector<16xi32>
    %mul3A_1875 = arith.constant 128 : i32
    %mul3A_1876 = vector.broadcast %mul3A_1875 : i32 to vector<16xi32>
    %mul3A_1877 = arith.muli %add3A_1874, %mul3A_1876 : vector<16xi32>
    %add3A_1878 = arith.constant 18 : i32
    %add3A_1879 = vector.broadcast %add3A_1878 : i32 to vector<16xi32>
    %add3A_1880 = arith.addi %mul3A_1877, %add3A_1879 : vector<16xi32>
    %gather3A_1881 = tpu.vector_load_idx %arg5[%add3A_1880] : memref<16384xf32, #tpu.memory_space<vmem>>[vector<16xi32>], vector<16xf32>,
    %convert_element_type3A_1882 = arith.fptosi %gather3A_1881 : vector<16xf32> to vector<16xi32>
    %swap3A_1883 = arith.constant 2304 : index
    %swap3A_1884 = tpu.vector_load %arg6[%swap3A_1883] {strides = array<i32>} : memref<3328xi32, #tpu.memory_space<vmem>>, vector<16xi32>,
    tpu.vector_store %arg6[%swap3A_1883], %convert_element_type3A_1882 {strides = array<i32>} : memref<3328xi32, #tpu.memory_space<vmem>>, vector<16xi32>,
    %add3A_1885 = arith.constant 16 : i32
    %add3A_1886 = vector.broadcast %add3A_1885 : i32 to vector<16xi32>
    %add3A_1887 = arith.addi %add3A_1886, %iota3A : vector<16xi32>
    %mul3A_1888 = arith.constant 128 : i32
    %mul3A_1889 = vector.broadcast %mul3A_1888 : i32 to vector<16xi32>
    %mul3A_1890 = arith.muli %add3A_1887, %mul3A_1889 : vector<16xi32>
    %add3A_1891 = arith.constant 18 : i32
    %add3A_1892 = vector.broadcast %add3A_1891 : i32 to vector<16xi32>
    %add3A_1893 = arith.addi %mul3A_1890, %add3A_1892 : vector<16xi32>
    %gather3A_1894 = tpu.vector_load_idx %arg5[%add3A_1893] : memref<16384xf32, #tpu.memory_space<vmem>>[vector<16xi32>], vector<16xf32>,
    %convert_element_type3A_1895 = arith.fptosi %gather3A_1894 : vector<16xf32> to vector<16xi32>
    %swap3A_1896 = arith.constant 2320 : index
    %swap3A_1897 = tpu.vector_load %arg6[%swap3A_1896] {strides = array<i32>} : memref<3328xi32, #tpu.memory_space<vmem>>, vector<16xi32>,
    tpu.vector_store %arg6[%swap3A_1896], %convert_element_type3A_1895 {strides = array<i32>} : memref<3328xi32, #tpu.memory_space<vmem>>, vector<16xi32>,
    %add3A_1898 = arith.constant 32 : i32
    %add3A_1899 = vector.broadcast %add3A_1898 : i32 to vector<16xi32>
    %add3A_1900 = arith.addi %add3A_1899, %iota3A : vector<16xi32>
    %mul3A_1901 = arith.constant 128 : i32
    %mul3A_1902 = vector.broadcast %mul3A_1901 : i32 to vector<16xi32>
    %mul3A_1903 = arith.muli %add3A_1900, %mul3A_1902 : vector<16xi32>
    %add3A_1904 = arith.constant 18 : i32
    %add3A_1905 = vector.broadcast %add3A_1904 : i32 to vector<16xi32>
    %add3A_1906 = arith.addi %mul3A_1903, %add3A_1905 : vector<16xi32>
    %gather3A_1907 = tpu.vector_load_idx %arg5[%add3A_1906] : memref<16384xf32, #tpu.memory_space<vmem>>[vector<16xi32>], vector<16xf32>,
    %convert_element_type3A_1908 = arith.fptosi %gather3A_1907 : vector<16xf32> to vector<16xi32>
    %swap3A_1909 = arith.constant 2336 : index
    %swap3A_1910 = tpu.vector_load %arg6[%swap3A_1909] {strides = array<i32>} : memref<3328xi32, #tpu.memory_space<vmem>>, vector<16xi32>,
    tpu.vector_store %arg6[%swap3A_1909], %convert_element_type3A_1908 {strides = array<i32>} : memref<3328xi32, #tpu.memory_space<vmem>>, vector<16xi32>,
    %add3A_1911 = arith.constant 48 : i32
    %add3A_1912 = vector.broadcast %add3A_1911 : i32 to vector<16xi32>
    %add3A_1913 = arith.addi %add3A_1912, %iota3A : vector<16xi32>
    %mul3A_1914 = arith.constant 128 : i32
    %mul3A_1915 = vector.broadcast %mul3A_1914 : i32 to vector<16xi32>
    %mul3A_1916 = arith.muli %add3A_1913, %mul3A_1915 : vector<16xi32>
    %add3A_1917 = arith.constant 18 : i32
    %add3A_1918 = vector.broadcast %add3A_1917 : i32 to vector<16xi32>
    %add3A_1919 = arith.addi %mul3A_1916, %add3A_1918 : vector<16xi32>
    %gather3A_1920 = tpu.vector_load_idx %arg5[%add3A_1919] : memref<16384xf32, #tpu.memory_space<vmem>>[vector<16xi32>], vector<16xf32>,
    %convert_element_type3A_1921 = arith.fptosi %gather3A_1920 : vector<16xf32> to vector<16xi32>
    %swap3A_1922 = arith.constant 2352 : index
    %swap3A_1923 = tpu.vector_load %arg6[%swap3A_1922] {strides = array<i32>} : memref<3328xi32, #tpu.memory_space<vmem>>, vector<16xi32>,
    tpu.vector_store %arg6[%swap3A_1922], %convert_element_type3A_1921 {strides = array<i32>} : memref<3328xi32, #tpu.memory_space<vmem>>, vector<16xi32>,
    %add3A_1924 = arith.constant 64 : i32
    %add3A_1925 = vector.broadcast %add3A_1924 : i32 to vector<16xi32>
    %add3A_1926 = arith.addi %add3A_1925, %iota3A : vector<16xi32>
    %mul3A_1927 = arith.constant 128 : i32
    %mul3A_1928 = vector.broadcast %mul3A_1927 : i32 to vector<16xi32>
    %mul3A_1929 = arith.muli %add3A_1926, %mul3A_1928 : vector<16xi32>
    %add3A_1930 = arith.constant 18 : i32
    %add3A_1931 = vector.broadcast %add3A_1930 : i32 to vector<16xi32>
    %add3A_1932 = arith.addi %mul3A_1929, %add3A_1931 : vector<16xi32>
    %gather3A_1933 = tpu.vector_load_idx %arg5[%add3A_1932] : memref<16384xf32, #tpu.memory_space<vmem>>[vector<16xi32>], vector<16xf32>,
    %convert_element_type3A_1934 = arith.fptosi %gather3A_1933 : vector<16xf32> to vector<16xi32>
    %swap3A_1935 = arith.constant 2368 : index
    %swap3A_1936 = tpu.vector_load %arg6[%swap3A_1935] {strides = array<i32>} : memref<3328xi32, #tpu.memory_space<vmem>>, vector<16xi32>,
    tpu.vector_store %arg6[%swap3A_1935], %convert_element_type3A_1934 {strides = array<i32>} : memref<3328xi32, #tpu.memory_space<vmem>>, vector<16xi32>,
    %add3A_1937 = arith.constant 80 : i32
    %add3A_1938 = vector.broadcast %add3A_1937 : i32 to vector<16xi32>
    %add3A_1939 = arith.addi %add3A_1938, %iota3A : vector<16xi32>
    %mul3A_1940 = arith.constant 128 : i32
    %mul3A_1941 = vector.broadcast %mul3A_1940 : i32 to vector<16xi32>
    %mul3A_1942 = arith.muli %add3A_1939, %mul3A_1941 : vector<16xi32>
    %add3A_1943 = arith.constant 18 : i32
    %add3A_1944 = vector.broadcast %add3A_1943 : i32 to vector<16xi32>
    %add3A_1945 = arith.addi %mul3A_1942, %add3A_1944 : vector<16xi32>
    %gather3A_1946 = tpu.vector_load_idx %arg5[%add3A_1945] : memref<16384xf32, #tpu.memory_space<vmem>>[vector<16xi32>], vector<16xf32>,
    %convert_element_type3A_1947 = arith.fptosi %gather3A_1946 : vector<16xf32> to vector<16xi32>
    %swap3A_1948 = arith.constant 2384 : index
    %swap3A_1949 = tpu.vector_load %arg6[%swap3A_1948] {strides = array<i32>} : memref<3328xi32, #tpu.memory_space<vmem>>, vector<16xi32>,
    tpu.vector_store %arg6[%swap3A_1948], %convert_element_type3A_1947 {strides = array<i32>} : memref<3328xi32, #tpu.memory_space<vmem>>, vector<16xi32>,
    %add3A_1950 = arith.constant 96 : i32
    %add3A_1951 = vector.broadcast %add3A_1950 : i32 to vector<16xi32>
    %add3A_1952 = arith.addi %add3A_1951, %iota3A : vector<16xi32>
    %mul3A_1953 = arith.constant 128 : i32
    %mul3A_1954 = vector.broadcast %mul3A_1953 : i32 to vector<16xi32>
    %mul3A_1955 = arith.muli %add3A_1952, %mul3A_1954 : vector<16xi32>
    %add3A_1956 = arith.constant 18 : i32
    %add3A_1957 = vector.broadcast %add3A_1956 : i32 to vector<16xi32>
    %add3A_1958 = arith.addi %mul3A_1955, %add3A_1957 : vector<16xi32>
    %gather3A_1959 = tpu.vector_load_idx %arg5[%add3A_1958] : memref<16384xf32, #tpu.memory_space<vmem>>[vector<16xi32>], vector<16xf32>,
    %convert_element_type3A_1960 = arith.fptosi %gather3A_1959 : vector<16xf32> to vector<16xi32>
    %swap3A_1961 = arith.constant 2400 : index
    %swap3A_1962 = tpu.vector_load %arg6[%swap3A_1961] {strides = array<i32>} : memref<3328xi32, #tpu.memory_space<vmem>>, vector<16xi32>,
    tpu.vector_store %arg6[%swap3A_1961], %convert_element_type3A_1960 {strides = array<i32>} : memref<3328xi32, #tpu.memory_space<vmem>>, vector<16xi32>,
    %add3A_1963 = arith.constant 112 : i32
    %add3A_1964 = vector.broadcast %add3A_1963 : i32 to vector<16xi32>
    %add3A_1965 = arith.addi %add3A_1964, %iota3A : vector<16xi32>
    %mul3A_1966 = arith.constant 128 : i32
    %mul3A_1967 = vector.broadcast %mul3A_1966 : i32 to vector<16xi32>
    %mul3A_1968 = arith.muli %add3A_1965, %mul3A_1967 : vector<16xi32>
    %add3A_1969 = arith.constant 18 : i32
    %add3A_1970 = vector.broadcast %add3A_1969 : i32 to vector<16xi32>
    %add3A_1971 = arith.addi %mul3A_1968, %add3A_1970 : vector<16xi32>
    %gather3A_1972 = tpu.vector_load_idx %arg5[%add3A_1971] : memref<16384xf32, #tpu.memory_space<vmem>>[vector<16xi32>], vector<16xf32>,
    %convert_element_type3A_1973 = arith.fptosi %gather3A_1972 : vector<16xf32> to vector<16xi32>
    %swap3A_1974 = arith.constant 2416 : index
    %swap3A_1975 = tpu.vector_load %arg6[%swap3A_1974] {strides = array<i32>} : memref<3328xi32, #tpu.memory_space<vmem>>, vector<16xi32>,
    tpu.vector_store %arg6[%swap3A_1974], %convert_element_type3A_1973 {strides = array<i32>} : memref<3328xi32, #tpu.memory_space<vmem>>, vector<16xi32>,
    %add3A_1976 = arith.constant 0 : i32
    %add3A_1977 = vector.broadcast %add3A_1976 : i32 to vector<16xi32>
    %add3A_1978 = arith.addi %add3A_1977, %iota3A : vector<16xi32>
    %mul3A_1979 = arith.constant 128 : i32
    %mul3A_1980 = vector.broadcast %mul3A_1979 : i32 to vector<16xi32>
    %mul3A_1981 = arith.muli %add3A_1978, %mul3A_1980 : vector<16xi32>
    %add3A_1982 = arith.constant 19 : i32
    %add3A_1983 = vector.broadcast %add3A_1982 : i32 to vector<16xi32>
    %add3A_1984 = arith.addi %mul3A_1981, %add3A_1983 : vector<16xi32>
    %gather3A_1985 = tpu.vector_load_idx %arg5[%add3A_1984] : memref<16384xf32, #tpu.memory_space<vmem>>[vector<16xi32>], vector<16xf32>,
    %convert_element_type3A_1986 = arith.fptosi %gather3A_1985 : vector<16xf32> to vector<16xi32>
    %swap3A_1987 = arith.constant 2432 : index
    %swap3A_1988 = tpu.vector_load %arg6[%swap3A_1987] {strides = array<i32>} : memref<3328xi32, #tpu.memory_space<vmem>>, vector<16xi32>,
    tpu.vector_store %arg6[%swap3A_1987], %convert_element_type3A_1986 {strides = array<i32>} : memref<3328xi32, #tpu.memory_space<vmem>>, vector<16xi32>,
    %add3A_1989 = arith.constant 16 : i32
    %add3A_1990 = vector.broadcast %add3A_1989 : i32 to vector<16xi32>
    %add3A_1991 = arith.addi %add3A_1990, %iota3A : vector<16xi32>
    %mul3A_1992 = arith.constant 128 : i32
    %mul3A_1993 = vector.broadcast %mul3A_1992 : i32 to vector<16xi32>
    %mul3A_1994 = arith.muli %add3A_1991, %mul3A_1993 : vector<16xi32>
    %add3A_1995 = arith.constant 19 : i32
    %add3A_1996 = vector.broadcast %add3A_1995 : i32 to vector<16xi32>
    %add3A_1997 = arith.addi %mul3A_1994, %add3A_1996 : vector<16xi32>
    %gather3A_1998 = tpu.vector_load_idx %arg5[%add3A_1997] : memref<16384xf32, #tpu.memory_space<vmem>>[vector<16xi32>], vector<16xf32>,
    %convert_element_type3A_1999 = arith.fptosi %gather3A_1998 : vector<16xf32> to vector<16xi32>
    %swap3A_2000 = arith.constant 2448 : index
    %swap3A_2001 = tpu.vector_load %arg6[%swap3A_2000] {strides = array<i32>} : memref<3328xi32, #tpu.memory_space<vmem>>, vector<16xi32>,
    tpu.vector_store %arg6[%swap3A_2000], %convert_element_type3A_1999 {strides = array<i32>} : memref<3328xi32, #tpu.memory_space<vmem>>, vector<16xi32>,
    %add3A_2002 = arith.constant 32 : i32
    %add3A_2003 = vector.broadcast %add3A_2002 : i32 to vector<16xi32>
    %add3A_2004 = arith.addi %add3A_2003, %iota3A : vector<16xi32>
    %mul3A_2005 = arith.constant 128 : i32
    %mul3A_2006 = vector.broadcast %mul3A_2005 : i32 to vector<16xi32>
    %mul3A_2007 = arith.muli %add3A_2004, %mul3A_2006 : vector<16xi32>
    %add3A_2008 = arith.constant 19 : i32
    %add3A_2009 = vector.broadcast %add3A_2008 : i32 to vector<16xi32>
    %add3A_2010 = arith.addi %mul3A_2007, %add3A_2009 : vector<16xi32>
    %gather3A_2011 = tpu.vector_load_idx %arg5[%add3A_2010] : memref<16384xf32, #tpu.memory_space<vmem>>[vector<16xi32>], vector<16xf32>,
    %convert_element_type3A_2012 = arith.fptosi %gather3A_2011 : vector<16xf32> to vector<16xi32>
    %swap3A_2013 = arith.constant 2464 : index
    %swap3A_2014 = tpu.vector_load %arg6[%swap3A_2013] {strides = array<i32>} : memref<3328xi32, #tpu.memory_space<vmem>>, vector<16xi32>,
    tpu.vector_store %arg6[%swap3A_2013], %convert_element_type3A_2012 {strides = array<i32>} : memref<3328xi32, #tpu.memory_space<vmem>>, vector<16xi32>,
    %add3A_2015 = arith.constant 48 : i32
    %add3A_2016 = vector.broadcast %add3A_2015 : i32 to vector<16xi32>
    %add3A_2017 = arith.addi %add3A_2016, %iota3A : vector<16xi32>
    %mul3A_2018 = arith.constant 128 : i32
    %mul3A_2019 = vector.broadcast %mul3A_2018 : i32 to vector<16xi32>
    %mul3A_2020 = arith.muli %add3A_2017, %mul3A_2019 : vector<16xi32>
    %add3A_2021 = arith.constant 19 : i32
    %add3A_2022 = vector.broadcast %add3A_2021 : i32 to vector<16xi32>
    %add3A_2023 = arith.addi %mul3A_2020, %add3A_2022 : vector<16xi32>
    %gather3A_2024 = tpu.vector_load_idx %arg5[%add3A_2023] : memref<16384xf32, #tpu.memory_space<vmem>>[vector<16xi32>], vector<16xf32>,
    %convert_element_type3A_2025 = arith.fptosi %gather3A_2024 : vector<16xf32> to vector<16xi32>
    %swap3A_2026 = arith.constant 2480 : index
    %swap3A_2027 = tpu.vector_load %arg6[%swap3A_2026] {strides = array<i32>} : memref<3328xi32, #tpu.memory_space<vmem>>, vector<16xi32>,
    tpu.vector_store %arg6[%swap3A_2026], %convert_element_type3A_2025 {strides = array<i32>} : memref<3328xi32, #tpu.memory_space<vmem>>, vector<16xi32>,
    %add3A_2028 = arith.constant 64 : i32
    %add3A_2029 = vector.broadcast %add3A_2028 : i32 to vector<16xi32>
    %add3A_2030 = arith.addi %add3A_2029, %iota3A : vector<16xi32>
    %mul3A_2031 = arith.constant 128 : i32
    %mul3A_2032 = vector.broadcast %mul3A_2031 : i32 to vector<16xi32>
    %mul3A_2033 = arith.muli %add3A_2030, %mul3A_2032 : vector<16xi32>
    %add3A_2034 = arith.constant 19 : i32
    %add3A_2035 = vector.broadcast %add3A_2034 : i32 to vector<16xi32>
    %add3A_2036 = arith.addi %mul3A_2033, %add3A_2035 : vector<16xi32>
    %gather3A_2037 = tpu.vector_load_idx %arg5[%add3A_2036] : memref<16384xf32, #tpu.memory_space<vmem>>[vector<16xi32>], vector<16xf32>,
    %convert_element_type3A_2038 = arith.fptosi %gather3A_2037 : vector<16xf32> to vector<16xi32>
    %swap3A_2039 = arith.constant 2496 : index
    %swap3A_2040 = tpu.vector_load %arg6[%swap3A_2039] {strides = array<i32>} : memref<3328xi32, #tpu.memory_space<vmem>>, vector<16xi32>,
    tpu.vector_store %arg6[%swap3A_2039], %convert_element_type3A_2038 {strides = array<i32>} : memref<3328xi32, #tpu.memory_space<vmem>>, vector<16xi32>,
    %add3A_2041 = arith.constant 80 : i32
    %add3A_2042 = vector.broadcast %add3A_2041 : i32 to vector<16xi32>
    %add3A_2043 = arith.addi %add3A_2042, %iota3A : vector<16xi32>
    %mul3A_2044 = arith.constant 128 : i32
    %mul3A_2045 = vector.broadcast %mul3A_2044 : i32 to vector<16xi32>
    %mul3A_2046 = arith.muli %add3A_2043, %mul3A_2045 : vector<16xi32>
    %add3A_2047 = arith.constant 19 : i32
    %add3A_2048 = vector.broadcast %add3A_2047 : i32 to vector<16xi32>
    %add3A_2049 = arith.addi %mul3A_2046, %add3A_2048 : vector<16xi32>
    %gather3A_2050 = tpu.vector_load_idx %arg5[%add3A_2049] : memref<16384xf32, #tpu.memory_space<vmem>>[vector<16xi32>], vector<16xf32>,
    %convert_element_type3A_2051 = arith.fptosi %gather3A_2050 : vector<16xf32> to vector<16xi32>
    %swap3A_2052 = arith.constant 2512 : index
    %swap3A_2053 = tpu.vector_load %arg6[%swap3A_2052] {strides = array<i32>} : memref<3328xi32, #tpu.memory_space<vmem>>, vector<16xi32>,
    tpu.vector_store %arg6[%swap3A_2052], %convert_element_type3A_2051 {strides = array<i32>} : memref<3328xi32, #tpu.memory_space<vmem>>, vector<16xi32>,
    %add3A_2054 = arith.constant 96 : i32
    %add3A_2055 = vector.broadcast %add3A_2054 : i32 to vector<16xi32>
    %add3A_2056 = arith.addi %add3A_2055, %iota3A : vector<16xi32>
    %mul3A_2057 = arith.constant 128 : i32
    %mul3A_2058 = vector.broadcast %mul3A_2057 : i32 to vector<16xi32>
    %mul3A_2059 = arith.muli %add3A_2056, %mul3A_2058 : vector<16xi32>
    %add3A_2060 = arith.constant 19 : i32
    %add3A_2061 = vector.broadcast %add3A_2060 : i32 to vector<16xi32>
    %add3A_2062 = arith.addi %mul3A_2059, %add3A_2061 : vector<16xi32>
    %gather3A_2063 = tpu.vector_load_idx %arg5[%add3A_2062] : memref<16384xf32, #tpu.memory_space<vmem>>[vector<16xi32>], vector<16xf32>,
    %convert_element_type3A_2064 = arith.fptosi %gather3A_2063 : vector<16xf32> to vector<16xi32>
    %swap3A_2065 = arith.constant 2528 : index
    %swap3A_2066 = tpu.vector_load %arg6[%swap3A_2065] {strides = array<i32>} : memref<3328xi32, #tpu.memory_space<vmem>>, vector<16xi32>,
    tpu.vector_store %arg6[%swap3A_2065], %convert_element_type3A_2064 {strides = array<i32>} : memref<3328xi32, #tpu.memory_space<vmem>>, vector<16xi32>,
    %add3A_2067 = arith.constant 112 : i32
    %add3A_2068 = vector.broadcast %add3A_2067 : i32 to vector<16xi32>
    %add3A_2069 = arith.addi %add3A_2068, %iota3A : vector<16xi32>
    %mul3A_2070 = arith.constant 128 : i32
    %mul3A_2071 = vector.broadcast %mul3A_2070 : i32 to vector<16xi32>
    %mul3A_2072 = arith.muli %add3A_2069, %mul3A_2071 : vector<16xi32>
    %add3A_2073 = arith.constant 19 : i32
    %add3A_2074 = vector.broadcast %add3A_2073 : i32 to vector<16xi32>
    %add3A_2075 = arith.addi %mul3A_2072, %add3A_2074 : vector<16xi32>
    %gather3A_2076 = tpu.vector_load_idx %arg5[%add3A_2075] : memref<16384xf32, #tpu.memory_space<vmem>>[vector<16xi32>], vector<16xf32>,
    %convert_element_type3A_2077 = arith.fptosi %gather3A_2076 : vector<16xf32> to vector<16xi32>
    %swap3A_2078 = arith.constant 2544 : index
    %swap3A_2079 = tpu.vector_load %arg6[%swap3A_2078] {strides = array<i32>} : memref<3328xi32, #tpu.memory_space<vmem>>, vector<16xi32>,
    tpu.vector_store %arg6[%swap3A_2078], %convert_element_type3A_2077 {strides = array<i32>} : memref<3328xi32, #tpu.memory_space<vmem>>, vector<16xi32>,
    %add3A_2080 = arith.constant 0 : i32
    %add3A_2081 = vector.broadcast %add3A_2080 : i32 to vector<16xi32>
    %add3A_2082 = arith.addi %add3A_2081, %iota3A : vector<16xi32>
    %mul3A_2083 = arith.constant 128 : i32
    %mul3A_2084 = vector.broadcast %mul3A_2083 : i32 to vector<16xi32>
    %mul3A_2085 = arith.muli %add3A_2082, %mul3A_2084 : vector<16xi32>
    %add3A_2086 = arith.constant 20 : i32
    %add3A_2087 = vector.broadcast %add3A_2086 : i32 to vector<16xi32>
    %add3A_2088 = arith.addi %mul3A_2085, %add3A_2087 : vector<16xi32>
    %gather3A_2089 = tpu.vector_load_idx %arg5[%add3A_2088] : memref<16384xf32, #tpu.memory_space<vmem>>[vector<16xi32>], vector<16xf32>,
    %convert_element_type3A_2090 = arith.fptosi %gather3A_2089 : vector<16xf32> to vector<16xi32>
    %swap3A_2091 = arith.constant 2560 : index
    %swap3A_2092 = tpu.vector_load %arg6[%swap3A_2091] {strides = array<i32>} : memref<3328xi32, #tpu.memory_space<vmem>>, vector<16xi32>,
    tpu.vector_store %arg6[%swap3A_2091], %convert_element_type3A_2090 {strides = array<i32>} : memref<3328xi32, #tpu.memory_space<vmem>>, vector<16xi32>,
    %add3A_2093 = arith.constant 16 : i32
    %add3A_2094 = vector.broadcast %add3A_2093 : i32 to vector<16xi32>
    %add3A_2095 = arith.addi %add3A_2094, %iota3A : vector<16xi32>
    %mul3A_2096 = arith.constant 128 : i32
    %mul3A_2097 = vector.broadcast %mul3A_2096 : i32 to vector<16xi32>
    %mul3A_2098 = arith.muli %add3A_2095, %mul3A_2097 : vector<16xi32>
    %add3A_2099 = arith.constant 20 : i32
    %add3A_2100 = vector.broadcast %add3A_2099 : i32 to vector<16xi32>
    %add3A_2101 = arith.addi %mul3A_2098, %add3A_2100 : vector<16xi32>
    %gather3A_2102 = tpu.vector_load_idx %arg5[%add3A_2101] : memref<16384xf32, #tpu.memory_space<vmem>>[vector<16xi32>], vector<16xf32>,
    %convert_element_type3A_2103 = arith.fptosi %gather3A_2102 : vector<16xf32> to vector<16xi32>
    %swap3A_2104 = arith.constant 2576 : index
    %swap3A_2105 = tpu.vector_load %arg6[%swap3A_2104] {strides = array<i32>} : memref<3328xi32, #tpu.memory_space<vmem>>, vector<16xi32>,
    tpu.vector_store %arg6[%swap3A_2104], %convert_element_type3A_2103 {strides = array<i32>} : memref<3328xi32, #tpu.memory_space<vmem>>, vector<16xi32>,
    %add3A_2106 = arith.constant 32 : i32
    %add3A_2107 = vector.broadcast %add3A_2106 : i32 to vector<16xi32>
    %add3A_2108 = arith.addi %add3A_2107, %iota3A : vector<16xi32>
    %mul3A_2109 = arith.constant 128 : i32
    %mul3A_2110 = vector.broadcast %mul3A_2109 : i32 to vector<16xi32>
    %mul3A_2111 = arith.muli %add3A_2108, %mul3A_2110 : vector<16xi32>
    %add3A_2112 = arith.constant 20 : i32
    %add3A_2113 = vector.broadcast %add3A_2112 : i32 to vector<16xi32>
    %add3A_2114 = arith.addi %mul3A_2111, %add3A_2113 : vector<16xi32>
    %gather3A_2115 = tpu.vector_load_idx %arg5[%add3A_2114] : memref<16384xf32, #tpu.memory_space<vmem>>[vector<16xi32>], vector<16xf32>,
    %convert_element_type3A_2116 = arith.fptosi %gather3A_2115 : vector<16xf32> to vector<16xi32>
    %swap3A_2117 = arith.constant 2592 : index
    %swap3A_2118 = tpu.vector_load %arg6[%swap3A_2117] {strides = array<i32>} : memref<3328xi32, #tpu.memory_space<vmem>>, vector<16xi32>,
    tpu.vector_store %arg6[%swap3A_2117], %convert_element_type3A_2116 {strides = array<i32>} : memref<3328xi32, #tpu.memory_space<vmem>>, vector<16xi32>,
    %add3A_2119 = arith.constant 48 : i32
    %add3A_2120 = vector.broadcast %add3A_2119 : i32 to vector<16xi32>
    %add3A_2121 = arith.addi %add3A_2120, %iota3A : vector<16xi32>
    %mul3A_2122 = arith.constant 128 : i32
    %mul3A_2123 = vector.broadcast %mul3A_2122 : i32 to vector<16xi32>
    %mul3A_2124 = arith.muli %add3A_2121, %mul3A_2123 : vector<16xi32>
    %add3A_2125 = arith.constant 20 : i32
    %add3A_2126 = vector.broadcast %add3A_2125 : i32 to vector<16xi32>
    %add3A_2127 = arith.addi %mul3A_2124, %add3A_2126 : vector<16xi32>
    %gather3A_2128 = tpu.vector_load_idx %arg5[%add3A_2127] : memref<16384xf32, #tpu.memory_space<vmem>>[vector<16xi32>], vector<16xf32>,
    %convert_element_type3A_2129 = arith.fptosi %gather3A_2128 : vector<16xf32> to vector<16xi32>
    %swap3A_2130 = arith.constant 2608 : index
    %swap3A_2131 = tpu.vector_load %arg6[%swap3A_2130] {strides = array<i32>} : memref<3328xi32, #tpu.memory_space<vmem>>, vector<16xi32>,
    tpu.vector_store %arg6[%swap3A_2130], %convert_element_type3A_2129 {strides = array<i32>} : memref<3328xi32, #tpu.memory_space<vmem>>, vector<16xi32>,
    %add3A_2132 = arith.constant 64 : i32
    %add3A_2133 = vector.broadcast %add3A_2132 : i32 to vector<16xi32>
    %add3A_2134 = arith.addi %add3A_2133, %iota3A : vector<16xi32>
    %mul3A_2135 = arith.constant 128 : i32
    %mul3A_2136 = vector.broadcast %mul3A_2135 : i32 to vector<16xi32>
    %mul3A_2137 = arith.muli %add3A_2134, %mul3A_2136 : vector<16xi32>
    %add3A_2138 = arith.constant 20 : i32
    %add3A_2139 = vector.broadcast %add3A_2138 : i32 to vector<16xi32>
    %add3A_2140 = arith.addi %mul3A_2137, %add3A_2139 : vector<16xi32>
    %gather3A_2141 = tpu.vector_load_idx %arg5[%add3A_2140] : memref<16384xf32, #tpu.memory_space<vmem>>[vector<16xi32>], vector<16xf32>,
    %convert_element_type3A_2142 = arith.fptosi %gather3A_2141 : vector<16xf32> to vector<16xi32>
    %swap3A_2143 = arith.constant 2624 : index
    %swap3A_2144 = tpu.vector_load %arg6[%swap3A_2143] {strides = array<i32>} : memref<3328xi32, #tpu.memory_space<vmem>>, vector<16xi32>,
    tpu.vector_store %arg6[%swap3A_2143], %convert_element_type3A_2142 {strides = array<i32>} : memref<3328xi32, #tpu.memory_space<vmem>>, vector<16xi32>,
    %add3A_2145 = arith.constant 80 : i32
    %add3A_2146 = vector.broadcast %add3A_2145 : i32 to vector<16xi32>
    %add3A_2147 = arith.addi %add3A_2146, %iota3A : vector<16xi32>
    %mul3A_2148 = arith.constant 128 : i32
    %mul3A_2149 = vector.broadcast %mul3A_2148 : i32 to vector<16xi32>
    %mul3A_2150 = arith.muli %add3A_2147, %mul3A_2149 : vector<16xi32>
    %add3A_2151 = arith.constant 20 : i32
    %add3A_2152 = vector.broadcast %add3A_2151 : i32 to vector<16xi32>
    %add3A_2153 = arith.addi %mul3A_2150, %add3A_2152 : vector<16xi32>
    %gather3A_2154 = tpu.vector_load_idx %arg5[%add3A_2153] : memref<16384xf32, #tpu.memory_space<vmem>>[vector<16xi32>], vector<16xf32>,
    %convert_element_type3A_2155 = arith.fptosi %gather3A_2154 : vector<16xf32> to vector<16xi32>
    %swap3A_2156 = arith.constant 2640 : index
    %swap3A_2157 = tpu.vector_load %arg6[%swap3A_2156] {strides = array<i32>} : memref<3328xi32, #tpu.memory_space<vmem>>, vector<16xi32>,
    tpu.vector_store %arg6[%swap3A_2156], %convert_element_type3A_2155 {strides = array<i32>} : memref<3328xi32, #tpu.memory_space<vmem>>, vector<16xi32>,
    %add3A_2158 = arith.constant 96 : i32
    %add3A_2159 = vector.broadcast %add3A_2158 : i32 to vector<16xi32>
    %add3A_2160 = arith.addi %add3A_2159, %iota3A : vector<16xi32>
    %mul3A_2161 = arith.constant 128 : i32
    %mul3A_2162 = vector.broadcast %mul3A_2161 : i32 to vector<16xi32>
    %mul3A_2163 = arith.muli %add3A_2160, %mul3A_2162 : vector<16xi32>
    %add3A_2164 = arith.constant 20 : i32
    %add3A_2165 = vector.broadcast %add3A_2164 : i32 to vector<16xi32>
    %add3A_2166 = arith.addi %mul3A_2163, %add3A_2165 : vector<16xi32>
    %gather3A_2167 = tpu.vector_load_idx %arg5[%add3A_2166] : memref<16384xf32, #tpu.memory_space<vmem>>[vector<16xi32>], vector<16xf32>,
    %convert_element_type3A_2168 = arith.fptosi %gather3A_2167 : vector<16xf32> to vector<16xi32>
    %swap3A_2169 = arith.constant 2656 : index
    %swap3A_2170 = tpu.vector_load %arg6[%swap3A_2169] {strides = array<i32>} : memref<3328xi32, #tpu.memory_space<vmem>>, vector<16xi32>,
    tpu.vector_store %arg6[%swap3A_2169], %convert_element_type3A_2168 {strides = array<i32>} : memref<3328xi32, #tpu.memory_space<vmem>>, vector<16xi32>,
    %add3A_2171 = arith.constant 112 : i32
    %add3A_2172 = vector.broadcast %add3A_2171 : i32 to vector<16xi32>
    %add3A_2173 = arith.addi %add3A_2172, %iota3A : vector<16xi32>
    %mul3A_2174 = arith.constant 128 : i32
    %mul3A_2175 = vector.broadcast %mul3A_2174 : i32 to vector<16xi32>
    %mul3A_2176 = arith.muli %add3A_2173, %mul3A_2175 : vector<16xi32>
    %add3A_2177 = arith.constant 20 : i32
    %add3A_2178 = vector.broadcast %add3A_2177 : i32 to vector<16xi32>
    %add3A_2179 = arith.addi %mul3A_2176, %add3A_2178 : vector<16xi32>
    %gather3A_2180 = tpu.vector_load_idx %arg5[%add3A_2179] : memref<16384xf32, #tpu.memory_space<vmem>>[vector<16xi32>], vector<16xf32>,
    %convert_element_type3A_2181 = arith.fptosi %gather3A_2180 : vector<16xf32> to vector<16xi32>
    %swap3A_2182 = arith.constant 2672 : index
    %swap3A_2183 = tpu.vector_load %arg6[%swap3A_2182] {strides = array<i32>} : memref<3328xi32, #tpu.memory_space<vmem>>, vector<16xi32>,
    tpu.vector_store %arg6[%swap3A_2182], %convert_element_type3A_2181 {strides = array<i32>} : memref<3328xi32, #tpu.memory_space<vmem>>, vector<16xi32>,
    %add3A_2184 = arith.constant 0 : i32
    %add3A_2185 = vector.broadcast %add3A_2184 : i32 to vector<16xi32>
    %add3A_2186 = arith.addi %add3A_2185, %iota3A : vector<16xi32>
    %mul3A_2187 = arith.constant 128 : i32
    %mul3A_2188 = vector.broadcast %mul3A_2187 : i32 to vector<16xi32>
    %mul3A_2189 = arith.muli %add3A_2186, %mul3A_2188 : vector<16xi32>
    %add3A_2190 = arith.constant 21 : i32
    %add3A_2191 = vector.broadcast %add3A_2190 : i32 to vector<16xi32>
    %add3A_2192 = arith.addi %mul3A_2189, %add3A_2191 : vector<16xi32>
    %gather3A_2193 = tpu.vector_load_idx %arg5[%add3A_2192] : memref<16384xf32, #tpu.memory_space<vmem>>[vector<16xi32>], vector<16xf32>,
    %convert_element_type3A_2194 = arith.fptosi %gather3A_2193 : vector<16xf32> to vector<16xi32>
    %swap3A_2195 = arith.constant 2688 : index
    %swap3A_2196 = tpu.vector_load %arg6[%swap3A_2195] {strides = array<i32>} : memref<3328xi32, #tpu.memory_space<vmem>>, vector<16xi32>,
    tpu.vector_store %arg6[%swap3A_2195], %convert_element_type3A_2194 {strides = array<i32>} : memref<3328xi32, #tpu.memory_space<vmem>>, vector<16xi32>,
    %add3A_2197 = arith.constant 16 : i32
    %add3A_2198 = vector.broadcast %add3A_2197 : i32 to vector<16xi32>
    %add3A_2199 = arith.addi %add3A_2198, %iota3A : vector<16xi32>
    %mul3A_2200 = arith.constant 128 : i32
    %mul3A_2201 = vector.broadcast %mul3A_2200 : i32 to vector<16xi32>
    %mul3A_2202 = arith.muli %add3A_2199, %mul3A_2201 : vector<16xi32>
    %add3A_2203 = arith.constant 21 : i32
    %add3A_2204 = vector.broadcast %add3A_2203 : i32 to vector<16xi32>
    %add3A_2205 = arith.addi %mul3A_2202, %add3A_2204 : vector<16xi32>
    %gather3A_2206 = tpu.vector_load_idx %arg5[%add3A_2205] : memref<16384xf32, #tpu.memory_space<vmem>>[vector<16xi32>], vector<16xf32>,
    %convert_element_type3A_2207 = arith.fptosi %gather3A_2206 : vector<16xf32> to vector<16xi32>
    %swap3A_2208 = arith.constant 2704 : index
    %swap3A_2209 = tpu.vector_load %arg6[%swap3A_2208] {strides = array<i32>} : memref<3328xi32, #tpu.memory_space<vmem>>, vector<16xi32>,
    tpu.vector_store %arg6[%swap3A_2208], %convert_element_type3A_2207 {strides = array<i32>} : memref<3328xi32, #tpu.memory_space<vmem>>, vector<16xi32>,
    %add3A_2210 = arith.constant 32 : i32
    %add3A_2211 = vector.broadcast %add3A_2210 : i32 to vector<16xi32>
    %add3A_2212 = arith.addi %add3A_2211, %iota3A : vector<16xi32>
    %mul3A_2213 = arith.constant 128 : i32
    %mul3A_2214 = vector.broadcast %mul3A_2213 : i32 to vector<16xi32>
    %mul3A_2215 = arith.muli %add3A_2212, %mul3A_2214 : vector<16xi32>
    %add3A_2216 = arith.constant 21 : i32
    %add3A_2217 = vector.broadcast %add3A_2216 : i32 to vector<16xi32>
    %add3A_2218 = arith.addi %mul3A_2215, %add3A_2217 : vector<16xi32>
    %gather3A_2219 = tpu.vector_load_idx %arg5[%add3A_2218] : memref<16384xf32, #tpu.memory_space<vmem>>[vector<16xi32>], vector<16xf32>,
    %convert_element_type3A_2220 = arith.fptosi %gather3A_2219 : vector<16xf32> to vector<16xi32>
    %swap3A_2221 = arith.constant 2720 : index
    %swap3A_2222 = tpu.vector_load %arg6[%swap3A_2221] {strides = array<i32>} : memref<3328xi32, #tpu.memory_space<vmem>>, vector<16xi32>,
    tpu.vector_store %arg6[%swap3A_2221], %convert_element_type3A_2220 {strides = array<i32>} : memref<3328xi32, #tpu.memory_space<vmem>>, vector<16xi32>,
    %add3A_2223 = arith.constant 48 : i32
    %add3A_2224 = vector.broadcast %add3A_2223 : i32 to vector<16xi32>
    %add3A_2225 = arith.addi %add3A_2224, %iota3A : vector<16xi32>
    %mul3A_2226 = arith.constant 128 : i32
    %mul3A_2227 = vector.broadcast %mul3A_2226 : i32 to vector<16xi32>
    %mul3A_2228 = arith.muli %add3A_2225, %mul3A_2227 : vector<16xi32>
    %add3A_2229 = arith.constant 21 : i32
    %add3A_2230 = vector.broadcast %add3A_2229 : i32 to vector<16xi32>
    %add3A_2231 = arith.addi %mul3A_2228, %add3A_2230 : vector<16xi32>
    %gather3A_2232 = tpu.vector_load_idx %arg5[%add3A_2231] : memref<16384xf32, #tpu.memory_space<vmem>>[vector<16xi32>], vector<16xf32>,
    %convert_element_type3A_2233 = arith.fptosi %gather3A_2232 : vector<16xf32> to vector<16xi32>
    %swap3A_2234 = arith.constant 2736 : index
    %swap3A_2235 = tpu.vector_load %arg6[%swap3A_2234] {strides = array<i32>} : memref<3328xi32, #tpu.memory_space<vmem>>, vector<16xi32>,
    tpu.vector_store %arg6[%swap3A_2234], %convert_element_type3A_2233 {strides = array<i32>} : memref<3328xi32, #tpu.memory_space<vmem>>, vector<16xi32>,
    %add3A_2236 = arith.constant 64 : i32
    %add3A_2237 = vector.broadcast %add3A_2236 : i32 to vector<16xi32>
    %add3A_2238 = arith.addi %add3A_2237, %iota3A : vector<16xi32>
    %mul3A_2239 = arith.constant 128 : i32
    %mul3A_2240 = vector.broadcast %mul3A_2239 : i32 to vector<16xi32>
    %mul3A_2241 = arith.muli %add3A_2238, %mul3A_2240 : vector<16xi32>
    %add3A_2242 = arith.constant 21 : i32
    %add3A_2243 = vector.broadcast %add3A_2242 : i32 to vector<16xi32>
    %add3A_2244 = arith.addi %mul3A_2241, %add3A_2243 : vector<16xi32>
    %gather3A_2245 = tpu.vector_load_idx %arg5[%add3A_2244] : memref<16384xf32, #tpu.memory_space<vmem>>[vector<16xi32>], vector<16xf32>,
    %convert_element_type3A_2246 = arith.fptosi %gather3A_2245 : vector<16xf32> to vector<16xi32>
    %swap3A_2247 = arith.constant 2752 : index
    %swap3A_2248 = tpu.vector_load %arg6[%swap3A_2247] {strides = array<i32>} : memref<3328xi32, #tpu.memory_space<vmem>>, vector<16xi32>,
    tpu.vector_store %arg6[%swap3A_2247], %convert_element_type3A_2246 {strides = array<i32>} : memref<3328xi32, #tpu.memory_space<vmem>>, vector<16xi32>,
    %add3A_2249 = arith.constant 80 : i32
    %add3A_2250 = vector.broadcast %add3A_2249 : i32 to vector<16xi32>
    %add3A_2251 = arith.addi %add3A_2250, %iota3A : vector<16xi32>
    %mul3A_2252 = arith.constant 128 : i32
    %mul3A_2253 = vector.broadcast %mul3A_2252 : i32 to vector<16xi32>
    %mul3A_2254 = arith.muli %add3A_2251, %mul3A_2253 : vector<16xi32>
    %add3A_2255 = arith.constant 21 : i32
    %add3A_2256 = vector.broadcast %add3A_2255 : i32 to vector<16xi32>
    %add3A_2257 = arith.addi %mul3A_2254, %add3A_2256 : vector<16xi32>
    %gather3A_2258 = tpu.vector_load_idx %arg5[%add3A_2257] : memref<16384xf32, #tpu.memory_space<vmem>>[vector<16xi32>], vector<16xf32>,
    %convert_element_type3A_2259 = arith.fptosi %gather3A_2258 : vector<16xf32> to vector<16xi32>
    %swap3A_2260 = arith.constant 2768 : index
    %swap3A_2261 = tpu.vector_load %arg6[%swap3A_2260] {strides = array<i32>} : memref<3328xi32, #tpu.memory_space<vmem>>, vector<16xi32>,
    tpu.vector_store %arg6[%swap3A_2260], %convert_element_type3A_2259 {strides = array<i32>} : memref<3328xi32, #tpu.memory_space<vmem>>, vector<16xi32>,
    %add3A_2262 = arith.constant 96 : i32
    %add3A_2263 = vector.broadcast %add3A_2262 : i32 to vector<16xi32>
    %add3A_2264 = arith.addi %add3A_2263, %iota3A : vector<16xi32>
    %mul3A_2265 = arith.constant 128 : i32
    %mul3A_2266 = vector.broadcast %mul3A_2265 : i32 to vector<16xi32>
    %mul3A_2267 = arith.muli %add3A_2264, %mul3A_2266 : vector<16xi32>
    %add3A_2268 = arith.constant 21 : i32
    %add3A_2269 = vector.broadcast %add3A_2268 : i32 to vector<16xi32>
    %add3A_2270 = arith.addi %mul3A_2267, %add3A_2269 : vector<16xi32>
    %gather3A_2271 = tpu.vector_load_idx %arg5[%add3A_2270] : memref<16384xf32, #tpu.memory_space<vmem>>[vector<16xi32>], vector<16xf32>,
    %convert_element_type3A_2272 = arith.fptosi %gather3A_2271 : vector<16xf32> to vector<16xi32>
    %swap3A_2273 = arith.constant 2784 : index
    %swap3A_2274 = tpu.vector_load %arg6[%swap3A_2273] {strides = array<i32>} : memref<3328xi32, #tpu.memory_space<vmem>>, vector<16xi32>,
    tpu.vector_store %arg6[%swap3A_2273], %convert_element_type3A_2272 {strides = array<i32>} : memref<3328xi32, #tpu.memory_space<vmem>>, vector<16xi32>,
    %add3A_2275 = arith.constant 112 : i32
    %add3A_2276 = vector.broadcast %add3A_2275 : i32 to vector<16xi32>
    %add3A_2277 = arith.addi %add3A_2276, %iota3A : vector<16xi32>
    %mul3A_2278 = arith.constant 128 : i32
    %mul3A_2279 = vector.broadcast %mul3A_2278 : i32 to vector<16xi32>
    %mul3A_2280 = arith.muli %add3A_2277, %mul3A_2279 : vector<16xi32>
    %add3A_2281 = arith.constant 21 : i32
    %add3A_2282 = vector.broadcast %add3A_2281 : i32 to vector<16xi32>
    %add3A_2283 = arith.addi %mul3A_2280, %add3A_2282 : vector<16xi32>
    %gather3A_2284 = tpu.vector_load_idx %arg5[%add3A_2283] : memref<16384xf32, #tpu.memory_space<vmem>>[vector<16xi32>], vector<16xf32>,
    %convert_element_type3A_2285 = arith.fptosi %gather3A_2284 : vector<16xf32> to vector<16xi32>
    %swap3A_2286 = arith.constant 2800 : index
    %swap3A_2287 = tpu.vector_load %arg6[%swap3A_2286] {strides = array<i32>} : memref<3328xi32, #tpu.memory_space<vmem>>, vector<16xi32>,
    tpu.vector_store %arg6[%swap3A_2286], %convert_element_type3A_2285 {strides = array<i32>} : memref<3328xi32, #tpu.memory_space<vmem>>, vector<16xi32>,
    %add3A_2288 = arith.constant 0 : i32
    %add3A_2289 = vector.broadcast %add3A_2288 : i32 to vector<16xi32>
    %add3A_2290 = arith.addi %add3A_2289, %iota3A : vector<16xi32>
    %mul3A_2291 = arith.constant 128 : i32
    %mul3A_2292 = vector.broadcast %mul3A_2291 : i32 to vector<16xi32>
    %mul3A_2293 = arith.muli %add3A_2290, %mul3A_2292 : vector<16xi32>
    %add3A_2294 = arith.constant 22 : i32
    %add3A_2295 = vector.broadcast %add3A_2294 : i32 to vector<16xi32>
    %add3A_2296 = arith.addi %mul3A_2293, %add3A_2295 : vector<16xi32>
    %gather3A_2297 = tpu.vector_load_idx %arg5[%add3A_2296] : memref<16384xf32, #tpu.memory_space<vmem>>[vector<16xi32>], vector<16xf32>,
    %convert_element_type3A_2298 = arith.fptosi %gather3A_2297 : vector<16xf32> to vector<16xi32>
    %swap3A_2299 = arith.constant 2816 : index
    %swap3A_2300 = tpu.vector_load %arg6[%swap3A_2299] {strides = array<i32>} : memref<3328xi32, #tpu.memory_space<vmem>>, vector<16xi32>,
    tpu.vector_store %arg6[%swap3A_2299], %convert_element_type3A_2298 {strides = array<i32>} : memref<3328xi32, #tpu.memory_space<vmem>>, vector<16xi32>,
    %add3A_2301 = arith.constant 16 : i32
    %add3A_2302 = vector.broadcast %add3A_2301 : i32 to vector<16xi32>
    %add3A_2303 = arith.addi %add3A_2302, %iota3A : vector<16xi32>
    %mul3A_2304 = arith.constant 128 : i32
    %mul3A_2305 = vector.broadcast %mul3A_2304 : i32 to vector<16xi32>
    %mul3A_2306 = arith.muli %add3A_2303, %mul3A_2305 : vector<16xi32>
    %add3A_2307 = arith.constant 22 : i32
    %add3A_2308 = vector.broadcast %add3A_2307 : i32 to vector<16xi32>
    %add3A_2309 = arith.addi %mul3A_2306, %add3A_2308 : vector<16xi32>
    %gather3A_2310 = tpu.vector_load_idx %arg5[%add3A_2309] : memref<16384xf32, #tpu.memory_space<vmem>>[vector<16xi32>], vector<16xf32>,
    %convert_element_type3A_2311 = arith.fptosi %gather3A_2310 : vector<16xf32> to vector<16xi32>
    %swap3A_2312 = arith.constant 2832 : index
    %swap3A_2313 = tpu.vector_load %arg6[%swap3A_2312] {strides = array<i32>} : memref<3328xi32, #tpu.memory_space<vmem>>, vector<16xi32>,
    tpu.vector_store %arg6[%swap3A_2312], %convert_element_type3A_2311 {strides = array<i32>} : memref<3328xi32, #tpu.memory_space<vmem>>, vector<16xi32>,
    %add3A_2314 = arith.constant 32 : i32
    %add3A_2315 = vector.broadcast %add3A_2314 : i32 to vector<16xi32>
    %add3A_2316 = arith.addi %add3A_2315, %iota3A : vector<16xi32>
    %mul3A_2317 = arith.constant 128 : i32
    %mul3A_2318 = vector.broadcast %mul3A_2317 : i32 to vector<16xi32>
    %mul3A_2319 = arith.muli %add3A_2316, %mul3A_2318 : vector<16xi32>
    %add3A_2320 = arith.constant 22 : i32
    %add3A_2321 = vector.broadcast %add3A_2320 : i32 to vector<16xi32>
    %add3A_2322 = arith.addi %mul3A_2319, %add3A_2321 : vector<16xi32>
    %gather3A_2323 = tpu.vector_load_idx %arg5[%add3A_2322] : memref<16384xf32, #tpu.memory_space<vmem>>[vector<16xi32>], vector<16xf32>,
    %convert_element_type3A_2324 = arith.fptosi %gather3A_2323 : vector<16xf32> to vector<16xi32>
    %swap3A_2325 = arith.constant 2848 : index
    %swap3A_2326 = tpu.vector_load %arg6[%swap3A_2325] {strides = array<i32>} : memref<3328xi32, #tpu.memory_space<vmem>>, vector<16xi32>,
    tpu.vector_store %arg6[%swap3A_2325], %convert_element_type3A_2324 {strides = array<i32>} : memref<3328xi32, #tpu.memory_space<vmem>>, vector<16xi32>,
    %add3A_2327 = arith.constant 48 : i32
    %add3A_2328 = vector.broadcast %add3A_2327 : i32 to vector<16xi32>
    %add3A_2329 = arith.addi %add3A_2328, %iota3A : vector<16xi32>
    %mul3A_2330 = arith.constant 128 : i32
    %mul3A_2331 = vector.broadcast %mul3A_2330 : i32 to vector<16xi32>
    %mul3A_2332 = arith.muli %add3A_2329, %mul3A_2331 : vector<16xi32>
    %add3A_2333 = arith.constant 22 : i32
    %add3A_2334 = vector.broadcast %add3A_2333 : i32 to vector<16xi32>
    %add3A_2335 = arith.addi %mul3A_2332, %add3A_2334 : vector<16xi32>
    %gather3A_2336 = tpu.vector_load_idx %arg5[%add3A_2335] : memref<16384xf32, #tpu.memory_space<vmem>>[vector<16xi32>], vector<16xf32>,
    %convert_element_type3A_2337 = arith.fptosi %gather3A_2336 : vector<16xf32> to vector<16xi32>
    %swap3A_2338 = arith.constant 2864 : index
    %swap3A_2339 = tpu.vector_load %arg6[%swap3A_2338] {strides = array<i32>} : memref<3328xi32, #tpu.memory_space<vmem>>, vector<16xi32>,
    tpu.vector_store %arg6[%swap3A_2338], %convert_element_type3A_2337 {strides = array<i32>} : memref<3328xi32, #tpu.memory_space<vmem>>, vector<16xi32>,
    %add3A_2340 = arith.constant 64 : i32
    %add3A_2341 = vector.broadcast %add3A_2340 : i32 to vector<16xi32>
    %add3A_2342 = arith.addi %add3A_2341, %iota3A : vector<16xi32>
    %mul3A_2343 = arith.constant 128 : i32
    %mul3A_2344 = vector.broadcast %mul3A_2343 : i32 to vector<16xi32>
    %mul3A_2345 = arith.muli %add3A_2342, %mul3A_2344 : vector<16xi32>
    %add3A_2346 = arith.constant 22 : i32
    %add3A_2347 = vector.broadcast %add3A_2346 : i32 to vector<16xi32>
    %add3A_2348 = arith.addi %mul3A_2345, %add3A_2347 : vector<16xi32>
    %gather3A_2349 = tpu.vector_load_idx %arg5[%add3A_2348] : memref<16384xf32, #tpu.memory_space<vmem>>[vector<16xi32>], vector<16xf32>,
    %convert_element_type3A_2350 = arith.fptosi %gather3A_2349 : vector<16xf32> to vector<16xi32>
    %swap3A_2351 = arith.constant 2880 : index
    %swap3A_2352 = tpu.vector_load %arg6[%swap3A_2351] {strides = array<i32>} : memref<3328xi32, #tpu.memory_space<vmem>>, vector<16xi32>,
    tpu.vector_store %arg6[%swap3A_2351], %convert_element_type3A_2350 {strides = array<i32>} : memref<3328xi32, #tpu.memory_space<vmem>>, vector<16xi32>,
    %add3A_2353 = arith.constant 80 : i32
    %add3A_2354 = vector.broadcast %add3A_2353 : i32 to vector<16xi32>
    %add3A_2355 = arith.addi %add3A_2354, %iota3A : vector<16xi32>
    %mul3A_2356 = arith.constant 128 : i32
    %mul3A_2357 = vector.broadcast %mul3A_2356 : i32 to vector<16xi32>
    %mul3A_2358 = arith.muli %add3A_2355, %mul3A_2357 : vector<16xi32>
    %add3A_2359 = arith.constant 22 : i32
    %add3A_2360 = vector.broadcast %add3A_2359 : i32 to vector<16xi32>
    %add3A_2361 = arith.addi %mul3A_2358, %add3A_2360 : vector<16xi32>
    %gather3A_2362 = tpu.vector_load_idx %arg5[%add3A_2361] : memref<16384xf32, #tpu.memory_space<vmem>>[vector<16xi32>], vector<16xf32>,
    %convert_element_type3A_2363 = arith.fptosi %gather3A_2362 : vector<16xf32> to vector<16xi32>
    %swap3A_2364 = arith.constant 2896 : index
    %swap3A_2365 = tpu.vector_load %arg6[%swap3A_2364] {strides = array<i32>} : memref<3328xi32, #tpu.memory_space<vmem>>, vector<16xi32>,
    tpu.vector_store %arg6[%swap3A_2364], %convert_element_type3A_2363 {strides = array<i32>} : memref<3328xi32, #tpu.memory_space<vmem>>, vector<16xi32>,
    %add3A_2366 = arith.constant 96 : i32
    %add3A_2367 = vector.broadcast %add3A_2366 : i32 to vector<16xi32>
    %add3A_2368 = arith.addi %add3A_2367, %iota3A : vector<16xi32>
    %mul3A_2369 = arith.constant 128 : i32
    %mul3A_2370 = vector.broadcast %mul3A_2369 : i32 to vector<16xi32>
    %mul3A_2371 = arith.muli %add3A_2368, %mul3A_2370 : vector<16xi32>
    %add3A_2372 = arith.constant 22 : i32
    %add3A_2373 = vector.broadcast %add3A_2372 : i32 to vector<16xi32>
    %add3A_2374 = arith.addi %mul3A_2371, %add3A_2373 : vector<16xi32>
    %gather3A_2375 = tpu.vector_load_idx %arg5[%add3A_2374] : memref<16384xf32, #tpu.memory_space<vmem>>[vector<16xi32>], vector<16xf32>,
    %convert_element_type3A_2376 = arith.fptosi %gather3A_2375 : vector<16xf32> to vector<16xi32>
    %swap3A_2377 = arith.constant 2912 : index
    %swap3A_2378 = tpu.vector_load %arg6[%swap3A_2377] {strides = array<i32>} : memref<3328xi32, #tpu.memory_space<vmem>>, vector<16xi32>,
    tpu.vector_store %arg6[%swap3A_2377], %convert_element_type3A_2376 {strides = array<i32>} : memref<3328xi32, #tpu.memory_space<vmem>>, vector<16xi32>,
    %add3A_2379 = arith.constant 112 : i32
    %add3A_2380 = vector.broadcast %add3A_2379 : i32 to vector<16xi32>
    %add3A_2381 = arith.addi %add3A_2380, %iota3A : vector<16xi32>
    %mul3A_2382 = arith.constant 128 : i32
    %mul3A_2383 = vector.broadcast %mul3A_2382 : i32 to vector<16xi32>
    %mul3A_2384 = arith.muli %add3A_2381, %mul3A_2383 : vector<16xi32>
    %add3A_2385 = arith.constant 22 : i32
    %add3A_2386 = vector.broadcast %add3A_2385 : i32 to vector<16xi32>
    %add3A_2387 = arith.addi %mul3A_2384, %add3A_2386 : vector<16xi32>
    %gather3A_2388 = tpu.vector_load_idx %arg5[%add3A_2387] : memref<16384xf32, #tpu.memory_space<vmem>>[vector<16xi32>], vector<16xf32>,
    %convert_element_type3A_2389 = arith.fptosi %gather3A_2388 : vector<16xf32> to vector<16xi32>
    %swap3A_2390 = arith.constant 2928 : index
    %swap3A_2391 = tpu.vector_load %arg6[%swap3A_2390] {strides = array<i32>} : memref<3328xi32, #tpu.memory_space<vmem>>, vector<16xi32>,
    tpu.vector_store %arg6[%swap3A_2390], %convert_element_type3A_2389 {strides = array<i32>} : memref<3328xi32, #tpu.memory_space<vmem>>, vector<16xi32>,
    %add3A_2392 = arith.constant 0 : i32
    %add3A_2393 = vector.broadcast %add3A_2392 : i32 to vector<16xi32>
    %add3A_2394 = arith.addi %add3A_2393, %iota3A : vector<16xi32>
    %mul3A_2395 = arith.constant 128 : i32
    %mul3A_2396 = vector.broadcast %mul3A_2395 : i32 to vector<16xi32>
    %mul3A_2397 = arith.muli %add3A_2394, %mul3A_2396 : vector<16xi32>
    %add3A_2398 = arith.constant 23 : i32
    %add3A_2399 = vector.broadcast %add3A_2398 : i32 to vector<16xi32>
    %add3A_2400 = arith.addi %mul3A_2397, %add3A_2399 : vector<16xi32>
    %gather3A_2401 = tpu.vector_load_idx %arg5[%add3A_2400] : memref<16384xf32, #tpu.memory_space<vmem>>[vector<16xi32>], vector<16xf32>,
    %convert_element_type3A_2402 = arith.fptosi %gather3A_2401 : vector<16xf32> to vector<16xi32>
    %swap3A_2403 = arith.constant 2944 : index
    %swap3A_2404 = tpu.vector_load %arg6[%swap3A_2403] {strides = array<i32>} : memref<3328xi32, #tpu.memory_space<vmem>>, vector<16xi32>,
    tpu.vector_store %arg6[%swap3A_2403], %convert_element_type3A_2402 {strides = array<i32>} : memref<3328xi32, #tpu.memory_space<vmem>>, vector<16xi32>,
    %add3A_2405 = arith.constant 16 : i32
    %add3A_2406 = vector.broadcast %add3A_2405 : i32 to vector<16xi32>
    %add3A_2407 = arith.addi %add3A_2406, %iota3A : vector<16xi32>
    %mul3A_2408 = arith.constant 128 : i32
    %mul3A_2409 = vector.broadcast %mul3A_2408 : i32 to vector<16xi32>
    %mul3A_2410 = arith.muli %add3A_2407, %mul3A_2409 : vector<16xi32>
    %add3A_2411 = arith.constant 23 : i32
    %add3A_2412 = vector.broadcast %add3A_2411 : i32 to vector<16xi32>
    %add3A_2413 = arith.addi %mul3A_2410, %add3A_2412 : vector<16xi32>
    %gather3A_2414 = tpu.vector_load_idx %arg5[%add3A_2413] : memref<16384xf32, #tpu.memory_space<vmem>>[vector<16xi32>], vector<16xf32>,
    %convert_element_type3A_2415 = arith.fptosi %gather3A_2414 : vector<16xf32> to vector<16xi32>
    %swap3A_2416 = arith.constant 2960 : index
    %swap3A_2417 = tpu.vector_load %arg6[%swap3A_2416] {strides = array<i32>} : memref<3328xi32, #tpu.memory_space<vmem>>, vector<16xi32>,
    tpu.vector_store %arg6[%swap3A_2416], %convert_element_type3A_2415 {strides = array<i32>} : memref<3328xi32, #tpu.memory_space<vmem>>, vector<16xi32>,
    %add3A_2418 = arith.constant 32 : i32
    %add3A_2419 = vector.broadcast %add3A_2418 : i32 to vector<16xi32>
    %add3A_2420 = arith.addi %add3A_2419, %iota3A : vector<16xi32>
    %mul3A_2421 = arith.constant 128 : i32
    %mul3A_2422 = vector.broadcast %mul3A_2421 : i32 to vector<16xi32>
    %mul3A_2423 = arith.muli %add3A_2420, %mul3A_2422 : vector<16xi32>
    %add3A_2424 = arith.constant 23 : i32
    %add3A_2425 = vector.broadcast %add3A_2424 : i32 to vector<16xi32>
    %add3A_2426 = arith.addi %mul3A_2423, %add3A_2425 : vector<16xi32>
    %gather3A_2427 = tpu.vector_load_idx %arg5[%add3A_2426] : memref<16384xf32, #tpu.memory_space<vmem>>[vector<16xi32>], vector<16xf32>,
    %convert_element_type3A_2428 = arith.fptosi %gather3A_2427 : vector<16xf32> to vector<16xi32>
    %swap3A_2429 = arith.constant 2976 : index
    %swap3A_2430 = tpu.vector_load %arg6[%swap3A_2429] {strides = array<i32>} : memref<3328xi32, #tpu.memory_space<vmem>>, vector<16xi32>,
    tpu.vector_store %arg6[%swap3A_2429], %convert_element_type3A_2428 {strides = array<i32>} : memref<3328xi32, #tpu.memory_space<vmem>>, vector<16xi32>,
    %add3A_2431 = arith.constant 48 : i32
    %add3A_2432 = vector.broadcast %add3A_2431 : i32 to vector<16xi32>
    %add3A_2433 = arith.addi %add3A_2432, %iota3A : vector<16xi32>
    %mul3A_2434 = arith.constant 128 : i32
    %mul3A_2435 = vector.broadcast %mul3A_2434 : i32 to vector<16xi32>
    %mul3A_2436 = arith.muli %add3A_2433, %mul3A_2435 : vector<16xi32>
    %add3A_2437 = arith.constant 23 : i32
    %add3A_2438 = vector.broadcast %add3A_2437 : i32 to vector<16xi32>
    %add3A_2439 = arith.addi %mul3A_2436, %add3A_2438 : vector<16xi32>
    %gather3A_2440 = tpu.vector_load_idx %arg5[%add3A_2439] : memref<16384xf32, #tpu.memory_space<vmem>>[vector<16xi32>], vector<16xf32>,
    %convert_element_type3A_2441 = arith.fptosi %gather3A_2440 : vector<16xf32> to vector<16xi32>
    %swap3A_2442 = arith.constant 2992 : index
    %swap3A_2443 = tpu.vector_load %arg6[%swap3A_2442] {strides = array<i32>} : memref<3328xi32, #tpu.memory_space<vmem>>, vector<16xi32>,
    tpu.vector_store %arg6[%swap3A_2442], %convert_element_type3A_2441 {strides = array<i32>} : memref<3328xi32, #tpu.memory_space<vmem>>, vector<16xi32>,
    %add3A_2444 = arith.constant 64 : i32
    %add3A_2445 = vector.broadcast %add3A_2444 : i32 to vector<16xi32>
    %add3A_2446 = arith.addi %add3A_2445, %iota3A : vector<16xi32>
    %mul3A_2447 = arith.constant 128 : i32
    %mul3A_2448 = vector.broadcast %mul3A_2447 : i32 to vector<16xi32>
    %mul3A_2449 = arith.muli %add3A_2446, %mul3A_2448 : vector<16xi32>
    %add3A_2450 = arith.constant 23 : i32
    %add3A_2451 = vector.broadcast %add3A_2450 : i32 to vector<16xi32>
    %add3A_2452 = arith.addi %mul3A_2449, %add3A_2451 : vector<16xi32>
    %gather3A_2453 = tpu.vector_load_idx %arg5[%add3A_2452] : memref<16384xf32, #tpu.memory_space<vmem>>[vector<16xi32>], vector<16xf32>,
    %convert_element_type3A_2454 = arith.fptosi %gather3A_2453 : vector<16xf32> to vector<16xi32>
    %swap3A_2455 = arith.constant 3008 : index
    %swap3A_2456 = tpu.vector_load %arg6[%swap3A_2455] {strides = array<i32>} : memref<3328xi32, #tpu.memory_space<vmem>>, vector<16xi32>,
    tpu.vector_store %arg6[%swap3A_2455], %convert_element_type3A_2454 {strides = array<i32>} : memref<3328xi32, #tpu.memory_space<vmem>>, vector<16xi32>,
    %add3A_2457 = arith.constant 80 : i32
    %add3A_2458 = vector.broadcast %add3A_2457 : i32 to vector<16xi32>
    %add3A_2459 = arith.addi %add3A_2458, %iota3A : vector<16xi32>
    %mul3A_2460 = arith.constant 128 : i32
    %mul3A_2461 = vector.broadcast %mul3A_2460 : i32 to vector<16xi32>
    %mul3A_2462 = arith.muli %add3A_2459, %mul3A_2461 : vector<16xi32>
    %add3A_2463 = arith.constant 23 : i32
    %add3A_2464 = vector.broadcast %add3A_2463 : i32 to vector<16xi32>
    %add3A_2465 = arith.addi %mul3A_2462, %add3A_2464 : vector<16xi32>
    %gather3A_2466 = tpu.vector_load_idx %arg5[%add3A_2465] : memref<16384xf32, #tpu.memory_space<vmem>>[vector<16xi32>], vector<16xf32>,
    %convert_element_type3A_2467 = arith.fptosi %gather3A_2466 : vector<16xf32> to vector<16xi32>
    %swap3A_2468 = arith.constant 3024 : index
    %swap3A_2469 = tpu.vector_load %arg6[%swap3A_2468] {strides = array<i32>} : memref<3328xi32, #tpu.memory_space<vmem>>, vector<16xi32>,
    tpu.vector_store %arg6[%swap3A_2468], %convert_element_type3A_2467 {strides = array<i32>} : memref<3328xi32, #tpu.memory_space<vmem>>, vector<16xi32>,
    %add3A_2470 = arith.constant 96 : i32
    %add3A_2471 = vector.broadcast %add3A_2470 : i32 to vector<16xi32>
    %add3A_2472 = arith.addi %add3A_2471, %iota3A : vector<16xi32>
    %mul3A_2473 = arith.constant 128 : i32
    %mul3A_2474 = vector.broadcast %mul3A_2473 : i32 to vector<16xi32>
    %mul3A_2475 = arith.muli %add3A_2472, %mul3A_2474 : vector<16xi32>
    %add3A_2476 = arith.constant 23 : i32
    %add3A_2477 = vector.broadcast %add3A_2476 : i32 to vector<16xi32>
    %add3A_2478 = arith.addi %mul3A_2475, %add3A_2477 : vector<16xi32>
    %gather3A_2479 = tpu.vector_load_idx %arg5[%add3A_2478] : memref<16384xf32, #tpu.memory_space<vmem>>[vector<16xi32>], vector<16xf32>,
    %convert_element_type3A_2480 = arith.fptosi %gather3A_2479 : vector<16xf32> to vector<16xi32>
    %swap3A_2481 = arith.constant 3040 : index
    %swap3A_2482 = tpu.vector_load %arg6[%swap3A_2481] {strides = array<i32>} : memref<3328xi32, #tpu.memory_space<vmem>>, vector<16xi32>,
    tpu.vector_store %arg6[%swap3A_2481], %convert_element_type3A_2480 {strides = array<i32>} : memref<3328xi32, #tpu.memory_space<vmem>>, vector<16xi32>,
    %add3A_2483 = arith.constant 112 : i32
    %add3A_2484 = vector.broadcast %add3A_2483 : i32 to vector<16xi32>
    %add3A_2485 = arith.addi %add3A_2484, %iota3A : vector<16xi32>
    %mul3A_2486 = arith.constant 128 : i32
    %mul3A_2487 = vector.broadcast %mul3A_2486 : i32 to vector<16xi32>
    %mul3A_2488 = arith.muli %add3A_2485, %mul3A_2487 : vector<16xi32>
    %add3A_2489 = arith.constant 23 : i32
    %add3A_2490 = vector.broadcast %add3A_2489 : i32 to vector<16xi32>
    %add3A_2491 = arith.addi %mul3A_2488, %add3A_2490 : vector<16xi32>
    %gather3A_2492 = tpu.vector_load_idx %arg5[%add3A_2491] : memref<16384xf32, #tpu.memory_space<vmem>>[vector<16xi32>], vector<16xf32>,
    %convert_element_type3A_2493 = arith.fptosi %gather3A_2492 : vector<16xf32> to vector<16xi32>
    %swap3A_2494 = arith.constant 3056 : index
    %swap3A_2495 = tpu.vector_load %arg6[%swap3A_2494] {strides = array<i32>} : memref<3328xi32, #tpu.memory_space<vmem>>, vector<16xi32>,
    tpu.vector_store %arg6[%swap3A_2494], %convert_element_type3A_2493 {strides = array<i32>} : memref<3328xi32, #tpu.memory_space<vmem>>, vector<16xi32>,
    %add3A_2496 = arith.constant 0 : i32
    %add3A_2497 = vector.broadcast %add3A_2496 : i32 to vector<16xi32>
    %add3A_2498 = arith.addi %add3A_2497, %iota3A : vector<16xi32>
    %mul3A_2499 = arith.constant 128 : i32
    %mul3A_2500 = vector.broadcast %mul3A_2499 : i32 to vector<16xi32>
    %mul3A_2501 = arith.muli %add3A_2498, %mul3A_2500 : vector<16xi32>
    %add3A_2502 = arith.constant 24 : i32
    %add3A_2503 = vector.broadcast %add3A_2502 : i32 to vector<16xi32>
    %add3A_2504 = arith.addi %mul3A_2501, %add3A_2503 : vector<16xi32>
    %gather3A_2505 = tpu.vector_load_idx %arg5[%add3A_2504] : memref<16384xf32, #tpu.memory_space<vmem>>[vector<16xi32>], vector<16xf32>,
    %convert_element_type3A_2506 = arith.fptosi %gather3A_2505 : vector<16xf32> to vector<16xi32>
    %swap3A_2507 = arith.constant 3072 : index
    %swap3A_2508 = tpu.vector_load %arg6[%swap3A_2507] {strides = array<i32>} : memref<3328xi32, #tpu.memory_space<vmem>>, vector<16xi32>,
    tpu.vector_store %arg6[%swap3A_2507], %convert_element_type3A_2506 {strides = array<i32>} : memref<3328xi32, #tpu.memory_space<vmem>>, vector<16xi32>,
    %add3A_2509 = arith.constant 16 : i32
    %add3A_2510 = vector.broadcast %add3A_2509 : i32 to vector<16xi32>
    %add3A_2511 = arith.addi %add3A_2510, %iota3A : vector<16xi32>
    %mul3A_2512 = arith.constant 128 : i32
    %mul3A_2513 = vector.broadcast %mul3A_2512 : i32 to vector<16xi32>
    %mul3A_2514 = arith.muli %add3A_2511, %mul3A_2513 : vector<16xi32>
    %add3A_2515 = arith.constant 24 : i32
    %add3A_2516 = vector.broadcast %add3A_2515 : i32 to vector<16xi32>
    %add3A_2517 = arith.addi %mul3A_2514, %add3A_2516 : vector<16xi32>
    %gather3A_2518 = tpu.vector_load_idx %arg5[%add3A_2517] : memref<16384xf32, #tpu.memory_space<vmem>>[vector<16xi32>], vector<16xf32>,
    %convert_element_type3A_2519 = arith.fptosi %gather3A_2518 : vector<16xf32> to vector<16xi32>
    %swap3A_2520 = arith.constant 3088 : index
    %swap3A_2521 = tpu.vector_load %arg6[%swap3A_2520] {strides = array<i32>} : memref<3328xi32, #tpu.memory_space<vmem>>, vector<16xi32>,
    tpu.vector_store %arg6[%swap3A_2520], %convert_element_type3A_2519 {strides = array<i32>} : memref<3328xi32, #tpu.memory_space<vmem>>, vector<16xi32>,
    %add3A_2522 = arith.constant 32 : i32
    %add3A_2523 = vector.broadcast %add3A_2522 : i32 to vector<16xi32>
    %add3A_2524 = arith.addi %add3A_2523, %iota3A : vector<16xi32>
    %mul3A_2525 = arith.constant 128 : i32
    %mul3A_2526 = vector.broadcast %mul3A_2525 : i32 to vector<16xi32>
    %mul3A_2527 = arith.muli %add3A_2524, %mul3A_2526 : vector<16xi32>
    %add3A_2528 = arith.constant 24 : i32
    %add3A_2529 = vector.broadcast %add3A_2528 : i32 to vector<16xi32>
    %add3A_2530 = arith.addi %mul3A_2527, %add3A_2529 : vector<16xi32>
    %gather3A_2531 = tpu.vector_load_idx %arg5[%add3A_2530] : memref<16384xf32, #tpu.memory_space<vmem>>[vector<16xi32>], vector<16xf32>,
    %convert_element_type3A_2532 = arith.fptosi %gather3A_2531 : vector<16xf32> to vector<16xi32>
    %swap3A_2533 = arith.constant 3104 : index
    %swap3A_2534 = tpu.vector_load %arg6[%swap3A_2533] {strides = array<i32>} : memref<3328xi32, #tpu.memory_space<vmem>>, vector<16xi32>,
    tpu.vector_store %arg6[%swap3A_2533], %convert_element_type3A_2532 {strides = array<i32>} : memref<3328xi32, #tpu.memory_space<vmem>>, vector<16xi32>,
    %add3A_2535 = arith.constant 48 : i32
    %add3A_2536 = vector.broadcast %add3A_2535 : i32 to vector<16xi32>
    %add3A_2537 = arith.addi %add3A_2536, %iota3A : vector<16xi32>
    %mul3A_2538 = arith.constant 128 : i32
    %mul3A_2539 = vector.broadcast %mul3A_2538 : i32 to vector<16xi32>
    %mul3A_2540 = arith.muli %add3A_2537, %mul3A_2539 : vector<16xi32>
    %add3A_2541 = arith.constant 24 : i32
    %add3A_2542 = vector.broadcast %add3A_2541 : i32 to vector<16xi32>
    %add3A_2543 = arith.addi %mul3A_2540, %add3A_2542 : vector<16xi32>
    %gather3A_2544 = tpu.vector_load_idx %arg5[%add3A_2543] : memref<16384xf32, #tpu.memory_space<vmem>>[vector<16xi32>], vector<16xf32>,
    %convert_element_type3A_2545 = arith.fptosi %gather3A_2544 : vector<16xf32> to vector<16xi32>
    %swap3A_2546 = arith.constant 3120 : index
    %swap3A_2547 = tpu.vector_load %arg6[%swap3A_2546] {strides = array<i32>} : memref<3328xi32, #tpu.memory_space<vmem>>, vector<16xi32>,
    tpu.vector_store %arg6[%swap3A_2546], %convert_element_type3A_2545 {strides = array<i32>} : memref<3328xi32, #tpu.memory_space<vmem>>, vector<16xi32>,
    %add3A_2548 = arith.constant 64 : i32
    %add3A_2549 = vector.broadcast %add3A_2548 : i32 to vector<16xi32>
    %add3A_2550 = arith.addi %add3A_2549, %iota3A : vector<16xi32>
    %mul3A_2551 = arith.constant 128 : i32
    %mul3A_2552 = vector.broadcast %mul3A_2551 : i32 to vector<16xi32>
    %mul3A_2553 = arith.muli %add3A_2550, %mul3A_2552 : vector<16xi32>
    %add3A_2554 = arith.constant 24 : i32
    %add3A_2555 = vector.broadcast %add3A_2554 : i32 to vector<16xi32>
    %add3A_2556 = arith.addi %mul3A_2553, %add3A_2555 : vector<16xi32>
    %gather3A_2557 = tpu.vector_load_idx %arg5[%add3A_2556] : memref<16384xf32, #tpu.memory_space<vmem>>[vector<16xi32>], vector<16xf32>,
    %convert_element_type3A_2558 = arith.fptosi %gather3A_2557 : vector<16xf32> to vector<16xi32>
    %swap3A_2559 = arith.constant 3136 : index
    %swap3A_2560 = tpu.vector_load %arg6[%swap3A_2559] {strides = array<i32>} : memref<3328xi32, #tpu.memory_space<vmem>>, vector<16xi32>,
    tpu.vector_store %arg6[%swap3A_2559], %convert_element_type3A_2558 {strides = array<i32>} : memref<3328xi32, #tpu.memory_space<vmem>>, vector<16xi32>,
    %add3A_2561 = arith.constant 80 : i32
    %add3A_2562 = vector.broadcast %add3A_2561 : i32 to vector<16xi32>
    %add3A_2563 = arith.addi %add3A_2562, %iota3A : vector<16xi32>
    %mul3A_2564 = arith.constant 128 : i32
    %mul3A_2565 = vector.broadcast %mul3A_2564 : i32 to vector<16xi32>
    %mul3A_2566 = arith.muli %add3A_2563, %mul3A_2565 : vector<16xi32>
    %add3A_2567 = arith.constant 24 : i32
    %add3A_2568 = vector.broadcast %add3A_2567 : i32 to vector<16xi32>
    %add3A_2569 = arith.addi %mul3A_2566, %add3A_2568 : vector<16xi32>
    %gather3A_2570 = tpu.vector_load_idx %arg5[%add3A_2569] : memref<16384xf32, #tpu.memory_space<vmem>>[vector<16xi32>], vector<16xf32>,
    %convert_element_type3A_2571 = arith.fptosi %gather3A_2570 : vector<16xf32> to vector<16xi32>
    %swap3A_2572 = arith.constant 3152 : index
    %swap3A_2573 = tpu.vector_load %arg6[%swap3A_2572] {strides = array<i32>} : memref<3328xi32, #tpu.memory_space<vmem>>, vector<16xi32>,
    tpu.vector_store %arg6[%swap3A_2572], %convert_element_type3A_2571 {strides = array<i32>} : memref<3328xi32, #tpu.memory_space<vmem>>, vector<16xi32>,
    %add3A_2574 = arith.constant 96 : i32
    %add3A_2575 = vector.broadcast %add3A_2574 : i32 to vector<16xi32>
    %add3A_2576 = arith.addi %add3A_2575, %iota3A : vector<16xi32>
    %mul3A_2577 = arith.constant 128 : i32
    %mul3A_2578 = vector.broadcast %mul3A_2577 : i32 to vector<16xi32>
    %mul3A_2579 = arith.muli %add3A_2576, %mul3A_2578 : vector<16xi32>
    %add3A_2580 = arith.constant 24 : i32
    %add3A_2581 = vector.broadcast %add3A_2580 : i32 to vector<16xi32>
    %add3A_2582 = arith.addi %mul3A_2579, %add3A_2581 : vector<16xi32>
    %gather3A_2583 = tpu.vector_load_idx %arg5[%add3A_2582] : memref<16384xf32, #tpu.memory_space<vmem>>[vector<16xi32>], vector<16xf32>,
    %convert_element_type3A_2584 = arith.fptosi %gather3A_2583 : vector<16xf32> to vector<16xi32>
    %swap3A_2585 = arith.constant 3168 : index
    %swap3A_2586 = tpu.vector_load %arg6[%swap3A_2585] {strides = array<i32>} : memref<3328xi32, #tpu.memory_space<vmem>>, vector<16xi32>,
    tpu.vector_store %arg6[%swap3A_2585], %convert_element_type3A_2584 {strides = array<i32>} : memref<3328xi32, #tpu.memory_space<vmem>>, vector<16xi32>,
    %add3A_2587 = arith.constant 112 : i32
    %add3A_2588 = vector.broadcast %add3A_2587 : i32 to vector<16xi32>
    %add3A_2589 = arith.addi %add3A_2588, %iota3A : vector<16xi32>
    %mul3A_2590 = arith.constant 128 : i32
    %mul3A_2591 = vector.broadcast %mul3A_2590 : i32 to vector<16xi32>
    %mul3A_2592 = arith.muli %add3A_2589, %mul3A_2591 : vector<16xi32>
    %add3A_2593 = arith.constant 24 : i32
    %add3A_2594 = vector.broadcast %add3A_2593 : i32 to vector<16xi32>
    %add3A_2595 = arith.addi %mul3A_2592, %add3A_2594 : vector<16xi32>
    %gather3A_2596 = tpu.vector_load_idx %arg5[%add3A_2595] : memref<16384xf32, #tpu.memory_space<vmem>>[vector<16xi32>], vector<16xf32>,
    %convert_element_type3A_2597 = arith.fptosi %gather3A_2596 : vector<16xf32> to vector<16xi32>
    %swap3A_2598 = arith.constant 3184 : index
    %swap3A_2599 = tpu.vector_load %arg6[%swap3A_2598] {strides = array<i32>} : memref<3328xi32, #tpu.memory_space<vmem>>, vector<16xi32>,
    tpu.vector_store %arg6[%swap3A_2598], %convert_element_type3A_2597 {strides = array<i32>} : memref<3328xi32, #tpu.memory_space<vmem>>, vector<16xi32>,
    %add3A_2600 = arith.constant 0 : i32
    %add3A_2601 = vector.broadcast %add3A_2600 : i32 to vector<16xi32>
    %add3A_2602 = arith.addi %add3A_2601, %iota3A : vector<16xi32>
    %mul3A_2603 = arith.constant 128 : i32
    %mul3A_2604 = vector.broadcast %mul3A_2603 : i32 to vector<16xi32>
    %mul3A_2605 = arith.muli %add3A_2602, %mul3A_2604 : vector<16xi32>
    %add3A_2606 = arith.constant 25 : i32
    %add3A_2607 = vector.broadcast %add3A_2606 : i32 to vector<16xi32>
    %add3A_2608 = arith.addi %mul3A_2605, %add3A_2607 : vector<16xi32>
    %gather3A_2609 = tpu.vector_load_idx %arg5[%add3A_2608] : memref<16384xf32, #tpu.memory_space<vmem>>[vector<16xi32>], vector<16xf32>,
    %convert_element_type3A_2610 = arith.fptosi %gather3A_2609 : vector<16xf32> to vector<16xi32>
    %swap3A_2611 = arith.constant 3200 : index
    %swap3A_2612 = tpu.vector_load %arg6[%swap3A_2611] {strides = array<i32>} : memref<3328xi32, #tpu.memory_space<vmem>>, vector<16xi32>,
    tpu.vector_store %arg6[%swap3A_2611], %convert_element_type3A_2610 {strides = array<i32>} : memref<3328xi32, #tpu.memory_space<vmem>>, vector<16xi32>,
    %add3A_2613 = arith.constant 16 : i32
    %add3A_2614 = vector.broadcast %add3A_2613 : i32 to vector<16xi32>
    %add3A_2615 = arith.addi %add3A_2614, %iota3A : vector<16xi32>
    %mul3A_2616 = arith.constant 128 : i32
    %mul3A_2617 = vector.broadcast %mul3A_2616 : i32 to vector<16xi32>
    %mul3A_2618 = arith.muli %add3A_2615, %mul3A_2617 : vector<16xi32>
    %add3A_2619 = arith.constant 25 : i32
    %add3A_2620 = vector.broadcast %add3A_2619 : i32 to vector<16xi32>
    %add3A_2621 = arith.addi %mul3A_2618, %add3A_2620 : vector<16xi32>
    %gather3A_2622 = tpu.vector_load_idx %arg5[%add3A_2621] : memref<16384xf32, #tpu.memory_space<vmem>>[vector<16xi32>], vector<16xf32>,
    %convert_element_type3A_2623 = arith.fptosi %gather3A_2622 : vector<16xf32> to vector<16xi32>
    %swap3A_2624 = arith.constant 3216 : index
    %swap3A_2625 = tpu.vector_load %arg6[%swap3A_2624] {strides = array<i32>} : memref<3328xi32, #tpu.memory_space<vmem>>, vector<16xi32>,
    tpu.vector_store %arg6[%swap3A_2624], %convert_element_type3A_2623 {strides = array<i32>} : memref<3328xi32, #tpu.memory_space<vmem>>, vector<16xi32>,
    %add3A_2626 = arith.constant 32 : i32
    %add3A_2627 = vector.broadcast %add3A_2626 : i32 to vector<16xi32>
    %add3A_2628 = arith.addi %add3A_2627, %iota3A : vector<16xi32>
    %mul3A_2629 = arith.constant 128 : i32
    %mul3A_2630 = vector.broadcast %mul3A_2629 : i32 to vector<16xi32>
    %mul3A_2631 = arith.muli %add3A_2628, %mul3A_2630 : vector<16xi32>
    %add3A_2632 = arith.constant 25 : i32
    %add3A_2633 = vector.broadcast %add3A_2632 : i32 to vector<16xi32>
    %add3A_2634 = arith.addi %mul3A_2631, %add3A_2633 : vector<16xi32>
    %gather3A_2635 = tpu.vector_load_idx %arg5[%add3A_2634] : memref<16384xf32, #tpu.memory_space<vmem>>[vector<16xi32>], vector<16xf32>,
    %convert_element_type3A_2636 = arith.fptosi %gather3A_2635 : vector<16xf32> to vector<16xi32>
    %swap3A_2637 = arith.constant 3232 : index
    %swap3A_2638 = tpu.vector_load %arg6[%swap3A_2637] {strides = array<i32>} : memref<3328xi32, #tpu.memory_space<vmem>>, vector<16xi32>,
    tpu.vector_store %arg6[%swap3A_2637], %convert_element_type3A_2636 {strides = array<i32>} : memref<3328xi32, #tpu.memory_space<vmem>>, vector<16xi32>,
    %add3A_2639 = arith.constant 48 : i32
    %add3A_2640 = vector.broadcast %add3A_2639 : i32 to vector<16xi32>
    %add3A_2641 = arith.addi %add3A_2640, %iota3A : vector<16xi32>
    %mul3A_2642 = arith.constant 128 : i32
    %mul3A_2643 = vector.broadcast %mul3A_2642 : i32 to vector<16xi32>
    %mul3A_2644 = arith.muli %add3A_2641, %mul3A_2643 : vector<16xi32>
    %add3A_2645 = arith.constant 25 : i32
    %add3A_2646 = vector.broadcast %add3A_2645 : i32 to vector<16xi32>
    %add3A_2647 = arith.addi %mul3A_2644, %add3A_2646 : vector<16xi32>
    %gather3A_2648 = tpu.vector_load_idx %arg5[%add3A_2647] : memref<16384xf32, #tpu.memory_space<vmem>>[vector<16xi32>], vector<16xf32>,
    %convert_element_type3A_2649 = arith.fptosi %gather3A_2648 : vector<16xf32> to vector<16xi32>
    %swap3A_2650 = arith.constant 3248 : index
    %swap3A_2651 = tpu.vector_load %arg6[%swap3A_2650] {strides = array<i32>} : memref<3328xi32, #tpu.memory_space<vmem>>, vector<16xi32>,
    tpu.vector_store %arg6[%swap3A_2650], %convert_element_type3A_2649 {strides = array<i32>} : memref<3328xi32, #tpu.memory_space<vmem>>, vector<16xi32>,
    %add3A_2652 = arith.constant 64 : i32
    %add3A_2653 = vector.broadcast %add3A_2652 : i32 to vector<16xi32>
    %add3A_2654 = arith.addi %add3A_2653, %iota3A : vector<16xi32>
    %mul3A_2655 = arith.constant 128 : i32
    %mul3A_2656 = vector.broadcast %mul3A_2655 : i32 to vector<16xi32>
    %mul3A_2657 = arith.muli %add3A_2654, %mul3A_2656 : vector<16xi32>
    %add3A_2658 = arith.constant 25 : i32
    %add3A_2659 = vector.broadcast %add3A_2658 : i32 to vector<16xi32>
    %add3A_2660 = arith.addi %mul3A_2657, %add3A_2659 : vector<16xi32>
    %gather3A_2661 = tpu.vector_load_idx %arg5[%add3A_2660] : memref<16384xf32, #tpu.memory_space<vmem>>[vector<16xi32>], vector<16xf32>,
    %convert_element_type3A_2662 = arith.fptosi %gather3A_2661 : vector<16xf32> to vector<16xi32>
    %swap3A_2663 = arith.constant 3264 : index
    %swap3A_2664 = tpu.vector_load %arg6[%swap3A_2663] {strides = array<i32>} : memref<3328xi32, #tpu.memory_space<vmem>>, vector<16xi32>,
    tpu.vector_store %arg6[%swap3A_2663], %convert_element_type3A_2662 {strides = array<i32>} : memref<3328xi32, #tpu.memory_space<vmem>>, vector<16xi32>,
    %add3A_2665 = arith.constant 80 : i32
    %add3A_2666 = vector.broadcast %add3A_2665 : i32 to vector<16xi32>
    %add3A_2667 = arith.addi %add3A_2666, %iota3A : vector<16xi32>
    %mul3A_2668 = arith.constant 128 : i32
    %mul3A_2669 = vector.broadcast %mul3A_2668 : i32 to vector<16xi32>
    %mul3A_2670 = arith.muli %add3A_2667, %mul3A_2669 : vector<16xi32>
    %add3A_2671 = arith.constant 25 : i32
    %add3A_2672 = vector.broadcast %add3A_2671 : i32 to vector<16xi32>
    %add3A_2673 = arith.addi %mul3A_2670, %add3A_2672 : vector<16xi32>
    %gather3A_2674 = tpu.vector_load_idx %arg5[%add3A_2673] : memref<16384xf32, #tpu.memory_space<vmem>>[vector<16xi32>], vector<16xf32>,
    %convert_element_type3A_2675 = arith.fptosi %gather3A_2674 : vector<16xf32> to vector<16xi32>
    %swap3A_2676 = arith.constant 3280 : index
    %swap3A_2677 = tpu.vector_load %arg6[%swap3A_2676] {strides = array<i32>} : memref<3328xi32, #tpu.memory_space<vmem>>, vector<16xi32>,
    tpu.vector_store %arg6[%swap3A_2676], %convert_element_type3A_2675 {strides = array<i32>} : memref<3328xi32, #tpu.memory_space<vmem>>, vector<16xi32>,
    %add3A_2678 = arith.constant 96 : i32
    %add3A_2679 = vector.broadcast %add3A_2678 : i32 to vector<16xi32>
    %add3A_2680 = arith.addi %add3A_2679, %iota3A : vector<16xi32>
    %mul3A_2681 = arith.constant 128 : i32
    %mul3A_2682 = vector.broadcast %mul3A_2681 : i32 to vector<16xi32>
    %mul3A_2683 = arith.muli %add3A_2680, %mul3A_2682 : vector<16xi32>
    %add3A_2684 = arith.constant 25 : i32
    %add3A_2685 = vector.broadcast %add3A_2684 : i32 to vector<16xi32>
    %add3A_2686 = arith.addi %mul3A_2683, %add3A_2685 : vector<16xi32>
    %gather3A_2687 = tpu.vector_load_idx %arg5[%add3A_2686] : memref<16384xf32, #tpu.memory_space<vmem>>[vector<16xi32>], vector<16xf32>,
    %convert_element_type3A_2688 = arith.fptosi %gather3A_2687 : vector<16xf32> to vector<16xi32>
    %swap3A_2689 = arith.constant 3296 : index
    %swap3A_2690 = tpu.vector_load %arg6[%swap3A_2689] {strides = array<i32>} : memref<3328xi32, #tpu.memory_space<vmem>>, vector<16xi32>,
    tpu.vector_store %arg6[%swap3A_2689], %convert_element_type3A_2688 {strides = array<i32>} : memref<3328xi32, #tpu.memory_space<vmem>>, vector<16xi32>,
    %add3A_2691 = arith.constant 112 : i32
    %add3A_2692 = vector.broadcast %add3A_2691 : i32 to vector<16xi32>
    %add3A_2693 = arith.addi %add3A_2692, %iota3A : vector<16xi32>
    %mul3A_2694 = arith.constant 128 : i32
    %mul3A_2695 = vector.broadcast %mul3A_2694 : i32 to vector<16xi32>
    %mul3A_2696 = arith.muli %add3A_2693, %mul3A_2695 : vector<16xi32>
    %add3A_2697 = arith.constant 25 : i32
    %add3A_2698 = vector.broadcast %add3A_2697 : i32 to vector<16xi32>
    %add3A_2699 = arith.addi %mul3A_2696, %add3A_2698 : vector<16xi32>
    %gather3A_2700 = tpu.vector_load_idx %arg5[%add3A_2699] : memref<16384xf32, #tpu.memory_space<vmem>>[vector<16xi32>], vector<16xf32>,
    %convert_element_type3A_2701 = arith.fptosi %gather3A_2700 : vector<16xf32> to vector<16xi32>
    %swap3A_2702 = arith.constant 3312 : index
    %swap3A_2703 = tpu.vector_load %arg6[%swap3A_2702] {strides = array<i32>} : memref<3328xi32, #tpu.memory_space<vmem>>, vector<16xi32>,
    tpu.vector_store %arg6[%swap3A_2702], %convert_element_type3A_2701 {strides = array<i32>} : memref<3328xi32, #tpu.memory_space<vmem>>, vector<16xi32>,
    %mul3A_2704 = arith.constant 3328 : i32
    %mul3A_2705 = arith.muli %add3A, %mul3A_2704 : i32
    %dma_start3A = arith.constant 0 : i32
    %dma_start3A_2706 = tpu.memref_slice %arg6[%dma_start3A] : memref<3328xi32, #tpu.memory_space<vmem>> -> memref<832xi32, #tpu.memory_space<vmem>>
    %dma_start3A_2707 = arith.constant 0 : i32
    %dma_start3A_2708 = arith.constant 0 : i32
    %dma_start3A_2709 = tpu.memref_slice %arg2[%dma_start3A_2707, %dma_start3A_2708] : memref<1000000x64xf32, #tpu.memory_space<hbm>> -> memref<1000000x64xf32, #tpu.memory_space<hbm>>
    tpu.enqueue_indirect_dma source(%dma_start3A_2709 : memref<1000000x64xf32, #tpu.memory_space<hbm>>) target(%arg7 : memref<832x64xf32, #tpu.memory_space<vmem>>) offsets(%dma_start3A_2706 : memref<832xi32, #tpu.memory_space<vmem>>) semaphore(%arg8 : memref<!tpu.dma_semaphore, #tpu.memory_space<semaphore_mem>>)
    %dma_wait3A = arith.constant 0 : i32
    %dma_wait3A_2710 = tpu.memref_slice %arg6[%dma_wait3A] : memref<3328xi32, #tpu.memory_space<vmem>> -> memref<832xi32, #tpu.memory_space<vmem>>
    %dma_wait3A_2711 = arith.constant 0 : i32
    %dma_wait3A_2712 = arith.constant 0 : i32
    %dma_wait3A_2713 = tpu.memref_slice %arg2[%dma_wait3A_2711, %dma_wait3A_2712] : memref<1000000x64xf32, #tpu.memory_space<hbm>> -> memref<1000000x64xf32, #tpu.memory_space<hbm>>
    tpu.wait_indirect_dma semaphore(%arg8 : memref<!tpu.dma_semaphore, #tpu.memory_space<semaphore_mem>>) src(%dma_wait3A_2713 : memref<1000000x64xf32, #tpu.memory_space<hbm>>) dst(%arg7 : memref<832x64xf32, #tpu.memory_space<vmem>>)
    %add3A_2714 = arith.constant 0 : i32
    %add3A_2715 = arith.addi %mul3A_2705, %add3A_2714 : i32
    "tpu.region"() ({
      %run_scoped3A = tpu.sem_alloc : memref<!tpu.dma_semaphore, #tpu.memory_space<semaphore_mem>>
      %dma_start3A_2752 = arith.constant 0 : i32
      %dma_start3A_2753 = tpu.memref_slice %arg4[%add3A_2715, %dma_start3A_2752] : memref<106496x64xf32, #tpu.memory_space<hbm>> -> memref<832x64xf32, #tpu.memory_space<hbm>>
      %dma_start3A_2754 = arith.constant 0 : i32
      %dma_start3A_2755 = tpu.memref_slice %arg4[%add3A_2715, %dma_start3A_2754] : memref<106496x64xf32, #tpu.memory_space<hbm>> -> memref<832x64xf32, #tpu.memory_space<hbm>>
      tpu.enqueue_dma source(%arg7 : memref<832x64xf32, #tpu.memory_space<vmem>>) target(%dma_start3A_2755 : memref<832x64xf32, #tpu.memory_space<hbm>>) target_semaphore(%run_scoped3A : memref<!tpu.dma_semaphore, #tpu.memory_space<semaphore_mem>>)
      %dma_wait3A_2756 = arith.constant 0 : i32
      %dma_wait3A_2757 = tpu.memref_slice %arg4[%add3A_2715, %dma_wait3A_2756] : memref<106496x64xf32, #tpu.memory_space<hbm>> -> memref<832x64xf32, #tpu.memory_space<hbm>>
      %dma_wait3A_2758 = arith.constant 0 : i32
      %dma_wait3A_2759 = tpu.memref_slice %arg4[%add3A_2715, %dma_wait3A_2758] : memref<106496x64xf32, #tpu.memory_space<hbm>> -> memref<832x64xf32, #tpu.memory_space<hbm>>
      tpu.wait_dma2 semaphore(%run_scoped3A : memref<!tpu.dma_semaphore, #tpu.memory_space<semaphore_mem>>) src(%arg7 : memref<832x64xf32, #tpu.memory_space<vmem>>) dst(%dma_wait3A_2759 : memref<832x64xf32, #tpu.memory_space<hbm>>)
      tpu.yield
    }) : () -> ()
    %dma_start3A_2716 = arith.constant 832 : i32
    %dma_start3A_2717 = tpu.memref_slice %arg6[%dma_start3A_2716] : memref<3328xi32, #tpu.memory_space<vmem>> -> memref<832xi32, #tpu.memory_space<vmem>>
    %dma_start3A_2718 = arith.constant 0 : i32
    %dma_start3A_2719 = arith.constant 0 : i32
    %dma_start3A_2720 = tpu.memref_slice %arg2[%dma_start3A_2718, %dma_start3A_2719] : memref<1000000x64xf32, #tpu.memory_space<hbm>> -> memref<1000000x64xf32, #tpu.memory_space<hbm>>
    tpu.enqueue_indirect_dma source(%dma_start3A_2720 : memref<1000000x64xf32, #tpu.memory_space<hbm>>) target(%arg7 : memref<832x64xf32, #tpu.memory_space<vmem>>) offsets(%dma_start3A_2717 : memref<832xi32, #tpu.memory_space<vmem>>) semaphore(%arg8 : memref<!tpu.dma_semaphore, #tpu.memory_space<semaphore_mem>>)
    %dma_wait3A_2721 = arith.constant 832 : i32
    %dma_wait3A_2722 = tpu.memref_slice %arg6[%dma_wait3A_2721] : memref<3328xi32, #tpu.memory_space<vmem>> -> memref<832xi32, #tpu.memory_space<vmem>>
    %dma_wait3A_2723 = arith.constant 0 : i32
    %dma_wait3A_2724 = arith.constant 0 : i32
    %dma_wait3A_2725 = tpu.memref_slice %arg2[%dma_wait3A_2723, %dma_wait3A_2724] : memref<1000000x64xf32, #tpu.memory_space<hbm>> -> memref<1000000x64xf32, #tpu.memory_space<hbm>>
    tpu.wait_indirect_dma semaphore(%arg8 : memref<!tpu.dma_semaphore, #tpu.memory_space<semaphore_mem>>) src(%dma_wait3A_2725 : memref<1000000x64xf32, #tpu.memory_space<hbm>>) dst(%arg7 : memref<832x64xf32, #tpu.memory_space<vmem>>)
    %add3A_2726 = arith.constant 832 : i32
    %add3A_2727 = arith.addi %mul3A_2705, %add3A_2726 : i32
    "tpu.region"() ({
      %run_scoped3A = tpu.sem_alloc : memref<!tpu.dma_semaphore, #tpu.memory_space<semaphore_mem>>
      %dma_start3A_2752 = arith.constant 0 : i32
      %dma_start3A_2753 = tpu.memref_slice %arg4[%add3A_2727, %dma_start3A_2752] : memref<106496x64xf32, #tpu.memory_space<hbm>> -> memref<832x64xf32, #tpu.memory_space<hbm>>
      %dma_start3A_2754 = arith.constant 0 : i32
      %dma_start3A_2755 = tpu.memref_slice %arg4[%add3A_2727, %dma_start3A_2754] : memref<106496x64xf32, #tpu.memory_space<hbm>> -> memref<832x64xf32, #tpu.memory_space<hbm>>
      tpu.enqueue_dma source(%arg7 : memref<832x64xf32, #tpu.memory_space<vmem>>) target(%dma_start3A_2755 : memref<832x64xf32, #tpu.memory_space<hbm>>) target_semaphore(%run_scoped3A : memref<!tpu.dma_semaphore, #tpu.memory_space<semaphore_mem>>)
      %dma_wait3A_2756 = arith.constant 0 : i32
      %dma_wait3A_2757 = tpu.memref_slice %arg4[%add3A_2727, %dma_wait3A_2756] : memref<106496x64xf32, #tpu.memory_space<hbm>> -> memref<832x64xf32, #tpu.memory_space<hbm>>
      %dma_wait3A_2758 = arith.constant 0 : i32
      %dma_wait3A_2759 = tpu.memref_slice %arg4[%add3A_2727, %dma_wait3A_2758] : memref<106496x64xf32, #tpu.memory_space<hbm>> -> memref<832x64xf32, #tpu.memory_space<hbm>>
      tpu.wait_dma2 semaphore(%run_scoped3A : memref<!tpu.dma_semaphore, #tpu.memory_space<semaphore_mem>>) src(%arg7 : memref<832x64xf32, #tpu.memory_space<vmem>>) dst(%dma_wait3A_2759 : memref<832x64xf32, #tpu.memory_space<hbm>>)
      tpu.yield
    }) : () -> ()
    %dma_start3A_2728 = arith.constant 1664 : i32
    %dma_start3A_2729 = tpu.memref_slice %arg6[%dma_start3A_2728] : memref<3328xi32, #tpu.memory_space<vmem>> -> memref<832xi32, #tpu.memory_space<vmem>>
    %dma_start3A_2730 = arith.constant 0 : i32
    %dma_start3A_2731 = arith.constant 0 : i32
    %dma_start3A_2732 = tpu.memref_slice %arg2[%dma_start3A_2730, %dma_start3A_2731] : memref<1000000x64xf32, #tpu.memory_space<hbm>> -> memref<1000000x64xf32, #tpu.memory_space<hbm>>
    tpu.enqueue_indirect_dma source(%dma_start3A_2732 : memref<1000000x64xf32, #tpu.memory_space<hbm>>) target(%arg7 : memref<832x64xf32, #tpu.memory_space<vmem>>) offsets(%dma_start3A_2729 : memref<832xi32, #tpu.memory_space<vmem>>) semaphore(%arg8 : memref<!tpu.dma_semaphore, #tpu.memory_space<semaphore_mem>>)
    %dma_wait3A_2733 = arith.constant 1664 : i32
    %dma_wait3A_2734 = tpu.memref_slice %arg6[%dma_wait3A_2733] : memref<3328xi32, #tpu.memory_space<vmem>> -> memref<832xi32, #tpu.memory_space<vmem>>
    %dma_wait3A_2735 = arith.constant 0 : i32
    %dma_wait3A_2736 = arith.constant 0 : i32
    %dma_wait3A_2737 = tpu.memref_slice %arg2[%dma_wait3A_2735, %dma_wait3A_2736] : memref<1000000x64xf32, #tpu.memory_space<hbm>> -> memref<1000000x64xf32, #tpu.memory_space<hbm>>
    tpu.wait_indirect_dma semaphore(%arg8 : memref<!tpu.dma_semaphore, #tpu.memory_space<semaphore_mem>>) src(%dma_wait3A_2737 : memref<1000000x64xf32, #tpu.memory_space<hbm>>) dst(%arg7 : memref<832x64xf32, #tpu.memory_space<vmem>>)
    %add3A_2738 = arith.constant 1664 : i32
    %add3A_2739 = arith.addi %mul3A_2705, %add3A_2738 : i32
    "tpu.region"() ({
      %run_scoped3A = tpu.sem_alloc : memref<!tpu.dma_semaphore, #tpu.memory_space<semaphore_mem>>
      %dma_start3A_2752 = arith.constant 0 : i32
      %dma_start3A_2753 = tpu.memref_slice %arg4[%add3A_2739, %dma_start3A_2752] : memref<106496x64xf32, #tpu.memory_space<hbm>> -> memref<832x64xf32, #tpu.memory_space<hbm>>
      %dma_start3A_2754 = arith.constant 0 : i32
      %dma_start3A_2755 = tpu.memref_slice %arg4[%add3A_2739, %dma_start3A_2754] : memref<106496x64xf32, #tpu.memory_space<hbm>> -> memref<832x64xf32, #tpu.memory_space<hbm>>
      tpu.enqueue_dma source(%arg7 : memref<832x64xf32, #tpu.memory_space<vmem>>) target(%dma_start3A_2755 : memref<832x64xf32, #tpu.memory_space<hbm>>) target_semaphore(%run_scoped3A : memref<!tpu.dma_semaphore, #tpu.memory_space<semaphore_mem>>)
      %dma_wait3A_2756 = arith.constant 0 : i32
      %dma_wait3A_2757 = tpu.memref_slice %arg4[%add3A_2739, %dma_wait3A_2756] : memref<106496x64xf32, #tpu.memory_space<hbm>> -> memref<832x64xf32, #tpu.memory_space<hbm>>
      %dma_wait3A_2758 = arith.constant 0 : i32
      %dma_wait3A_2759 = tpu.memref_slice %arg4[%add3A_2739, %dma_wait3A_2758] : memref<106496x64xf32, #tpu.memory_space<hbm>> -> memref<832x64xf32, #tpu.memory_space<hbm>>
      tpu.wait_dma2 semaphore(%run_scoped3A : memref<!tpu.dma_semaphore, #tpu.memory_space<semaphore_mem>>) src(%arg7 : memref<832x64xf32, #tpu.memory_space<vmem>>) dst(%dma_wait3A_2759 : memref<832x64xf32, #tpu.memory_space<hbm>>)
      tpu.yield
    }) : () -> ()
    %dma_start3A_2740 = arith.constant 2496 : i32
    %dma_start3A_2741 = tpu.memref_slice %arg6[%dma_start3A_2740] : memref<3328xi32, #tpu.memory_space<vmem>> -> memref<832xi32, #tpu.memory_space<vmem>>
    %dma_start3A_2742 = arith.constant 0 : i32
    %dma_start3A_2743 = arith.constant 0 : i32
    %dma_start3A_2744 = tpu.memref_slice %arg2[%dma_start3A_2742, %dma_start3A_2743] : memref<1000000x64xf32, #tpu.memory_space<hbm>> -> memref<1000000x64xf32, #tpu.memory_space<hbm>>
    tpu.enqueue_indirect_dma source(%dma_start3A_2744 : memref<1000000x64xf32, #tpu.memory_space<hbm>>) target(%arg7 : memref<832x64xf32, #tpu.memory_space<vmem>>) offsets(%dma_start3A_2741 : memref<832xi32, #tpu.memory_space<vmem>>) semaphore(%arg8 : memref<!tpu.dma_semaphore, #tpu.memory_space<semaphore_mem>>)
    %dma_wait3A_2745 = arith.constant 2496 : i32
    %dma_wait3A_2746 = tpu.memref_slice %arg6[%dma_wait3A_2745] : memref<3328xi32, #tpu.memory_space<vmem>> -> memref<832xi32, #tpu.memory_space<vmem>>
    %dma_wait3A_2747 = arith.constant 0 : i32
    %dma_wait3A_2748 = arith.constant 0 : i32
    %dma_wait3A_2749 = tpu.memref_slice %arg2[%dma_wait3A_2747, %dma_wait3A_2748] : memref<1000000x64xf32, #tpu.memory_space<hbm>> -> memref<1000000x64xf32, #tpu.memory_space<hbm>>
    tpu.wait_indirect_dma semaphore(%arg8 : memref<!tpu.dma_semaphore, #tpu.memory_space<semaphore_mem>>) src(%dma_wait3A_2749 : memref<1000000x64xf32, #tpu.memory_space<hbm>>) dst(%arg7 : memref<832x64xf32, #tpu.memory_space<vmem>>)
    %add3A_2750 = arith.constant 2496 : i32
    %add3A_2751 = arith.addi %mul3A_2705, %add3A_2750 : i32
    "tpu.region"() ({
      %run_scoped3A = tpu.sem_alloc : memref<!tpu.dma_semaphore, #tpu.memory_space<semaphore_mem>>
      %dma_start3A_2752 = arith.constant 0 : i32
      %dma_start3A_2753 = tpu.memref_slice %arg4[%add3A_2751, %dma_start3A_2752] : memref<106496x64xf32, #tpu.memory_space<hbm>> -> memref<832x64xf32, #tpu.memory_space<hbm>>
      %dma_start3A_2754 = arith.constant 0 : i32
      %dma_start3A_2755 = tpu.memref_slice %arg4[%add3A_2751, %dma_start3A_2754] : memref<106496x64xf32, #tpu.memory_space<hbm>> -> memref<832x64xf32, #tpu.memory_space<hbm>>
      tpu.enqueue_dma source(%arg7 : memref<832x64xf32, #tpu.memory_space<vmem>>) target(%dma_start3A_2755 : memref<832x64xf32, #tpu.memory_space<hbm>>) target_semaphore(%run_scoped3A : memref<!tpu.dma_semaphore, #tpu.memory_space<semaphore_mem>>)
      %dma_wait3A_2756 = arith.constant 0 : i32
      %dma_wait3A_2757 = tpu.memref_slice %arg4[%add3A_2751, %dma_wait3A_2756] : memref<106496x64xf32, #tpu.memory_space<hbm>> -> memref<832x64xf32, #tpu.memory_space<hbm>>
      %dma_wait3A_2758 = arith.constant 0 : i32
      %dma_wait3A_2759 = tpu.memref_slice %arg4[%add3A_2751, %dma_wait3A_2758] : memref<106496x64xf32, #tpu.memory_space<hbm>> -> memref<832x64xf32, #tpu.memory_space<hbm>>
      tpu.wait_dma2 semaphore(%run_scoped3A : memref<!tpu.dma_semaphore, #tpu.memory_space<semaphore_mem>>) src(%arg7 : memref<832x64xf32, #tpu.memory_space<vmem>>) dst(%dma_wait3A_2759 : memref<832x64xf32, #tpu.memory_space<hbm>>)
      tpu.yield
    }) : () -> ()
    return
  }
}

module attributes {stable_mosaic.version = 14 : i64} {
  func.func @_tc_body(%arg0: i32, %arg1: memref<16x256xf32, #tpu.memory_space<vmem>>, %arg2: memref<2x26x64x128xf32, #tpu.memory_space<vmem>>, %arg3: memref<512x16xf32, #tpu.memory_space<vmem>>, %arg4: memref<512x1xf32, #tpu.memory_space<vmem>>, %arg5: memref<256x512xf32, #tpu.memory_space<vmem>>, %arg6: memref<256x1xf32, #tpu.memory_space<vmem>>, %arg7: memref<64x256xf32, #tpu.memory_space<vmem>>, %arg8: memref<64x1xf32, #tpu.memory_space<vmem>>, %arg9: memref<512x64xf32, #tpu.memory_space<vmem>>, %arg10: memref<512x864xf32, #tpu.memory_space<vmem>>, %arg11: memref<512x1xf32, #tpu.memory_space<vmem>>, %arg12: memref<256x512xf32, #tpu.memory_space<vmem>>, %arg13: memref<256x1xf32, #tpu.memory_space<vmem>>, %arg14: memref<8x256xf32, #tpu.memory_space<vmem>>, %arg15: memref<8x1xf32, #tpu.memory_space<vmem>>, %arg16: memref<8x256xf32, #tpu.memory_space<vmem>>, %arg17: memref<32x64x256xf32, #tpu.memory_space<vmem>>, %arg18: memref<864x256xf32, #tpu.memory_space<vmem>>) attributes {dimension_semantics = [#tpu.dimension_semantics<arbitrary>], iteration_bounds = array<i64: 16>, scalar_prefetch = 0 : i64, scratch_operands = 2 : i64, tpu.core_type = #tpu.core_type<tc>, window_params = [{transform_indices = @transform_0, window_bounds = array<i64: 16, 256>}, {transform_indices = @transform_1, window_bounds = array<i64: 2, 26, 64, 128>}, {pipeline_mode = #tpu.pipeline_mode<synchronous>, transform_indices = @transform_2, window_bounds = array<i64: 512, 16>}, {pipeline_mode = #tpu.pipeline_mode<synchronous>, transform_indices = @transform_3, window_bounds = array<i64: 512, 1>}, {pipeline_mode = #tpu.pipeline_mode<synchronous>, transform_indices = @transform_4, window_bounds = array<i64: 256, 512>}, {pipeline_mode = #tpu.pipeline_mode<synchronous>, transform_indices = @transform_5, window_bounds = array<i64: 256, 1>}, {pipeline_mode = #tpu.pipeline_mode<synchronous>, transform_indices = @transform_6, window_bounds = array<i64: 64, 256>}, {pipeline_mode = #tpu.pipeline_mode<synchronous>, transform_indices = @transform_7, window_bounds = array<i64: 64, 1>}, {pipeline_mode = #tpu.pipeline_mode<synchronous>, transform_indices = @transform_8, window_bounds = array<i64: 512, 64>}, {pipeline_mode = #tpu.pipeline_mode<synchronous>, transform_indices = @transform_9, window_bounds = array<i64: 512, 864>}, {pipeline_mode = #tpu.pipeline_mode<synchronous>, transform_indices = @transform_10, window_bounds = array<i64: 512, 1>}, {pipeline_mode = #tpu.pipeline_mode<synchronous>, transform_indices = @transform_11, window_bounds = array<i64: 256, 512>}, {pipeline_mode = #tpu.pipeline_mode<synchronous>, transform_indices = @transform_12, window_bounds = array<i64: 256, 1>}, {pipeline_mode = #tpu.pipeline_mode<synchronous>, transform_indices = @transform_13, window_bounds = array<i64: 8, 256>}, {pipeline_mode = #tpu.pipeline_mode<synchronous>, transform_indices = @transform_14, window_bounds = array<i64: 8, 1>}, {transform_indices = @transform_15, window_bounds = array<i64: 8, 256>}]} {
    %get3A = arith.constant 0 : index
    %get3A_0 = arith.constant 0 : index
    %get3A_1 = vector.load %arg3[%get3A, %get3A_0] : memref<512x16xf32, #tpu.memory_space<vmem>>, vector<512x16xf32>
    %get3A_2 = arith.constant 0 : index
    %get3A_3 = arith.constant 0 : index
    %get3A_4 = vector.load %arg1[%get3A_2, %get3A_3] : memref<16x256xf32, #tpu.memory_space<vmem>>, vector<16x256xf32>
    %dot_general3A = arith.constant dense<0.000000e+00> : vector<512x256xf32>
    %dot_general3A_5 = tpu.matmul %get3A_1, %get3A_4, %dot_general3A {dimension_numbers = #tpu.dot_dimension_numbers<[1], [0], [0], [1], [0, 0, 1, 1], [], []>, transpose_lhs_hint = false} : vector<512x16xf32>, vector<16x256xf32>, vector<512x256xf32> -> vector<512x256xf32>
    %get3A_6 = arith.constant 0 : index
    %get3A_7 = arith.constant 0 : index
    %get3A_8 = vector.load %arg4[%get3A_6, %get3A_7] : memref<512x1xf32, #tpu.memory_space<vmem>>, vector<512x1xf32>
    %add3A = vector.broadcast %get3A_8 : vector<512x1xf32> to vector<512x256xf32>
    %add3A_9 = arith.addf %dot_general3A_5, %add3A : vector<512x256xf32>
    %max3A = arith.constant 0.000000e+00 : f32
    %max3A_10 = vector.broadcast %max3A : f32 to vector<512x256xf32>
    %max3A_11 = arith.maximumf %add3A_9, %max3A_10 : vector<512x256xf32>
    %get3A_12 = arith.constant 0 : index
    %get3A_13 = arith.constant 0 : index
    %get3A_14 = vector.load %arg5[%get3A_12, %get3A_13] : memref<256x512xf32, #tpu.memory_space<vmem>>, vector<256x512xf32>
    %dot_general3A_15 = arith.constant dense<0.000000e+00> : vector<256x256xf32>
    %dot_general3A_16 = tpu.matmul %get3A_14, %max3A_11, %dot_general3A_15 {dimension_numbers = #tpu.dot_dimension_numbers<[1], [0], [0], [1], [0, 0, 1, 1], [], []>, transpose_lhs_hint = false} : vector<256x512xf32>, vector<512x256xf32>, vector<256x256xf32> -> vector<256x256xf32>
    %get3A_17 = arith.constant 0 : index
    %get3A_18 = arith.constant 0 : index
    %get3A_19 = vector.load %arg6[%get3A_17, %get3A_18] : memref<256x1xf32, #tpu.memory_space<vmem>>, vector<256x1xf32>
    %add3A_20 = vector.broadcast %get3A_19 : vector<256x1xf32> to vector<256x256xf32>
    %add3A_21 = arith.addf %dot_general3A_16, %add3A_20 : vector<256x256xf32>
    %max3A_22 = arith.constant 0.000000e+00 : f32
    %max3A_23 = vector.broadcast %max3A_22 : f32 to vector<256x256xf32>
    %max3A_24 = arith.maximumf %add3A_21, %max3A_23 : vector<256x256xf32>
    %get3A_25 = arith.constant 0 : index
    %get3A_26 = arith.constant 0 : index
    %get3A_27 = vector.load %arg7[%get3A_25, %get3A_26] : memref<64x256xf32, #tpu.memory_space<vmem>>, vector<64x256xf32>
    %dot_general3A_28 = arith.constant dense<0.000000e+00> : vector<64x256xf32>
    %dot_general3A_29 = tpu.matmul %get3A_27, %max3A_24, %dot_general3A_28 {dimension_numbers = #tpu.dot_dimension_numbers<[1], [0], [0], [1], [0, 0, 1, 1], [], []>, transpose_lhs_hint = false} : vector<64x256xf32>, vector<256x256xf32>, vector<64x256xf32> -> vector<64x256xf32>
    %get3A_30 = arith.constant 0 : index
    %get3A_31 = arith.constant 0 : index
    %get3A_32 = vector.load %arg8[%get3A_30, %get3A_31] : memref<64x1xf32, #tpu.memory_space<vmem>>, vector<64x1xf32>
    %add3A_33 = vector.broadcast %get3A_32 : vector<64x1xf32> to vector<64x256xf32>
    %add3A_34 = arith.addf %dot_general3A_29, %add3A_33 : vector<64x256xf32>
    %max3A_35 = arith.constant 0.000000e+00 : f32
    %max3A_36 = vector.broadcast %max3A_35 : f32 to vector<64x256xf32>
    %max3A_37 = arith.maximumf %add3A_34, %max3A_36 : vector<64x256xf32>
    %reshape3A = vector.shape_cast %max3A_37 : vector<64x256xf32> to vector<64x2x64x2xf32>
    %slice3A = vector.extract_strided_slice %reshape3A {offsets = [0, 0, 0, 0], sizes = [64, 1, 64, 1], strides = [1, 1, 1, 1]} : vector<64x2x64x2xf32> to vector<64x1x64x1xf32>
    %squeeze3A = vector.shape_cast %slice3A : vector<64x1x64x1xf32> to vector<64x64xf32>
    %slice3A_38 = vector.extract_strided_slice %reshape3A {offsets = [0, 1, 0, 0], sizes = [64, 1, 64, 1], strides = [1, 1, 1, 1]} : vector<64x2x64x2xf32> to vector<64x1x64x1xf32>
    %squeeze3A_39 = vector.shape_cast %slice3A_38 : vector<64x1x64x1xf32> to vector<64x64xf32>
    %slice3A_40 = vector.extract_strided_slice %reshape3A {offsets = [0, 0, 0, 1], sizes = [64, 1, 64, 1], strides = [1, 1, 1, 1]} : vector<64x2x64x2xf32> to vector<64x1x64x1xf32>
    %squeeze3A_41 = vector.shape_cast %slice3A_40 : vector<64x1x64x1xf32> to vector<64x64xf32>
    %slice3A_42 = vector.extract_strided_slice %reshape3A {offsets = [0, 1, 0, 1], sizes = [64, 1, 64, 1], strides = [1, 1, 1, 1]} : vector<64x2x64x2xf32> to vector<64x1x64x1xf32>
    %squeeze3A_43 = vector.shape_cast %slice3A_42 : vector<64x1x64x1xf32> to vector<64x64xf32>
    %concatenate3A = tpu.concatenate %squeeze3A, %squeeze3A_39, %squeeze3A_41, %squeeze3A_43 in 1 : vector<64x64xf32>, vector<64x64xf32>, vector<64x64xf32>, vector<64x64xf32> -> vector<64x256xf32>
    %swap3A = arith.constant 0 : index
    %swap3A_44 = arith.constant 0 : index
    %swap3A_45 = arith.constant 0 : index
    %swap3A_46 = vector.load %arg17[%swap3A, %swap3A_44, %swap3A_45] : memref<32x64x256xf32, #tpu.memory_space<vmem>>, vector<1x64x256xf32>
    %swap3A_47 = vector.shape_cast %swap3A_46 : vector<1x64x256xf32> to vector<64x256xf32>
    %swap3A_48 = vector.shape_cast %concatenate3A : vector<64x256xf32> to vector<1x64x256xf32>
    tpu.vector_store %arg17[%swap3A, %swap3A_44, %swap3A_45], %swap3A_48 {strides = array<i32>} : memref<32x64x256xf32, #tpu.memory_space<vmem>>, vector<1x64x256xf32>,
    %get3A_49 = arith.constant 0 : index
    %get3A_50 = arith.constant 0 : index
    %get3A_51 = arith.constant 0 : index
    %get3A_52 = arith.constant 0 : index
    %get3A_53 = vector.load %arg2[%get3A_49, %get3A_50, %get3A_51, %get3A_52] : memref<2x26x64x128xf32, #tpu.memory_space<vmem>>, vector<1x1x64x128xf32>
    %get3A_54 = vector.shape_cast %get3A_53 : vector<1x1x64x128xf32> to vector<64x128xf32>
    %get3A_55 = arith.constant 1 : index
    %get3A_56 = arith.constant 0 : index
    %get3A_57 = arith.constant 0 : index
    %get3A_58 = arith.constant 0 : index
    %get3A_59 = vector.load %arg2[%get3A_55, %get3A_56, %get3A_57, %get3A_58] : memref<2x26x64x128xf32, #tpu.memory_space<vmem>>, vector<1x1x64x128xf32>
    %get3A_60 = vector.shape_cast %get3A_59 : vector<1x1x64x128xf32> to vector<64x128xf32>
    %concatenate3A_61 = tpu.concatenate %get3A_54, %get3A_60 in 0 : vector<64x128xf32>, vector<64x128xf32> -> vector<128x128xf32>
    %transpose3A = tpu.transpose %concatenate3A_61, [1, 0] : vector<128x128xf32> -> vector<128x128xf32>
    %slice3A_62 = vector.extract_strided_slice %transpose3A {offsets = [0, 0], sizes = [64, 128], strides = [1, 1]} : vector<128x128xf32> to vector<64x128xf32>
    %slice3A_63 = vector.extract_strided_slice %transpose3A {offsets = [64, 0], sizes = [64, 128], strides = [1, 1]} : vector<128x128xf32> to vector<64x128xf32>
    %concatenate3A_64 = tpu.concatenate %slice3A_62, %slice3A_63 in 1 : vector<64x128xf32>, vector<64x128xf32> -> vector<64x256xf32>
    %swap3A_65 = arith.constant 1 : index
    %swap3A_66 = arith.constant 0 : index
    %swap3A_67 = arith.constant 0 : index
    %swap3A_68 = vector.load %arg17[%swap3A_65, %swap3A_66, %swap3A_67] : memref<32x64x256xf32, #tpu.memory_space<vmem>>, vector<1x64x256xf32>
    %swap3A_69 = vector.shape_cast %swap3A_68 : vector<1x64x256xf32> to vector<64x256xf32>
    %swap3A_70 = vector.shape_cast %concatenate3A_64 : vector<64x256xf32> to vector<1x64x256xf32>
    tpu.vector_store %arg17[%swap3A_65, %swap3A_66, %swap3A_67], %swap3A_70 {strides = array<i32>} : memref<32x64x256xf32, #tpu.memory_space<vmem>>, vector<1x64x256xf32>,
    %get3A_71 = arith.constant 0 : index
    %get3A_72 = arith.constant 1 : index
    %get3A_73 = arith.constant 0 : index
    %get3A_74 = arith.constant 0 : index
    %get3A_75 = vector.load %arg2[%get3A_71, %get3A_72, %get3A_73, %get3A_74] : memref<2x26x64x128xf32, #tpu.memory_space<vmem>>, vector<1x1x64x128xf32>
    %get3A_76 = vector.shape_cast %get3A_75 : vector<1x1x64x128xf32> to vector<64x128xf32>
    %get3A_77 = arith.constant 1 : index
    %get3A_78 = arith.constant 1 : index
    %get3A_79 = arith.constant 0 : index
    %get3A_80 = arith.constant 0 : index
    %get3A_81 = vector.load %arg2[%get3A_77, %get3A_78, %get3A_79, %get3A_80] : memref<2x26x64x128xf32, #tpu.memory_space<vmem>>, vector<1x1x64x128xf32>
    %get3A_82 = vector.shape_cast %get3A_81 : vector<1x1x64x128xf32> to vector<64x128xf32>
    %concatenate3A_83 = tpu.concatenate %get3A_76, %get3A_82 in 0 : vector<64x128xf32>, vector<64x128xf32> -> vector<128x128xf32>
    %transpose3A_84 = tpu.transpose %concatenate3A_83, [1, 0] : vector<128x128xf32> -> vector<128x128xf32>
    %slice3A_85 = vector.extract_strided_slice %transpose3A_84 {offsets = [0, 0], sizes = [64, 128], strides = [1, 1]} : vector<128x128xf32> to vector<64x128xf32>
    %slice3A_86 = vector.extract_strided_slice %transpose3A_84 {offsets = [64, 0], sizes = [64, 128], strides = [1, 1]} : vector<128x128xf32> to vector<64x128xf32>
    %concatenate3A_87 = tpu.concatenate %slice3A_85, %slice3A_86 in 1 : vector<64x128xf32>, vector<64x128xf32> -> vector<64x256xf32>
    %swap3A_88 = arith.constant 2 : index
    %swap3A_89 = arith.constant 0 : index
    %swap3A_90 = arith.constant 0 : index
    %swap3A_91 = vector.load %arg17[%swap3A_88, %swap3A_89, %swap3A_90] : memref<32x64x256xf32, #tpu.memory_space<vmem>>, vector<1x64x256xf32>
    %swap3A_92 = vector.shape_cast %swap3A_91 : vector<1x64x256xf32> to vector<64x256xf32>
    %swap3A_93 = vector.shape_cast %concatenate3A_87 : vector<64x256xf32> to vector<1x64x256xf32>
    tpu.vector_store %arg17[%swap3A_88, %swap3A_89, %swap3A_90], %swap3A_93 {strides = array<i32>} : memref<32x64x256xf32, #tpu.memory_space<vmem>>, vector<1x64x256xf32>,
    %get3A_94 = arith.constant 0 : index
    %get3A_95 = arith.constant 2 : index
    %get3A_96 = arith.constant 0 : index
    %get3A_97 = arith.constant 0 : index
    %get3A_98 = vector.load %arg2[%get3A_94, %get3A_95, %get3A_96, %get3A_97] : memref<2x26x64x128xf32, #tpu.memory_space<vmem>>, vector<1x1x64x128xf32>
    %get3A_99 = vector.shape_cast %get3A_98 : vector<1x1x64x128xf32> to vector<64x128xf32>
    %get3A_100 = arith.constant 1 : index
    %get3A_101 = arith.constant 2 : index
    %get3A_102 = arith.constant 0 : index
    %get3A_103 = arith.constant 0 : index
    %get3A_104 = vector.load %arg2[%get3A_100, %get3A_101, %get3A_102, %get3A_103] : memref<2x26x64x128xf32, #tpu.memory_space<vmem>>, vector<1x1x64x128xf32>
    %get3A_105 = vector.shape_cast %get3A_104 : vector<1x1x64x128xf32> to vector<64x128xf32>
    %concatenate3A_106 = tpu.concatenate %get3A_99, %get3A_105 in 0 : vector<64x128xf32>, vector<64x128xf32> -> vector<128x128xf32>
    %transpose3A_107 = tpu.transpose %concatenate3A_106, [1, 0] : vector<128x128xf32> -> vector<128x128xf32>
    %slice3A_108 = vector.extract_strided_slice %transpose3A_107 {offsets = [0, 0], sizes = [64, 128], strides = [1, 1]} : vector<128x128xf32> to vector<64x128xf32>
    %slice3A_109 = vector.extract_strided_slice %transpose3A_107 {offsets = [64, 0], sizes = [64, 128], strides = [1, 1]} : vector<128x128xf32> to vector<64x128xf32>
    %concatenate3A_110 = tpu.concatenate %slice3A_108, %slice3A_109 in 1 : vector<64x128xf32>, vector<64x128xf32> -> vector<64x256xf32>
    %swap3A_111 = arith.constant 3 : index
    %swap3A_112 = arith.constant 0 : index
    %swap3A_113 = arith.constant 0 : index
    %swap3A_114 = vector.load %arg17[%swap3A_111, %swap3A_112, %swap3A_113] : memref<32x64x256xf32, #tpu.memory_space<vmem>>, vector<1x64x256xf32>
    %swap3A_115 = vector.shape_cast %swap3A_114 : vector<1x64x256xf32> to vector<64x256xf32>
    %swap3A_116 = vector.shape_cast %concatenate3A_110 : vector<64x256xf32> to vector<1x64x256xf32>
    tpu.vector_store %arg17[%swap3A_111, %swap3A_112, %swap3A_113], %swap3A_116 {strides = array<i32>} : memref<32x64x256xf32, #tpu.memory_space<vmem>>, vector<1x64x256xf32>,
    %get3A_117 = arith.constant 0 : index
    %get3A_118 = arith.constant 3 : index
    %get3A_119 = arith.constant 0 : index
    %get3A_120 = arith.constant 0 : index
    %get3A_121 = vector.load %arg2[%get3A_117, %get3A_118, %get3A_119, %get3A_120] : memref<2x26x64x128xf32, #tpu.memory_space<vmem>>, vector<1x1x64x128xf32>
    %get3A_122 = vector.shape_cast %get3A_121 : vector<1x1x64x128xf32> to vector<64x128xf32>
    %get3A_123 = arith.constant 1 : index
    %get3A_124 = arith.constant 3 : index
    %get3A_125 = arith.constant 0 : index
    %get3A_126 = arith.constant 0 : index
    %get3A_127 = vector.load %arg2[%get3A_123, %get3A_124, %get3A_125, %get3A_126] : memref<2x26x64x128xf32, #tpu.memory_space<vmem>>, vector<1x1x64x128xf32>
    %get3A_128 = vector.shape_cast %get3A_127 : vector<1x1x64x128xf32> to vector<64x128xf32>
    %concatenate3A_129 = tpu.concatenate %get3A_122, %get3A_128 in 0 : vector<64x128xf32>, vector<64x128xf32> -> vector<128x128xf32>
    %transpose3A_130 = tpu.transpose %concatenate3A_129, [1, 0] : vector<128x128xf32> -> vector<128x128xf32>
    %slice3A_131 = vector.extract_strided_slice %transpose3A_130 {offsets = [0, 0], sizes = [64, 128], strides = [1, 1]} : vector<128x128xf32> to vector<64x128xf32>
    %slice3A_132 = vector.extract_strided_slice %transpose3A_130 {offsets = [64, 0], sizes = [64, 128], strides = [1, 1]} : vector<128x128xf32> to vector<64x128xf32>
    %concatenate3A_133 = tpu.concatenate %slice3A_131, %slice3A_132 in 1 : vector<64x128xf32>, vector<64x128xf32> -> vector<64x256xf32>
    %swap3A_134 = arith.constant 4 : index
    %swap3A_135 = arith.constant 0 : index
    %swap3A_136 = arith.constant 0 : index
    %swap3A_137 = vector.load %arg17[%swap3A_134, %swap3A_135, %swap3A_136] : memref<32x64x256xf32, #tpu.memory_space<vmem>>, vector<1x64x256xf32>
    %swap3A_138 = vector.shape_cast %swap3A_137 : vector<1x64x256xf32> to vector<64x256xf32>
    %swap3A_139 = vector.shape_cast %concatenate3A_133 : vector<64x256xf32> to vector<1x64x256xf32>
    tpu.vector_store %arg17[%swap3A_134, %swap3A_135, %swap3A_136], %swap3A_139 {strides = array<i32>} : memref<32x64x256xf32, #tpu.memory_space<vmem>>, vector<1x64x256xf32>,
    %get3A_140 = arith.constant 0 : index
    %get3A_141 = arith.constant 4 : index
    %get3A_142 = arith.constant 0 : index
    %get3A_143 = arith.constant 0 : index
    %get3A_144 = vector.load %arg2[%get3A_140, %get3A_141, %get3A_142, %get3A_143] : memref<2x26x64x128xf32, #tpu.memory_space<vmem>>, vector<1x1x64x128xf32>
    %get3A_145 = vector.shape_cast %get3A_144 : vector<1x1x64x128xf32> to vector<64x128xf32>
    %get3A_146 = arith.constant 1 : index
    %get3A_147 = arith.constant 4 : index
    %get3A_148 = arith.constant 0 : index
    %get3A_149 = arith.constant 0 : index
    %get3A_150 = vector.load %arg2[%get3A_146, %get3A_147, %get3A_148, %get3A_149] : memref<2x26x64x128xf32, #tpu.memory_space<vmem>>, vector<1x1x64x128xf32>
    %get3A_151 = vector.shape_cast %get3A_150 : vector<1x1x64x128xf32> to vector<64x128xf32>
    %concatenate3A_152 = tpu.concatenate %get3A_145, %get3A_151 in 0 : vector<64x128xf32>, vector<64x128xf32> -> vector<128x128xf32>
    %transpose3A_153 = tpu.transpose %concatenate3A_152, [1, 0] : vector<128x128xf32> -> vector<128x128xf32>
    %slice3A_154 = vector.extract_strided_slice %transpose3A_153 {offsets = [0, 0], sizes = [64, 128], strides = [1, 1]} : vector<128x128xf32> to vector<64x128xf32>
    %slice3A_155 = vector.extract_strided_slice %transpose3A_153 {offsets = [64, 0], sizes = [64, 128], strides = [1, 1]} : vector<128x128xf32> to vector<64x128xf32>
    %concatenate3A_156 = tpu.concatenate %slice3A_154, %slice3A_155 in 1 : vector<64x128xf32>, vector<64x128xf32> -> vector<64x256xf32>
    %swap3A_157 = arith.constant 5 : index
    %swap3A_158 = arith.constant 0 : index
    %swap3A_159 = arith.constant 0 : index
    %swap3A_160 = vector.load %arg17[%swap3A_157, %swap3A_158, %swap3A_159] : memref<32x64x256xf32, #tpu.memory_space<vmem>>, vector<1x64x256xf32>
    %swap3A_161 = vector.shape_cast %swap3A_160 : vector<1x64x256xf32> to vector<64x256xf32>
    %swap3A_162 = vector.shape_cast %concatenate3A_156 : vector<64x256xf32> to vector<1x64x256xf32>
    tpu.vector_store %arg17[%swap3A_157, %swap3A_158, %swap3A_159], %swap3A_162 {strides = array<i32>} : memref<32x64x256xf32, #tpu.memory_space<vmem>>, vector<1x64x256xf32>,
    %get3A_163 = arith.constant 0 : index
    %get3A_164 = arith.constant 5 : index
    %get3A_165 = arith.constant 0 : index
    %get3A_166 = arith.constant 0 : index
    %get3A_167 = vector.load %arg2[%get3A_163, %get3A_164, %get3A_165, %get3A_166] : memref<2x26x64x128xf32, #tpu.memory_space<vmem>>, vector<1x1x64x128xf32>
    %get3A_168 = vector.shape_cast %get3A_167 : vector<1x1x64x128xf32> to vector<64x128xf32>
    %get3A_169 = arith.constant 1 : index
    %get3A_170 = arith.constant 5 : index
    %get3A_171 = arith.constant 0 : index
    %get3A_172 = arith.constant 0 : index
    %get3A_173 = vector.load %arg2[%get3A_169, %get3A_170, %get3A_171, %get3A_172] : memref<2x26x64x128xf32, #tpu.memory_space<vmem>>, vector<1x1x64x128xf32>
    %get3A_174 = vector.shape_cast %get3A_173 : vector<1x1x64x128xf32> to vector<64x128xf32>
    %concatenate3A_175 = tpu.concatenate %get3A_168, %get3A_174 in 0 : vector<64x128xf32>, vector<64x128xf32> -> vector<128x128xf32>
    %transpose3A_176 = tpu.transpose %concatenate3A_175, [1, 0] : vector<128x128xf32> -> vector<128x128xf32>
    %slice3A_177 = vector.extract_strided_slice %transpose3A_176 {offsets = [0, 0], sizes = [64, 128], strides = [1, 1]} : vector<128x128xf32> to vector<64x128xf32>
    %slice3A_178 = vector.extract_strided_slice %transpose3A_176 {offsets = [64, 0], sizes = [64, 128], strides = [1, 1]} : vector<128x128xf32> to vector<64x128xf32>
    %concatenate3A_179 = tpu.concatenate %slice3A_177, %slice3A_178 in 1 : vector<64x128xf32>, vector<64x128xf32> -> vector<64x256xf32>
    %swap3A_180 = arith.constant 6 : index
    %swap3A_181 = arith.constant 0 : index
    %swap3A_182 = arith.constant 0 : index
    %swap3A_183 = vector.load %arg17[%swap3A_180, %swap3A_181, %swap3A_182] : memref<32x64x256xf32, #tpu.memory_space<vmem>>, vector<1x64x256xf32>
    %swap3A_184 = vector.shape_cast %swap3A_183 : vector<1x64x256xf32> to vector<64x256xf32>
    %swap3A_185 = vector.shape_cast %concatenate3A_179 : vector<64x256xf32> to vector<1x64x256xf32>
    tpu.vector_store %arg17[%swap3A_180, %swap3A_181, %swap3A_182], %swap3A_185 {strides = array<i32>} : memref<32x64x256xf32, #tpu.memory_space<vmem>>, vector<1x64x256xf32>,
    %get3A_186 = arith.constant 0 : index
    %get3A_187 = arith.constant 6 : index
    %get3A_188 = arith.constant 0 : index
    %get3A_189 = arith.constant 0 : index
    %get3A_190 = vector.load %arg2[%get3A_186, %get3A_187, %get3A_188, %get3A_189] : memref<2x26x64x128xf32, #tpu.memory_space<vmem>>, vector<1x1x64x128xf32>
    %get3A_191 = vector.shape_cast %get3A_190 : vector<1x1x64x128xf32> to vector<64x128xf32>
    %get3A_192 = arith.constant 1 : index
    %get3A_193 = arith.constant 6 : index
    %get3A_194 = arith.constant 0 : index
    %get3A_195 = arith.constant 0 : index
    %get3A_196 = vector.load %arg2[%get3A_192, %get3A_193, %get3A_194, %get3A_195] : memref<2x26x64x128xf32, #tpu.memory_space<vmem>>, vector<1x1x64x128xf32>
    %get3A_197 = vector.shape_cast %get3A_196 : vector<1x1x64x128xf32> to vector<64x128xf32>
    %concatenate3A_198 = tpu.concatenate %get3A_191, %get3A_197 in 0 : vector<64x128xf32>, vector<64x128xf32> -> vector<128x128xf32>
    %transpose3A_199 = tpu.transpose %concatenate3A_198, [1, 0] : vector<128x128xf32> -> vector<128x128xf32>
    %slice3A_200 = vector.extract_strided_slice %transpose3A_199 {offsets = [0, 0], sizes = [64, 128], strides = [1, 1]} : vector<128x128xf32> to vector<64x128xf32>
    %slice3A_201 = vector.extract_strided_slice %transpose3A_199 {offsets = [64, 0], sizes = [64, 128], strides = [1, 1]} : vector<128x128xf32> to vector<64x128xf32>
    %concatenate3A_202 = tpu.concatenate %slice3A_200, %slice3A_201 in 1 : vector<64x128xf32>, vector<64x128xf32> -> vector<64x256xf32>
    %swap3A_203 = arith.constant 7 : index
    %swap3A_204 = arith.constant 0 : index
    %swap3A_205 = arith.constant 0 : index
    %swap3A_206 = vector.load %arg17[%swap3A_203, %swap3A_204, %swap3A_205] : memref<32x64x256xf32, #tpu.memory_space<vmem>>, vector<1x64x256xf32>
    %swap3A_207 = vector.shape_cast %swap3A_206 : vector<1x64x256xf32> to vector<64x256xf32>
    %swap3A_208 = vector.shape_cast %concatenate3A_202 : vector<64x256xf32> to vector<1x64x256xf32>
    tpu.vector_store %arg17[%swap3A_203, %swap3A_204, %swap3A_205], %swap3A_208 {strides = array<i32>} : memref<32x64x256xf32, #tpu.memory_space<vmem>>, vector<1x64x256xf32>,
    %get3A_209 = arith.constant 0 : index
    %get3A_210 = arith.constant 7 : index
    %get3A_211 = arith.constant 0 : index
    %get3A_212 = arith.constant 0 : index
    %get3A_213 = vector.load %arg2[%get3A_209, %get3A_210, %get3A_211, %get3A_212] : memref<2x26x64x128xf32, #tpu.memory_space<vmem>>, vector<1x1x64x128xf32>
    %get3A_214 = vector.shape_cast %get3A_213 : vector<1x1x64x128xf32> to vector<64x128xf32>
    %get3A_215 = arith.constant 1 : index
    %get3A_216 = arith.constant 7 : index
    %get3A_217 = arith.constant 0 : index
    %get3A_218 = arith.constant 0 : index
    %get3A_219 = vector.load %arg2[%get3A_215, %get3A_216, %get3A_217, %get3A_218] : memref<2x26x64x128xf32, #tpu.memory_space<vmem>>, vector<1x1x64x128xf32>
    %get3A_220 = vector.shape_cast %get3A_219 : vector<1x1x64x128xf32> to vector<64x128xf32>
    %concatenate3A_221 = tpu.concatenate %get3A_214, %get3A_220 in 0 : vector<64x128xf32>, vector<64x128xf32> -> vector<128x128xf32>
    %transpose3A_222 = tpu.transpose %concatenate3A_221, [1, 0] : vector<128x128xf32> -> vector<128x128xf32>
    %slice3A_223 = vector.extract_strided_slice %transpose3A_222 {offsets = [0, 0], sizes = [64, 128], strides = [1, 1]} : vector<128x128xf32> to vector<64x128xf32>
    %slice3A_224 = vector.extract_strided_slice %transpose3A_222 {offsets = [64, 0], sizes = [64, 128], strides = [1, 1]} : vector<128x128xf32> to vector<64x128xf32>
    %concatenate3A_225 = tpu.concatenate %slice3A_223, %slice3A_224 in 1 : vector<64x128xf32>, vector<64x128xf32> -> vector<64x256xf32>
    %swap3A_226 = arith.constant 8 : index
    %swap3A_227 = arith.constant 0 : index
    %swap3A_228 = arith.constant 0 : index
    %swap3A_229 = vector.load %arg17[%swap3A_226, %swap3A_227, %swap3A_228] : memref<32x64x256xf32, #tpu.memory_space<vmem>>, vector<1x64x256xf32>
    %swap3A_230 = vector.shape_cast %swap3A_229 : vector<1x64x256xf32> to vector<64x256xf32>
    %swap3A_231 = vector.shape_cast %concatenate3A_225 : vector<64x256xf32> to vector<1x64x256xf32>
    tpu.vector_store %arg17[%swap3A_226, %swap3A_227, %swap3A_228], %swap3A_231 {strides = array<i32>} : memref<32x64x256xf32, #tpu.memory_space<vmem>>, vector<1x64x256xf32>,
    %get3A_232 = arith.constant 0 : index
    %get3A_233 = arith.constant 8 : index
    %get3A_234 = arith.constant 0 : index
    %get3A_235 = arith.constant 0 : index
    %get3A_236 = vector.load %arg2[%get3A_232, %get3A_233, %get3A_234, %get3A_235] : memref<2x26x64x128xf32, #tpu.memory_space<vmem>>, vector<1x1x64x128xf32>
    %get3A_237 = vector.shape_cast %get3A_236 : vector<1x1x64x128xf32> to vector<64x128xf32>
    %get3A_238 = arith.constant 1 : index
    %get3A_239 = arith.constant 8 : index
    %get3A_240 = arith.constant 0 : index
    %get3A_241 = arith.constant 0 : index
    %get3A_242 = vector.load %arg2[%get3A_238, %get3A_239, %get3A_240, %get3A_241] : memref<2x26x64x128xf32, #tpu.memory_space<vmem>>, vector<1x1x64x128xf32>
    %get3A_243 = vector.shape_cast %get3A_242 : vector<1x1x64x128xf32> to vector<64x128xf32>
    %concatenate3A_244 = tpu.concatenate %get3A_237, %get3A_243 in 0 : vector<64x128xf32>, vector<64x128xf32> -> vector<128x128xf32>
    %transpose3A_245 = tpu.transpose %concatenate3A_244, [1, 0] : vector<128x128xf32> -> vector<128x128xf32>
    %slice3A_246 = vector.extract_strided_slice %transpose3A_245 {offsets = [0, 0], sizes = [64, 128], strides = [1, 1]} : vector<128x128xf32> to vector<64x128xf32>
    %slice3A_247 = vector.extract_strided_slice %transpose3A_245 {offsets = [64, 0], sizes = [64, 128], strides = [1, 1]} : vector<128x128xf32> to vector<64x128xf32>
    %concatenate3A_248 = tpu.concatenate %slice3A_246, %slice3A_247 in 1 : vector<64x128xf32>, vector<64x128xf32> -> vector<64x256xf32>
    %swap3A_249 = arith.constant 9 : index
    %swap3A_250 = arith.constant 0 : index
    %swap3A_251 = arith.constant 0 : index
    %swap3A_252 = vector.load %arg17[%swap3A_249, %swap3A_250, %swap3A_251] : memref<32x64x256xf32, #tpu.memory_space<vmem>>, vector<1x64x256xf32>
    %swap3A_253 = vector.shape_cast %swap3A_252 : vector<1x64x256xf32> to vector<64x256xf32>
    %swap3A_254 = vector.shape_cast %concatenate3A_248 : vector<64x256xf32> to vector<1x64x256xf32>
    tpu.vector_store %arg17[%swap3A_249, %swap3A_250, %swap3A_251], %swap3A_254 {strides = array<i32>} : memref<32x64x256xf32, #tpu.memory_space<vmem>>, vector<1x64x256xf32>,
    %get3A_255 = arith.constant 0 : index
    %get3A_256 = arith.constant 9 : index
    %get3A_257 = arith.constant 0 : index
    %get3A_258 = arith.constant 0 : index
    %get3A_259 = vector.load %arg2[%get3A_255, %get3A_256, %get3A_257, %get3A_258] : memref<2x26x64x128xf32, #tpu.memory_space<vmem>>, vector<1x1x64x128xf32>
    %get3A_260 = vector.shape_cast %get3A_259 : vector<1x1x64x128xf32> to vector<64x128xf32>
    %get3A_261 = arith.constant 1 : index
    %get3A_262 = arith.constant 9 : index
    %get3A_263 = arith.constant 0 : index
    %get3A_264 = arith.constant 0 : index
    %get3A_265 = vector.load %arg2[%get3A_261, %get3A_262, %get3A_263, %get3A_264] : memref<2x26x64x128xf32, #tpu.memory_space<vmem>>, vector<1x1x64x128xf32>
    %get3A_266 = vector.shape_cast %get3A_265 : vector<1x1x64x128xf32> to vector<64x128xf32>
    %concatenate3A_267 = tpu.concatenate %get3A_260, %get3A_266 in 0 : vector<64x128xf32>, vector<64x128xf32> -> vector<128x128xf32>
    %transpose3A_268 = tpu.transpose %concatenate3A_267, [1, 0] : vector<128x128xf32> -> vector<128x128xf32>
    %slice3A_269 = vector.extract_strided_slice %transpose3A_268 {offsets = [0, 0], sizes = [64, 128], strides = [1, 1]} : vector<128x128xf32> to vector<64x128xf32>
    %slice3A_270 = vector.extract_strided_slice %transpose3A_268 {offsets = [64, 0], sizes = [64, 128], strides = [1, 1]} : vector<128x128xf32> to vector<64x128xf32>
    %concatenate3A_271 = tpu.concatenate %slice3A_269, %slice3A_270 in 1 : vector<64x128xf32>, vector<64x128xf32> -> vector<64x256xf32>
    %swap3A_272 = arith.constant 10 : index
    %swap3A_273 = arith.constant 0 : index
    %swap3A_274 = arith.constant 0 : index
    %swap3A_275 = vector.load %arg17[%swap3A_272, %swap3A_273, %swap3A_274] : memref<32x64x256xf32, #tpu.memory_space<vmem>>, vector<1x64x256xf32>
    %swap3A_276 = vector.shape_cast %swap3A_275 : vector<1x64x256xf32> to vector<64x256xf32>
    %swap3A_277 = vector.shape_cast %concatenate3A_271 : vector<64x256xf32> to vector<1x64x256xf32>
    tpu.vector_store %arg17[%swap3A_272, %swap3A_273, %swap3A_274], %swap3A_277 {strides = array<i32>} : memref<32x64x256xf32, #tpu.memory_space<vmem>>, vector<1x64x256xf32>,
    %get3A_278 = arith.constant 0 : index
    %get3A_279 = arith.constant 10 : index
    %get3A_280 = arith.constant 0 : index
    %get3A_281 = arith.constant 0 : index
    %get3A_282 = vector.load %arg2[%get3A_278, %get3A_279, %get3A_280, %get3A_281] : memref<2x26x64x128xf32, #tpu.memory_space<vmem>>, vector<1x1x64x128xf32>
    %get3A_283 = vector.shape_cast %get3A_282 : vector<1x1x64x128xf32> to vector<64x128xf32>
    %get3A_284 = arith.constant 1 : index
    %get3A_285 = arith.constant 10 : index
    %get3A_286 = arith.constant 0 : index
    %get3A_287 = arith.constant 0 : index
    %get3A_288 = vector.load %arg2[%get3A_284, %get3A_285, %get3A_286, %get3A_287] : memref<2x26x64x128xf32, #tpu.memory_space<vmem>>, vector<1x1x64x128xf32>
    %get3A_289 = vector.shape_cast %get3A_288 : vector<1x1x64x128xf32> to vector<64x128xf32>
    %concatenate3A_290 = tpu.concatenate %get3A_283, %get3A_289 in 0 : vector<64x128xf32>, vector<64x128xf32> -> vector<128x128xf32>
    %transpose3A_291 = tpu.transpose %concatenate3A_290, [1, 0] : vector<128x128xf32> -> vector<128x128xf32>
    %slice3A_292 = vector.extract_strided_slice %transpose3A_291 {offsets = [0, 0], sizes = [64, 128], strides = [1, 1]} : vector<128x128xf32> to vector<64x128xf32>
    %slice3A_293 = vector.extract_strided_slice %transpose3A_291 {offsets = [64, 0], sizes = [64, 128], strides = [1, 1]} : vector<128x128xf32> to vector<64x128xf32>
    %concatenate3A_294 = tpu.concatenate %slice3A_292, %slice3A_293 in 1 : vector<64x128xf32>, vector<64x128xf32> -> vector<64x256xf32>
    %swap3A_295 = arith.constant 11 : index
    %swap3A_296 = arith.constant 0 : index
    %swap3A_297 = arith.constant 0 : index
    %swap3A_298 = vector.load %arg17[%swap3A_295, %swap3A_296, %swap3A_297] : memref<32x64x256xf32, #tpu.memory_space<vmem>>, vector<1x64x256xf32>
    %swap3A_299 = vector.shape_cast %swap3A_298 : vector<1x64x256xf32> to vector<64x256xf32>
    %swap3A_300 = vector.shape_cast %concatenate3A_294 : vector<64x256xf32> to vector<1x64x256xf32>
    tpu.vector_store %arg17[%swap3A_295, %swap3A_296, %swap3A_297], %swap3A_300 {strides = array<i32>} : memref<32x64x256xf32, #tpu.memory_space<vmem>>, vector<1x64x256xf32>,
    %get3A_301 = arith.constant 0 : index
    %get3A_302 = arith.constant 11 : index
    %get3A_303 = arith.constant 0 : index
    %get3A_304 = arith.constant 0 : index
    %get3A_305 = vector.load %arg2[%get3A_301, %get3A_302, %get3A_303, %get3A_304] : memref<2x26x64x128xf32, #tpu.memory_space<vmem>>, vector<1x1x64x128xf32>
    %get3A_306 = vector.shape_cast %get3A_305 : vector<1x1x64x128xf32> to vector<64x128xf32>
    %get3A_307 = arith.constant 1 : index
    %get3A_308 = arith.constant 11 : index
    %get3A_309 = arith.constant 0 : index
    %get3A_310 = arith.constant 0 : index
    %get3A_311 = vector.load %arg2[%get3A_307, %get3A_308, %get3A_309, %get3A_310] : memref<2x26x64x128xf32, #tpu.memory_space<vmem>>, vector<1x1x64x128xf32>
    %get3A_312 = vector.shape_cast %get3A_311 : vector<1x1x64x128xf32> to vector<64x128xf32>
    %concatenate3A_313 = tpu.concatenate %get3A_306, %get3A_312 in 0 : vector<64x128xf32>, vector<64x128xf32> -> vector<128x128xf32>
    %transpose3A_314 = tpu.transpose %concatenate3A_313, [1, 0] : vector<128x128xf32> -> vector<128x128xf32>
    %slice3A_315 = vector.extract_strided_slice %transpose3A_314 {offsets = [0, 0], sizes = [64, 128], strides = [1, 1]} : vector<128x128xf32> to vector<64x128xf32>
    %slice3A_316 = vector.extract_strided_slice %transpose3A_314 {offsets = [64, 0], sizes = [64, 128], strides = [1, 1]} : vector<128x128xf32> to vector<64x128xf32>
    %concatenate3A_317 = tpu.concatenate %slice3A_315, %slice3A_316 in 1 : vector<64x128xf32>, vector<64x128xf32> -> vector<64x256xf32>
    %swap3A_318 = arith.constant 12 : index
    %swap3A_319 = arith.constant 0 : index
    %swap3A_320 = arith.constant 0 : index
    %swap3A_321 = vector.load %arg17[%swap3A_318, %swap3A_319, %swap3A_320] : memref<32x64x256xf32, #tpu.memory_space<vmem>>, vector<1x64x256xf32>
    %swap3A_322 = vector.shape_cast %swap3A_321 : vector<1x64x256xf32> to vector<64x256xf32>
    %swap3A_323 = vector.shape_cast %concatenate3A_317 : vector<64x256xf32> to vector<1x64x256xf32>
    tpu.vector_store %arg17[%swap3A_318, %swap3A_319, %swap3A_320], %swap3A_323 {strides = array<i32>} : memref<32x64x256xf32, #tpu.memory_space<vmem>>, vector<1x64x256xf32>,
    %get3A_324 = arith.constant 0 : index
    %get3A_325 = arith.constant 12 : index
    %get3A_326 = arith.constant 0 : index
    %get3A_327 = arith.constant 0 : index
    %get3A_328 = vector.load %arg2[%get3A_324, %get3A_325, %get3A_326, %get3A_327] : memref<2x26x64x128xf32, #tpu.memory_space<vmem>>, vector<1x1x64x128xf32>
    %get3A_329 = vector.shape_cast %get3A_328 : vector<1x1x64x128xf32> to vector<64x128xf32>
    %get3A_330 = arith.constant 1 : index
    %get3A_331 = arith.constant 12 : index
    %get3A_332 = arith.constant 0 : index
    %get3A_333 = arith.constant 0 : index
    %get3A_334 = vector.load %arg2[%get3A_330, %get3A_331, %get3A_332, %get3A_333] : memref<2x26x64x128xf32, #tpu.memory_space<vmem>>, vector<1x1x64x128xf32>
    %get3A_335 = vector.shape_cast %get3A_334 : vector<1x1x64x128xf32> to vector<64x128xf32>
    %concatenate3A_336 = tpu.concatenate %get3A_329, %get3A_335 in 0 : vector<64x128xf32>, vector<64x128xf32> -> vector<128x128xf32>
    %transpose3A_337 = tpu.transpose %concatenate3A_336, [1, 0] : vector<128x128xf32> -> vector<128x128xf32>
    %slice3A_338 = vector.extract_strided_slice %transpose3A_337 {offsets = [0, 0], sizes = [64, 128], strides = [1, 1]} : vector<128x128xf32> to vector<64x128xf32>
    %slice3A_339 = vector.extract_strided_slice %transpose3A_337 {offsets = [64, 0], sizes = [64, 128], strides = [1, 1]} : vector<128x128xf32> to vector<64x128xf32>
    %concatenate3A_340 = tpu.concatenate %slice3A_338, %slice3A_339 in 1 : vector<64x128xf32>, vector<64x128xf32> -> vector<64x256xf32>
    %swap3A_341 = arith.constant 13 : index
    %swap3A_342 = arith.constant 0 : index
    %swap3A_343 = arith.constant 0 : index
    %swap3A_344 = vector.load %arg17[%swap3A_341, %swap3A_342, %swap3A_343] : memref<32x64x256xf32, #tpu.memory_space<vmem>>, vector<1x64x256xf32>
    %swap3A_345 = vector.shape_cast %swap3A_344 : vector<1x64x256xf32> to vector<64x256xf32>
    %swap3A_346 = vector.shape_cast %concatenate3A_340 : vector<64x256xf32> to vector<1x64x256xf32>
    tpu.vector_store %arg17[%swap3A_341, %swap3A_342, %swap3A_343], %swap3A_346 {strides = array<i32>} : memref<32x64x256xf32, #tpu.memory_space<vmem>>, vector<1x64x256xf32>,
    %get3A_347 = arith.constant 0 : index
    %get3A_348 = arith.constant 13 : index
    %get3A_349 = arith.constant 0 : index
    %get3A_350 = arith.constant 0 : index
    %get3A_351 = vector.load %arg2[%get3A_347, %get3A_348, %get3A_349, %get3A_350] : memref<2x26x64x128xf32, #tpu.memory_space<vmem>>, vector<1x1x64x128xf32>
    %get3A_352 = vector.shape_cast %get3A_351 : vector<1x1x64x128xf32> to vector<64x128xf32>
    %get3A_353 = arith.constant 1 : index
    %get3A_354 = arith.constant 13 : index
    %get3A_355 = arith.constant 0 : index
    %get3A_356 = arith.constant 0 : index
    %get3A_357 = vector.load %arg2[%get3A_353, %get3A_354, %get3A_355, %get3A_356] : memref<2x26x64x128xf32, #tpu.memory_space<vmem>>, vector<1x1x64x128xf32>
    %get3A_358 = vector.shape_cast %get3A_357 : vector<1x1x64x128xf32> to vector<64x128xf32>
    %concatenate3A_359 = tpu.concatenate %get3A_352, %get3A_358 in 0 : vector<64x128xf32>, vector<64x128xf32> -> vector<128x128xf32>
    %transpose3A_360 = tpu.transpose %concatenate3A_359, [1, 0] : vector<128x128xf32> -> vector<128x128xf32>
    %slice3A_361 = vector.extract_strided_slice %transpose3A_360 {offsets = [0, 0], sizes = [64, 128], strides = [1, 1]} : vector<128x128xf32> to vector<64x128xf32>
    %slice3A_362 = vector.extract_strided_slice %transpose3A_360 {offsets = [64, 0], sizes = [64, 128], strides = [1, 1]} : vector<128x128xf32> to vector<64x128xf32>
    %concatenate3A_363 = tpu.concatenate %slice3A_361, %slice3A_362 in 1 : vector<64x128xf32>, vector<64x128xf32> -> vector<64x256xf32>
    %swap3A_364 = arith.constant 14 : index
    %swap3A_365 = arith.constant 0 : index
    %swap3A_366 = arith.constant 0 : index
    %swap3A_367 = vector.load %arg17[%swap3A_364, %swap3A_365, %swap3A_366] : memref<32x64x256xf32, #tpu.memory_space<vmem>>, vector<1x64x256xf32>
    %swap3A_368 = vector.shape_cast %swap3A_367 : vector<1x64x256xf32> to vector<64x256xf32>
    %swap3A_369 = vector.shape_cast %concatenate3A_363 : vector<64x256xf32> to vector<1x64x256xf32>
    tpu.vector_store %arg17[%swap3A_364, %swap3A_365, %swap3A_366], %swap3A_369 {strides = array<i32>} : memref<32x64x256xf32, #tpu.memory_space<vmem>>, vector<1x64x256xf32>,
    %get3A_370 = arith.constant 0 : index
    %get3A_371 = arith.constant 14 : index
    %get3A_372 = arith.constant 0 : index
    %get3A_373 = arith.constant 0 : index
    %get3A_374 = vector.load %arg2[%get3A_370, %get3A_371, %get3A_372, %get3A_373] : memref<2x26x64x128xf32, #tpu.memory_space<vmem>>, vector<1x1x64x128xf32>
    %get3A_375 = vector.shape_cast %get3A_374 : vector<1x1x64x128xf32> to vector<64x128xf32>
    %get3A_376 = arith.constant 1 : index
    %get3A_377 = arith.constant 14 : index
    %get3A_378 = arith.constant 0 : index
    %get3A_379 = arith.constant 0 : index
    %get3A_380 = vector.load %arg2[%get3A_376, %get3A_377, %get3A_378, %get3A_379] : memref<2x26x64x128xf32, #tpu.memory_space<vmem>>, vector<1x1x64x128xf32>
    %get3A_381 = vector.shape_cast %get3A_380 : vector<1x1x64x128xf32> to vector<64x128xf32>
    %concatenate3A_382 = tpu.concatenate %get3A_375, %get3A_381 in 0 : vector<64x128xf32>, vector<64x128xf32> -> vector<128x128xf32>
    %transpose3A_383 = tpu.transpose %concatenate3A_382, [1, 0] : vector<128x128xf32> -> vector<128x128xf32>
    %slice3A_384 = vector.extract_strided_slice %transpose3A_383 {offsets = [0, 0], sizes = [64, 128], strides = [1, 1]} : vector<128x128xf32> to vector<64x128xf32>
    %slice3A_385 = vector.extract_strided_slice %transpose3A_383 {offsets = [64, 0], sizes = [64, 128], strides = [1, 1]} : vector<128x128xf32> to vector<64x128xf32>
    %concatenate3A_386 = tpu.concatenate %slice3A_384, %slice3A_385 in 1 : vector<64x128xf32>, vector<64x128xf32> -> vector<64x256xf32>
    %swap3A_387 = arith.constant 15 : index
    %swap3A_388 = arith.constant 0 : index
    %swap3A_389 = arith.constant 0 : index
    %swap3A_390 = vector.load %arg17[%swap3A_387, %swap3A_388, %swap3A_389] : memref<32x64x256xf32, #tpu.memory_space<vmem>>, vector<1x64x256xf32>
    %swap3A_391 = vector.shape_cast %swap3A_390 : vector<1x64x256xf32> to vector<64x256xf32>
    %swap3A_392 = vector.shape_cast %concatenate3A_386 : vector<64x256xf32> to vector<1x64x256xf32>
    tpu.vector_store %arg17[%swap3A_387, %swap3A_388, %swap3A_389], %swap3A_392 {strides = array<i32>} : memref<32x64x256xf32, #tpu.memory_space<vmem>>, vector<1x64x256xf32>,
    %get3A_393 = arith.constant 0 : index
    %get3A_394 = arith.constant 15 : index
    %get3A_395 = arith.constant 0 : index
    %get3A_396 = arith.constant 0 : index
    %get3A_397 = vector.load %arg2[%get3A_393, %get3A_394, %get3A_395, %get3A_396] : memref<2x26x64x128xf32, #tpu.memory_space<vmem>>, vector<1x1x64x128xf32>
    %get3A_398 = vector.shape_cast %get3A_397 : vector<1x1x64x128xf32> to vector<64x128xf32>
    %get3A_399 = arith.constant 1 : index
    %get3A_400 = arith.constant 15 : index
    %get3A_401 = arith.constant 0 : index
    %get3A_402 = arith.constant 0 : index
    %get3A_403 = vector.load %arg2[%get3A_399, %get3A_400, %get3A_401, %get3A_402] : memref<2x26x64x128xf32, #tpu.memory_space<vmem>>, vector<1x1x64x128xf32>
    %get3A_404 = vector.shape_cast %get3A_403 : vector<1x1x64x128xf32> to vector<64x128xf32>
    %concatenate3A_405 = tpu.concatenate %get3A_398, %get3A_404 in 0 : vector<64x128xf32>, vector<64x128xf32> -> vector<128x128xf32>
    %transpose3A_406 = tpu.transpose %concatenate3A_405, [1, 0] : vector<128x128xf32> -> vector<128x128xf32>
    %slice3A_407 = vector.extract_strided_slice %transpose3A_406 {offsets = [0, 0], sizes = [64, 128], strides = [1, 1]} : vector<128x128xf32> to vector<64x128xf32>
    %slice3A_408 = vector.extract_strided_slice %transpose3A_406 {offsets = [64, 0], sizes = [64, 128], strides = [1, 1]} : vector<128x128xf32> to vector<64x128xf32>
    %concatenate3A_409 = tpu.concatenate %slice3A_407, %slice3A_408 in 1 : vector<64x128xf32>, vector<64x128xf32> -> vector<64x256xf32>
    %swap3A_410 = arith.constant 16 : index
    %swap3A_411 = arith.constant 0 : index
    %swap3A_412 = arith.constant 0 : index
    %swap3A_413 = vector.load %arg17[%swap3A_410, %swap3A_411, %swap3A_412] : memref<32x64x256xf32, #tpu.memory_space<vmem>>, vector<1x64x256xf32>
    %swap3A_414 = vector.shape_cast %swap3A_413 : vector<1x64x256xf32> to vector<64x256xf32>
    %swap3A_415 = vector.shape_cast %concatenate3A_409 : vector<64x256xf32> to vector<1x64x256xf32>
    tpu.vector_store %arg17[%swap3A_410, %swap3A_411, %swap3A_412], %swap3A_415 {strides = array<i32>} : memref<32x64x256xf32, #tpu.memory_space<vmem>>, vector<1x64x256xf32>,
    %get3A_416 = arith.constant 0 : index
    %get3A_417 = arith.constant 16 : index
    %get3A_418 = arith.constant 0 : index
    %get3A_419 = arith.constant 0 : index
    %get3A_420 = vector.load %arg2[%get3A_416, %get3A_417, %get3A_418, %get3A_419] : memref<2x26x64x128xf32, #tpu.memory_space<vmem>>, vector<1x1x64x128xf32>
    %get3A_421 = vector.shape_cast %get3A_420 : vector<1x1x64x128xf32> to vector<64x128xf32>
    %get3A_422 = arith.constant 1 : index
    %get3A_423 = arith.constant 16 : index
    %get3A_424 = arith.constant 0 : index
    %get3A_425 = arith.constant 0 : index
    %get3A_426 = vector.load %arg2[%get3A_422, %get3A_423, %get3A_424, %get3A_425] : memref<2x26x64x128xf32, #tpu.memory_space<vmem>>, vector<1x1x64x128xf32>
    %get3A_427 = vector.shape_cast %get3A_426 : vector<1x1x64x128xf32> to vector<64x128xf32>
    %concatenate3A_428 = tpu.concatenate %get3A_421, %get3A_427 in 0 : vector<64x128xf32>, vector<64x128xf32> -> vector<128x128xf32>
    %transpose3A_429 = tpu.transpose %concatenate3A_428, [1, 0] : vector<128x128xf32> -> vector<128x128xf32>
    %slice3A_430 = vector.extract_strided_slice %transpose3A_429 {offsets = [0, 0], sizes = [64, 128], strides = [1, 1]} : vector<128x128xf32> to vector<64x128xf32>
    %slice3A_431 = vector.extract_strided_slice %transpose3A_429 {offsets = [64, 0], sizes = [64, 128], strides = [1, 1]} : vector<128x128xf32> to vector<64x128xf32>
    %concatenate3A_432 = tpu.concatenate %slice3A_430, %slice3A_431 in 1 : vector<64x128xf32>, vector<64x128xf32> -> vector<64x256xf32>
    %swap3A_433 = arith.constant 17 : index
    %swap3A_434 = arith.constant 0 : index
    %swap3A_435 = arith.constant 0 : index
    %swap3A_436 = vector.load %arg17[%swap3A_433, %swap3A_434, %swap3A_435] : memref<32x64x256xf32, #tpu.memory_space<vmem>>, vector<1x64x256xf32>
    %swap3A_437 = vector.shape_cast %swap3A_436 : vector<1x64x256xf32> to vector<64x256xf32>
    %swap3A_438 = vector.shape_cast %concatenate3A_432 : vector<64x256xf32> to vector<1x64x256xf32>
    tpu.vector_store %arg17[%swap3A_433, %swap3A_434, %swap3A_435], %swap3A_438 {strides = array<i32>} : memref<32x64x256xf32, #tpu.memory_space<vmem>>, vector<1x64x256xf32>,
    %get3A_439 = arith.constant 0 : index
    %get3A_440 = arith.constant 17 : index
    %get3A_441 = arith.constant 0 : index
    %get3A_442 = arith.constant 0 : index
    %get3A_443 = vector.load %arg2[%get3A_439, %get3A_440, %get3A_441, %get3A_442] : memref<2x26x64x128xf32, #tpu.memory_space<vmem>>, vector<1x1x64x128xf32>
    %get3A_444 = vector.shape_cast %get3A_443 : vector<1x1x64x128xf32> to vector<64x128xf32>
    %get3A_445 = arith.constant 1 : index
    %get3A_446 = arith.constant 17 : index
    %get3A_447 = arith.constant 0 : index
    %get3A_448 = arith.constant 0 : index
    %get3A_449 = vector.load %arg2[%get3A_445, %get3A_446, %get3A_447, %get3A_448] : memref<2x26x64x128xf32, #tpu.memory_space<vmem>>, vector<1x1x64x128xf32>
    %get3A_450 = vector.shape_cast %get3A_449 : vector<1x1x64x128xf32> to vector<64x128xf32>
    %concatenate3A_451 = tpu.concatenate %get3A_444, %get3A_450 in 0 : vector<64x128xf32>, vector<64x128xf32> -> vector<128x128xf32>
    %transpose3A_452 = tpu.transpose %concatenate3A_451, [1, 0] : vector<128x128xf32> -> vector<128x128xf32>
    %slice3A_453 = vector.extract_strided_slice %transpose3A_452 {offsets = [0, 0], sizes = [64, 128], strides = [1, 1]} : vector<128x128xf32> to vector<64x128xf32>
    %slice3A_454 = vector.extract_strided_slice %transpose3A_452 {offsets = [64, 0], sizes = [64, 128], strides = [1, 1]} : vector<128x128xf32> to vector<64x128xf32>
    %concatenate3A_455 = tpu.concatenate %slice3A_453, %slice3A_454 in 1 : vector<64x128xf32>, vector<64x128xf32> -> vector<64x256xf32>
    %swap3A_456 = arith.constant 18 : index
    %swap3A_457 = arith.constant 0 : index
    %swap3A_458 = arith.constant 0 : index
    %swap3A_459 = vector.load %arg17[%swap3A_456, %swap3A_457, %swap3A_458] : memref<32x64x256xf32, #tpu.memory_space<vmem>>, vector<1x64x256xf32>
    %swap3A_460 = vector.shape_cast %swap3A_459 : vector<1x64x256xf32> to vector<64x256xf32>
    %swap3A_461 = vector.shape_cast %concatenate3A_455 : vector<64x256xf32> to vector<1x64x256xf32>
    tpu.vector_store %arg17[%swap3A_456, %swap3A_457, %swap3A_458], %swap3A_461 {strides = array<i32>} : memref<32x64x256xf32, #tpu.memory_space<vmem>>, vector<1x64x256xf32>,
    %get3A_462 = arith.constant 0 : index
    %get3A_463 = arith.constant 18 : index
    %get3A_464 = arith.constant 0 : index
    %get3A_465 = arith.constant 0 : index
    %get3A_466 = vector.load %arg2[%get3A_462, %get3A_463, %get3A_464, %get3A_465] : memref<2x26x64x128xf32, #tpu.memory_space<vmem>>, vector<1x1x64x128xf32>
    %get3A_467 = vector.shape_cast %get3A_466 : vector<1x1x64x128xf32> to vector<64x128xf32>
    %get3A_468 = arith.constant 1 : index
    %get3A_469 = arith.constant 18 : index
    %get3A_470 = arith.constant 0 : index
    %get3A_471 = arith.constant 0 : index
    %get3A_472 = vector.load %arg2[%get3A_468, %get3A_469, %get3A_470, %get3A_471] : memref<2x26x64x128xf32, #tpu.memory_space<vmem>>, vector<1x1x64x128xf32>
    %get3A_473 = vector.shape_cast %get3A_472 : vector<1x1x64x128xf32> to vector<64x128xf32>
    %concatenate3A_474 = tpu.concatenate %get3A_467, %get3A_473 in 0 : vector<64x128xf32>, vector<64x128xf32> -> vector<128x128xf32>
    %transpose3A_475 = tpu.transpose %concatenate3A_474, [1, 0] : vector<128x128xf32> -> vector<128x128xf32>
    %slice3A_476 = vector.extract_strided_slice %transpose3A_475 {offsets = [0, 0], sizes = [64, 128], strides = [1, 1]} : vector<128x128xf32> to vector<64x128xf32>
    %slice3A_477 = vector.extract_strided_slice %transpose3A_475 {offsets = [64, 0], sizes = [64, 128], strides = [1, 1]} : vector<128x128xf32> to vector<64x128xf32>
    %concatenate3A_478 = tpu.concatenate %slice3A_476, %slice3A_477 in 1 : vector<64x128xf32>, vector<64x128xf32> -> vector<64x256xf32>
    %swap3A_479 = arith.constant 19 : index
    %swap3A_480 = arith.constant 0 : index
    %swap3A_481 = arith.constant 0 : index
    %swap3A_482 = vector.load %arg17[%swap3A_479, %swap3A_480, %swap3A_481] : memref<32x64x256xf32, #tpu.memory_space<vmem>>, vector<1x64x256xf32>
    %swap3A_483 = vector.shape_cast %swap3A_482 : vector<1x64x256xf32> to vector<64x256xf32>
    %swap3A_484 = vector.shape_cast %concatenate3A_478 : vector<64x256xf32> to vector<1x64x256xf32>
    tpu.vector_store %arg17[%swap3A_479, %swap3A_480, %swap3A_481], %swap3A_484 {strides = array<i32>} : memref<32x64x256xf32, #tpu.memory_space<vmem>>, vector<1x64x256xf32>,
    %get3A_485 = arith.constant 0 : index
    %get3A_486 = arith.constant 19 : index
    %get3A_487 = arith.constant 0 : index
    %get3A_488 = arith.constant 0 : index
    %get3A_489 = vector.load %arg2[%get3A_485, %get3A_486, %get3A_487, %get3A_488] : memref<2x26x64x128xf32, #tpu.memory_space<vmem>>, vector<1x1x64x128xf32>
    %get3A_490 = vector.shape_cast %get3A_489 : vector<1x1x64x128xf32> to vector<64x128xf32>
    %get3A_491 = arith.constant 1 : index
    %get3A_492 = arith.constant 19 : index
    %get3A_493 = arith.constant 0 : index
    %get3A_494 = arith.constant 0 : index
    %get3A_495 = vector.load %arg2[%get3A_491, %get3A_492, %get3A_493, %get3A_494] : memref<2x26x64x128xf32, #tpu.memory_space<vmem>>, vector<1x1x64x128xf32>
    %get3A_496 = vector.shape_cast %get3A_495 : vector<1x1x64x128xf32> to vector<64x128xf32>
    %concatenate3A_497 = tpu.concatenate %get3A_490, %get3A_496 in 0 : vector<64x128xf32>, vector<64x128xf32> -> vector<128x128xf32>
    %transpose3A_498 = tpu.transpose %concatenate3A_497, [1, 0] : vector<128x128xf32> -> vector<128x128xf32>
    %slice3A_499 = vector.extract_strided_slice %transpose3A_498 {offsets = [0, 0], sizes = [64, 128], strides = [1, 1]} : vector<128x128xf32> to vector<64x128xf32>
    %slice3A_500 = vector.extract_strided_slice %transpose3A_498 {offsets = [64, 0], sizes = [64, 128], strides = [1, 1]} : vector<128x128xf32> to vector<64x128xf32>
    %concatenate3A_501 = tpu.concatenate %slice3A_499, %slice3A_500 in 1 : vector<64x128xf32>, vector<64x128xf32> -> vector<64x256xf32>
    %swap3A_502 = arith.constant 20 : index
    %swap3A_503 = arith.constant 0 : index
    %swap3A_504 = arith.constant 0 : index
    %swap3A_505 = vector.load %arg17[%swap3A_502, %swap3A_503, %swap3A_504] : memref<32x64x256xf32, #tpu.memory_space<vmem>>, vector<1x64x256xf32>
    %swap3A_506 = vector.shape_cast %swap3A_505 : vector<1x64x256xf32> to vector<64x256xf32>
    %swap3A_507 = vector.shape_cast %concatenate3A_501 : vector<64x256xf32> to vector<1x64x256xf32>
    tpu.vector_store %arg17[%swap3A_502, %swap3A_503, %swap3A_504], %swap3A_507 {strides = array<i32>} : memref<32x64x256xf32, #tpu.memory_space<vmem>>, vector<1x64x256xf32>,
    %get3A_508 = arith.constant 0 : index
    %get3A_509 = arith.constant 20 : index
    %get3A_510 = arith.constant 0 : index
    %get3A_511 = arith.constant 0 : index
    %get3A_512 = vector.load %arg2[%get3A_508, %get3A_509, %get3A_510, %get3A_511] : memref<2x26x64x128xf32, #tpu.memory_space<vmem>>, vector<1x1x64x128xf32>
    %get3A_513 = vector.shape_cast %get3A_512 : vector<1x1x64x128xf32> to vector<64x128xf32>
    %get3A_514 = arith.constant 1 : index
    %get3A_515 = arith.constant 20 : index
    %get3A_516 = arith.constant 0 : index
    %get3A_517 = arith.constant 0 : index
    %get3A_518 = vector.load %arg2[%get3A_514, %get3A_515, %get3A_516, %get3A_517] : memref<2x26x64x128xf32, #tpu.memory_space<vmem>>, vector<1x1x64x128xf32>
    %get3A_519 = vector.shape_cast %get3A_518 : vector<1x1x64x128xf32> to vector<64x128xf32>
    %concatenate3A_520 = tpu.concatenate %get3A_513, %get3A_519 in 0 : vector<64x128xf32>, vector<64x128xf32> -> vector<128x128xf32>
    %transpose3A_521 = tpu.transpose %concatenate3A_520, [1, 0] : vector<128x128xf32> -> vector<128x128xf32>
    %slice3A_522 = vector.extract_strided_slice %transpose3A_521 {offsets = [0, 0], sizes = [64, 128], strides = [1, 1]} : vector<128x128xf32> to vector<64x128xf32>
    %slice3A_523 = vector.extract_strided_slice %transpose3A_521 {offsets = [64, 0], sizes = [64, 128], strides = [1, 1]} : vector<128x128xf32> to vector<64x128xf32>
    %concatenate3A_524 = tpu.concatenate %slice3A_522, %slice3A_523 in 1 : vector<64x128xf32>, vector<64x128xf32> -> vector<64x256xf32>
    %swap3A_525 = arith.constant 21 : index
    %swap3A_526 = arith.constant 0 : index
    %swap3A_527 = arith.constant 0 : index
    %swap3A_528 = vector.load %arg17[%swap3A_525, %swap3A_526, %swap3A_527] : memref<32x64x256xf32, #tpu.memory_space<vmem>>, vector<1x64x256xf32>
    %swap3A_529 = vector.shape_cast %swap3A_528 : vector<1x64x256xf32> to vector<64x256xf32>
    %swap3A_530 = vector.shape_cast %concatenate3A_524 : vector<64x256xf32> to vector<1x64x256xf32>
    tpu.vector_store %arg17[%swap3A_525, %swap3A_526, %swap3A_527], %swap3A_530 {strides = array<i32>} : memref<32x64x256xf32, #tpu.memory_space<vmem>>, vector<1x64x256xf32>,
    %get3A_531 = arith.constant 0 : index
    %get3A_532 = arith.constant 21 : index
    %get3A_533 = arith.constant 0 : index
    %get3A_534 = arith.constant 0 : index
    %get3A_535 = vector.load %arg2[%get3A_531, %get3A_532, %get3A_533, %get3A_534] : memref<2x26x64x128xf32, #tpu.memory_space<vmem>>, vector<1x1x64x128xf32>
    %get3A_536 = vector.shape_cast %get3A_535 : vector<1x1x64x128xf32> to vector<64x128xf32>
    %get3A_537 = arith.constant 1 : index
    %get3A_538 = arith.constant 21 : index
    %get3A_539 = arith.constant 0 : index
    %get3A_540 = arith.constant 0 : index
    %get3A_541 = vector.load %arg2[%get3A_537, %get3A_538, %get3A_539, %get3A_540] : memref<2x26x64x128xf32, #tpu.memory_space<vmem>>, vector<1x1x64x128xf32>
    %get3A_542 = vector.shape_cast %get3A_541 : vector<1x1x64x128xf32> to vector<64x128xf32>
    %concatenate3A_543 = tpu.concatenate %get3A_536, %get3A_542 in 0 : vector<64x128xf32>, vector<64x128xf32> -> vector<128x128xf32>
    %transpose3A_544 = tpu.transpose %concatenate3A_543, [1, 0] : vector<128x128xf32> -> vector<128x128xf32>
    %slice3A_545 = vector.extract_strided_slice %transpose3A_544 {offsets = [0, 0], sizes = [64, 128], strides = [1, 1]} : vector<128x128xf32> to vector<64x128xf32>
    %slice3A_546 = vector.extract_strided_slice %transpose3A_544 {offsets = [64, 0], sizes = [64, 128], strides = [1, 1]} : vector<128x128xf32> to vector<64x128xf32>
    %concatenate3A_547 = tpu.concatenate %slice3A_545, %slice3A_546 in 1 : vector<64x128xf32>, vector<64x128xf32> -> vector<64x256xf32>
    %swap3A_548 = arith.constant 22 : index
    %swap3A_549 = arith.constant 0 : index
    %swap3A_550 = arith.constant 0 : index
    %swap3A_551 = vector.load %arg17[%swap3A_548, %swap3A_549, %swap3A_550] : memref<32x64x256xf32, #tpu.memory_space<vmem>>, vector<1x64x256xf32>
    %swap3A_552 = vector.shape_cast %swap3A_551 : vector<1x64x256xf32> to vector<64x256xf32>
    %swap3A_553 = vector.shape_cast %concatenate3A_547 : vector<64x256xf32> to vector<1x64x256xf32>
    tpu.vector_store %arg17[%swap3A_548, %swap3A_549, %swap3A_550], %swap3A_553 {strides = array<i32>} : memref<32x64x256xf32, #tpu.memory_space<vmem>>, vector<1x64x256xf32>,
    %get3A_554 = arith.constant 0 : index
    %get3A_555 = arith.constant 22 : index
    %get3A_556 = arith.constant 0 : index
    %get3A_557 = arith.constant 0 : index
    %get3A_558 = vector.load %arg2[%get3A_554, %get3A_555, %get3A_556, %get3A_557] : memref<2x26x64x128xf32, #tpu.memory_space<vmem>>, vector<1x1x64x128xf32>
    %get3A_559 = vector.shape_cast %get3A_558 : vector<1x1x64x128xf32> to vector<64x128xf32>
    %get3A_560 = arith.constant 1 : index
    %get3A_561 = arith.constant 22 : index
    %get3A_562 = arith.constant 0 : index
    %get3A_563 = arith.constant 0 : index
    %get3A_564 = vector.load %arg2[%get3A_560, %get3A_561, %get3A_562, %get3A_563] : memref<2x26x64x128xf32, #tpu.memory_space<vmem>>, vector<1x1x64x128xf32>
    %get3A_565 = vector.shape_cast %get3A_564 : vector<1x1x64x128xf32> to vector<64x128xf32>
    %concatenate3A_566 = tpu.concatenate %get3A_559, %get3A_565 in 0 : vector<64x128xf32>, vector<64x128xf32> -> vector<128x128xf32>
    %transpose3A_567 = tpu.transpose %concatenate3A_566, [1, 0] : vector<128x128xf32> -> vector<128x128xf32>
    %slice3A_568 = vector.extract_strided_slice %transpose3A_567 {offsets = [0, 0], sizes = [64, 128], strides = [1, 1]} : vector<128x128xf32> to vector<64x128xf32>
    %slice3A_569 = vector.extract_strided_slice %transpose3A_567 {offsets = [64, 0], sizes = [64, 128], strides = [1, 1]} : vector<128x128xf32> to vector<64x128xf32>
    %concatenate3A_570 = tpu.concatenate %slice3A_568, %slice3A_569 in 1 : vector<64x128xf32>, vector<64x128xf32> -> vector<64x256xf32>
    %swap3A_571 = arith.constant 23 : index
    %swap3A_572 = arith.constant 0 : index
    %swap3A_573 = arith.constant 0 : index
    %swap3A_574 = vector.load %arg17[%swap3A_571, %swap3A_572, %swap3A_573] : memref<32x64x256xf32, #tpu.memory_space<vmem>>, vector<1x64x256xf32>
    %swap3A_575 = vector.shape_cast %swap3A_574 : vector<1x64x256xf32> to vector<64x256xf32>
    %swap3A_576 = vector.shape_cast %concatenate3A_570 : vector<64x256xf32> to vector<1x64x256xf32>
    tpu.vector_store %arg17[%swap3A_571, %swap3A_572, %swap3A_573], %swap3A_576 {strides = array<i32>} : memref<32x64x256xf32, #tpu.memory_space<vmem>>, vector<1x64x256xf32>,
    %get3A_577 = arith.constant 0 : index
    %get3A_578 = arith.constant 23 : index
    %get3A_579 = arith.constant 0 : index
    %get3A_580 = arith.constant 0 : index
    %get3A_581 = vector.load %arg2[%get3A_577, %get3A_578, %get3A_579, %get3A_580] : memref<2x26x64x128xf32, #tpu.memory_space<vmem>>, vector<1x1x64x128xf32>
    %get3A_582 = vector.shape_cast %get3A_581 : vector<1x1x64x128xf32> to vector<64x128xf32>
    %get3A_583 = arith.constant 1 : index
    %get3A_584 = arith.constant 23 : index
    %get3A_585 = arith.constant 0 : index
    %get3A_586 = arith.constant 0 : index
    %get3A_587 = vector.load %arg2[%get3A_583, %get3A_584, %get3A_585, %get3A_586] : memref<2x26x64x128xf32, #tpu.memory_space<vmem>>, vector<1x1x64x128xf32>
    %get3A_588 = vector.shape_cast %get3A_587 : vector<1x1x64x128xf32> to vector<64x128xf32>
    %concatenate3A_589 = tpu.concatenate %get3A_582, %get3A_588 in 0 : vector<64x128xf32>, vector<64x128xf32> -> vector<128x128xf32>
    %transpose3A_590 = tpu.transpose %concatenate3A_589, [1, 0] : vector<128x128xf32> -> vector<128x128xf32>
    %slice3A_591 = vector.extract_strided_slice %transpose3A_590 {offsets = [0, 0], sizes = [64, 128], strides = [1, 1]} : vector<128x128xf32> to vector<64x128xf32>
    %slice3A_592 = vector.extract_strided_slice %transpose3A_590 {offsets = [64, 0], sizes = [64, 128], strides = [1, 1]} : vector<128x128xf32> to vector<64x128xf32>
    %concatenate3A_593 = tpu.concatenate %slice3A_591, %slice3A_592 in 1 : vector<64x128xf32>, vector<64x128xf32> -> vector<64x256xf32>
    %swap3A_594 = arith.constant 24 : index
    %swap3A_595 = arith.constant 0 : index
    %swap3A_596 = arith.constant 0 : index
    %swap3A_597 = vector.load %arg17[%swap3A_594, %swap3A_595, %swap3A_596] : memref<32x64x256xf32, #tpu.memory_space<vmem>>, vector<1x64x256xf32>
    %swap3A_598 = vector.shape_cast %swap3A_597 : vector<1x64x256xf32> to vector<64x256xf32>
    %swap3A_599 = vector.shape_cast %concatenate3A_593 : vector<64x256xf32> to vector<1x64x256xf32>
    tpu.vector_store %arg17[%swap3A_594, %swap3A_595, %swap3A_596], %swap3A_599 {strides = array<i32>} : memref<32x64x256xf32, #tpu.memory_space<vmem>>, vector<1x64x256xf32>,
    %get3A_600 = arith.constant 0 : index
    %get3A_601 = arith.constant 24 : index
    %get3A_602 = arith.constant 0 : index
    %get3A_603 = arith.constant 0 : index
    %get3A_604 = vector.load %arg2[%get3A_600, %get3A_601, %get3A_602, %get3A_603] : memref<2x26x64x128xf32, #tpu.memory_space<vmem>>, vector<1x1x64x128xf32>
    %get3A_605 = vector.shape_cast %get3A_604 : vector<1x1x64x128xf32> to vector<64x128xf32>
    %get3A_606 = arith.constant 1 : index
    %get3A_607 = arith.constant 24 : index
    %get3A_608 = arith.constant 0 : index
    %get3A_609 = arith.constant 0 : index
    %get3A_610 = vector.load %arg2[%get3A_606, %get3A_607, %get3A_608, %get3A_609] : memref<2x26x64x128xf32, #tpu.memory_space<vmem>>, vector<1x1x64x128xf32>
    %get3A_611 = vector.shape_cast %get3A_610 : vector<1x1x64x128xf32> to vector<64x128xf32>
    %concatenate3A_612 = tpu.concatenate %get3A_605, %get3A_611 in 0 : vector<64x128xf32>, vector<64x128xf32> -> vector<128x128xf32>
    %transpose3A_613 = tpu.transpose %concatenate3A_612, [1, 0] : vector<128x128xf32> -> vector<128x128xf32>
    %slice3A_614 = vector.extract_strided_slice %transpose3A_613 {offsets = [0, 0], sizes = [64, 128], strides = [1, 1]} : vector<128x128xf32> to vector<64x128xf32>
    %slice3A_615 = vector.extract_strided_slice %transpose3A_613 {offsets = [64, 0], sizes = [64, 128], strides = [1, 1]} : vector<128x128xf32> to vector<64x128xf32>
    %concatenate3A_616 = tpu.concatenate %slice3A_614, %slice3A_615 in 1 : vector<64x128xf32>, vector<64x128xf32> -> vector<64x256xf32>
    %swap3A_617 = arith.constant 25 : index
    %swap3A_618 = arith.constant 0 : index
    %swap3A_619 = arith.constant 0 : index
    %swap3A_620 = vector.load %arg17[%swap3A_617, %swap3A_618, %swap3A_619] : memref<32x64x256xf32, #tpu.memory_space<vmem>>, vector<1x64x256xf32>
    %swap3A_621 = vector.shape_cast %swap3A_620 : vector<1x64x256xf32> to vector<64x256xf32>
    %swap3A_622 = vector.shape_cast %concatenate3A_616 : vector<64x256xf32> to vector<1x64x256xf32>
    tpu.vector_store %arg17[%swap3A_617, %swap3A_618, %swap3A_619], %swap3A_622 {strides = array<i32>} : memref<32x64x256xf32, #tpu.memory_space<vmem>>, vector<1x64x256xf32>,
    %get3A_623 = arith.constant 0 : index
    %get3A_624 = arith.constant 25 : index
    %get3A_625 = arith.constant 0 : index
    %get3A_626 = arith.constant 0 : index
    %get3A_627 = vector.load %arg2[%get3A_623, %get3A_624, %get3A_625, %get3A_626] : memref<2x26x64x128xf32, #tpu.memory_space<vmem>>, vector<1x1x64x128xf32>
    %get3A_628 = vector.shape_cast %get3A_627 : vector<1x1x64x128xf32> to vector<64x128xf32>
    %get3A_629 = arith.constant 1 : index
    %get3A_630 = arith.constant 25 : index
    %get3A_631 = arith.constant 0 : index
    %get3A_632 = arith.constant 0 : index
    %get3A_633 = vector.load %arg2[%get3A_629, %get3A_630, %get3A_631, %get3A_632] : memref<2x26x64x128xf32, #tpu.memory_space<vmem>>, vector<1x1x64x128xf32>
    %get3A_634 = vector.shape_cast %get3A_633 : vector<1x1x64x128xf32> to vector<64x128xf32>
    %concatenate3A_635 = tpu.concatenate %get3A_628, %get3A_634 in 0 : vector<64x128xf32>, vector<64x128xf32> -> vector<128x128xf32>
    %transpose3A_636 = tpu.transpose %concatenate3A_635, [1, 0] : vector<128x128xf32> -> vector<128x128xf32>
    %slice3A_637 = vector.extract_strided_slice %transpose3A_636 {offsets = [0, 0], sizes = [64, 128], strides = [1, 1]} : vector<128x128xf32> to vector<64x128xf32>
    %slice3A_638 = vector.extract_strided_slice %transpose3A_636 {offsets = [64, 0], sizes = [64, 128], strides = [1, 1]} : vector<128x128xf32> to vector<64x128xf32>
    %concatenate3A_639 = tpu.concatenate %slice3A_637, %slice3A_638 in 1 : vector<64x128xf32>, vector<64x128xf32> -> vector<64x256xf32>
    %swap3A_640 = arith.constant 26 : index
    %swap3A_641 = arith.constant 0 : index
    %swap3A_642 = arith.constant 0 : index
    %swap3A_643 = vector.load %arg17[%swap3A_640, %swap3A_641, %swap3A_642] : memref<32x64x256xf32, #tpu.memory_space<vmem>>, vector<1x64x256xf32>
    %swap3A_644 = vector.shape_cast %swap3A_643 : vector<1x64x256xf32> to vector<64x256xf32>
    %swap3A_645 = vector.shape_cast %concatenate3A_639 : vector<64x256xf32> to vector<1x64x256xf32>
    tpu.vector_store %arg17[%swap3A_640, %swap3A_641, %swap3A_642], %swap3A_645 {strides = array<i32>} : memref<32x64x256xf32, #tpu.memory_space<vmem>>, vector<1x64x256xf32>,
    %broadcast_in_dim3A = arith.constant 0.000000e+00 : f32
    %broadcast_in_dim3A_646 = vector.broadcast %broadcast_in_dim3A : f32 to vector<64x256xf32>
    %swap3A_647 = arith.constant 27 : index
    %swap3A_648 = arith.constant 0 : index
    %swap3A_649 = arith.constant 0 : index
    %swap3A_650 = vector.load %arg17[%swap3A_647, %swap3A_648, %swap3A_649] : memref<32x64x256xf32, #tpu.memory_space<vmem>>, vector<1x64x256xf32>
    %swap3A_651 = vector.shape_cast %swap3A_650 : vector<1x64x256xf32> to vector<64x256xf32>
    %swap3A_652 = vector.shape_cast %broadcast_in_dim3A_646 : vector<64x256xf32> to vector<1x64x256xf32>
    tpu.vector_store %arg17[%swap3A_647, %swap3A_648, %swap3A_649], %swap3A_652 {strides = array<i32>} : memref<32x64x256xf32, #tpu.memory_space<vmem>>, vector<1x64x256xf32>,
    %broadcast_in_dim3A_653 = arith.constant 0.000000e+00 : f32
    %broadcast_in_dim3A_654 = vector.broadcast %broadcast_in_dim3A_653 : f32 to vector<64x256xf32>
    %swap3A_655 = arith.constant 28 : index
    %swap3A_656 = arith.constant 0 : index
    %swap3A_657 = arith.constant 0 : index
    %swap3A_658 = vector.load %arg17[%swap3A_655, %swap3A_656, %swap3A_657] : memref<32x64x256xf32, #tpu.memory_space<vmem>>, vector<1x64x256xf32>
    %swap3A_659 = vector.shape_cast %swap3A_658 : vector<1x64x256xf32> to vector<64x256xf32>
    %swap3A_660 = vector.shape_cast %broadcast_in_dim3A_654 : vector<64x256xf32> to vector<1x64x256xf32>
    tpu.vector_store %arg17[%swap3A_655, %swap3A_656, %swap3A_657], %swap3A_660 {strides = array<i32>} : memref<32x64x256xf32, #tpu.memory_space<vmem>>, vector<1x64x256xf32>,
    %broadcast_in_dim3A_661 = arith.constant 0.000000e+00 : f32
    %broadcast_in_dim3A_662 = vector.broadcast %broadcast_in_dim3A_661 : f32 to vector<64x256xf32>
    %swap3A_663 = arith.constant 29 : index
    %swap3A_664 = arith.constant 0 : index
    %swap3A_665 = arith.constant 0 : index
    %swap3A_666 = vector.load %arg17[%swap3A_663, %swap3A_664, %swap3A_665] : memref<32x64x256xf32, #tpu.memory_space<vmem>>, vector<1x64x256xf32>
    %swap3A_667 = vector.shape_cast %swap3A_666 : vector<1x64x256xf32> to vector<64x256xf32>
    %swap3A_668 = vector.shape_cast %broadcast_in_dim3A_662 : vector<64x256xf32> to vector<1x64x256xf32>
    tpu.vector_store %arg17[%swap3A_663, %swap3A_664, %swap3A_665], %swap3A_668 {strides = array<i32>} : memref<32x64x256xf32, #tpu.memory_space<vmem>>, vector<1x64x256xf32>,
    %broadcast_in_dim3A_669 = arith.constant 0.000000e+00 : f32
    %broadcast_in_dim3A_670 = vector.broadcast %broadcast_in_dim3A_669 : f32 to vector<64x256xf32>
    %swap3A_671 = arith.constant 30 : index
    %swap3A_672 = arith.constant 0 : index
    %swap3A_673 = arith.constant 0 : index
    %swap3A_674 = vector.load %arg17[%swap3A_671, %swap3A_672, %swap3A_673] : memref<32x64x256xf32, #tpu.memory_space<vmem>>, vector<1x64x256xf32>
    %swap3A_675 = vector.shape_cast %swap3A_674 : vector<1x64x256xf32> to vector<64x256xf32>
    %swap3A_676 = vector.shape_cast %broadcast_in_dim3A_670 : vector<64x256xf32> to vector<1x64x256xf32>
    tpu.vector_store %arg17[%swap3A_671, %swap3A_672, %swap3A_673], %swap3A_676 {strides = array<i32>} : memref<32x64x256xf32, #tpu.memory_space<vmem>>, vector<1x64x256xf32>,
    %broadcast_in_dim3A_677 = arith.constant 0.000000e+00 : f32
    %broadcast_in_dim3A_678 = vector.broadcast %broadcast_in_dim3A_677 : f32 to vector<64x256xf32>
    %swap3A_679 = arith.constant 31 : index
    %swap3A_680 = arith.constant 0 : index
    %swap3A_681 = arith.constant 0 : index
    %swap3A_682 = vector.load %arg17[%swap3A_679, %swap3A_680, %swap3A_681] : memref<32x64x256xf32, #tpu.memory_space<vmem>>, vector<1x64x256xf32>
    %swap3A_683 = vector.shape_cast %swap3A_682 : vector<1x64x256xf32> to vector<64x256xf32>
    %swap3A_684 = vector.shape_cast %broadcast_in_dim3A_678 : vector<64x256xf32> to vector<1x64x256xf32>
    tpu.vector_store %arg17[%swap3A_679, %swap3A_680, %swap3A_681], %swap3A_684 {strides = array<i32>} : memref<32x64x256xf32, #tpu.memory_space<vmem>>, vector<1x64x256xf32>,
    %get3A_685 = arith.constant 0 : index
    %get3A_686 = arith.constant 0 : index
    %get3A_687 = arith.constant 0 : index
    %get3A_688 = vector.load %arg17[%get3A_685, %get3A_686, %get3A_687] : memref<32x64x256xf32, #tpu.memory_space<vmem>>, vector<32x64x256xf32>
    %slice3A_689 = vector.extract_strided_slice %get3A_688 {offsets = [0, 0, 0], sizes = [1, 64, 256], strides = [1, 1, 1]} : vector<32x64x256xf32> to vector<1x64x256xf32>
    %squeeze3A_690 = vector.shape_cast %slice3A_689 : vector<1x64x256xf32> to vector<64x256xf32>
    %broadcast_in_dim3A_691 = vector.shape_cast %squeeze3A_690 : vector<64x256xf32> to vector<1x64x256xf32>
    %mul3A = vector.broadcast %broadcast_in_dim3A_691 : vector<1x64x256xf32> to vector<32x64x256xf32>
    %mul3A_692 = arith.mulf %get3A_688, %mul3A : vector<32x64x256xf32>
    %reduce_sum3A = arith.constant dense<0.000000e+00> : vector<32x256xf32>
    %reduce_sum3A_693 = vector.multi_reduction <add>, %mul3A_692, %reduce_sum3A [1] : vector<32x64x256xf32> to vector<32x256xf32>
    %swap3A_694 = arith.constant 0 : index
    %swap3A_695 = arith.constant 0 : index
    %swap3A_696 = vector.load %arg18[%swap3A_694, %swap3A_695] : memref<864x256xf32, #tpu.memory_space<vmem>>, vector<32x256xf32>
    tpu.vector_store %arg18[%swap3A_694, %swap3A_695], %reduce_sum3A_693 {strides = array<i32>} : memref<864x256xf32, #tpu.memory_space<vmem>>, vector<32x256xf32>,
    %slice3A_697 = vector.extract_strided_slice %get3A_688 {offsets = [1, 0, 0], sizes = [1, 64, 256], strides = [1, 1, 1]} : vector<32x64x256xf32> to vector<1x64x256xf32>
    %squeeze3A_698 = vector.shape_cast %slice3A_697 : vector<1x64x256xf32> to vector<64x256xf32>
    %broadcast_in_dim3A_699 = vector.shape_cast %squeeze3A_698 : vector<64x256xf32> to vector<1x64x256xf32>
    %mul3A_700 = vector.broadcast %broadcast_in_dim3A_699 : vector<1x64x256xf32> to vector<32x64x256xf32>
    %mul3A_701 = arith.mulf %get3A_688, %mul3A_700 : vector<32x64x256xf32>
    %reduce_sum3A_702 = arith.constant dense<0.000000e+00> : vector<32x256xf32>
    %reduce_sum3A_703 = vector.multi_reduction <add>, %mul3A_701, %reduce_sum3A_702 [1] : vector<32x64x256xf32> to vector<32x256xf32>
    %swap3A_704 = arith.constant 32 : index
    %swap3A_705 = arith.constant 0 : index
    %swap3A_706 = vector.load %arg18[%swap3A_704, %swap3A_705] : memref<864x256xf32, #tpu.memory_space<vmem>>, vector<32x256xf32>
    tpu.vector_store %arg18[%swap3A_704, %swap3A_705], %reduce_sum3A_703 {strides = array<i32>} : memref<864x256xf32, #tpu.memory_space<vmem>>, vector<32x256xf32>,
    %slice3A_707 = vector.extract_strided_slice %get3A_688 {offsets = [2, 0, 0], sizes = [1, 64, 256], strides = [1, 1, 1]} : vector<32x64x256xf32> to vector<1x64x256xf32>
    %squeeze3A_708 = vector.shape_cast %slice3A_707 : vector<1x64x256xf32> to vector<64x256xf32>
    %broadcast_in_dim3A_709 = vector.shape_cast %squeeze3A_708 : vector<64x256xf32> to vector<1x64x256xf32>
    %mul3A_710 = vector.broadcast %broadcast_in_dim3A_709 : vector<1x64x256xf32> to vector<32x64x256xf32>
    %mul3A_711 = arith.mulf %get3A_688, %mul3A_710 : vector<32x64x256xf32>
    %reduce_sum3A_712 = arith.constant dense<0.000000e+00> : vector<32x256xf32>
    %reduce_sum3A_713 = vector.multi_reduction <add>, %mul3A_711, %reduce_sum3A_712 [1] : vector<32x64x256xf32> to vector<32x256xf32>
    %swap3A_714 = arith.constant 64 : index
    %swap3A_715 = arith.constant 0 : index
    %swap3A_716 = vector.load %arg18[%swap3A_714, %swap3A_715] : memref<864x256xf32, #tpu.memory_space<vmem>>, vector<32x256xf32>
    tpu.vector_store %arg18[%swap3A_714, %swap3A_715], %reduce_sum3A_713 {strides = array<i32>} : memref<864x256xf32, #tpu.memory_space<vmem>>, vector<32x256xf32>,
    %slice3A_717 = vector.extract_strided_slice %get3A_688 {offsets = [3, 0, 0], sizes = [1, 64, 256], strides = [1, 1, 1]} : vector<32x64x256xf32> to vector<1x64x256xf32>
    %squeeze3A_718 = vector.shape_cast %slice3A_717 : vector<1x64x256xf32> to vector<64x256xf32>
    %broadcast_in_dim3A_719 = vector.shape_cast %squeeze3A_718 : vector<64x256xf32> to vector<1x64x256xf32>
    %mul3A_720 = vector.broadcast %broadcast_in_dim3A_719 : vector<1x64x256xf32> to vector<32x64x256xf32>
    %mul3A_721 = arith.mulf %get3A_688, %mul3A_720 : vector<32x64x256xf32>
    %reduce_sum3A_722 = arith.constant dense<0.000000e+00> : vector<32x256xf32>
    %reduce_sum3A_723 = vector.multi_reduction <add>, %mul3A_721, %reduce_sum3A_722 [1] : vector<32x64x256xf32> to vector<32x256xf32>
    %swap3A_724 = arith.constant 96 : index
    %swap3A_725 = arith.constant 0 : index
    %swap3A_726 = vector.load %arg18[%swap3A_724, %swap3A_725] : memref<864x256xf32, #tpu.memory_space<vmem>>, vector<32x256xf32>
    tpu.vector_store %arg18[%swap3A_724, %swap3A_725], %reduce_sum3A_723 {strides = array<i32>} : memref<864x256xf32, #tpu.memory_space<vmem>>, vector<32x256xf32>,
    %slice3A_727 = vector.extract_strided_slice %get3A_688 {offsets = [4, 0, 0], sizes = [1, 64, 256], strides = [1, 1, 1]} : vector<32x64x256xf32> to vector<1x64x256xf32>
    %squeeze3A_728 = vector.shape_cast %slice3A_727 : vector<1x64x256xf32> to vector<64x256xf32>
    %broadcast_in_dim3A_729 = vector.shape_cast %squeeze3A_728 : vector<64x256xf32> to vector<1x64x256xf32>
    %mul3A_730 = vector.broadcast %broadcast_in_dim3A_729 : vector<1x64x256xf32> to vector<32x64x256xf32>
    %mul3A_731 = arith.mulf %get3A_688, %mul3A_730 : vector<32x64x256xf32>
    %reduce_sum3A_732 = arith.constant dense<0.000000e+00> : vector<32x256xf32>
    %reduce_sum3A_733 = vector.multi_reduction <add>, %mul3A_731, %reduce_sum3A_732 [1] : vector<32x64x256xf32> to vector<32x256xf32>
    %swap3A_734 = arith.constant 128 : index
    %swap3A_735 = arith.constant 0 : index
    %swap3A_736 = vector.load %arg18[%swap3A_734, %swap3A_735] : memref<864x256xf32, #tpu.memory_space<vmem>>, vector<32x256xf32>
    tpu.vector_store %arg18[%swap3A_734, %swap3A_735], %reduce_sum3A_733 {strides = array<i32>} : memref<864x256xf32, #tpu.memory_space<vmem>>, vector<32x256xf32>,
    %slice3A_737 = vector.extract_strided_slice %get3A_688 {offsets = [5, 0, 0], sizes = [1, 64, 256], strides = [1, 1, 1]} : vector<32x64x256xf32> to vector<1x64x256xf32>
    %squeeze3A_738 = vector.shape_cast %slice3A_737 : vector<1x64x256xf32> to vector<64x256xf32>
    %broadcast_in_dim3A_739 = vector.shape_cast %squeeze3A_738 : vector<64x256xf32> to vector<1x64x256xf32>
    %mul3A_740 = vector.broadcast %broadcast_in_dim3A_739 : vector<1x64x256xf32> to vector<32x64x256xf32>
    %mul3A_741 = arith.mulf %get3A_688, %mul3A_740 : vector<32x64x256xf32>
    %reduce_sum3A_742 = arith.constant dense<0.000000e+00> : vector<32x256xf32>
    %reduce_sum3A_743 = vector.multi_reduction <add>, %mul3A_741, %reduce_sum3A_742 [1] : vector<32x64x256xf32> to vector<32x256xf32>
    %swap3A_744 = arith.constant 160 : index
    %swap3A_745 = arith.constant 0 : index
    %swap3A_746 = vector.load %arg18[%swap3A_744, %swap3A_745] : memref<864x256xf32, #tpu.memory_space<vmem>>, vector<32x256xf32>
    tpu.vector_store %arg18[%swap3A_744, %swap3A_745], %reduce_sum3A_743 {strides = array<i32>} : memref<864x256xf32, #tpu.memory_space<vmem>>, vector<32x256xf32>,
    %slice3A_747 = vector.extract_strided_slice %get3A_688 {offsets = [6, 0, 0], sizes = [1, 64, 256], strides = [1, 1, 1]} : vector<32x64x256xf32> to vector<1x64x256xf32>
    %squeeze3A_748 = vector.shape_cast %slice3A_747 : vector<1x64x256xf32> to vector<64x256xf32>
    %broadcast_in_dim3A_749 = vector.shape_cast %squeeze3A_748 : vector<64x256xf32> to vector<1x64x256xf32>
    %mul3A_750 = vector.broadcast %broadcast_in_dim3A_749 : vector<1x64x256xf32> to vector<32x64x256xf32>
    %mul3A_751 = arith.mulf %get3A_688, %mul3A_750 : vector<32x64x256xf32>
    %reduce_sum3A_752 = arith.constant dense<0.000000e+00> : vector<32x256xf32>
    %reduce_sum3A_753 = vector.multi_reduction <add>, %mul3A_751, %reduce_sum3A_752 [1] : vector<32x64x256xf32> to vector<32x256xf32>
    %swap3A_754 = arith.constant 192 : index
    %swap3A_755 = arith.constant 0 : index
    %swap3A_756 = vector.load %arg18[%swap3A_754, %swap3A_755] : memref<864x256xf32, #tpu.memory_space<vmem>>, vector<32x256xf32>
    tpu.vector_store %arg18[%swap3A_754, %swap3A_755], %reduce_sum3A_753 {strides = array<i32>} : memref<864x256xf32, #tpu.memory_space<vmem>>, vector<32x256xf32>,
    %slice3A_757 = vector.extract_strided_slice %get3A_688 {offsets = [7, 0, 0], sizes = [1, 64, 256], strides = [1, 1, 1]} : vector<32x64x256xf32> to vector<1x64x256xf32>
    %squeeze3A_758 = vector.shape_cast %slice3A_757 : vector<1x64x256xf32> to vector<64x256xf32>
    %broadcast_in_dim3A_759 = vector.shape_cast %squeeze3A_758 : vector<64x256xf32> to vector<1x64x256xf32>
    %mul3A_760 = vector.broadcast %broadcast_in_dim3A_759 : vector<1x64x256xf32> to vector<32x64x256xf32>
    %mul3A_761 = arith.mulf %get3A_688, %mul3A_760 : vector<32x64x256xf32>
    %reduce_sum3A_762 = arith.constant dense<0.000000e+00> : vector<32x256xf32>
    %reduce_sum3A_763 = vector.multi_reduction <add>, %mul3A_761, %reduce_sum3A_762 [1] : vector<32x64x256xf32> to vector<32x256xf32>
    %swap3A_764 = arith.constant 224 : index
    %swap3A_765 = arith.constant 0 : index
    %swap3A_766 = vector.load %arg18[%swap3A_764, %swap3A_765] : memref<864x256xf32, #tpu.memory_space<vmem>>, vector<32x256xf32>
    tpu.vector_store %arg18[%swap3A_764, %swap3A_765], %reduce_sum3A_763 {strides = array<i32>} : memref<864x256xf32, #tpu.memory_space<vmem>>, vector<32x256xf32>,
    %slice3A_767 = vector.extract_strided_slice %get3A_688 {offsets = [8, 0, 0], sizes = [1, 64, 256], strides = [1, 1, 1]} : vector<32x64x256xf32> to vector<1x64x256xf32>
    %squeeze3A_768 = vector.shape_cast %slice3A_767 : vector<1x64x256xf32> to vector<64x256xf32>
    %broadcast_in_dim3A_769 = vector.shape_cast %squeeze3A_768 : vector<64x256xf32> to vector<1x64x256xf32>
    %mul3A_770 = vector.broadcast %broadcast_in_dim3A_769 : vector<1x64x256xf32> to vector<32x64x256xf32>
    %mul3A_771 = arith.mulf %get3A_688, %mul3A_770 : vector<32x64x256xf32>
    %reduce_sum3A_772 = arith.constant dense<0.000000e+00> : vector<32x256xf32>
    %reduce_sum3A_773 = vector.multi_reduction <add>, %mul3A_771, %reduce_sum3A_772 [1] : vector<32x64x256xf32> to vector<32x256xf32>
    %swap3A_774 = arith.constant 256 : index
    %swap3A_775 = arith.constant 0 : index
    %swap3A_776 = vector.load %arg18[%swap3A_774, %swap3A_775] : memref<864x256xf32, #tpu.memory_space<vmem>>, vector<32x256xf32>
    tpu.vector_store %arg18[%swap3A_774, %swap3A_775], %reduce_sum3A_773 {strides = array<i32>} : memref<864x256xf32, #tpu.memory_space<vmem>>, vector<32x256xf32>,
    %slice3A_777 = vector.extract_strided_slice %get3A_688 {offsets = [9, 0, 0], sizes = [1, 64, 256], strides = [1, 1, 1]} : vector<32x64x256xf32> to vector<1x64x256xf32>
    %squeeze3A_778 = vector.shape_cast %slice3A_777 : vector<1x64x256xf32> to vector<64x256xf32>
    %broadcast_in_dim3A_779 = vector.shape_cast %squeeze3A_778 : vector<64x256xf32> to vector<1x64x256xf32>
    %mul3A_780 = vector.broadcast %broadcast_in_dim3A_779 : vector<1x64x256xf32> to vector<32x64x256xf32>
    %mul3A_781 = arith.mulf %get3A_688, %mul3A_780 : vector<32x64x256xf32>
    %reduce_sum3A_782 = arith.constant dense<0.000000e+00> : vector<32x256xf32>
    %reduce_sum3A_783 = vector.multi_reduction <add>, %mul3A_781, %reduce_sum3A_782 [1] : vector<32x64x256xf32> to vector<32x256xf32>
    %swap3A_784 = arith.constant 288 : index
    %swap3A_785 = arith.constant 0 : index
    %swap3A_786 = vector.load %arg18[%swap3A_784, %swap3A_785] : memref<864x256xf32, #tpu.memory_space<vmem>>, vector<32x256xf32>
    tpu.vector_store %arg18[%swap3A_784, %swap3A_785], %reduce_sum3A_783 {strides = array<i32>} : memref<864x256xf32, #tpu.memory_space<vmem>>, vector<32x256xf32>,
    %slice3A_787 = vector.extract_strided_slice %get3A_688 {offsets = [10, 0, 0], sizes = [1, 64, 256], strides = [1, 1, 1]} : vector<32x64x256xf32> to vector<1x64x256xf32>
    %squeeze3A_788 = vector.shape_cast %slice3A_787 : vector<1x64x256xf32> to vector<64x256xf32>
    %broadcast_in_dim3A_789 = vector.shape_cast %squeeze3A_788 : vector<64x256xf32> to vector<1x64x256xf32>
    %mul3A_790 = vector.broadcast %broadcast_in_dim3A_789 : vector<1x64x256xf32> to vector<32x64x256xf32>
    %mul3A_791 = arith.mulf %get3A_688, %mul3A_790 : vector<32x64x256xf32>
    %reduce_sum3A_792 = arith.constant dense<0.000000e+00> : vector<32x256xf32>
    %reduce_sum3A_793 = vector.multi_reduction <add>, %mul3A_791, %reduce_sum3A_792 [1] : vector<32x64x256xf32> to vector<32x256xf32>
    %swap3A_794 = arith.constant 320 : index
    %swap3A_795 = arith.constant 0 : index
    %swap3A_796 = vector.load %arg18[%swap3A_794, %swap3A_795] : memref<864x256xf32, #tpu.memory_space<vmem>>, vector<32x256xf32>
    tpu.vector_store %arg18[%swap3A_794, %swap3A_795], %reduce_sum3A_793 {strides = array<i32>} : memref<864x256xf32, #tpu.memory_space<vmem>>, vector<32x256xf32>,
    %slice3A_797 = vector.extract_strided_slice %get3A_688 {offsets = [11, 0, 0], sizes = [1, 64, 256], strides = [1, 1, 1]} : vector<32x64x256xf32> to vector<1x64x256xf32>
    %squeeze3A_798 = vector.shape_cast %slice3A_797 : vector<1x64x256xf32> to vector<64x256xf32>
    %broadcast_in_dim3A_799 = vector.shape_cast %squeeze3A_798 : vector<64x256xf32> to vector<1x64x256xf32>
    %mul3A_800 = vector.broadcast %broadcast_in_dim3A_799 : vector<1x64x256xf32> to vector<32x64x256xf32>
    %mul3A_801 = arith.mulf %get3A_688, %mul3A_800 : vector<32x64x256xf32>
    %reduce_sum3A_802 = arith.constant dense<0.000000e+00> : vector<32x256xf32>
    %reduce_sum3A_803 = vector.multi_reduction <add>, %mul3A_801, %reduce_sum3A_802 [1] : vector<32x64x256xf32> to vector<32x256xf32>
    %swap3A_804 = arith.constant 352 : index
    %swap3A_805 = arith.constant 0 : index
    %swap3A_806 = vector.load %arg18[%swap3A_804, %swap3A_805] : memref<864x256xf32, #tpu.memory_space<vmem>>, vector<32x256xf32>
    tpu.vector_store %arg18[%swap3A_804, %swap3A_805], %reduce_sum3A_803 {strides = array<i32>} : memref<864x256xf32, #tpu.memory_space<vmem>>, vector<32x256xf32>,
    %slice3A_807 = vector.extract_strided_slice %get3A_688 {offsets = [12, 0, 0], sizes = [1, 64, 256], strides = [1, 1, 1]} : vector<32x64x256xf32> to vector<1x64x256xf32>
    %squeeze3A_808 = vector.shape_cast %slice3A_807 : vector<1x64x256xf32> to vector<64x256xf32>
    %broadcast_in_dim3A_809 = vector.shape_cast %squeeze3A_808 : vector<64x256xf32> to vector<1x64x256xf32>
    %mul3A_810 = vector.broadcast %broadcast_in_dim3A_809 : vector<1x64x256xf32> to vector<32x64x256xf32>
    %mul3A_811 = arith.mulf %get3A_688, %mul3A_810 : vector<32x64x256xf32>
    %reduce_sum3A_812 = arith.constant dense<0.000000e+00> : vector<32x256xf32>
    %reduce_sum3A_813 = vector.multi_reduction <add>, %mul3A_811, %reduce_sum3A_812 [1] : vector<32x64x256xf32> to vector<32x256xf32>
    %swap3A_814 = arith.constant 384 : index
    %swap3A_815 = arith.constant 0 : index
    %swap3A_816 = vector.load %arg18[%swap3A_814, %swap3A_815] : memref<864x256xf32, #tpu.memory_space<vmem>>, vector<32x256xf32>
    tpu.vector_store %arg18[%swap3A_814, %swap3A_815], %reduce_sum3A_813 {strides = array<i32>} : memref<864x256xf32, #tpu.memory_space<vmem>>, vector<32x256xf32>,
    %slice3A_817 = vector.extract_strided_slice %get3A_688 {offsets = [13, 0, 0], sizes = [1, 64, 256], strides = [1, 1, 1]} : vector<32x64x256xf32> to vector<1x64x256xf32>
    %squeeze3A_818 = vector.shape_cast %slice3A_817 : vector<1x64x256xf32> to vector<64x256xf32>
    %broadcast_in_dim3A_819 = vector.shape_cast %squeeze3A_818 : vector<64x256xf32> to vector<1x64x256xf32>
    %mul3A_820 = vector.broadcast %broadcast_in_dim3A_819 : vector<1x64x256xf32> to vector<32x64x256xf32>
    %mul3A_821 = arith.mulf %get3A_688, %mul3A_820 : vector<32x64x256xf32>
    %reduce_sum3A_822 = arith.constant dense<0.000000e+00> : vector<32x256xf32>
    %reduce_sum3A_823 = vector.multi_reduction <add>, %mul3A_821, %reduce_sum3A_822 [1] : vector<32x64x256xf32> to vector<32x256xf32>
    %swap3A_824 = arith.constant 416 : index
    %swap3A_825 = arith.constant 0 : index
    %swap3A_826 = vector.load %arg18[%swap3A_824, %swap3A_825] : memref<864x256xf32, #tpu.memory_space<vmem>>, vector<32x256xf32>
    tpu.vector_store %arg18[%swap3A_824, %swap3A_825], %reduce_sum3A_823 {strides = array<i32>} : memref<864x256xf32, #tpu.memory_space<vmem>>, vector<32x256xf32>,
    %slice3A_827 = vector.extract_strided_slice %get3A_688 {offsets = [14, 0, 0], sizes = [1, 64, 256], strides = [1, 1, 1]} : vector<32x64x256xf32> to vector<1x64x256xf32>
    %squeeze3A_828 = vector.shape_cast %slice3A_827 : vector<1x64x256xf32> to vector<64x256xf32>
    %broadcast_in_dim3A_829 = vector.shape_cast %squeeze3A_828 : vector<64x256xf32> to vector<1x64x256xf32>
    %mul3A_830 = vector.broadcast %broadcast_in_dim3A_829 : vector<1x64x256xf32> to vector<32x64x256xf32>
    %mul3A_831 = arith.mulf %get3A_688, %mul3A_830 : vector<32x64x256xf32>
    %reduce_sum3A_832 = arith.constant dense<0.000000e+00> : vector<32x256xf32>
    %reduce_sum3A_833 = vector.multi_reduction <add>, %mul3A_831, %reduce_sum3A_832 [1] : vector<32x64x256xf32> to vector<32x256xf32>
    %swap3A_834 = arith.constant 448 : index
    %swap3A_835 = arith.constant 0 : index
    %swap3A_836 = vector.load %arg18[%swap3A_834, %swap3A_835] : memref<864x256xf32, #tpu.memory_space<vmem>>, vector<32x256xf32>
    tpu.vector_store %arg18[%swap3A_834, %swap3A_835], %reduce_sum3A_833 {strides = array<i32>} : memref<864x256xf32, #tpu.memory_space<vmem>>, vector<32x256xf32>,
    %slice3A_837 = vector.extract_strided_slice %get3A_688 {offsets = [15, 0, 0], sizes = [1, 64, 256], strides = [1, 1, 1]} : vector<32x64x256xf32> to vector<1x64x256xf32>
    %squeeze3A_838 = vector.shape_cast %slice3A_837 : vector<1x64x256xf32> to vector<64x256xf32>
    %broadcast_in_dim3A_839 = vector.shape_cast %squeeze3A_838 : vector<64x256xf32> to vector<1x64x256xf32>
    %mul3A_840 = vector.broadcast %broadcast_in_dim3A_839 : vector<1x64x256xf32> to vector<32x64x256xf32>
    %mul3A_841 = arith.mulf %get3A_688, %mul3A_840 : vector<32x64x256xf32>
    %reduce_sum3A_842 = arith.constant dense<0.000000e+00> : vector<32x256xf32>
    %reduce_sum3A_843 = vector.multi_reduction <add>, %mul3A_841, %reduce_sum3A_842 [1] : vector<32x64x256xf32> to vector<32x256xf32>
    %swap3A_844 = arith.constant 480 : index
    %swap3A_845 = arith.constant 0 : index
    %swap3A_846 = vector.load %arg18[%swap3A_844, %swap3A_845] : memref<864x256xf32, #tpu.memory_space<vmem>>, vector<32x256xf32>
    tpu.vector_store %arg18[%swap3A_844, %swap3A_845], %reduce_sum3A_843 {strides = array<i32>} : memref<864x256xf32, #tpu.memory_space<vmem>>, vector<32x256xf32>,
    %slice3A_847 = vector.extract_strided_slice %get3A_688 {offsets = [16, 0, 0], sizes = [1, 64, 256], strides = [1, 1, 1]} : vector<32x64x256xf32> to vector<1x64x256xf32>
    %squeeze3A_848 = vector.shape_cast %slice3A_847 : vector<1x64x256xf32> to vector<64x256xf32>
    %broadcast_in_dim3A_849 = vector.shape_cast %squeeze3A_848 : vector<64x256xf32> to vector<1x64x256xf32>
    %mul3A_850 = vector.broadcast %broadcast_in_dim3A_849 : vector<1x64x256xf32> to vector<32x64x256xf32>
    %mul3A_851 = arith.mulf %get3A_688, %mul3A_850 : vector<32x64x256xf32>
    %reduce_sum3A_852 = arith.constant dense<0.000000e+00> : vector<32x256xf32>
    %reduce_sum3A_853 = vector.multi_reduction <add>, %mul3A_851, %reduce_sum3A_852 [1] : vector<32x64x256xf32> to vector<32x256xf32>
    %swap3A_854 = arith.constant 512 : index
    %swap3A_855 = arith.constant 0 : index
    %swap3A_856 = vector.load %arg18[%swap3A_854, %swap3A_855] : memref<864x256xf32, #tpu.memory_space<vmem>>, vector<32x256xf32>
    tpu.vector_store %arg18[%swap3A_854, %swap3A_855], %reduce_sum3A_853 {strides = array<i32>} : memref<864x256xf32, #tpu.memory_space<vmem>>, vector<32x256xf32>,
    %slice3A_857 = vector.extract_strided_slice %get3A_688 {offsets = [17, 0, 0], sizes = [1, 64, 256], strides = [1, 1, 1]} : vector<32x64x256xf32> to vector<1x64x256xf32>
    %squeeze3A_858 = vector.shape_cast %slice3A_857 : vector<1x64x256xf32> to vector<64x256xf32>
    %broadcast_in_dim3A_859 = vector.shape_cast %squeeze3A_858 : vector<64x256xf32> to vector<1x64x256xf32>
    %mul3A_860 = vector.broadcast %broadcast_in_dim3A_859 : vector<1x64x256xf32> to vector<32x64x256xf32>
    %mul3A_861 = arith.mulf %get3A_688, %mul3A_860 : vector<32x64x256xf32>
    %reduce_sum3A_862 = arith.constant dense<0.000000e+00> : vector<32x256xf32>
    %reduce_sum3A_863 = vector.multi_reduction <add>, %mul3A_861, %reduce_sum3A_862 [1] : vector<32x64x256xf32> to vector<32x256xf32>
    %swap3A_864 = arith.constant 544 : index
    %swap3A_865 = arith.constant 0 : index
    %swap3A_866 = vector.load %arg18[%swap3A_864, %swap3A_865] : memref<864x256xf32, #tpu.memory_space<vmem>>, vector<32x256xf32>
    tpu.vector_store %arg18[%swap3A_864, %swap3A_865], %reduce_sum3A_863 {strides = array<i32>} : memref<864x256xf32, #tpu.memory_space<vmem>>, vector<32x256xf32>,
    %slice3A_867 = vector.extract_strided_slice %get3A_688 {offsets = [18, 0, 0], sizes = [1, 64, 256], strides = [1, 1, 1]} : vector<32x64x256xf32> to vector<1x64x256xf32>
    %squeeze3A_868 = vector.shape_cast %slice3A_867 : vector<1x64x256xf32> to vector<64x256xf32>
    %broadcast_in_dim3A_869 = vector.shape_cast %squeeze3A_868 : vector<64x256xf32> to vector<1x64x256xf32>
    %mul3A_870 = vector.broadcast %broadcast_in_dim3A_869 : vector<1x64x256xf32> to vector<32x64x256xf32>
    %mul3A_871 = arith.mulf %get3A_688, %mul3A_870 : vector<32x64x256xf32>
    %reduce_sum3A_872 = arith.constant dense<0.000000e+00> : vector<32x256xf32>
    %reduce_sum3A_873 = vector.multi_reduction <add>, %mul3A_871, %reduce_sum3A_872 [1] : vector<32x64x256xf32> to vector<32x256xf32>
    %swap3A_874 = arith.constant 576 : index
    %swap3A_875 = arith.constant 0 : index
    %swap3A_876 = vector.load %arg18[%swap3A_874, %swap3A_875] : memref<864x256xf32, #tpu.memory_space<vmem>>, vector<32x256xf32>
    tpu.vector_store %arg18[%swap3A_874, %swap3A_875], %reduce_sum3A_873 {strides = array<i32>} : memref<864x256xf32, #tpu.memory_space<vmem>>, vector<32x256xf32>,
    %slice3A_877 = vector.extract_strided_slice %get3A_688 {offsets = [19, 0, 0], sizes = [1, 64, 256], strides = [1, 1, 1]} : vector<32x64x256xf32> to vector<1x64x256xf32>
    %squeeze3A_878 = vector.shape_cast %slice3A_877 : vector<1x64x256xf32> to vector<64x256xf32>
    %broadcast_in_dim3A_879 = vector.shape_cast %squeeze3A_878 : vector<64x256xf32> to vector<1x64x256xf32>
    %mul3A_880 = vector.broadcast %broadcast_in_dim3A_879 : vector<1x64x256xf32> to vector<32x64x256xf32>
    %mul3A_881 = arith.mulf %get3A_688, %mul3A_880 : vector<32x64x256xf32>
    %reduce_sum3A_882 = arith.constant dense<0.000000e+00> : vector<32x256xf32>
    %reduce_sum3A_883 = vector.multi_reduction <add>, %mul3A_881, %reduce_sum3A_882 [1] : vector<32x64x256xf32> to vector<32x256xf32>
    %swap3A_884 = arith.constant 608 : index
    %swap3A_885 = arith.constant 0 : index
    %swap3A_886 = vector.load %arg18[%swap3A_884, %swap3A_885] : memref<864x256xf32, #tpu.memory_space<vmem>>, vector<32x256xf32>
    tpu.vector_store %arg18[%swap3A_884, %swap3A_885], %reduce_sum3A_883 {strides = array<i32>} : memref<864x256xf32, #tpu.memory_space<vmem>>, vector<32x256xf32>,
    %slice3A_887 = vector.extract_strided_slice %get3A_688 {offsets = [20, 0, 0], sizes = [1, 64, 256], strides = [1, 1, 1]} : vector<32x64x256xf32> to vector<1x64x256xf32>
    %squeeze3A_888 = vector.shape_cast %slice3A_887 : vector<1x64x256xf32> to vector<64x256xf32>
    %broadcast_in_dim3A_889 = vector.shape_cast %squeeze3A_888 : vector<64x256xf32> to vector<1x64x256xf32>
    %mul3A_890 = vector.broadcast %broadcast_in_dim3A_889 : vector<1x64x256xf32> to vector<32x64x256xf32>
    %mul3A_891 = arith.mulf %get3A_688, %mul3A_890 : vector<32x64x256xf32>
    %reduce_sum3A_892 = arith.constant dense<0.000000e+00> : vector<32x256xf32>
    %reduce_sum3A_893 = vector.multi_reduction <add>, %mul3A_891, %reduce_sum3A_892 [1] : vector<32x64x256xf32> to vector<32x256xf32>
    %swap3A_894 = arith.constant 640 : index
    %swap3A_895 = arith.constant 0 : index
    %swap3A_896 = vector.load %arg18[%swap3A_894, %swap3A_895] : memref<864x256xf32, #tpu.memory_space<vmem>>, vector<32x256xf32>
    tpu.vector_store %arg18[%swap3A_894, %swap3A_895], %reduce_sum3A_893 {strides = array<i32>} : memref<864x256xf32, #tpu.memory_space<vmem>>, vector<32x256xf32>,
    %slice3A_897 = vector.extract_strided_slice %get3A_688 {offsets = [21, 0, 0], sizes = [1, 64, 256], strides = [1, 1, 1]} : vector<32x64x256xf32> to vector<1x64x256xf32>
    %squeeze3A_898 = vector.shape_cast %slice3A_897 : vector<1x64x256xf32> to vector<64x256xf32>
    %broadcast_in_dim3A_899 = vector.shape_cast %squeeze3A_898 : vector<64x256xf32> to vector<1x64x256xf32>
    %mul3A_900 = vector.broadcast %broadcast_in_dim3A_899 : vector<1x64x256xf32> to vector<32x64x256xf32>
    %mul3A_901 = arith.mulf %get3A_688, %mul3A_900 : vector<32x64x256xf32>
    %reduce_sum3A_902 = arith.constant dense<0.000000e+00> : vector<32x256xf32>
    %reduce_sum3A_903 = vector.multi_reduction <add>, %mul3A_901, %reduce_sum3A_902 [1] : vector<32x64x256xf32> to vector<32x256xf32>
    %swap3A_904 = arith.constant 672 : index
    %swap3A_905 = arith.constant 0 : index
    %swap3A_906 = vector.load %arg18[%swap3A_904, %swap3A_905] : memref<864x256xf32, #tpu.memory_space<vmem>>, vector<32x256xf32>
    tpu.vector_store %arg18[%swap3A_904, %swap3A_905], %reduce_sum3A_903 {strides = array<i32>} : memref<864x256xf32, #tpu.memory_space<vmem>>, vector<32x256xf32>,
    %slice3A_907 = vector.extract_strided_slice %get3A_688 {offsets = [22, 0, 0], sizes = [1, 64, 256], strides = [1, 1, 1]} : vector<32x64x256xf32> to vector<1x64x256xf32>
    %squeeze3A_908 = vector.shape_cast %slice3A_907 : vector<1x64x256xf32> to vector<64x256xf32>
    %broadcast_in_dim3A_909 = vector.shape_cast %squeeze3A_908 : vector<64x256xf32> to vector<1x64x256xf32>
    %mul3A_910 = vector.broadcast %broadcast_in_dim3A_909 : vector<1x64x256xf32> to vector<32x64x256xf32>
    %mul3A_911 = arith.mulf %get3A_688, %mul3A_910 : vector<32x64x256xf32>
    %reduce_sum3A_912 = arith.constant dense<0.000000e+00> : vector<32x256xf32>
    %reduce_sum3A_913 = vector.multi_reduction <add>, %mul3A_911, %reduce_sum3A_912 [1] : vector<32x64x256xf32> to vector<32x256xf32>
    %swap3A_914 = arith.constant 704 : index
    %swap3A_915 = arith.constant 0 : index
    %swap3A_916 = vector.load %arg18[%swap3A_914, %swap3A_915] : memref<864x256xf32, #tpu.memory_space<vmem>>, vector<32x256xf32>
    tpu.vector_store %arg18[%swap3A_914, %swap3A_915], %reduce_sum3A_913 {strides = array<i32>} : memref<864x256xf32, #tpu.memory_space<vmem>>, vector<32x256xf32>,
    %slice3A_917 = vector.extract_strided_slice %get3A_688 {offsets = [23, 0, 0], sizes = [1, 64, 256], strides = [1, 1, 1]} : vector<32x64x256xf32> to vector<1x64x256xf32>
    %squeeze3A_918 = vector.shape_cast %slice3A_917 : vector<1x64x256xf32> to vector<64x256xf32>
    %broadcast_in_dim3A_919 = vector.shape_cast %squeeze3A_918 : vector<64x256xf32> to vector<1x64x256xf32>
    %mul3A_920 = vector.broadcast %broadcast_in_dim3A_919 : vector<1x64x256xf32> to vector<32x64x256xf32>
    %mul3A_921 = arith.mulf %get3A_688, %mul3A_920 : vector<32x64x256xf32>
    %reduce_sum3A_922 = arith.constant dense<0.000000e+00> : vector<32x256xf32>
    %reduce_sum3A_923 = vector.multi_reduction <add>, %mul3A_921, %reduce_sum3A_922 [1] : vector<32x64x256xf32> to vector<32x256xf32>
    %swap3A_924 = arith.constant 736 : index
    %swap3A_925 = arith.constant 0 : index
    %swap3A_926 = vector.load %arg18[%swap3A_924, %swap3A_925] : memref<864x256xf32, #tpu.memory_space<vmem>>, vector<32x256xf32>
    tpu.vector_store %arg18[%swap3A_924, %swap3A_925], %reduce_sum3A_923 {strides = array<i32>} : memref<864x256xf32, #tpu.memory_space<vmem>>, vector<32x256xf32>,
    %slice3A_927 = vector.extract_strided_slice %get3A_688 {offsets = [24, 0, 0], sizes = [1, 64, 256], strides = [1, 1, 1]} : vector<32x64x256xf32> to vector<1x64x256xf32>
    %squeeze3A_928 = vector.shape_cast %slice3A_927 : vector<1x64x256xf32> to vector<64x256xf32>
    %broadcast_in_dim3A_929 = vector.shape_cast %squeeze3A_928 : vector<64x256xf32> to vector<1x64x256xf32>
    %mul3A_930 = vector.broadcast %broadcast_in_dim3A_929 : vector<1x64x256xf32> to vector<32x64x256xf32>
    %mul3A_931 = arith.mulf %get3A_688, %mul3A_930 : vector<32x64x256xf32>
    %reduce_sum3A_932 = arith.constant dense<0.000000e+00> : vector<32x256xf32>
    %reduce_sum3A_933 = vector.multi_reduction <add>, %mul3A_931, %reduce_sum3A_932 [1] : vector<32x64x256xf32> to vector<32x256xf32>
    %swap3A_934 = arith.constant 768 : index
    %swap3A_935 = arith.constant 0 : index
    %swap3A_936 = vector.load %arg18[%swap3A_934, %swap3A_935] : memref<864x256xf32, #tpu.memory_space<vmem>>, vector<32x256xf32>
    tpu.vector_store %arg18[%swap3A_934, %swap3A_935], %reduce_sum3A_933 {strides = array<i32>} : memref<864x256xf32, #tpu.memory_space<vmem>>, vector<32x256xf32>,
    %slice3A_937 = vector.extract_strided_slice %get3A_688 {offsets = [25, 0, 0], sizes = [1, 64, 256], strides = [1, 1, 1]} : vector<32x64x256xf32> to vector<1x64x256xf32>
    %squeeze3A_938 = vector.shape_cast %slice3A_937 : vector<1x64x256xf32> to vector<64x256xf32>
    %broadcast_in_dim3A_939 = vector.shape_cast %squeeze3A_938 : vector<64x256xf32> to vector<1x64x256xf32>
    %mul3A_940 = vector.broadcast %broadcast_in_dim3A_939 : vector<1x64x256xf32> to vector<32x64x256xf32>
    %mul3A_941 = arith.mulf %get3A_688, %mul3A_940 : vector<32x64x256xf32>
    %reduce_sum3A_942 = arith.constant dense<0.000000e+00> : vector<32x256xf32>
    %reduce_sum3A_943 = vector.multi_reduction <add>, %mul3A_941, %reduce_sum3A_942 [1] : vector<32x64x256xf32> to vector<32x256xf32>
    %swap3A_944 = arith.constant 800 : index
    %swap3A_945 = arith.constant 0 : index
    %swap3A_946 = vector.load %arg18[%swap3A_944, %swap3A_945] : memref<864x256xf32, #tpu.memory_space<vmem>>, vector<32x256xf32>
    tpu.vector_store %arg18[%swap3A_944, %swap3A_945], %reduce_sum3A_943 {strides = array<i32>} : memref<864x256xf32, #tpu.memory_space<vmem>>, vector<32x256xf32>,
    %slice3A_947 = vector.extract_strided_slice %get3A_688 {offsets = [26, 0, 0], sizes = [1, 64, 256], strides = [1, 1, 1]} : vector<32x64x256xf32> to vector<1x64x256xf32>
    %squeeze3A_948 = vector.shape_cast %slice3A_947 : vector<1x64x256xf32> to vector<64x256xf32>
    %broadcast_in_dim3A_949 = vector.shape_cast %squeeze3A_948 : vector<64x256xf32> to vector<1x64x256xf32>
    %mul3A_950 = vector.broadcast %broadcast_in_dim3A_949 : vector<1x64x256xf32> to vector<32x64x256xf32>
    %mul3A_951 = arith.mulf %get3A_688, %mul3A_950 : vector<32x64x256xf32>
    %reduce_sum3A_952 = arith.constant dense<0.000000e+00> : vector<32x256xf32>
    %reduce_sum3A_953 = vector.multi_reduction <add>, %mul3A_951, %reduce_sum3A_952 [1] : vector<32x64x256xf32> to vector<32x256xf32>
    %swap3A_954 = arith.constant 832 : index
    %swap3A_955 = arith.constant 0 : index
    %swap3A_956 = vector.load %arg18[%swap3A_954, %swap3A_955] : memref<864x256xf32, #tpu.memory_space<vmem>>, vector<32x256xf32>
    tpu.vector_store %arg18[%swap3A_954, %swap3A_955], %reduce_sum3A_953 {strides = array<i32>} : memref<864x256xf32, #tpu.memory_space<vmem>>, vector<32x256xf32>,
    %get3A_957 = arith.constant 0 : index
    %get3A_958 = arith.constant 0 : index
    %get3A_959 = vector.load %arg10[%get3A_957, %get3A_958] : memref<512x864xf32, #tpu.memory_space<vmem>>, vector<512x864xf32>
    %get3A_960 = arith.constant 0 : index
    %get3A_961 = arith.constant 0 : index
    %get3A_962 = vector.load %arg18[%get3A_960, %get3A_961] : memref<864x256xf32, #tpu.memory_space<vmem>>, vector<864x256xf32>
    %dot_general3A_963 = arith.constant dense<0.000000e+00> : vector<512x256xf32>
    %dot_general3A_964 = tpu.matmul %get3A_959, %get3A_962, %dot_general3A_963 {dimension_numbers = #tpu.dot_dimension_numbers<[1], [0], [0], [1], [0, 0, 1, 1], [], []>, transpose_lhs_hint = false} : vector<512x864xf32>, vector<864x256xf32>, vector<512x256xf32> -> vector<512x256xf32>
    %get3A_965 = arith.constant 0 : index
    %get3A_966 = arith.constant 0 : index
    %get3A_967 = vector.load %arg9[%get3A_965, %get3A_966] : memref<512x64xf32, #tpu.memory_space<vmem>>, vector<512x64xf32>
    %dot_general3A_968 = arith.constant dense<0.000000e+00> : vector<512x256xf32>
    %dot_general3A_969 = tpu.matmul %get3A_967, %concatenate3A, %dot_general3A_968 {dimension_numbers = #tpu.dot_dimension_numbers<[1], [0], [0], [1], [0, 0, 1, 1], [], []>, transpose_lhs_hint = false} : vector<512x64xf32>, vector<64x256xf32>, vector<512x256xf32> -> vector<512x256xf32>
    %add3A_970 = arith.addf %dot_general3A_964, %dot_general3A_969 : vector<512x256xf32>
    %get3A_971 = arith.constant 0 : index
    %get3A_972 = arith.constant 0 : index
    %get3A_973 = vector.load %arg11[%get3A_971, %get3A_972] : memref<512x1xf32, #tpu.memory_space<vmem>>, vector<512x1xf32>
    %add3A_974 = vector.broadcast %get3A_973 : vector<512x1xf32> to vector<512x256xf32>
    %add3A_975 = arith.addf %add3A_970, %add3A_974 : vector<512x256xf32>
    %max3A_976 = arith.constant 0.000000e+00 : f32
    %max3A_977 = vector.broadcast %max3A_976 : f32 to vector<512x256xf32>
    %max3A_978 = arith.maximumf %add3A_975, %max3A_977 : vector<512x256xf32>
    %get3A_979 = arith.constant 0 : index
    %get3A_980 = arith.constant 0 : index
    %get3A_981 = vector.load %arg12[%get3A_979, %get3A_980] : memref<256x512xf32, #tpu.memory_space<vmem>>, vector<256x512xf32>
    %dot_general3A_982 = arith.constant dense<0.000000e+00> : vector<256x256xf32>
    %dot_general3A_983 = tpu.matmul %get3A_981, %max3A_978, %dot_general3A_982 {dimension_numbers = #tpu.dot_dimension_numbers<[1], [0], [0], [1], [0, 0, 1, 1], [], []>, transpose_lhs_hint = false} : vector<256x512xf32>, vector<512x256xf32>, vector<256x256xf32> -> vector<256x256xf32>
    %get3A_984 = arith.constant 0 : index
    %get3A_985 = arith.constant 0 : index
    %get3A_986 = vector.load %arg13[%get3A_984, %get3A_985] : memref<256x1xf32, #tpu.memory_space<vmem>>, vector<256x1xf32>
    %add3A_987 = vector.broadcast %get3A_986 : vector<256x1xf32> to vector<256x256xf32>
    %add3A_988 = arith.addf %dot_general3A_983, %add3A_987 : vector<256x256xf32>
    %max3A_989 = arith.constant 0.000000e+00 : f32
    %max3A_990 = vector.broadcast %max3A_989 : f32 to vector<256x256xf32>
    %max3A_991 = arith.maximumf %add3A_988, %max3A_990 : vector<256x256xf32>
    %get3A_992 = arith.constant 0 : index
    %get3A_993 = arith.constant 0 : index
    %get3A_994 = vector.load %arg14[%get3A_992, %get3A_993] : memref<8x256xf32, #tpu.memory_space<vmem>>, vector<8x256xf32>
    %dot_general3A_995 = arith.constant dense<0.000000e+00> : vector<8x256xf32>
    %dot_general3A_996 = tpu.matmul %get3A_994, %max3A_991, %dot_general3A_995 {dimension_numbers = #tpu.dot_dimension_numbers<[1], [0], [0], [1], [0, 0, 1, 1], [], []>, transpose_lhs_hint = false} : vector<8x256xf32>, vector<256x256xf32>, vector<8x256xf32> -> vector<8x256xf32>
    %get3A_997 = arith.constant 0 : index
    %get3A_998 = arith.constant 0 : index
    %get3A_999 = vector.load %arg15[%get3A_997, %get3A_998] : memref<8x1xf32, #tpu.memory_space<vmem>>, vector<8x1xf32>
    %add3A_1000 = vector.broadcast %get3A_999 : vector<8x1xf32> to vector<8x256xf32>
    %add3A_1001 = arith.addf %dot_general3A_996, %add3A_1000 : vector<8x256xf32>
    %reshape3A_1002 = vector.shape_cast %add3A_1001 : vector<8x256xf32> to vector<8x2x2x64xf32>
    %slice3A_1003 = vector.extract_strided_slice %reshape3A_1002 {offsets = [0, 0, 0, 0], sizes = [8, 1, 1, 64], strides = [1, 1, 1, 1]} : vector<8x2x2x64xf32> to vector<8x1x1x64xf32>
    %squeeze3A_1004 = vector.shape_cast %slice3A_1003 : vector<8x1x1x64xf32> to vector<8x64xf32>
    %slice3A_1005 = vector.extract_strided_slice %reshape3A_1002 {offsets = [0, 1, 0, 0], sizes = [8, 1, 1, 64], strides = [1, 1, 1, 1]} : vector<8x2x2x64xf32> to vector<8x1x1x64xf32>
    %squeeze3A_1006 = vector.shape_cast %slice3A_1005 : vector<8x1x1x64xf32> to vector<8x64xf32>
    %stack3A = vector.shape_cast %squeeze3A_1004 : vector<8x64xf32> to vector<8x64x1xf32>
    %stack3A_1007 = vector.shape_cast %squeeze3A_1006 : vector<8x64xf32> to vector<8x64x1xf32>
    %stack3A_1008 = tpu.concatenate %stack3A, %stack3A_1007 in 2 : vector<8x64x1xf32>, vector<8x64x1xf32> -> vector<8x64x2xf32>
    %reshape3A_1009 = vector.shape_cast %stack3A_1008 : vector<8x64x2xf32> to vector<8x128xf32>
    %slice3A_1010 = vector.extract_strided_slice %reshape3A_1002 {offsets = [0, 0, 1, 0], sizes = [8, 1, 1, 64], strides = [1, 1, 1, 1]} : vector<8x2x2x64xf32> to vector<8x1x1x64xf32>
    %squeeze3A_1011 = vector.shape_cast %slice3A_1010 : vector<8x1x1x64xf32> to vector<8x64xf32>
    %slice3A_1012 = vector.extract_strided_slice %reshape3A_1002 {offsets = [0, 1, 1, 0], sizes = [8, 1, 1, 64], strides = [1, 1, 1, 1]} : vector<8x2x2x64xf32> to vector<8x1x1x64xf32>
    %squeeze3A_1013 = vector.shape_cast %slice3A_1012 : vector<8x1x1x64xf32> to vector<8x64xf32>
    %stack3A_1014 = vector.shape_cast %squeeze3A_1011 : vector<8x64xf32> to vector<8x64x1xf32>
    %stack3A_1015 = vector.shape_cast %squeeze3A_1013 : vector<8x64xf32> to vector<8x64x1xf32>
    %stack3A_1016 = tpu.concatenate %stack3A_1014, %stack3A_1015 in 2 : vector<8x64x1xf32>, vector<8x64x1xf32> -> vector<8x64x2xf32>
    %reshape3A_1017 = vector.shape_cast %stack3A_1016 : vector<8x64x2xf32> to vector<8x128xf32>
    %concatenate3A_1018 = tpu.concatenate %reshape3A_1009, %reshape3A_1017 in 1 : vector<8x128xf32>, vector<8x128xf32> -> vector<8x256xf32>
    %swap3A_1019 = arith.constant 0 : index
    %swap3A_1020 = arith.constant 0 : index
    %swap3A_1021 = vector.load %arg16[%swap3A_1019, %swap3A_1020] : memref<8x256xf32, #tpu.memory_space<vmem>>, vector<8x256xf32>
    tpu.vector_store %arg16[%swap3A_1019, %swap3A_1020], %concatenate3A_1018 {strides = array<i32>} : memref<8x256xf32, #tpu.memory_space<vmem>>, vector<8x256xf32>,
    return
  }
  func.func @transform_0(%arg0: i32) -> (i32, i32) {
    %c0_i32 = arith.constant 0 : i32
    %c0_i32_0 = arith.constant 0 : i32
    return %c0_i32, %arg0 : i32, i32
  }
  func.func @transform_1(%arg0: i32) -> (i32, i32, i32, i32) {
    %c0_i32 = arith.constant 0 : i32
    %c0_i32_0 = arith.constant 0 : i32
    %c0_i32_1 = arith.constant 0 : i32
    %c0_i32_2 = arith.constant 0 : i32
    return %arg0, %c0_i32, %c0_i32_0, %c0_i32_1 : i32, i32, i32, i32
  }
  func.func @transform_2(%arg0: i32) -> (i32, i32) {
    %c0_i32 = arith.constant 0 : i32
    %c0_i32_0 = arith.constant 0 : i32
    %c0_i32_1 = arith.constant 0 : i32
    return %c0_i32, %c0_i32_0 : i32, i32
  }
  func.func @transform_3(%arg0: i32) -> (i32, i32) {
    %c0_i32 = arith.constant 0 : i32
    %c0_i32_0 = arith.constant 0 : i32
    %c0_i32_1 = arith.constant 0 : i32
    return %c0_i32, %c0_i32_0 : i32, i32
  }
  func.func @transform_4(%arg0: i32) -> (i32, i32) {
    %c0_i32 = arith.constant 0 : i32
    %c0_i32_0 = arith.constant 0 : i32
    %c0_i32_1 = arith.constant 0 : i32
    return %c0_i32, %c0_i32_0 : i32, i32
  }
  func.func @transform_5(%arg0: i32) -> (i32, i32) {
    %c0_i32 = arith.constant 0 : i32
    %c0_i32_0 = arith.constant 0 : i32
    %c0_i32_1 = arith.constant 0 : i32
    return %c0_i32, %c0_i32_0 : i32, i32
  }
  func.func @transform_6(%arg0: i32) -> (i32, i32) {
    %c0_i32 = arith.constant 0 : i32
    %c0_i32_0 = arith.constant 0 : i32
    %c0_i32_1 = arith.constant 0 : i32
    return %c0_i32, %c0_i32_0 : i32, i32
  }
  func.func @transform_7(%arg0: i32) -> (i32, i32) {
    %c0_i32 = arith.constant 0 : i32
    %c0_i32_0 = arith.constant 0 : i32
    %c0_i32_1 = arith.constant 0 : i32
    return %c0_i32, %c0_i32_0 : i32, i32
  }
  func.func @transform_8(%arg0: i32) -> (i32, i32) {
    %c0_i32 = arith.constant 0 : i32
    %c0_i32_0 = arith.constant 0 : i32
    %c0_i32_1 = arith.constant 0 : i32
    return %c0_i32, %c0_i32_0 : i32, i32
  }
  func.func @transform_9(%arg0: i32) -> (i32, i32) {
    %c0_i32 = arith.constant 0 : i32
    %c0_i32_0 = arith.constant 0 : i32
    %c0_i32_1 = arith.constant 0 : i32
    return %c0_i32, %c0_i32_0 : i32, i32
  }
  func.func @transform_10(%arg0: i32) -> (i32, i32) {
    %c0_i32 = arith.constant 0 : i32
    %c0_i32_0 = arith.constant 0 : i32
    %c0_i32_1 = arith.constant 0 : i32
    return %c0_i32, %c0_i32_0 : i32, i32
  }
  func.func @transform_11(%arg0: i32) -> (i32, i32) {
    %c0_i32 = arith.constant 0 : i32
    %c0_i32_0 = arith.constant 0 : i32
    %c0_i32_1 = arith.constant 0 : i32
    return %c0_i32, %c0_i32_0 : i32, i32
  }
  func.func @transform_12(%arg0: i32) -> (i32, i32) {
    %c0_i32 = arith.constant 0 : i32
    %c0_i32_0 = arith.constant 0 : i32
    %c0_i32_1 = arith.constant 0 : i32
    return %c0_i32, %c0_i32_0 : i32, i32
  }
  func.func @transform_13(%arg0: i32) -> (i32, i32) {
    %c0_i32 = arith.constant 0 : i32
    %c0_i32_0 = arith.constant 0 : i32
    %c0_i32_1 = arith.constant 0 : i32
    return %c0_i32, %c0_i32_0 : i32, i32
  }
  func.func @transform_14(%arg0: i32) -> (i32, i32) {
    %c0_i32 = arith.constant 0 : i32
    %c0_i32_0 = arith.constant 0 : i32
    %c0_i32_1 = arith.constant 0 : i32
    return %c0_i32, %c0_i32_0 : i32, i32
  }
  func.func @transform_15(%arg0: i32) -> (i32, i32) {
    %c0_i32 = arith.constant 0 : i32
    %c0_i32_0 = arith.constant 0 : i32
    return %c0_i32, %arg0 : i32, i32
  }
}

</mosaic_0001>

<sc_bundles>
// kernel: kernel.4.cloned.1.call-start
scs
__scs_entry_jumppad:
0x0: {  	(pc) =	sbr.rel $0x88, $3  }
0x1: {  	(tag) =	ssettag $0x0;
	lr =	simm.s32 $0x1  }
0x2: {  	[smem:$0x3F92] =	sst lr;
	_ =	strace $0xD0000000  }
0x3: {  	_ = 	snop  }
0x4: {  	_ = 	snop  }
0x5: {  	_ = 	snop  }
0x6: {  	_ = 	snop  }
0x7: {  	_ = 	snop  }
__scs_overlays_trampoline_lowered:
0x8: {  	[smem:$0x3FA1] =	sst s0  }
0x9: {  	[smem:$0x3FA2] =	sst s1  }
0xa: {  	[smem:$0x3FA3] =	sst s2  }
0xb: {  	[smem:$0x3FA4] =	sst s3  }
0xc: {  	[smem:$0x3FA5] =	sst s4  }
0xd: {  	[smem:$0x3FA6] =	sst s5  }
0xe: {  	[smem:$0x3FA7] =	sst s6  }
0xf: {  	[smem:$0x3FA8] =	sst s7  }
0x10: {  	[smem:$0x3FA9] =	sst s8  }
0x11: {  	[smem:$0x3FAA] =	sst s9;
	s0 =	simm.s32 @!p0 $0x0  }
0x12: {  	s1 =	sld [smem:$0x3F90];
	s0 =	simm.s32 @p0 $0x1  }
0x13: {  	[smem:$0x3FAB] =	sst s0;
	s0 =	simm.s32 @!p1 $0x0  }
0x14: {  	s2 =	sld [smem:$0x3F8F];
	s0 =	simm.s32 @p1 $0x1  }
0x15: {  	[smem:$0x3FAC] =	sst s0;
	s0 =	simm.s32 @!p2 $0x0  }
0x16: {  	s3 =	sld [smem:$0x3FDB];
	s0 =	simm.s32 @p2 $0x1  }
0x17: {  	s4 =	simm.s32 $0x1BF5;
	[smem:$0x3FAE] =	sst s0  }
0x18: {  	s0 =	sld [smem:$0x3F91];
	_ =	swait.ge [sflag:s4], $0x0  }
0x19: {  	s7 =	sld [smem:$0x3F92]  }
0x1a: {  	s8 =	sadd.s32 $0xFFFFE003, lr  }
0x1b: {  	s9 =	sadd.s32 $0xFFFFFEF7, lr;
	s5 =	simm.s32 $0xFFFFFFFF;
	p2 =	slt.u32 s8, $0xFFFFF086  }
0x1c: {  	p1 =	slt.u32 s9, $0xF7A;
	s5 =	simm.s32 @!p2 $0x0  }
0x1d: {  	s5 =	simm.s32 @p1 $0x1;
	p0 =	seq.s32 s7, s2  }
0x1e: {  	s7 =	smul.u32 @!p0 $0xF7A, s2;
	p2 =	seq.s32 @!p0 s5, $0x0  }
0x1f: {  	s9 =	smul.u32 $0xF7A, s1;
	s8 =	simm.s32 @!p0 $0x1BF5;
	p2 =	por !p2, p0  }
0x20: {  	[sflag:s8] =	ssyncset.s32 @!p0 $0xFFFFF086;
	s6 =	sadd.s32 @!p0 s3, s7;
	s7 =	simm.s32 @!p0 $0x108  }
0x21: {  	s3 =	sadd.s32 s3, s9;
	s6 =	sadd.s32 @!p0 $0x88, s6;
	s7 =	simm.s32 @p2 $0x1082  }
0x22: {  	[simem:s7], [sflag:s8] =	dma.local @!p0 [hbm:s6], $0xF7A  }
0x23: {  	s9 =	sor.u32 $0xD0000000, s2;
	s6 =	simm.s32 $0x108;
	_ =	swait.ge @!p0 [sflag:s8], $0x0  }
0x24: {  	s3 =	sadd.s32 $0x88, s3;
	s6 =	simm.s32 @!p1 $0x1082;
	[sflag:s4] =	ssyncset.s32 $0xFFFFF086  }
0x25: {  	[simem:s6], [sflag:s4] =	dma.local [hbm:s3], $0xF7A  }
0x26: {  	[smem:$0x3F92] =	sst s1;
	(tag) =	ssettag s2;
	_ =	strace s9  }
0x27: {  	s1 =	sld [smem:$0x3FA2]  }
0x28: {  	s2 =	sld [smem:$0x3FA3]  }
0x29: {  	s4 =	sld [smem:$0x3FA5]  }
0x2a: {  	p0 =	seq.s32 s5, $0x0;
	s5 =	sld [smem:$0x3FA6]  }
0x2b: {  	s6 =	sld [smem:$0x3FA7]  }
0x2c: {  	s7 =	sld [smem:$0x3FA8]  }
0x2d: {  	s3 =	simm.s32 $0x108;
	s8 =	sld [smem:$0x3FA9]  }
0x2e: {  	s3 =	simm.s32 @!p0 $0x1082;
	s9 =	sld [smem:$0x3FAA]  }
0x2f: {  	lr =	sadd.s32 s0, s3;
	s0 =	sld [smem:$0x3FA1]  }
0x30: {  	s3 =	sld [smem:$0x3FA4]  }
0x31: {  	[smem:$0x3FAD] =	sst s10  }
0x32: {  	s10 =	sld [smem:$0x3FAB];
	_ =	sdelay $0x3  }
0x33: {  	p0 =	seq.s32 s10, $0x1;
	s10 =	sld [smem:$0x3FAD];
	_ =	sdelay $0x3  }
0x34: {  	[smem:$0x3FAD] =	sst s10  }
0x35: {  	s10 =	sld [smem:$0x3FAC];
	_ =	sdelay $0x3  }
0x36: {  	p1 =	seq.s32 s10, $0x1;
	s10 =	sld [smem:$0x3FAD];
	_ =	sdelay $0x3  }
0x37: {  	[smem:$0x3FAD] =	sst s10  }
0x38: {  	s10 =	sld [smem:$0x3FAE]  }
0x39: {  	_ = 	snop;
	(pc) =	sbr.ind lr, $3  }
0x3a: {  	_ = 	snop  }
0x3b: {  	_ = 	snop  }
0x3c: {  	p2 =	seq.s32 s10, $0x1;
	s10 =	sld [smem:$0x3FAD]  }
0x3d: {  	_ =	shalt  }
0x3e: {  	_ =	shalt  }
0x3f: {  	_ =	shalt  }
0x40: {  	_ =	shalt  }
0x41: {  	_ =	shalt  }
0x42: {  	_ =	shalt  }
0x43: {  	_ =	shalt  }
0x44: {  	_ =	shalt  }
0x45: {  	_ =	shalt  }
0x46: {  	_ =	shalt  }
0x47: {  	_ =	shalt  }
0x48: {  	_ =	shalt  }
0x49: {  	_ =	shalt  }
0x4a: {  	_ =	shalt  }
0x4b: {  	_ =	shalt  }
0x4c: {  	_ =	shalt  }
0x4d: {  	_ =	shalt  }
0x4e: {  	_ =	shalt  }
0x4f: {  	_ =	shalt  }
0x50: {  	_ =	shalt  }
0x51: {  	_ =	shalt  }
0x52: {  	_ =	shalt  }
0x53: {  	_ =	shalt  }
0x54: {  	_ =	shalt  }
0x55: {  	_ =	shalt  }
0x56: {  	_ =	shalt  }
0x57: {  	_ =	shalt  }
0x58: {  	_ =	shalt  }
0x59: {  	_ =	shalt  }
0x5a: {  	_ =	shalt  }
0x5b: {  	_ =	shalt  }
0x5c: {  	_ =	shalt  }
0x5d: {  	_ =	shalt  }
0x5e: {  	_ =	shalt  }
0x5f: {  	_ =	shalt  }
0x60: {  	_ =	shalt  }
0x61: {  	_ =	shalt  }
0x62: {  	_ =	shalt  }
0x63: {  	_ =	shalt  }
0x64: {  	_ =	shalt  }
0x65: {  	_ =	shalt  }
0x66: {  	_ =	shalt  }
0x67: {  	_ =	shalt  }
0x68: {  	_ =	shalt  }
0x69: {  	_ =	shalt  }
0x6a: {  	_ =	shalt  }
0x6b: {  	_ =	shalt  }
0x6c: {  	_ =	shalt  }
0x6d: {  	_ =	shalt  }
0x6e: {  	_ =	shalt  }
0x6f: {  	_ =	shalt  }
0x70: {  	_ =	shalt  }
0x71: {  	_ =	shalt  }
0x72: {  	_ =	shalt  }
0x73: {  	_ =	shalt  }
0x74: {  	_ =	shalt  }
0x75: {  	_ =	shalt  }
0x76: {  	_ =	shalt  }
0x77: {  	_ =	shalt  }
0x78: {  	_ =	shalt  }
0x79: {  	_ =	shalt  }
0x7a: {  	_ =	shalt  }
0x7b: {  	_ =	shalt  }
0x7c: {  	_ =	shalt  }
0x7d: {  	_ =	shalt  }
0x7e: {  	_ =	shalt  }
0x7f: {  	_ =	shalt  }
0x80: {  	_ =	shalt  }
0x81: {  	_ =	shalt  }
0x82: {  	_ =	shalt  }
0x83: {  	_ =	shalt  }
0x84: {  	_ =	shalt  }
0x85: {  	_ =	shalt  }
0x86: {  	_ =	shalt  }
0x87: {  	_ =	shalt  }
.Lfunc_end0:
.L_simem_size_0:
called_computation_lowered:
.L_overlay_start_0:
0x88: {  	s2 =	sld [smem:$0x3FD9]  }
0x89: {  	s3 =	sld [smem:$0x3FFE];
	_ =	sdelay $0x1  }
0x8a: {  	s1 =	srdreg.scid  }
0x8b: {  	s0 =	sand.u32 $0x1, s1  }
0x8c: {  	s16 =	sshll.u32 s0, $0xA;
	s2 =	sadd.s32 s3, s2  }
0x8d: {  	s2 =	sadd.s32 s2, s16  }
0x8e: {  	[smem:$0x3FB9] =	sst s2  }
0x8f: {  	_ = 	snop  }
0x90: {  	(tm) =	ssettm $0x1  }
0x91: {  	s17 =	sld [smem:$0x3FFB];
	_ =	sdelay $0x3  }
0x92: {  	_ =	strace s17  }
0x93: {  	s2 =	sld [smem:$0x3FFC];
	_ =	sdelay $0x3  }
0x94: {  	_ =	strace s2  }
0x95: {  	s2 =	sld [smem:$0x3FFD];
	_ =	sdelay $0x3  }
0x96: {  	_ =	strace s2  }
0x97: {  	_ =	strace $0x8FFFFFFF  }
0x98: {  	s18 =	sld [smem:$0x3FDB];
	_ =	sdelay $0x1  }
0x99: {  	s19 =	simm.s32 $_scs_section_size  }
0x9a: {  	s4 =	simm.s32 $_size__tile_overlayer_lowered;
	s5 =	simm.s32 $_tile_overlayer_lowered  }
0x9b: {  	s22 =	simm.s32 $0x1BFF;
	s21 =	sshll.u32 s5, $0x1;
	s2 =	sadd.s32 s19, s18  }
0x9c: {  	s6 =	simm.s32 $0x0;
	s20 =	sshll.u32 s4, $0x1;
	s4 =	sadd.s32 s21, s2  }
0x9d: {  	[timem:s6], [sflag:s22] =	dma.local [hbm:s4], s20  }
0x9e: {  	_ =	swait.ge [sflag:s22], s20  }
0x9f: {  	s3 =	ssub.s32 $0x0, s20;
	[sflag:s22] =	ssyncset.done $0x0  }
0xa0: {  	[sflag:s22] =	ssyncadd.s32 s3;
	_ =	sdelay $0x1  }
0xa1: {  	s23 =	simm.s32 $0x1B8B  }
0xa2: {  	_ =	swait.ge [sflag:s23], $0x1  }
0xa3: {  	[sflag:s23] =	ssyncset.done $0x0  }
0xa4: {  	s25 =	simm.s32 $0x1B8E;
	s24 =	sld [smem:$0x3FFE];
	[sflag:s23] =	ssyncadd.s32 $0xFFFFFFFF  }
0xa5: {  	s26 =	simm.s32 $execute0_lowered;
	[smem:$0x3FD2] =	sst s25  }
0xa6: {  	s4 =	sshll.u32 s26, $0x1;
	_ =	strace $0x80000046;
	[dreg:$0x1] =	wrdreg $0xFFFFFFFF  }
0xa7: {  	s28 =	simm.s32 $_size_execute0_lowered;
	s2 =	sadd.s32 s2, s4;
	[dreg:$0x0] =	wrdreg $0x0  }
0xa8: {  	s4 =	sshll.u32 s28, $0x1;
	[dreg:$0x2] =	wrdreg s2  }
0xa9: {  	[dreg:$0x3] =	wrdreg s4  }
0xaa: {  	[dreg:$0x4] =	wrdreg $0xC0  }
0xab: {  	_ =	task [dreg:s6], $0x5FFFF  }
0xac: {  	[dreg:$0x1] =	wrdreg $0xFFFFFFFF  }
0xad: {  	[dreg:$0x0] =	wrdreg $0x60  }
0xae: {  	[dreg:$0x2] =	wrdreg s24  }
0xaf: {  	[dreg:$0x3] =	wrdreg $0x9  }
0xb0: {  	_ =	task.clear_ibuf [dreg:s6], $0x4FFFF;
	_ =	strace $0x90000046  }
0xb1: {  	s29 =	simm.s32 $0x9;
	_ =	strace $0x80000048  }
0xb2: {  	_ =	swait.ge [sflag:s29], $0x1  }
0xb3: {  	[sflag:s29] =	ssyncadd.s32 $0xFFFFFFFF  }
0xb4: {  	_ =	strace $0x90000048  }
0xb5: {  	_ =	sfence  }
0xb6: {  	s30 =	sld [smem:$0x0];
	_ =	sdelay $0x2  }
0xb7: {  	s31 =	sshll.u32 s1, $0xD;
	s1 =	sshrl.u32 s1, $0x2  }
0xb8: {  	s3 =	sand.u32 $0x4000, s31;
	s1 =	sadd.s32 s1, s30  }
0xb9: {  	s0 =	sor.u32 s3, s0;
	s1 =	sshll.u32 s1, $0x11  }
0xba: {  	s0 =	sor.u32 s1, s0  }
0xbb: {  	s0 =	sadd.s32 $0x8F2B, s0  }
0xbc: {  	[sflag:s0] =	ssyncadd.remote.s32 $0x1  }
0xbd: {  	_ =	sfence.sel $0xFFFF  }
0xbe: {  	[dreg:$0x0] =	wrdreg $0xFFFFFFFF;
	(pc) =	sbr.abs _section_cstart, $3  }
0xbf: {  	[dreg:$0x1] =	wrdreg $0xFFFFFFFF  }
0xc0: {  	_ =	task.clear_ibuf [dreg:s6], $0x2FFFF;
	_ =	strace $0x9FFFFFFF  }
0xc1: {  	(tm) =	ssettm $0x7FFFFFFF  }
tec
execute0_lowered:
.L_overlay_start_1:
0x0: {  	(tag) =	ssettag $0x1  }
0x1: {  	v0 =	vlaneseq.u32  }
0x2: {  	v0 =	vmul.u32 $0x80, v0;
	_ =	sdelay $0x1  }
0x3: {  	v1 =	vor.u32 $0x800, v0;
	v3 =	vor.u32 $0x1800, v0;
	v4 =	vor.u32 $0x2000, v0  }
0x4: {  	v5 =	vor.u32 $0x2800, v0;
	v6 =	vor.u32 $0x3000, v0;
	v7 =	vor.u32 $0x3800, v0  }
0x5: {  	v8 =	vor.u32 $0x1, v0;
	v9 =	vor.u32 $0x801, v0;
	v10 =	vor.u32 $0x1001, v0  }
0x6: {  	v11 =	vor.u32 $0x1801, v0;
	v12 =	vor.u32 $0x2001, v0;
	v13 =	vor.u32 $0x2801, v0  }
0x7: {  	v14 =	vor.u32 $0x3001, v0;
	v15 =	vor.u32 $0x3801, v0;
	v16 =	vor.u32 $0x2, v0  }
0x8: {  	v17 =	vor.u32 $0x802, v0;
	v18 =	vor.u32 $0x1002, v0;
	v19 =	vor.u32 $0x1802, v0  }
0x9: {  	v20 =	vor.u32 $0x2002, v0;
	v21 =	vor.u32 $0x2802, v0;
	v22 =	vor.u32 $0x3002, v0  }
0xa: {  	v23 =	vor.u32 $0x3802, v0;
	v24 =	vor.u32 $0x3, v0;
	v25 =	vor.u32 $0x803, v0  }
0xb: {  	s4 =	rddreg [dreg:$0x0];
	v26 =	vor.u32 $0x1003, v0;
	v27 =	vor.u32 $0x1803, v0;
	v28 =	vor.u32 $0x2003, v0  }
0xc: {  	s0 =	rddreg [dreg:$0x1];
	v29 =	vor.u32 $0x2803, v0;
	v30 =	vor.u32 $0x3003, v0;
	v31 =	vor.u32 $0x3803, v0  }
0xd: {  	s1 =	simm.s32 $0x0;
	s3 =	srdreg.scid;
	s2 =	stileid.u32;
	v32 =	vor.u32 $0x4, v0;
	v33 =	vor.u32 $0x804, v0;
	v34 =	vor.u32 $0x1004, v0  }
0xe: {  	s11 =	simm.s32 $0x340;
	s12 =	simm.s32 $0x4000;
	s13 =	simm.s32 $0x4D00;
	v35 =	vor.u32 $0x1804, v0;
	v36 =	vor.u32 $0x2004, v0;
	v37 =	vor.u32 $0x2804, v0  }
0xf: {  	s14 =	simm.s32 $0x1;
	s15 =	simm.s32 $0x4340;
	s16 =	simm.s32 $0x4680;
	v38 =	vor.u32 $0x3004, v0;
	v39 =	vor.u32 $0x3804, v0;
	v40 =	vor.u32 $0x5, v0  }
0x10: {  	s17 =	simm.s32 $0x49C0;
	s5 =	sand.u32 $0x1, s3;
	s6 =	sshll.u32 s2, $0x1;
	v41 =	vor.u32 $0x805, v0;
	v42 =	vor.u32 $0x1005, v0;
	v43 =	vor.u32 $0x1805, v0  }
0x11: {  	[smem:$0x7FF] =	sst s1;
	s3 =	sadd.s32 $0xF44800, s4;
	s6 =	sor.u32 s5, s6;
	v44 =	vor.u32 $0x2005, v0;
	v45 =	vor.u32 $0x2805, v0;
	v46 =	vor.u32 $0x3005, v0  }
0x12: {  	s10 =	sadd.s32 $0x12400, s4;
	s5 =	ssub.s32 $0x2, s5;
	s8 =	smul.u32 $0x34000, s6;
	v47 =	vor.u32 $0x3805, v0;
	v48 =	vor.u32 $0x6, v0;
	v49 =	vor.u32 $0x806, v0  }
0x13: {  	s7 =	sshll.u32 s6, $0xB;
	s9 =	sshrl.u32 s5, $0x1;
	s6 =	smul.u32 $0x6800, s6;
	v50 =	vor.u32 $0x1006, v0;
	v51 =	vor.u32 $0x1806, v0;
	v52 =	vor.u32 $0x2006, v0  }
0x14: {  	v53 =	vor.u32 $0x2806, v0;
	v54 =	vor.u32 $0x3006, v0;
	[tilespmem:$0x1FFE0] =	vst v1;
	v1 =	vor.u32 $0x1000, v0;
	s7 =	sadd.s32 s7, s4;
	s9 =	ssub.s32 s5, s9;
	s8 =	sshrl.u32 s8, $0x3  }
0x15: {  	v55 =	vor.u32 $0x3806, v0;
	v56 =	vor.u32 $0x7, v0;
	v57 =	vor.u32 $0x807, v0;
	[tilespmem:$0x1FFF0] =	vst v1;
	s4 =	sadd.s32 $0x2400, s7;
	s5 =	sadd.s32 s10, s6;
	s9 =	smax.u32 s9, $0x1  }
0x16: {  	v58 =	vor.u32 $0x1007, v0;
	v59 =	vor.u32 $0x1807, v0;
	v60 =	vor.u32 $0x2007, v0;
	_ =	strace $0x80000047;
	s8 =	sadd.s32 s10, s8;
	s10 =	simm.s32 $0x2  }
0x17: {  	v61 =	vor.u32 $0x2807, v0;
	v62 =	vor.u32 $0x3007, v0;
	v63 =	vor.u32 $0x3807, v0;
	s6 =	sadd.s32 $0x1A00, s8;
	s7 =	sadd.s32 $0x3400, s8;
	s8 =	sadd.s32 $0x4E00, s8  }
.LBB2_1:
0x18: {  	[tilespmem:s1], [sflag:$0x2] =	stream.linear.gather [hbm4b:s4+s1], $0x4000, $0x38;
	[tilespmem:$0x11D00] =	vst v63  }
0x19: {  	_ =	swait.ge [sflag:s10], $0x4000  }
0x1a: {  	[sflag:s10] =	ssyncset.done $0x0  }
0x1b: {  	[sflag:s10] =	ssyncadd.s32 $0xFFFFC000  }
0x1c: {  	v1 =	vld.idx.msk [tilespmem:v0+s1+$0x0], $0xffff;
	_ =	sdelay $0x4  }
0x1d: {  	v1 =	vtrunc.f32 v1  }
0x1e: {  	v1 =	vcvt.f32.s32 v1;
	_ =	sdelay $0x1  }
0x1f: {  	[tilespmem:$0x4000] =	vst v1;
	v1 =	vld [tilespmem:$0x1FFE0];
	_ =	sdelay $0x7  }
0x20: {  	v1 =	vld.idx.msk [tilespmem:v1+s1+$0x0], $0xffff;
	_ =	sdelay $0x4  }
0x21: {  	v1 =	vtrunc.f32 v1  }
0x22: {  	v1 =	vcvt.f32.s32 v1;
	_ =	sdelay $0x1  }
0x23: {  	[tilespmem:$0x4010] =	vst v1;
	v1 =	vld [tilespmem:$0x1FFF0];
	_ =	sdelay $0x7  }
0x24: {  	v1 =	vld.idx.msk [tilespmem:v1+s1+$0x0], $0xffff;
	_ =	sdelay $0x4  }
0x25: {  	v1 =	vtrunc.f32 v1  }
0x26: {  	v1 =	vcvt.f32.s32 v1;
	_ =	sdelay $0x1  }
0x27: {  	[tilespmem:$0x4020] =	vst v1  }
0x28: {  	v1 =	vld.idx.msk [tilespmem:v3+s1+$0x0], $0xffff;
	_ =	sdelay $0x4  }
0x29: {  	v1 =	vtrunc.f32 v1  }
0x2a: {  	v1 =	vcvt.f32.s32 v1;
	_ =	sdelay $0x1  }
0x2b: {  	[tilespmem:$0x4030] =	vst v1  }
0x2c: {  	v1 =	vld.idx.msk [tilespmem:v4+s1+$0x0], $0xffff;
	_ =	sdelay $0x4  }
0x2d: {  	v1 =	vtrunc.f32 v1  }
0x2e: {  	v1 =	vcvt.f32.s32 v1;
	_ =	sdelay $0x1  }
0x2f: {  	[tilespmem:$0x4040] =	vst v1  }
0x30: {  	v1 =	vld.idx.msk [tilespmem:v5+s1+$0x0], $0xffff;
	_ =	sdelay $0x4  }
0x31: {  	v1 =	vtrunc.f32 v1  }
0x32: {  	v1 =	vcvt.f32.s32 v1;
	_ =	sdelay $0x1  }
0x33: {  	[tilespmem:$0x4050] =	vst v1  }
0x34: {  	v1 =	vld.idx.msk [tilespmem:v6+s1+$0x0], $0xffff;
	_ =	sdelay $0x4  }
0x35: {  	v1 =	vtrunc.f32 v1  }
0x36: {  	v1 =	vcvt.f32.s32 v1;
	_ =	sdelay $0x1  }
0x37: {  	[tilespmem:$0x4060] =	vst v1  }
0x38: {  	v1 =	vld.idx.msk [tilespmem:v7+s1+$0x0], $0xffff;
	_ =	sdelay $0x4  }
0x39: {  	v1 =	vtrunc.f32 v1  }
0x3a: {  	v1 =	vcvt.f32.s32 v1;
	_ =	sdelay $0x1  }
0x3b: {  	[tilespmem:$0x4070] =	vst v1  }
0x3c: {  	v1 =	vld.idx.msk [tilespmem:v8+s1+$0x0], $0xffff;
	_ =	sdelay $0x4  }
0x3d: {  	v1 =	vtrunc.f32 v1  }
0x3e: {  	v1 =	vcvt.f32.s32 v1;
	_ =	sdelay $0x1  }
0x3f: {  	[tilespmem:$0x4080] =	vst v1  }
0x40: {  	v1 =	vld.idx.msk [tilespmem:v9+s1+$0x0], $0xffff;
	_ =	sdelay $0x4  }
0x41: {  	v1 =	vtrunc.f32 v1  }
0x42: {  	v1 =	vcvt.f32.s32 v1;
	_ =	sdelay $0x1  }
0x43: {  	[tilespmem:$0x4090] =	vst v1  }
0x44: {  	v1 =	vld.idx.msk [tilespmem:v10+s1+$0x0], $0xffff;
	_ =	sdelay $0x4  }
0x45: {  	v1 =	vtrunc.f32 v1  }
0x46: {  	v1 =	vcvt.f32.s32 v1;
	_ =	sdelay $0x1  }
0x47: {  	[tilespmem:$0x40A0] =	vst v1  }
0x48: {  	v1 =	vld.idx.msk [tilespmem:v11+s1+$0x0], $0xffff;
	_ =	sdelay $0x4  }
0x49: {  	v1 =	vtrunc.f32 v1  }
0x4a: {  	v1 =	vcvt.f32.s32 v1;
	_ =	sdelay $0x1  }
0x4b: {  	[tilespmem:$0x40B0] =	vst v1  }
0x4c: {  	v1 =	vld.idx.msk [tilespmem:v12+s1+$0x0], $0xffff;
	_ =	sdelay $0x4  }
0x4d: {  	v1 =	vtrunc.f32 v1  }
0x4e: {  	v1 =	vcvt.f32.s32 v1;
	_ =	sdelay $0x1  }
0x4f: {  	[tilespmem:$0x40C0] =	vst v1  }
0x50: {  	v1 =	vld.idx.msk [tilespmem:v13+s1+$0x0], $0xffff;
	_ =	sdelay $0x4  }
0x51: {  	v1 =	vtrunc.f32 v1  }
0x52: {  	v1 =	vcvt.f32.s32 v1;
	_ =	sdelay $0x1  }
0x53: {  	[tilespmem:$0x40D0] =	vst v1  }
0x54: {  	v1 =	vld.idx.msk [tilespmem:v14+s1+$0x0], $0xffff;
	_ =	sdelay $0x4  }
0x55: {  	v1 =	vtrunc.f32 v1  }
0x56: {  	v1 =	vcvt.f32.s32 v1;
	_ =	sdelay $0x1  }
0x57: {  	[tilespmem:$0x40E0] =	vst v1  }
0x58: {  	v1 =	vld.idx.msk [tilespmem:v15+s1+$0x0], $0xffff;
	_ =	sdelay $0x4  }
0x59: {  	v1 =	vtrunc.f32 v1  }
0x5a: {  	v1 =	vcvt.f32.s32 v1;
	_ =	sdelay $0x1  }
0x5b: {  	[tilespmem:$0x40F0] =	vst v1  }
0x5c: {  	v1 =	vld.idx.msk [tilespmem:v16+s1+$0x0], $0xffff;
	_ =	sdelay $0x4  }
0x5d: {  	v1 =	vtrunc.f32 v1  }
0x5e: {  	v1 =	vcvt.f32.s32 v1;
	_ =	sdelay $0x1  }
0x5f: {  	[tilespmem:$0x4100] =	vst v1  }
0x60: {  	v1 =	vld.idx.msk [tilespmem:v17+s1+$0x0], $0xffff;
	_ =	sdelay $0x4  }
0x61: {  	v1 =	vtrunc.f32 v1  }
0x62: {  	v1 =	vcvt.f32.s32 v1;
	_ =	sdelay $0x1  }
0x63: {  	[tilespmem:$0x4110] =	vst v1  }
0x64: {  	v1 =	vld.idx.msk [tilespmem:v18+s1+$0x0], $0xffff;
	_ =	sdelay $0x4  }
0x65: {  	v1 =	vtrunc.f32 v1  }
0x66: {  	v1 =	vcvt.f32.s32 v1;
	_ =	sdelay $0x1  }
0x67: {  	[tilespmem:$0x4120] =	vst v1  }
0x68: {  	v1 =	vld.idx.msk [tilespmem:v19+s1+$0x0], $0xffff;
	_ =	sdelay $0x4  }
0x69: {  	v1 =	vtrunc.f32 v1  }
0x6a: {  	v1 =	vcvt.f32.s32 v1;
	_ =	sdelay $0x1  }
0x6b: {  	[tilespmem:$0x4130] =	vst v1  }
0x6c: {  	v1 =	vld.idx.msk [tilespmem:v20+s1+$0x0], $0xffff;
	_ =	sdelay $0x4  }
0x6d: {  	v1 =	vtrunc.f32 v1  }
0x6e: {  	v1 =	vcvt.f32.s32 v1;
	_ =	sdelay $0x1  }
0x6f: {  	[tilespmem:$0x4140] =	vst v1  }
0x70: {  	v1 =	vld.idx.msk [tilespmem:v21+s1+$0x0], $0xffff;
	_ =	sdelay $0x4  }
0x71: {  	v1 =	vtrunc.f32 v1  }
0x72: {  	v1 =	vcvt.f32.s32 v1;
	_ =	sdelay $0x1  }
0x73: {  	[tilespmem:$0x4150] =	vst v1  }
0x74: {  	v1 =	vld.idx.msk [tilespmem:v22+s1+$0x0], $0xffff;
	_ =	sdelay $0x4  }
0x75: {  	v1 =	vtrunc.f32 v1  }
0x76: {  	v1 =	vcvt.f32.s32 v1;
	_ =	sdelay $0x1  }
0x77: {  	[tilespmem:$0x4160] =	vst v1  }
0x78: {  	v1 =	vld.idx.msk [tilespmem:v23+s1+$0x0], $0xffff;
	_ =	sdelay $0x4  }
0x79: {  	v1 =	vtrunc.f32 v1  }
0x7a: {  	v1 =	vcvt.f32.s32 v1;
	_ =	sdelay $0x1  }
0x7b: {  	[tilespmem:$0x4170] =	vst v1  }
0x7c: {  	v1 =	vld.idx.msk [tilespmem:v24+s1+$0x0], $0xffff;
	_ =	sdelay $0x4  }
0x7d: {  	v1 =	vtrunc.f32 v1  }
0x7e: {  	v1 =	vcvt.f32.s32 v1;
	_ =	sdelay $0x1  }
0x7f: {  	[tilespmem:$0x4180] =	vst v1  }
0x80: {  	v1 =	vld.idx.msk [tilespmem:v25+s1+$0x0], $0xffff;
	_ =	sdelay $0x4  }
0x81: {  	v1 =	vtrunc.f32 v1  }
0x82: {  	v1 =	vcvt.f32.s32 v1;
	_ =	sdelay $0x1  }
0x83: {  	[tilespmem:$0x4190] =	vst v1  }
0x84: {  	v1 =	vld.idx.msk [tilespmem:v26+s1+$0x0], $0xffff;
	_ =	sdelay $0x4  }
0x85: {  	v1 =	vtrunc.f32 v1  }
0x86: {  	v1 =	vcvt.f32.s32 v1;
	_ =	sdelay $0x1  }
0x87: {  	[tilespmem:$0x41A0] =	vst v1  }
0x88: {  	v1 =	vld.idx.msk [tilespmem:v27+s1+$0x0], $0xffff;
	_ =	sdelay $0x4  }
0x89: {  	v1 =	vtrunc.f32 v1  }
0x8a: {  	v1 =	vcvt.f32.s32 v1;
	_ =	sdelay $0x1  }
0x8b: {  	[tilespmem:$0x41B0] =	vst v1  }
0x8c: {  	v1 =	vld.idx.msk [tilespmem:v28+s1+$0x0], $0xffff;
	_ =	sdelay $0x4  }
0x8d: {  	v1 =	vtrunc.f32 v1  }
0x8e: {  	v1 =	vcvt.f32.s32 v1;
	_ =	sdelay $0x1  }
0x8f: {  	[tilespmem:$0x41C0] =	vst v1  }
0x90: {  	v1 =	vld.idx.msk [tilespmem:v29+s1+$0x0], $0xffff;
	_ =	sdelay $0x4  }
0x91: {  	v1 =	vtrunc.f32 v1  }
0x92: {  	v1 =	vcvt.f32.s32 v1;
	_ =	sdelay $0x1  }
0x93: {  	[tilespmem:$0x41D0] =	vst v1  }
0x94: {  	v1 =	vld.idx.msk [tilespmem:v30+s1+$0x0], $0xffff;
	_ =	sdelay $0x4  }
0x95: {  	v1 =	vtrunc.f32 v1  }
0x96: {  	v1 =	vcvt.f32.s32 v1;
	_ =	sdelay $0x1  }
0x97: {  	[tilespmem:$0x41E0] =	vst v1  }
0x98: {  	v1 =	vld.idx.msk [tilespmem:v31+s1+$0x0], $0xffff;
	_ =	sdelay $0x4  }
0x99: {  	v1 =	vtrunc.f32 v1  }
0x9a: {  	v1 =	vcvt.f32.s32 v1;
	_ =	sdelay $0x1  }
0x9b: {  	[tilespmem:$0x41F0] =	vst v1  }
0x9c: {  	v1 =	vld.idx.msk [tilespmem:v32+s1+$0x0], $0xffff;
	_ =	sdelay $0x4  }
0x9d: {  	v1 =	vtrunc.f32 v1  }
0x9e: {  	v1 =	vcvt.f32.s32 v1;
	_ =	sdelay $0x1  }
0x9f: {  	[tilespmem:$0x4200] =	vst v1  }
0xa0: {  	v1 =	vld.idx.msk [tilespmem:v33+s1+$0x0], $0xffff;
	_ =	sdelay $0x4  }
0xa1: {  	v1 =	vtrunc.f32 v1  }
0xa2: {  	v1 =	vcvt.f32.s32 v1;
	_ =	sdelay $0x1  }
0xa3: {  	[tilespmem:$0x4210] =	vst v1  }
0xa4: {  	v1 =	vld.idx.msk [tilespmem:v34+s1+$0x0], $0xffff;
	_ =	sdelay $0x4  }
0xa5: {  	v1 =	vtrunc.f32 v1  }
0xa6: {  	v1 =	vcvt.f32.s32 v1;
	_ =	sdelay $0x1  }
0xa7: {  	[tilespmem:$0x4220] =	vst v1  }
0xa8: {  	v1 =	vld.idx.msk [tilespmem:v35+s1+$0x0], $0xffff;
	_ =	sdelay $0x4  }
0xa9: {  	v1 =	vtrunc.f32 v1  }
0xaa: {  	v1 =	vcvt.f32.s32 v1;
	_ =	sdelay $0x1  }
0xab: {  	[tilespmem:$0x4230] =	vst v1  }
0xac: {  	v1 =	vld.idx.msk [tilespmem:v36+s1+$0x0], $0xffff;
	_ =	sdelay $0x4  }
0xad: {  	v1 =	vtrunc.f32 v1  }
0xae: {  	v1 =	vcvt.f32.s32 v1;
	_ =	sdelay $0x1  }
0xaf: {  	[tilespmem:$0x4240] =	vst v1  }
0xb0: {  	v1 =	vld.idx.msk [tilespmem:v37+s1+$0x0], $0xffff;
	_ =	sdelay $0x4  }
0xb1: {  	v1 =	vtrunc.f32 v1  }
0xb2: {  	v1 =	vcvt.f32.s32 v1;
	_ =	sdelay $0x1  }
0xb3: {  	[tilespmem:$0x4250] =	vst v1  }
0xb4: {  	v1 =	vld.idx.msk [tilespmem:v38+s1+$0x0], $0xffff;
	_ =	sdelay $0x4  }
0xb5: {  	v1 =	vtrunc.f32 v1  }
0xb6: {  	v1 =	vcvt.f32.s32 v1;
	_ =	sdelay $0x1  }
0xb7: {  	[tilespmem:$0x4260] =	vst v1  }
0xb8: {  	v1 =	vld.idx.msk [tilespmem:v39+s1+$0x0], $0xffff;
	_ =	sdelay $0x4  }
0xb9: {  	v1 =	vtrunc.f32 v1  }
0xba: {  	v1 =	vcvt.f32.s32 v1;
	_ =	sdelay $0x1  }
0xbb: {  	[tilespmem:$0x4270] =	vst v1  }
0xbc: {  	v1 =	vld.idx.msk [tilespmem:v40+s1+$0x0], $0xffff;
	_ =	sdelay $0x4  }
0xbd: {  	v1 =	vtrunc.f32 v1  }
0xbe: {  	v1 =	vcvt.f32.s32 v1;
	_ =	sdelay $0x1  }
0xbf: {  	[tilespmem:$0x4280] =	vst v1  }
0xc0: {  	v1 =	vld.idx.msk [tilespmem:v41+s1+$0x0], $0xffff;
	_ =	sdelay $0x4  }
0xc1: {  	v1 =	vtrunc.f32 v1  }
0xc2: {  	v1 =	vcvt.f32.s32 v1;
	_ =	sdelay $0x1  }
0xc3: {  	[tilespmem:$0x4290] =	vst v1  }
0xc4: {  	v1 =	vld.idx.msk [tilespmem:v42+s1+$0x0], $0xffff;
	_ =	sdelay $0x4  }
0xc5: {  	v1 =	vtrunc.f32 v1  }
0xc6: {  	v1 =	vcvt.f32.s32 v1;
	_ =	sdelay $0x1  }
0xc7: {  	[tilespmem:$0x42A0] =	vst v1  }
0xc8: {  	v1 =	vld.idx.msk [tilespmem:v43+s1+$0x0], $0xffff;
	_ =	sdelay $0x4  }
0xc9: {  	v1 =	vtrunc.f32 v1  }
0xca: {  	v1 =	vcvt.f32.s32 v1;
	_ =	sdelay $0x1  }
0xcb: {  	[tilespmem:$0x42B0] =	vst v1  }
0xcc: {  	v1 =	vld.idx.msk [tilespmem:v44+s1+$0x0], $0xffff;
	_ =	sdelay $0x4  }
0xcd: {  	v1 =	vtrunc.f32 v1  }
0xce: {  	v1 =	vcvt.f32.s32 v1;
	_ =	sdelay $0x1  }
0xcf: {  	[tilespmem:$0x42C0] =	vst v1  }
0xd0: {  	v1 =	vld.idx.msk [tilespmem:v45+s1+$0x0], $0xffff;
	_ =	sdelay $0x4  }
0xd1: {  	v1 =	vtrunc.f32 v1  }
0xd2: {  	v1 =	vcvt.f32.s32 v1;
	_ =	sdelay $0x1  }
0xd3: {  	[tilespmem:$0x42D0] =	vst v1  }
0xd4: {  	v1 =	vld.idx.msk [tilespmem:v46+s1+$0x0], $0xffff;
	_ =	sdelay $0x4  }
0xd5: {  	v1 =	vtrunc.f32 v1  }
0xd6: {  	v1 =	vcvt.f32.s32 v1;
	_ =	sdelay $0x1  }
0xd7: {  	[tilespmem:$0x42E0] =	vst v1  }
0xd8: {  	v1 =	vld.idx.msk [tilespmem:v47+s1+$0x0], $0xffff;
	_ =	sdelay $0x4  }
0xd9: {  	v1 =	vtrunc.f32 v1  }
0xda: {  	v1 =	vcvt.f32.s32 v1;
	_ =	sdelay $0x1  }
0xdb: {  	[tilespmem:$0x42F0] =	vst v1  }
0xdc: {  	v1 =	vld.idx.msk [tilespmem:v48+s1+$0x0], $0xffff;
	_ =	sdelay $0x4  }
0xdd: {  	v1 =	vtrunc.f32 v1  }
0xde: {  	v1 =	vcvt.f32.s32 v1;
	_ =	sdelay $0x1  }
0xdf: {  	[tilespmem:$0x4300] =	vst v1  }
0xe0: {  	v1 =	vld.idx.msk [tilespmem:v49+s1+$0x0], $0xffff;
	_ =	sdelay $0x4  }
0xe1: {  	v1 =	vtrunc.f32 v1  }
0xe2: {  	v1 =	vcvt.f32.s32 v1;
	_ =	sdelay $0x1  }
0xe3: {  	[tilespmem:$0x4310] =	vst v1  }
0xe4: {  	v1 =	vld.idx.msk [tilespmem:v50+s1+$0x0], $0xffff;
	_ =	sdelay $0x4  }
0xe5: {  	v1 =	vtrunc.f32 v1  }
0xe6: {  	v1 =	vcvt.f32.s32 v1;
	_ =	sdelay $0x1  }
0xe7: {  	[tilespmem:$0x4320] =	vst v1  }
0xe8: {  	v1 =	vld.idx.msk [tilespmem:v51+s1+$0x0], $0xffff;
	_ =	sdelay $0x4  }
0xe9: {  	v1 =	vtrunc.f32 v1  }
0xea: {  	v1 =	vcvt.f32.s32 v1;
	_ =	sdelay $0x1  }
0xeb: {  	[tilespmem:$0x4330] =	vst v1  }
0xec: {  	v1 =	vld.idx.msk [tilespmem:v52+s1+$0x0], $0xffff;
	_ =	sdelay $0x4  }
0xed: {  	v1 =	vtrunc.f32 v1  }
0xee: {  	v1 =	vcvt.f32.s32 v1;
	_ =	sdelay $0x1  }
0xef: {  	[tilespmem:$0x4340] =	vst v1  }
0xf0: {  	v1 =	vld.idx.msk [tilespmem:v53+s1+$0x0], $0xffff;
	_ =	sdelay $0x4  }
0xf1: {  	v1 =	vtrunc.f32 v1  }
0xf2: {  	v1 =	vcvt.f32.s32 v1;
	_ =	sdelay $0x1  }
0xf3: {  	[tilespmem:$0x4350] =	vst v1  }
0xf4: {  	v1 =	vld.idx.msk [tilespmem:v54+s1+$0x0], $0xffff;
	_ =	sdelay $0x4  }
0xf5: {  	v1 =	vtrunc.f32 v1  }
0xf6: {  	v1 =	vcvt.f32.s32 v1;
	_ =	sdelay $0x1  }
0xf7: {  	[tilespmem:$0x4360] =	vst v1  }
0xf8: {  	v1 =	vld.idx.msk [tilespmem:v55+s1+$0x0], $0xffff;
	_ =	sdelay $0x4  }
0xf9: {  	v1 =	vtrunc.f32 v1  }
0xfa: {  	v1 =	vcvt.f32.s32 v1;
	_ =	sdelay $0x1  }
0xfb: {  	[tilespmem:$0x4370] =	vst v1  }
0xfc: {  	v1 =	vld.idx.msk [tilespmem:v56+s1+$0x0], $0xffff;
	_ =	sdelay $0x4  }
0xfd: {  	v1 =	vtrunc.f32 v1  }
0xfe: {  	v1 =	vcvt.f32.s32 v1;
	_ =	sdelay $0x1  }
0xff: {  	[tilespmem:$0x4380] =	vst v1  }
0x100: {  	v1 =	vld.idx.msk [tilespmem:v57+s1+$0x0], $0xffff;
	_ =	sdelay $0x4  }
0x101: {  	v1 =	vtrunc.f32 v1  }
0x102: {  	v1 =	vcvt.f32.s32 v1;
	_ =	sdelay $0x1  }
0x103: {  	[tilespmem:$0x4390] =	vst v1  }
0x104: {  	v1 =	vld.idx.msk [tilespmem:v58+s1+$0x0], $0xffff;
	_ =	sdelay $0x4  }
0x105: {  	v1 =	vtrunc.f32 v1  }
0x106: {  	v1 =	vcvt.f32.s32 v1;
	_ =	sdelay $0x1  }
0x107: {  	[tilespmem:$0x43A0] =	vst v1  }
0x108: {  	v1 =	vld.idx.msk [tilespmem:v59+s1+$0x0], $0xffff;
	_ =	sdelay $0x4  }
0x109: {  	v1 =	vtrunc.f32 v1  }
0x10a: {  	v1 =	vcvt.f32.s32 v1;
	_ =	sdelay $0x1  }
0x10b: {  	[tilespmem:$0x43B0] =	vst v1  }
0x10c: {  	v1 =	vld.idx.msk [tilespmem:v60+s1+$0x0], $0xffff;
	_ =	sdelay $0x4  }
0x10d: {  	v1 =	vtrunc.f32 v1  }
0x10e: {  	v1 =	vcvt.f32.s32 v1;
	_ =	sdelay $0x1  }
0x10f: {  	[tilespmem:$0x43C0] =	vst v1  }
0x110: {  	v1 =	vld.idx.msk [tilespmem:v61+s1+$0x0], $0xffff;
	_ =	sdelay $0x4  }
0x111: {  	v1 =	vtrunc.f32 v1  }
0x112: {  	v1 =	vcvt.f32.s32 v1;
	_ =	sdelay $0x1  }
0x113: {  	[tilespmem:$0x43D0] =	vst v1  }
0x114: {  	v1 =	vld.idx.msk [tilespmem:v62+s1+$0x0], $0xffff;
	_ =	sdelay $0x4  }
0x115: {  	v1 =	vtrunc.f32 v1  }
0x116: {  	v1 =	vcvt.f32.s32 v1;
	_ =	sdelay $0x1  }
0x117: {  	[tilespmem:$0x43E0] =	vst v1  }
0x118: {  	v1 =	vld.idx.msk [tilespmem:v63+s1+$0x0], $0xffff;
	_ =	sdelay $0x3  }
0x119: {  	v2 =	vor.u32 $0x8, v0  }
0x11a: {  	v1 =	vtrunc.f32 v1  }
0x11b: {  	v1 =	vcvt.f32.s32 v1;
	_ =	sdelay $0x1  }
0x11c: {  	[tilespmem:$0x43F0] =	vst v1  }
0x11d: {  	v1 =	vld.idx.msk [tilespmem:v2+s1+$0x0], $0xffff;
	_ =	sdelay $0x3  }
0x11e: {  	v2 =	vor.u32 $0x808, v0  }
0x11f: {  	v1 =	vtrunc.f32 v1  }
0x120: {  	v1 =	vcvt.f32.s32 v1;
	_ =	sdelay $0x1  }
0x121: {  	[tilespmem:$0x4400] =	vst v1  }
0x122: {  	v1 =	vld.idx.msk [tilespmem:v2+s1+$0x0], $0xffff;
	_ =	sdelay $0x3  }
0x123: {  	v2 =	vor.u32 $0x1008, v0  }
0x124: {  	v1 =	vtrunc.f32 v1  }
0x125: {  	v1 =	vcvt.f32.s32 v1;
	_ =	sdelay $0x1  }
0x126: {  	[tilespmem:$0x4410] =	vst v1  }
0x127: {  	v1 =	vld.idx.msk [tilespmem:v2+s1+$0x0], $0xffff;
	_ =	sdelay $0x3  }
0x128: {  	v2 =	vor.u32 $0x1808, v0  }
0x129: {  	v1 =	vtrunc.f32 v1  }
0x12a: {  	v1 =	vcvt.f32.s32 v1;
	_ =	sdelay $0x1  }
0x12b: {  	[tilespmem:$0x4420] =	vst v1  }
0x12c: {  	v1 =	vld.idx.msk [tilespmem:v2+s1+$0x0], $0xffff;
	_ =	sdelay $0x3  }
0x12d: {  	v2 =	vor.u32 $0x2008, v0  }
0x12e: {  	v1 =	vtrunc.f32 v1  }
0x12f: {  	v1 =	vcvt.f32.s32 v1;
	_ =	sdelay $0x1  }
0x130: {  	[tilespmem:$0x4430] =	vst v1  }
0x131: {  	v1 =	vld.idx.msk [tilespmem:v2+s1+$0x0], $0xffff;
	_ =	sdelay $0x3  }
0x132: {  	v2 =	vor.u32 $0x2808, v0  }
0x133: {  	v1 =	vtrunc.f32 v1  }
0x134: {  	v1 =	vcvt.f32.s32 v1;
	_ =	sdelay $0x1  }
0x135: {  	[tilespmem:$0x4440] =	vst v1  }
0x136: {  	v1 =	vld.idx.msk [tilespmem:v2+s1+$0x0], $0xffff;
	_ =	sdelay $0x3  }
0x137: {  	v2 =	vor.u32 $0x3008, v0  }
0x138: {  	v1 =	vtrunc.f32 v1  }
0x139: {  	v1 =	vcvt.f32.s32 v1;
	_ =	sdelay $0x1  }
0x13a: {  	[tilespmem:$0x4450] =	vst v1  }
0x13b: {  	v1 =	vld.idx.msk [tilespmem:v2+s1+$0x0], $0xffff;
	_ =	sdelay $0x3  }
0x13c: {  	v2 =	vor.u32 $0x3808, v0  }
0x13d: {  	v1 =	vtrunc.f32 v1  }
0x13e: {  	v1 =	vcvt.f32.s32 v1;
	_ =	sdelay $0x1  }
0x13f: {  	[tilespmem:$0x4460] =	vst v1  }
0x140: {  	v1 =	vld.idx.msk [tilespmem:v2+s1+$0x0], $0xffff;
	_ =	sdelay $0x3  }
0x141: {  	v2 =	vor.u32 $0x9, v0  }
0x142: {  	v1 =	vtrunc.f32 v1  }
0x143: {  	v1 =	vcvt.f32.s32 v1;
	_ =	sdelay $0x1  }
0x144: {  	[tilespmem:$0x4470] =	vst v1  }
0x145: {  	v1 =	vld.idx.msk [tilespmem:v2+s1+$0x0], $0xffff;
	_ =	sdelay $0x3  }
0x146: {  	v2 =	vor.u32 $0x809, v0  }
0x147: {  	v1 =	vtrunc.f32 v1  }
0x148: {  	v1 =	vcvt.f32.s32 v1;
	_ =	sdelay $0x1  }
0x149: {  	[tilespmem:$0x4480] =	vst v1  }
0x14a: {  	v1 =	vld.idx.msk [tilespmem:v2+s1+$0x0], $0xffff;
	_ =	sdelay $0x3  }
0x14b: {  	v2 =	vor.u32 $0x1009, v0  }
0x14c: {  	v1 =	vtrunc.f32 v1  }
0x14d: {  	v1 =	vcvt.f32.s32 v1;
	_ =	sdelay $0x1  }
0x14e: {  	[tilespmem:$0x4490] =	vst v1  }
0x14f: {  	v1 =	vld.idx.msk [tilespmem:v2+s1+$0x0], $0xffff;
	_ =	sdelay $0x3  }
0x150: {  	v2 =	vor.u32 $0x1809, v0  }
0x151: {  	v1 =	vtrunc.f32 v1  }
0x152: {  	v1 =	vcvt.f32.s32 v1;
	_ =	sdelay $0x1  }
0x153: {  	[tilespmem:$0x44A0] =	vst v1  }
0x154: {  	v1 =	vld.idx.msk [tilespmem:v2+s1+$0x0], $0xffff;
	_ =	sdelay $0x3  }
0x155: {  	v2 =	vor.u32 $0x2009, v0  }
0x156: {  	v1 =	vtrunc.f32 v1  }
0x157: {  	v1 =	vcvt.f32.s32 v1;
	_ =	sdelay $0x1  }
0x158: {  	[tilespmem:$0x44B0] =	vst v1  }
0x159: {  	v1 =	vld.idx.msk [tilespmem:v2+s1+$0x0], $0xffff;
	_ =	sdelay $0x3  }
0x15a: {  	v2 =	vor.u32 $0x2809, v0  }
0x15b: {  	v1 =	vtrunc.f32 v1  }
0x15c: {  	v1 =	vcvt.f32.s32 v1;
	_ =	sdelay $0x1  }
0x15d: {  	[tilespmem:$0x44C0] =	vst v1  }
0x15e: {  	v1 =	vld.idx.msk [tilespmem:v2+s1+$0x0], $0xffff;
	_ =	sdelay $0x3  }
0x15f: {  	v2 =	vor.u32 $0x3009, v0  }
0x160: {  	v1 =	vtrunc.f32 v1  }
0x161: {  	v1 =	vcvt.f32.s32 v1;
	_ =	sdelay $0x1  }
0x162: {  	[tilespmem:$0x44D0] =	vst v1  }
0x163: {  	v1 =	vld.idx.msk [tilespmem:v2+s1+$0x0], $0xffff;
	_ =	sdelay $0x3  }
0x164: {  	v2 =	vor.u32 $0x3809, v0  }
0x165: {  	v1 =	vtrunc.f32 v1  }
0x166: {  	v1 =	vcvt.f32.s32 v1;
	_ =	sdelay $0x1  }
0x167: {  	[tilespmem:$0x44E0] =	vst v1  }
0x168: {  	v1 =	vld.idx.msk [tilespmem:v2+s1+$0x0], $0xffff;
	_ =	sdelay $0x3  }
0x169: {  	v2 =	vor.u32 $0xA, v0  }
0x16a: {  	v1 =	vtrunc.f32 v1  }
0x16b: {  	v1 =	vcvt.f32.s32 v1;
	_ =	sdelay $0x1  }
0x16c: {  	[tilespmem:$0x44F0] =	vst v1  }
0x16d: {  	v1 =	vld.idx.msk [tilespmem:v2+s1+$0x0], $0xffff;
	_ =	sdelay $0x3  }
0x16e: {  	v2 =	vor.u32 $0x80A, v0  }
0x16f: {  	v1 =	vtrunc.f32 v1  }
0x170: {  	v1 =	vcvt.f32.s32 v1;
	_ =	sdelay $0x1  }
0x171: {  	[tilespmem:$0x4500] =	vst v1  }
0x172: {  	v1 =	vld.idx.msk [tilespmem:v2+s1+$0x0], $0xffff;
	_ =	sdelay $0x3  }
0x173: {  	v2 =	vor.u32 $0x100A, v0  }
0x174: {  	v1 =	vtrunc.f32 v1  }
0x175: {  	v1 =	vcvt.f32.s32 v1;
	_ =	sdelay $0x1  }
0x176: {  	[tilespmem:$0x4510] =	vst v1  }
0x177: {  	v1 =	vld.idx.msk [tilespmem:v2+s1+$0x0], $0xffff;
	_ =	sdelay $0x3  }
0x178: {  	v2 =	vor.u32 $0x180A, v0  }
0x179: {  	v1 =	vtrunc.f32 v1  }
0x17a: {  	v1 =	vcvt.f32.s32 v1;
	_ =	sdelay $0x1  }
0x17b: {  	[tilespmem:$0x4520] =	vst v1  }
0x17c: {  	v1 =	vld.idx.msk [tilespmem:v2+s1+$0x0], $0xffff;
	_ =	sdelay $0x3  }
0x17d: {  	v2 =	vor.u32 $0x200A, v0  }
0x17e: {  	v1 =	vtrunc.f32 v1  }
0x17f: {  	v1 =	vcvt.f32.s32 v1;
	_ =	sdelay $0x1  }
0x180: {  	[tilespmem:$0x4530] =	vst v1  }
0x181: {  	v1 =	vld.idx.msk [tilespmem:v2+s1+$0x0], $0xffff;
	_ =	sdelay $0x3  }
0x182: {  	v2 =	vor.u32 $0x280A, v0  }
0x183: {  	v1 =	vtrunc.f32 v1  }
0x184: {  	v1 =	vcvt.f32.s32 v1;
	_ =	sdelay $0x1  }
0x185: {  	[tilespmem:$0x4540] =	vst v1  }
0x186: {  	v1 =	vld.idx.msk [tilespmem:v2+s1+$0x0], $0xffff;
	_ =	sdelay $0x3  }
0x187: {  	v2 =	vor.u32 $0x300A, v0  }
0x188: {  	v1 =	vtrunc.f32 v1  }
0x189: {  	v1 =	vcvt.f32.s32 v1;
	_ =	sdelay $0x1  }
0x18a: {  	[tilespmem:$0x4550] =	vst v1  }
0x18b: {  	v1 =	vld.idx.msk [tilespmem:v2+s1+$0x0], $0xffff;
	_ =	sdelay $0x3  }
0x18c: {  	v2 =	vor.u32 $0x380A, v0  }
0x18d: {  	v1 =	vtrunc.f32 v1  }
0x18e: {  	v1 =	vcvt.f32.s32 v1;
	_ =	sdelay $0x1  }
0x18f: {  	[tilespmem:$0x4560] =	vst v1  }
0x190: {  	v1 =	vld.idx.msk [tilespmem:v2+s1+$0x0], $0xffff;
	_ =	sdelay $0x3  }
0x191: {  	v2 =	vor.u32 $0xB, v0  }
0x192: {  	v1 =	vtrunc.f32 v1  }
0x193: {  	v1 =	vcvt.f32.s32 v1;
	_ =	sdelay $0x1  }
0x194: {  	[tilespmem:$0x4570] =	vst v1  }
0x195: {  	v1 =	vld.idx.msk [tilespmem:v2+s1+$0x0], $0xffff;
	_ =	sdelay $0x3  }
0x196: {  	v2 =	vor.u32 $0x80B, v0  }
0x197: {  	v1 =	vtrunc.f32 v1  }
0x198: {  	v1 =	vcvt.f32.s32 v1;
	_ =	sdelay $0x1  }
0x199: {  	[tilespmem:$0x4580] =	vst v1  }
0x19a: {  	v1 =	vld.idx.msk [tilespmem:v2+s1+$0x0], $0xffff;
	_ =	sdelay $0x3  }
0x19b: {  	v2 =	vor.u32 $0x100B, v0  }
0x19c: {  	v1 =	vtrunc.f32 v1  }
0x19d: {  	v1 =	vcvt.f32.s32 v1;
	_ =	sdelay $0x1  }
0x19e: {  	[tilespmem:$0x4590] =	vst v1  }
0x19f: {  	v1 =	vld.idx.msk [tilespmem:v2+s1+$0x0], $0xffff;
	_ =	sdelay $0x3  }
0x1a0: {  	v2 =	vor.u32 $0x180B, v0  }
0x1a1: {  	v1 =	vtrunc.f32 v1  }
0x1a2: {  	v1 =	vcvt.f32.s32 v1;
	_ =	sdelay $0x1  }
0x1a3: {  	[tilespmem:$0x45A0] =	vst v1  }
0x1a4: {  	v1 =	vld.idx.msk [tilespmem:v2+s1+$0x0], $0xffff;
	_ =	sdelay $0x3  }
0x1a5: {  	v2 =	vor.u32 $0x200B, v0  }
0x1a6: {  	v1 =	vtrunc.f32 v1  }
0x1a7: {  	v1 =	vcvt.f32.s32 v1;
	_ =	sdelay $0x1  }
0x1a8: {  	[tilespmem:$0x45B0] =	vst v1  }
0x1a9: {  	v1 =	vld.idx.msk [tilespmem:v2+s1+$0x0], $0xffff;
	_ =	sdelay $0x3  }
0x1aa: {  	v2 =	vor.u32 $0x280B, v0  }
0x1ab: {  	v1 =	vtrunc.f32 v1  }
0x1ac: {  	v1 =	vcvt.f32.s32 v1;
	_ =	sdelay $0x1  }
0x1ad: {  	[tilespmem:$0x45C0] =	vst v1  }
0x1ae: {  	v1 =	vld.idx.msk [tilespmem:v2+s1+$0x0], $0xffff;
	_ =	sdelay $0x3  }
0x1af: {  	v2 =	vor.u32 $0x300B, v0  }
0x1b0: {  	v1 =	vtrunc.f32 v1  }
0x1b1: {  	v1 =	vcvt.f32.s32 v1;
	_ =	sdelay $0x1  }
0x1b2: {  	[tilespmem:$0x45D0] =	vst v1  }
0x1b3: {  	v1 =	vld.idx.msk [tilespmem:v2+s1+$0x0], $0xffff;
	_ =	sdelay $0x3  }
0x1b4: {  	v2 =	vor.u32 $0x380B, v0  }
0x1b5: {  	v1 =	vtrunc.f32 v1  }
0x1b6: {  	v1 =	vcvt.f32.s32 v1;
	_ =	sdelay $0x1  }
0x1b7: {  	[tilespmem:$0x45E0] =	vst v1  }
0x1b8: {  	v1 =	vld.idx.msk [tilespmem:v2+s1+$0x0], $0xffff;
	_ =	sdelay $0x3  }
0x1b9: {  	v2 =	vor.u32 $0xC, v0  }
0x1ba: {  	v1 =	vtrunc.f32 v1  }
0x1bb: {  	v1 =	vcvt.f32.s32 v1;
	_ =	sdelay $0x1  }
0x1bc: {  	[tilespmem:$0x45F0] =	vst v1  }
0x1bd: {  	v1 =	vld.idx.msk [tilespmem:v2+s1+$0x0], $0xffff;
	_ =	sdelay $0x3  }
0x1be: {  	v2 =	vor.u32 $0x80C, v0  }
0x1bf: {  	v1 =	vtrunc.f32 v1  }
0x1c0: {  	v1 =	vcvt.f32.s32 v1;
	_ =	sdelay $0x1  }
0x1c1: {  	[tilespmem:$0x4600] =	vst v1  }
0x1c2: {  	v1 =	vld.idx.msk [tilespmem:v2+s1+$0x0], $0xffff;
	_ =	sdelay $0x3  }
0x1c3: {  	v2 =	vor.u32 $0x100C, v0  }
0x1c4: {  	v1 =	vtrunc.f32 v1  }
0x1c5: {  	v1 =	vcvt.f32.s32 v1;
	_ =	sdelay $0x1  }
0x1c6: {  	[tilespmem:$0x4610] =	vst v1  }
0x1c7: {  	v1 =	vld.idx.msk [tilespmem:v2+s1+$0x0], $0xffff;
	_ =	sdelay $0x3  }
0x1c8: {  	v2 =	vor.u32 $0x180C, v0  }
0x1c9: {  	v1 =	vtrunc.f32 v1  }
0x1ca: {  	v1 =	vcvt.f32.s32 v1;
	_ =	sdelay $0x1  }
0x1cb: {  	[tilespmem:$0x4620] =	vst v1  }
0x1cc: {  	v1 =	vld.idx.msk [tilespmem:v2+s1+$0x0], $0xffff;
	_ =	sdelay $0x3  }
0x1cd: {  	v2 =	vor.u32 $0x200C, v0  }
0x1ce: {  	v1 =	vtrunc.f32 v1  }
0x1cf: {  	v1 =	vcvt.f32.s32 v1;
	_ =	sdelay $0x1  }
0x1d0: {  	[tilespmem:$0x4630] =	vst v1  }
0x1d1: {  	v1 =	vld.idx.msk [tilespmem:v2+s1+$0x0], $0xffff;
	_ =	sdelay $0x3  }
0x1d2: {  	v2 =	vor.u32 $0x280C, v0  }
0x1d3: {  	v1 =	vtrunc.f32 v1  }
0x1d4: {  	v1 =	vcvt.f32.s32 v1;
	_ =	sdelay $0x1  }
0x1d5: {  	[tilespmem:$0x4640] =	vst v1  }
0x1d6: {  	v1 =	vld.idx.msk [tilespmem:v2+s1+$0x0], $0xffff;
	_ =	sdelay $0x3  }
0x1d7: {  	v2 =	vor.u32 $0x300C, v0  }
0x1d8: {  	v1 =	vtrunc.f32 v1  }
0x1d9: {  	v1 =	vcvt.f32.s32 v1;
	_ =	sdelay $0x1  }
0x1da: {  	[tilespmem:$0x4650] =	vst v1  }
0x1db: {  	v1 =	vld.idx.msk [tilespmem:v2+s1+$0x0], $0xffff;
	_ =	sdelay $0x3  }
0x1dc: {  	v2 =	vor.u32 $0x380C, v0  }
0x1dd: {  	v1 =	vtrunc.f32 v1  }
0x1de: {  	v1 =	vcvt.f32.s32 v1;
	_ =	sdelay $0x1  }
0x1df: {  	[tilespmem:$0x4660] =	vst v1  }
0x1e0: {  	v1 =	vld.idx.msk [tilespmem:v2+s1+$0x0], $0xffff;
	_ =	sdelay $0x3  }
0x1e1: {  	v2 =	vor.u32 $0xD, v0  }
0x1e2: {  	v1 =	vtrunc.f32 v1  }
0x1e3: {  	v1 =	vcvt.f32.s32 v1;
	_ =	sdelay $0x1  }
0x1e4: {  	[tilespmem:$0x4670] =	vst v1  }
0x1e5: {  	v1 =	vld.idx.msk [tilespmem:v2+s1+$0x0], $0xffff;
	_ =	sdelay $0x3  }
0x1e6: {  	v2 =	vor.u32 $0x80D, v0  }
0x1e7: {  	v1 =	vtrunc.f32 v1  }
0x1e8: {  	v1 =	vcvt.f32.s32 v1;
	_ =	sdelay $0x1  }
0x1e9: {  	[tilespmem:$0x4680] =	vst v1  }
0x1ea: {  	v1 =	vld.idx.msk [tilespmem:v2+s1+$0x0], $0xffff;
	_ =	sdelay $0x3  }
0x1eb: {  	v2 =	vor.u32 $0x100D, v0  }
0x1ec: {  	v1 =	vtrunc.f32 v1  }
0x1ed: {  	v1 =	vcvt.f32.s32 v1;
	_ =	sdelay $0x1  }
0x1ee: {  	[tilespmem:$0x4690] =	vst v1  }
0x1ef: {  	v1 =	vld.idx.msk [tilespmem:v2+s1+$0x0], $0xffff;
	_ =	sdelay $0x3  }
0x1f0: {  	v2 =	vor.u32 $0x180D, v0  }
0x1f1: {  	v1 =	vtrunc.f32 v1  }
0x1f2: {  	v1 =	vcvt.f32.s32 v1;
	_ =	sdelay $0x1  }
0x1f3: {  	[tilespmem:$0x46A0] =	vst v1  }
0x1f4: {  	v1 =	vld.idx.msk [tilespmem:v2+s1+$0x0], $0xffff;
	_ =	sdelay $0x3  }
0x1f5: {  	v2 =	vor.u32 $0x200D, v0  }
0x1f6: {  	v1 =	vtrunc.f32 v1  }
0x1f7: {  	v1 =	vcvt.f32.s32 v1;
	_ =	sdelay $0x1  }
0x1f8: {  	[tilespmem:$0x46B0] =	vst v1  }
0x1f9: {  	v1 =	vld.idx.msk [tilespmem:v2+s1+$0x0], $0xffff;
	_ =	sdelay $0x3  }
0x1fa: {  	v2 =	vor.u32 $0x280D, v0  }
0x1fb: {  	v1 =	vtrunc.f32 v1  }
0x1fc: {  	v1 =	vcvt.f32.s32 v1;
	_ =	sdelay $0x1  }
0x1fd: {  	[tilespmem:$0x46C0] =	vst v1  }
0x1fe: {  	v1 =	vld.idx.msk [tilespmem:v2+s1+$0x0], $0xffff;
	_ =	sdelay $0x3  }
0x1ff: {  	v2 =	vor.u32 $0x300D, v0  }
0x200: {  	v1 =	vtrunc.f32 v1  }
0x201: {  	v1 =	vcvt.f32.s32 v1;
	_ =	sdelay $0x1  }
0x202: {  	[tilespmem:$0x46D0] =	vst v1  }
0x203: {  	v1 =	vld.idx.msk [tilespmem:v2+s1+$0x0], $0xffff;
	_ =	sdelay $0x3  }
0x204: {  	v2 =	vor.u32 $0x380D, v0  }
0x205: {  	v1 =	vtrunc.f32 v1  }
0x206: {  	v1 =	vcvt.f32.s32 v1;
	_ =	sdelay $0x1  }
0x207: {  	[tilespmem:$0x46E0] =	vst v1  }
0x208: {  	v1 =	vld.idx.msk [tilespmem:v2+s1+$0x0], $0xffff;
	_ =	sdelay $0x3  }
0x209: {  	v2 =	vor.u32 $0xE, v0  }
0x20a: {  	v1 =	vtrunc.f32 v1  }
0x20b: {  	v1 =	vcvt.f32.s32 v1;
	_ =	sdelay $0x1  }
0x20c: {  	[tilespmem:$0x46F0] =	vst v1  }
0x20d: {  	v1 =	vld.idx.msk [tilespmem:v2+s1+$0x0], $0xffff;
	_ =	sdelay $0x3  }
0x20e: {  	v2 =	vor.u32 $0x80E, v0  }
0x20f: {  	v1 =	vtrunc.f32 v1  }
0x210: {  	v1 =	vcvt.f32.s32 v1;
	_ =	sdelay $0x1  }
0x211: {  	[tilespmem:$0x4700] =	vst v1  }
0x212: {  	v1 =	vld.idx.msk [tilespmem:v2+s1+$0x0], $0xffff;
	_ =	sdelay $0x3  }
0x213: {  	v2 =	vor.u32 $0x100E, v0  }
0x214: {  	v1 =	vtrunc.f32 v1  }
0x215: {  	v1 =	vcvt.f32.s32 v1;
	_ =	sdelay $0x1  }
0x216: {  	[tilespmem:$0x4710] =	vst v1  }
0x217: {  	v1 =	vld.idx.msk [tilespmem:v2+s1+$0x0], $0xffff;
	_ =	sdelay $0x3  }
0x218: {  	v2 =	vor.u32 $0x180E, v0  }
0x219: {  	v1 =	vtrunc.f32 v1  }
0x21a: {  	v1 =	vcvt.f32.s32 v1;
	_ =	sdelay $0x1  }
0x21b: {  	[tilespmem:$0x4720] =	vst v1  }
0x21c: {  	v1 =	vld.idx.msk [tilespmem:v2+s1+$0x0], $0xffff;
	_ =	sdelay $0x3  }
0x21d: {  	v2 =	vor.u32 $0x200E, v0  }
0x21e: {  	v1 =	vtrunc.f32 v1  }
0x21f: {  	v1 =	vcvt.f32.s32 v1;
	_ =	sdelay $0x1  }
0x220: {  	[tilespmem:$0x4730] =	vst v1  }
0x221: {  	v1 =	vld.idx.msk [tilespmem:v2+s1+$0x0], $0xffff;
	_ =	sdelay $0x3  }
0x222: {  	v2 =	vor.u32 $0x280E, v0  }
0x223: {  	v1 =	vtrunc.f32 v1  }
0x224: {  	v1 =	vcvt.f32.s32 v1;
	_ =	sdelay $0x1  }
0x225: {  	[tilespmem:$0x4740] =	vst v1  }
0x226: {  	v1 =	vld.idx.msk [tilespmem:v2+s1+$0x0], $0xffff;
	_ =	sdelay $0x3  }
0x227: {  	v2 =	vor.u32 $0x300E, v0  }
0x228: {  	v1 =	vtrunc.f32 v1  }
0x229: {  	v1 =	vcvt.f32.s32 v1;
	_ =	sdelay $0x1  }
0x22a: {  	[tilespmem:$0x4750] =	vst v1  }
0x22b: {  	v1 =	vld.idx.msk [tilespmem:v2+s1+$0x0], $0xffff;
	_ =	sdelay $0x3  }
0x22c: {  	v2 =	vor.u32 $0x380E, v0  }
0x22d: {  	v1 =	vtrunc.f32 v1  }
0x22e: {  	v1 =	vcvt.f32.s32 v1;
	_ =	sdelay $0x1  }
0x22f: {  	[tilespmem:$0x4760] =	vst v1  }
0x230: {  	v1 =	vld.idx.msk [tilespmem:v2+s1+$0x0], $0xffff;
	_ =	sdelay $0x3  }
0x231: {  	v2 =	vor.u32 $0xF, v0  }
0x232: {  	v1 =	vtrunc.f32 v1  }
0x233: {  	v1 =	vcvt.f32.s32 v1;
	_ =	sdelay $0x1  }
0x234: {  	[tilespmem:$0x4770] =	vst v1  }
0x235: {  	v1 =	vld.idx.msk [tilespmem:v2+s1+$0x0], $0xffff;
	_ =	sdelay $0x3  }
0x236: {  	v2 =	vor.u32 $0x80F, v0  }
0x237: {  	v1 =	vtrunc.f32 v1  }
0x238: {  	v1 =	vcvt.f32.s32 v1;
	_ =	sdelay $0x1  }
0x239: {  	[tilespmem:$0x4780] =	vst v1  }
0x23a: {  	v1 =	vld.idx.msk [tilespmem:v2+s1+$0x0], $0xffff;
	_ =	sdelay $0x3  }
0x23b: {  	v2 =	vor.u32 $0x100F, v0  }
0x23c: {  	v1 =	vtrunc.f32 v1  }
0x23d: {  	v1 =	vcvt.f32.s32 v1;
	_ =	sdelay $0x1  }
0x23e: {  	[tilespmem:$0x4790] =	vst v1  }
0x23f: {  	v1 =	vld.idx.msk [tilespmem:v2+s1+$0x0], $0xffff;
	_ =	sdelay $0x3  }
0x240: {  	v2 =	vor.u32 $0x180F, v0  }
0x241: {  	v1 =	vtrunc.f32 v1  }
0x242: {  	v1 =	vcvt.f32.s32 v1;
	_ =	sdelay $0x1  }
0x243: {  	[tilespmem:$0x47A0] =	vst v1  }
0x244: {  	v1 =	vld.idx.msk [tilespmem:v2+s1+$0x0], $0xffff;
	_ =	sdelay $0x3  }
0x245: {  	v2 =	vor.u32 $0x200F, v0  }
0x246: {  	v1 =	vtrunc.f32 v1  }
0x247: {  	v1 =	vcvt.f32.s32 v1;
	_ =	sdelay $0x1  }
0x248: {  	[tilespmem:$0x47B0] =	vst v1  }
0x249: {  	v1 =	vld.idx.msk [tilespmem:v2+s1+$0x0], $0xffff;
	_ =	sdelay $0x3  }
0x24a: {  	v2 =	vor.u32 $0x280F, v0  }
0x24b: {  	v1 =	vtrunc.f32 v1  }
0x24c: {  	v1 =	vcvt.f32.s32 v1;
	_ =	sdelay $0x1  }
0x24d: {  	[tilespmem:$0x47C0] =	vst v1  }
0x24e: {  	v1 =	vld.idx.msk [tilespmem:v2+s1+$0x0], $0xffff;
	_ =	sdelay $0x3  }
0x24f: {  	v2 =	vor.u32 $0x300F, v0  }
0x250: {  	v1 =	vtrunc.f32 v1  }
0x251: {  	v1 =	vcvt.f32.s32 v1;
	_ =	sdelay $0x1  }
0x252: {  	[tilespmem:$0x47D0] =	vst v1  }
0x253: {  	v1 =	vld.idx.msk [tilespmem:v2+s1+$0x0], $0xffff;
	_ =	sdelay $0x3  }
0x254: {  	v2 =	vor.u32 $0x380F, v0  }
0x255: {  	v1 =	vtrunc.f32 v1  }
0x256: {  	v1 =	vcvt.f32.s32 v1;
	_ =	sdelay $0x1  }
0x257: {  	[tilespmem:$0x47E0] =	vst v1  }
0x258: {  	v1 =	vld.idx.msk [tilespmem:v2+s1+$0x0], $0xffff;
	_ =	sdelay $0x3  }
0x259: {  	v2 =	vor.u32 $0x10, v0  }
0x25a: {  	v1 =	vtrunc.f32 v1  }
0x25b: {  	v1 =	vcvt.f32.s32 v1;
	_ =	sdelay $0x1  }
0x25c: {  	[tilespmem:$0x47F0] =	vst v1  }
0x25d: {  	v1 =	vld.idx.msk [tilespmem:v2+s1+$0x0], $0xffff;
	_ =	sdelay $0x3  }
0x25e: {  	v2 =	vor.u32 $0x810, v0  }
0x25f: {  	v1 =	vtrunc.f32 v1  }
0x260: {  	v1 =	vcvt.f32.s32 v1;
	_ =	sdelay $0x1  }
0x261: {  	[tilespmem:$0x4800] =	vst v1  }
0x262: {  	v1 =	vld.idx.msk [tilespmem:v2+s1+$0x0], $0xffff;
	_ =	sdelay $0x3  }
0x263: {  	v2 =	vor.u32 $0x1010, v0  }
0x264: {  	v1 =	vtrunc.f32 v1  }
0x265: {  	v1 =	vcvt.f32.s32 v1;
	_ =	sdelay $0x1  }
0x266: {  	[tilespmem:$0x4810] =	vst v1  }
0x267: {  	v1 =	vld.idx.msk [tilespmem:v2+s1+$0x0], $0xffff;
	_ =	sdelay $0x3  }
0x268: {  	v2 =	vor.u32 $0x1810, v0  }
0x269: {  	v1 =	vtrunc.f32 v1  }
0x26a: {  	v1 =	vcvt.f32.s32 v1;
	_ =	sdelay $0x1  }
0x26b: {  	[tilespmem:$0x4820] =	vst v1  }
0x26c: {  	v1 =	vld.idx.msk [tilespmem:v2+s1+$0x0], $0xffff;
	_ =	sdelay $0x3  }
0x26d: {  	v2 =	vor.u32 $0x2010, v0  }
0x26e: {  	v1 =	vtrunc.f32 v1  }
0x26f: {  	v1 =	vcvt.f32.s32 v1;
	_ =	sdelay $0x1  }
0x270: {  	[tilespmem:$0x4830] =	vst v1  }
0x271: {  	v1 =	vld.idx.msk [tilespmem:v2+s1+$0x0], $0xffff;
	_ =	sdelay $0x3  }
0x272: {  	v2 =	vor.u32 $0x2810, v0  }
0x273: {  	v1 =	vtrunc.f32 v1  }
0x274: {  	v1 =	vcvt.f32.s32 v1;
	_ =	sdelay $0x1  }
0x275: {  	[tilespmem:$0x4840] =	vst v1  }
0x276: {  	v1 =	vld.idx.msk [tilespmem:v2+s1+$0x0], $0xffff;
	_ =	sdelay $0x3  }
0x277: {  	v2 =	vor.u32 $0x3010, v0  }
0x278: {  	v1 =	vtrunc.f32 v1  }
0x279: {  	v1 =	vcvt.f32.s32 v1;
	_ =	sdelay $0x1  }
0x27a: {  	[tilespmem:$0x4850] =	vst v1  }
0x27b: {  	v1 =	vld.idx.msk [tilespmem:v2+s1+$0x0], $0xffff;
	_ =	sdelay $0x3  }
0x27c: {  	v2 =	vor.u32 $0x3810, v0  }
0x27d: {  	v1 =	vtrunc.f32 v1  }
0x27e: {  	v1 =	vcvt.f32.s32 v1;
	_ =	sdelay $0x1  }
0x27f: {  	[tilespmem:$0x4860] =	vst v1  }
0x280: {  	v1 =	vld.idx.msk [tilespmem:v2+s1+$0x0], $0xffff;
	_ =	sdelay $0x3  }
0x281: {  	v2 =	vor.u32 $0x11, v0  }
0x282: {  	v1 =	vtrunc.f32 v1  }
0x283: {  	v1 =	vcvt.f32.s32 v1;
	_ =	sdelay $0x1  }
0x284: {  	[tilespmem:$0x4870] =	vst v1  }
0x285: {  	v1 =	vld.idx.msk [tilespmem:v2+s1+$0x0], $0xffff;
	_ =	sdelay $0x3  }
0x286: {  	v2 =	vor.u32 $0x811, v0  }
0x287: {  	v1 =	vtrunc.f32 v1  }
0x288: {  	v1 =	vcvt.f32.s32 v1;
	_ =	sdelay $0x1  }
0x289: {  	[tilespmem:$0x4880] =	vst v1  }
0x28a: {  	v1 =	vld.idx.msk [tilespmem:v2+s1+$0x0], $0xffff;
	_ =	sdelay $0x3  }
0x28b: {  	v2 =	vor.u32 $0x1011, v0  }
0x28c: {  	v1 =	vtrunc.f32 v1  }
0x28d: {  	v1 =	vcvt.f32.s32 v1;
	_ =	sdelay $0x1  }
0x28e: {  	[tilespmem:$0x4890] =	vst v1  }
0x28f: {  	v1 =	vld.idx.msk [tilespmem:v2+s1+$0x0], $0xffff;
	_ =	sdelay $0x3  }
0x290: {  	v2 =	vor.u32 $0x1811, v0  }
0x291: {  	v1 =	vtrunc.f32 v1  }
0x292: {  	v1 =	vcvt.f32.s32 v1;
	_ =	sdelay $0x1  }
0x293: {  	[tilespmem:$0x48A0] =	vst v1  }
0x294: {  	v1 =	vld.idx.msk [tilespmem:v2+s1+$0x0], $0xffff;
	_ =	sdelay $0x3  }
0x295: {  	v2 =	vor.u32 $0x2011, v0  }
0x296: {  	v1 =	vtrunc.f32 v1  }
0x297: {  	v1 =	vcvt.f32.s32 v1;
	_ =	sdelay $0x1  }
0x298: {  	[tilespmem:$0x48B0] =	vst v1  }
0x299: {  	v1 =	vld.idx.msk [tilespmem:v2+s1+$0x0], $0xffff;
	_ =	sdelay $0x3  }
0x29a: {  	v2 =	vor.u32 $0x2811, v0  }
0x29b: {  	v1 =	vtrunc.f32 v1  }
0x29c: {  	v1 =	vcvt.f32.s32 v1;
	_ =	sdelay $0x1  }
0x29d: {  	[tilespmem:$0x48C0] =	vst v1  }
0x29e: {  	v1 =	vld.idx.msk [tilespmem:v2+s1+$0x0], $0xffff;
	_ =	sdelay $0x3  }
0x29f: {  	v2 =	vor.u32 $0x3011, v0  }
0x2a0: {  	v1 =	vtrunc.f32 v1  }
0x2a1: {  	v1 =	vcvt.f32.s32 v1;
	_ =	sdelay $0x1  }
0x2a2: {  	[tilespmem:$0x48D0] =	vst v1  }
0x2a3: {  	v1 =	vld.idx.msk [tilespmem:v2+s1+$0x0], $0xffff;
	_ =	sdelay $0x3  }
0x2a4: {  	v2 =	vor.u32 $0x3811, v0  }
0x2a5: {  	v1 =	vtrunc.f32 v1  }
0x2a6: {  	v1 =	vcvt.f32.s32 v1;
	_ =	sdelay $0x1  }
0x2a7: {  	[tilespmem:$0x48E0] =	vst v1  }
0x2a8: {  	v1 =	vld.idx.msk [tilespmem:v2+s1+$0x0], $0xffff;
	_ =	sdelay $0x3  }
0x2a9: {  	v2 =	vor.u32 $0x12, v0  }
0x2aa: {  	v1 =	vtrunc.f32 v1  }
0x2ab: {  	v1 =	vcvt.f32.s32 v1;
	_ =	sdelay $0x1  }
0x2ac: {  	[tilespmem:$0x48F0] =	vst v1  }
0x2ad: {  	v1 =	vld.idx.msk [tilespmem:v2+s1+$0x0], $0xffff;
	_ =	sdelay $0x3  }
0x2ae: {  	v2 =	vor.u32 $0x812, v0  }
0x2af: {  	v1 =	vtrunc.f32 v1  }
0x2b0: {  	v1 =	vcvt.f32.s32 v1;
	_ =	sdelay $0x1  }
0x2b1: {  	[tilespmem:$0x4900] =	vst v1  }
0x2b2: {  	v1 =	vld.idx.msk [tilespmem:v2+s1+$0x0], $0xffff;
	_ =	sdelay $0x3  }
0x2b3: {  	v2 =	vor.u32 $0x1012, v0  }
0x2b4: {  	v1 =	vtrunc.f32 v1  }
0x2b5: {  	v1 =	vcvt.f32.s32 v1;
	_ =	sdelay $0x1  }
0x2b6: {  	[tilespmem:$0x4910] =	vst v1  }
0x2b7: {  	v1 =	vld.idx.msk [tilespmem:v2+s1+$0x0], $0xffff;
	_ =	sdelay $0x3  }
0x2b8: {  	v2 =	vor.u32 $0x1812, v0  }
0x2b9: {  	v1 =	vtrunc.f32 v1  }
0x2ba: {  	v1 =	vcvt.f32.s32 v1;
	_ =	sdelay $0x1  }
0x2bb: {  	[tilespmem:$0x4920] =	vst v1  }
0x2bc: {  	v1 =	vld.idx.msk [tilespmem:v2+s1+$0x0], $0xffff;
	_ =	sdelay $0x3  }
0x2bd: {  	v2 =	vor.u32 $0x2012, v0  }
0x2be: {  	v1 =	vtrunc.f32 v1  }
0x2bf: {  	v1 =	vcvt.f32.s32 v1;
	_ =	sdelay $0x1  }
0x2c0: {  	[tilespmem:$0x4930] =	vst v1  }
0x2c1: {  	v1 =	vld.idx.msk [tilespmem:v2+s1+$0x0], $0xffff;
	_ =	sdelay $0x3  }
0x2c2: {  	v2 =	vor.u32 $0x2812, v0  }
0x2c3: {  	v1 =	vtrunc.f32 v1  }
0x2c4: {  	v1 =	vcvt.f32.s32 v1;
	_ =	sdelay $0x1  }
0x2c5: {  	[tilespmem:$0x4940] =	vst v1  }
0x2c6: {  	v1 =	vld.idx.msk [tilespmem:v2+s1+$0x0], $0xffff;
	_ =	sdelay $0x3  }
0x2c7: {  	v2 =	vor.u32 $0x3012, v0  }
0x2c8: {  	v1 =	vtrunc.f32 v1  }
0x2c9: {  	v1 =	vcvt.f32.s32 v1;
	_ =	sdelay $0x1  }
0x2ca: {  	[tilespmem:$0x4950] =	vst v1  }
0x2cb: {  	v1 =	vld.idx.msk [tilespmem:v2+s1+$0x0], $0xffff;
	_ =	sdelay $0x3  }
0x2cc: {  	v2 =	vor.u32 $0x3812, v0  }
0x2cd: {  	v1 =	vtrunc.f32 v1  }
0x2ce: {  	v1 =	vcvt.f32.s32 v1;
	_ =	sdelay $0x1  }
0x2cf: {  	[tilespmem:$0x4960] =	vst v1  }
0x2d0: {  	v1 =	vld.idx.msk [tilespmem:v2+s1+$0x0], $0xffff;
	_ =	sdelay $0x3  }
0x2d1: {  	v2 =	vor.u32 $0x13, v0  }
0x2d2: {  	v1 =	vtrunc.f32 v1  }
0x2d3: {  	v1 =	vcvt.f32.s32 v1;
	_ =	sdelay $0x1  }
0x2d4: {  	[tilespmem:$0x4970] =	vst v1  }
0x2d5: {  	v1 =	vld.idx.msk [tilespmem:v2+s1+$0x0], $0xffff;
	_ =	sdelay $0x3  }
0x2d6: {  	v2 =	vor.u32 $0x813, v0  }
0x2d7: {  	v1 =	vtrunc.f32 v1  }
0x2d8: {  	v1 =	vcvt.f32.s32 v1;
	_ =	sdelay $0x1  }
0x2d9: {  	[tilespmem:$0x4980] =	vst v1  }
0x2da: {  	v1 =	vld.idx.msk [tilespmem:v2+s1+$0x0], $0xffff;
	_ =	sdelay $0x3  }
0x2db: {  	v2 =	vor.u32 $0x1013, v0  }
0x2dc: {  	v1 =	vtrunc.f32 v1  }
0x2dd: {  	v1 =	vcvt.f32.s32 v1;
	_ =	sdelay $0x1  }
0x2de: {  	[tilespmem:$0x4990] =	vst v1  }
0x2df: {  	v1 =	vld.idx.msk [tilespmem:v2+s1+$0x0], $0xffff;
	_ =	sdelay $0x3  }
0x2e0: {  	v2 =	vor.u32 $0x1813, v0  }
0x2e1: {  	v1 =	vtrunc.f32 v1  }
0x2e2: {  	v1 =	vcvt.f32.s32 v1;
	_ =	sdelay $0x1  }
0x2e3: {  	[tilespmem:$0x49A0] =	vst v1  }
0x2e4: {  	v1 =	vld.idx.msk [tilespmem:v2+s1+$0x0], $0xffff;
	_ =	sdelay $0x3  }
0x2e5: {  	v2 =	vor.u32 $0x2013, v0  }
0x2e6: {  	v1 =	vtrunc.f32 v1  }
0x2e7: {  	v1 =	vcvt.f32.s32 v1;
	_ =	sdelay $0x1  }
0x2e8: {  	[tilespmem:$0x49B0] =	vst v1  }
0x2e9: {  	v1 =	vld.idx.msk [tilespmem:v2+s1+$0x0], $0xffff;
	_ =	sdelay $0x3  }
0x2ea: {  	v2 =	vor.u32 $0x2813, v0  }
0x2eb: {  	v1 =	vtrunc.f32 v1  }
0x2ec: {  	v1 =	vcvt.f32.s32 v1;
	_ =	sdelay $0x1  }
0x2ed: {  	[tilespmem:$0x49C0] =	vst v1  }
0x2ee: {  	v1 =	vld.idx.msk [tilespmem:v2+s1+$0x0], $0xffff;
	_ =	sdelay $0x3  }
0x2ef: {  	v2 =	vor.u32 $0x3013, v0  }
0x2f0: {  	v1 =	vtrunc.f32 v1  }
0x2f1: {  	v1 =	vcvt.f32.s32 v1;
	_ =	sdelay $0x1  }
0x2f2: {  	[tilespmem:$0x49D0] =	vst v1  }
0x2f3: {  	v1 =	vld.idx.msk [tilespmem:v2+s1+$0x0], $0xffff;
	_ =	sdelay $0x3  }
0x2f4: {  	v2 =	vor.u32 $0x3813, v0  }
0x2f5: {  	v1 =	vtrunc.f32 v1  }
0x2f6: {  	v1 =	vcvt.f32.s32 v1;
	_ =	sdelay $0x1  }
0x2f7: {  	[tilespmem:$0x49E0] =	vst v1  }
0x2f8: {  	v1 =	vld.idx.msk [tilespmem:v2+s1+$0x0], $0xffff;
	_ =	sdelay $0x3  }
0x2f9: {  	v2 =	vor.u32 $0x14, v0  }
0x2fa: {  	v1 =	vtrunc.f32 v1  }
0x2fb: {  	v1 =	vcvt.f32.s32 v1;
	_ =	sdelay $0x1  }
0x2fc: {  	[tilespmem:$0x49F0] =	vst v1  }
0x2fd: {  	v1 =	vld.idx.msk [tilespmem:v2+s1+$0x0], $0xffff;
	_ =	sdelay $0x3  }
0x2fe: {  	v2 =	vor.u32 $0x814, v0  }
0x2ff: {  	v1 =	vtrunc.f32 v1  }
0x300: {  	v1 =	vcvt.f32.s32 v1;
	_ =	sdelay $0x1  }
0x301: {  	[tilespmem:$0x4A00] =	vst v1  }
0x302: {  	v1 =	vld.idx.msk [tilespmem:v2+s1+$0x0], $0xffff;
	_ =	sdelay $0x3  }
0x303: {  	v2 =	vor.u32 $0x1014, v0  }
0x304: {  	v1 =	vtrunc.f32 v1  }
0x305: {  	v1 =	vcvt.f32.s32 v1;
	_ =	sdelay $0x1  }
0x306: {  	[tilespmem:$0x4A10] =	vst v1  }
0x307: {  	v1 =	vld.idx.msk [tilespmem:v2+s1+$0x0], $0xffff;
	_ =	sdelay $0x3  }
0x308: {  	v2 =	vor.u32 $0x1814, v0  }
0x309: {  	v1 =	vtrunc.f32 v1  }
0x30a: {  	v1 =	vcvt.f32.s32 v1;
	_ =	sdelay $0x1  }
0x30b: {  	[tilespmem:$0x4A20] =	vst v1  }
0x30c: {  	v1 =	vld.idx.msk [tilespmem:v2+s1+$0x0], $0xffff;
	_ =	sdelay $0x3  }
0x30d: {  	v2 =	vor.u32 $0x2014, v0  }
0x30e: {  	v1 =	vtrunc.f32 v1  }
0x30f: {  	v1 =	vcvt.f32.s32 v1;
	_ =	sdelay $0x1  }
0x310: {  	[tilespmem:$0x4A30] =	vst v1  }
0x311: {  	v1 =	vld.idx.msk [tilespmem:v2+s1+$0x0], $0xffff;
	_ =	sdelay $0x3  }
0x312: {  	v2 =	vor.u32 $0x2814, v0  }
0x313: {  	v1 =	vtrunc.f32 v1  }
0x314: {  	v1 =	vcvt.f32.s32 v1;
	_ =	sdelay $0x1  }
0x315: {  	[tilespmem:$0x4A40] =	vst v1  }
0x316: {  	v1 =	vld.idx.msk [tilespmem:v2+s1+$0x0], $0xffff;
	_ =	sdelay $0x3  }
0x317: {  	v2 =	vor.u32 $0x3014, v0  }
0x318: {  	v1 =	vtrunc.f32 v1  }
0x319: {  	v1 =	vcvt.f32.s32 v1;
	_ =	sdelay $0x1  }
0x31a: {  	[tilespmem:$0x4A50] =	vst v1  }
0x31b: {  	v1 =	vld.idx.msk [tilespmem:v2+s1+$0x0], $0xffff;
	_ =	sdelay $0x3  }
0x31c: {  	v2 =	vor.u32 $0x3814, v0  }
0x31d: {  	v1 =	vtrunc.f32 v1  }
0x31e: {  	v1 =	vcvt.f32.s32 v1;
	_ =	sdelay $0x1  }
0x31f: {  	[tilespmem:$0x4A60] =	vst v1  }
0x320: {  	v1 =	vld.idx.msk [tilespmem:v2+s1+$0x0], $0xffff;
	_ =	sdelay $0x3  }
0x321: {  	v2 =	vor.u32 $0x15, v0  }
0x322: {  	v1 =	vtrunc.f32 v1  }
0x323: {  	v1 =	vcvt.f32.s32 v1;
	_ =	sdelay $0x1  }
0x324: {  	[tilespmem:$0x4A70] =	vst v1  }
0x325: {  	v1 =	vld.idx.msk [tilespmem:v2+s1+$0x0], $0xffff;
	_ =	sdelay $0x3  }
0x326: {  	v2 =	vor.u32 $0x815, v0  }
0x327: {  	v1 =	vtrunc.f32 v1  }
0x328: {  	v1 =	vcvt.f32.s32 v1;
	_ =	sdelay $0x1  }
0x329: {  	[tilespmem:$0x4A80] =	vst v1  }
0x32a: {  	v1 =	vld.idx.msk [tilespmem:v2+s1+$0x0], $0xffff;
	_ =	sdelay $0x3  }
0x32b: {  	v2 =	vor.u32 $0x1015, v0  }
0x32c: {  	v1 =	vtrunc.f32 v1  }
0x32d: {  	v1 =	vcvt.f32.s32 v1;
	_ =	sdelay $0x1  }
0x32e: {  	[tilespmem:$0x4A90] =	vst v1  }
0x32f: {  	v1 =	vld.idx.msk [tilespmem:v2+s1+$0x0], $0xffff;
	_ =	sdelay $0x3  }
0x330: {  	v2 =	vor.u32 $0x1815, v0  }
0x331: {  	v1 =	vtrunc.f32 v1  }
0x332: {  	v1 =	vcvt.f32.s32 v1;
	_ =	sdelay $0x1  }
0x333: {  	[tilespmem:$0x4AA0] =	vst v1  }
0x334: {  	v1 =	vld.idx.msk [tilespmem:v2+s1+$0x0], $0xffff;
	_ =	sdelay $0x3  }
0x335: {  	v2 =	vor.u32 $0x2015, v0  }
0x336: {  	v1 =	vtrunc.f32 v1  }
0x337: {  	v1 =	vcvt.f32.s32 v1;
	_ =	sdelay $0x1  }
0x338: {  	[tilespmem:$0x4AB0] =	vst v1  }
0x339: {  	v1 =	vld.idx.msk [tilespmem:v2+s1+$0x0], $0xffff;
	_ =	sdelay $0x3  }
0x33a: {  	v2 =	vor.u32 $0x2815, v0  }
0x33b: {  	v1 =	vtrunc.f32 v1  }
0x33c: {  	v1 =	vcvt.f32.s32 v1;
	_ =	sdelay $0x1  }
0x33d: {  	[tilespmem:$0x4AC0] =	vst v1  }
0x33e: {  	v1 =	vld.idx.msk [tilespmem:v2+s1+$0x0], $0xffff;
	_ =	sdelay $0x3  }
0x33f: {  	v2 =	vor.u32 $0x3015, v0  }
0x340: {  	v1 =	vtrunc.f32 v1  }
0x341: {  	v1 =	vcvt.f32.s32 v1;
	_ =	sdelay $0x1  }
0x342: {  	[tilespmem:$0x4AD0] =	vst v1  }
0x343: {  	v1 =	vld.idx.msk [tilespmem:v2+s1+$0x0], $0xffff;
	_ =	sdelay $0x3  }
0x344: {  	v2 =	vor.u32 $0x3815, v0  }
0x345: {  	v1 =	vtrunc.f32 v1  }
0x346: {  	v1 =	vcvt.f32.s32 v1;
	_ =	sdelay $0x1  }
0x347: {  	[tilespmem:$0x4AE0] =	vst v1  }
0x348: {  	v1 =	vld.idx.msk [tilespmem:v2+s1+$0x0], $0xffff;
	_ =	sdelay $0x3  }
0x349: {  	v2 =	vor.u32 $0x16, v0  }
0x34a: {  	v1 =	vtrunc.f32 v1  }
0x34b: {  	v1 =	vcvt.f32.s32 v1;
	_ =	sdelay $0x1  }
0x34c: {  	[tilespmem:$0x4AF0] =	vst v1  }
0x34d: {  	v1 =	vld.idx.msk [tilespmem:v2+s1+$0x0], $0xffff;
	_ =	sdelay $0x3  }
0x34e: {  	v2 =	vor.u32 $0x816, v0  }
0x34f: {  	v1 =	vtrunc.f32 v1  }
0x350: {  	v1 =	vcvt.f32.s32 v1;
	_ =	sdelay $0x1  }
0x351: {  	[tilespmem:$0x4B00] =	vst v1  }
0x352: {  	v1 =	vld.idx.msk [tilespmem:v2+s1+$0x0], $0xffff;
	_ =	sdelay $0x3  }
0x353: {  	v2 =	vor.u32 $0x1016, v0  }
0x354: {  	v1 =	vtrunc.f32 v1  }
0x355: {  	v1 =	vcvt.f32.s32 v1;
	_ =	sdelay $0x1  }
0x356: {  	[tilespmem:$0x4B10] =	vst v1  }
0x357: {  	v1 =	vld.idx.msk [tilespmem:v2+s1+$0x0], $0xffff;
	_ =	sdelay $0x3  }
0x358: {  	v2 =	vor.u32 $0x1816, v0  }
0x359: {  	v1 =	vtrunc.f32 v1  }
0x35a: {  	v1 =	vcvt.f32.s32 v1;
	_ =	sdelay $0x1  }
0x35b: {  	[tilespmem:$0x4B20] =	vst v1  }
0x35c: {  	v1 =	vld.idx.msk [tilespmem:v2+s1+$0x0], $0xffff;
	_ =	sdelay $0x3  }
0x35d: {  	v2 =	vor.u32 $0x2016, v0  }
0x35e: {  	v1 =	vtrunc.f32 v1  }
0x35f: {  	v1 =	vcvt.f32.s32 v1;
	_ =	sdelay $0x1  }
0x360: {  	[tilespmem:$0x4B30] =	vst v1  }
0x361: {  	v1 =	vld.idx.msk [tilespmem:v2+s1+$0x0], $0xffff;
	_ =	sdelay $0x3  }
0x362: {  	v2 =	vor.u32 $0x2816, v0  }
0x363: {  	v1 =	vtrunc.f32 v1  }
0x364: {  	v1 =	vcvt.f32.s32 v1;
	_ =	sdelay $0x1  }
0x365: {  	[tilespmem:$0x4B40] =	vst v1  }
0x366: {  	v1 =	vld.idx.msk [tilespmem:v2+s1+$0x0], $0xffff;
	_ =	sdelay $0x3  }
0x367: {  	v2 =	vor.u32 $0x3016, v0  }
0x368: {  	v1 =	vtrunc.f32 v1  }
0x369: {  	v1 =	vcvt.f32.s32 v1;
	_ =	sdelay $0x1  }
0x36a: {  	[tilespmem:$0x4B50] =	vst v1  }
0x36b: {  	v1 =	vld.idx.msk [tilespmem:v2+s1+$0x0], $0xffff;
	_ =	sdelay $0x3  }
0x36c: {  	v2 =	vor.u32 $0x3816, v0  }
0x36d: {  	v1 =	vtrunc.f32 v1  }
0x36e: {  	v1 =	vcvt.f32.s32 v1;
	_ =	sdelay $0x1  }
0x36f: {  	[tilespmem:$0x4B60] =	vst v1  }
0x370: {  	v1 =	vld.idx.msk [tilespmem:v2+s1+$0x0], $0xffff;
	_ =	sdelay $0x3  }
0x371: {  	v2 =	vor.u32 $0x17, v0  }
0x372: {  	v1 =	vtrunc.f32 v1  }
0x373: {  	v1 =	vcvt.f32.s32 v1;
	_ =	sdelay $0x1  }
0x374: {  	[tilespmem:$0x4B70] =	vst v1  }
0x375: {  	v1 =	vld.idx.msk [tilespmem:v2+s1+$0x0], $0xffff;
	_ =	sdelay $0x3  }
0x376: {  	v2 =	vor.u32 $0x817, v0  }
0x377: {  	v1 =	vtrunc.f32 v1  }
0x378: {  	v1 =	vcvt.f32.s32 v1;
	_ =	sdelay $0x1  }
0x379: {  	[tilespmem:$0x4B80] =	vst v1  }
0x37a: {  	v1 =	vld.idx.msk [tilespmem:v2+s1+$0x0], $0xffff;
	_ =	sdelay $0x3  }
0x37b: {  	v2 =	vor.u32 $0x1017, v0  }
0x37c: {  	v1 =	vtrunc.f32 v1  }
0x37d: {  	v1 =	vcvt.f32.s32 v1;
	_ =	sdelay $0x1  }
0x37e: {  	[tilespmem:$0x4B90] =	vst v1  }
0x37f: {  	v1 =	vld.idx.msk [tilespmem:v2+s1+$0x0], $0xffff;
	_ =	sdelay $0x3  }
0x380: {  	v2 =	vor.u32 $0x1817, v0  }
0x381: {  	v1 =	vtrunc.f32 v1  }
0x382: {  	v1 =	vcvt.f32.s32 v1;
	_ =	sdelay $0x1  }
0x383: {  	[tilespmem:$0x4BA0] =	vst v1  }
0x384: {  	v1 =	vld.idx.msk [tilespmem:v2+s1+$0x0], $0xffff;
	_ =	sdelay $0x3  }
0x385: {  	v2 =	vor.u32 $0x2017, v0  }
0x386: {  	v1 =	vtrunc.f32 v1  }
0x387: {  	v1 =	vcvt.f32.s32 v1;
	_ =	sdelay $0x1  }
0x388: {  	[tilespmem:$0x4BB0] =	vst v1  }
0x389: {  	v1 =	vld.idx.msk [tilespmem:v2+s1+$0x0], $0xffff;
	_ =	sdelay $0x3  }
0x38a: {  	v2 =	vor.u32 $0x2817, v0  }
0x38b: {  	v1 =	vtrunc.f32 v1  }
0x38c: {  	v1 =	vcvt.f32.s32 v1;
	_ =	sdelay $0x1  }
0x38d: {  	[tilespmem:$0x4BC0] =	vst v1  }
0x38e: {  	v1 =	vld.idx.msk [tilespmem:v2+s1+$0x0], $0xffff;
	_ =	sdelay $0x3  }
0x38f: {  	v2 =	vor.u32 $0x3017, v0  }
0x390: {  	v1 =	vtrunc.f32 v1  }
0x391: {  	v1 =	vcvt.f32.s32 v1;
	_ =	sdelay $0x1  }
0x392: {  	[tilespmem:$0x4BD0] =	vst v1  }
0x393: {  	v1 =	vld.idx.msk [tilespmem:v2+s1+$0x0], $0xffff;
	_ =	sdelay $0x3  }
0x394: {  	v2 =	vor.u32 $0x3817, v0  }
0x395: {  	v1 =	vtrunc.f32 v1  }
0x396: {  	v1 =	vcvt.f32.s32 v1;
	_ =	sdelay $0x1  }
0x397: {  	[tilespmem:$0x4BE0] =	vst v1  }
0x398: {  	v1 =	vld.idx.msk [tilespmem:v2+s1+$0x0], $0xffff;
	_ =	sdelay $0x3  }
0x399: {  	v2 =	vor.u32 $0x18, v0  }
0x39a: {  	v1 =	vtrunc.f32 v1  }
0x39b: {  	v1 =	vcvt.f32.s32 v1;
	_ =	sdelay $0x1  }
0x39c: {  	[tilespmem:$0x4BF0] =	vst v1  }
0x39d: {  	v1 =	vld.idx.msk [tilespmem:v2+s1+$0x0], $0xffff;
	_ =	sdelay $0x3  }
0x39e: {  	v2 =	vor.u32 $0x818, v0  }
0x39f: {  	v1 =	vtrunc.f32 v1  }
0x3a0: {  	v1 =	vcvt.f32.s32 v1;
	_ =	sdelay $0x1  }
0x3a1: {  	[tilespmem:$0x4C00] =	vst v1  }
0x3a2: {  	v1 =	vld.idx.msk [tilespmem:v2+s1+$0x0], $0xffff;
	_ =	sdelay $0x3  }
0x3a3: {  	v2 =	vor.u32 $0x1018, v0  }
0x3a4: {  	v1 =	vtrunc.f32 v1  }
0x3a5: {  	v1 =	vcvt.f32.s32 v1;
	_ =	sdelay $0x1  }
0x3a6: {  	[tilespmem:$0x4C10] =	vst v1  }
0x3a7: {  	v1 =	vld.idx.msk [tilespmem:v2+s1+$0x0], $0xffff;
	_ =	sdelay $0x3  }
0x3a8: {  	v2 =	vor.u32 $0x1818, v0  }
0x3a9: {  	v1 =	vtrunc.f32 v1  }
0x3aa: {  	v1 =	vcvt.f32.s32 v1;
	_ =	sdelay $0x1  }
0x3ab: {  	[tilespmem:$0x4C20] =	vst v1  }
0x3ac: {  	v1 =	vld.idx.msk [tilespmem:v2+s1+$0x0], $0xffff;
	_ =	sdelay $0x3  }
0x3ad: {  	v2 =	vor.u32 $0x2018, v0  }
0x3ae: {  	v1 =	vtrunc.f32 v1  }
0x3af: {  	v1 =	vcvt.f32.s32 v1;
	_ =	sdelay $0x1  }
0x3b0: {  	[tilespmem:$0x4C30] =	vst v1  }
0x3b1: {  	v1 =	vld.idx.msk [tilespmem:v2+s1+$0x0], $0xffff;
	_ =	sdelay $0x3  }
0x3b2: {  	v2 =	vor.u32 $0x2818, v0  }
0x3b3: {  	v1 =	vtrunc.f32 v1  }
0x3b4: {  	v1 =	vcvt.f32.s32 v1;
	_ =	sdelay $0x1  }
0x3b5: {  	[tilespmem:$0x4C40] =	vst v1  }
0x3b6: {  	v1 =	vld.idx.msk [tilespmem:v2+s1+$0x0], $0xffff;
	_ =	sdelay $0x3  }
0x3b7: {  	v2 =	vor.u32 $0x3018, v0  }
0x3b8: {  	v1 =	vtrunc.f32 v1  }
0x3b9: {  	v1 =	vcvt.f32.s32 v1;
	_ =	sdelay $0x1  }
0x3ba: {  	[tilespmem:$0x4C50] =	vst v1  }
0x3bb: {  	v1 =	vld.idx.msk [tilespmem:v2+s1+$0x0], $0xffff;
	_ =	sdelay $0x3  }
0x3bc: {  	v2 =	vor.u32 $0x3818, v0  }
0x3bd: {  	v1 =	vtrunc.f32 v1  }
0x3be: {  	v1 =	vcvt.f32.s32 v1;
	_ =	sdelay $0x1  }
0x3bf: {  	[tilespmem:$0x4C60] =	vst v1  }
0x3c0: {  	v1 =	vld.idx.msk [tilespmem:v2+s1+$0x0], $0xffff;
	_ =	sdelay $0x3  }
0x3c1: {  	v2 =	vor.u32 $0x19, v0  }
0x3c2: {  	v1 =	vtrunc.f32 v1  }
0x3c3: {  	v1 =	vcvt.f32.s32 v1;
	_ =	sdelay $0x1  }
0x3c4: {  	[tilespmem:$0x4C70] =	vst v1  }
0x3c5: {  	v1 =	vld.idx.msk [tilespmem:v2+s1+$0x0], $0xffff;
	_ =	sdelay $0x3  }
0x3c6: {  	v2 =	vor.u32 $0x819, v0  }
0x3c7: {  	v1 =	vtrunc.f32 v1  }
0x3c8: {  	v1 =	vcvt.f32.s32 v1;
	_ =	sdelay $0x1  }
0x3c9: {  	[tilespmem:$0x4C80] =	vst v1  }
0x3ca: {  	v1 =	vld.idx.msk [tilespmem:v2+s1+$0x0], $0xffff;
	_ =	sdelay $0x3  }
0x3cb: {  	v2 =	vor.u32 $0x1019, v0  }
0x3cc: {  	v1 =	vtrunc.f32 v1  }
0x3cd: {  	v1 =	vcvt.f32.s32 v1;
	_ =	sdelay $0x1  }
0x3ce: {  	[tilespmem:$0x4C90] =	vst v1  }
0x3cf: {  	v1 =	vld.idx.msk [tilespmem:v2+s1+$0x0], $0xffff;
	_ =	sdelay $0x3  }
0x3d0: {  	v2 =	vor.u32 $0x1819, v0  }
0x3d1: {  	v1 =	vtrunc.f32 v1  }
0x3d2: {  	v1 =	vcvt.f32.s32 v1;
	_ =	sdelay $0x1  }
0x3d3: {  	[tilespmem:$0x4CA0] =	vst v1  }
0x3d4: {  	v1 =	vld.idx.msk [tilespmem:v2+s1+$0x0], $0xffff;
	_ =	sdelay $0x3  }
0x3d5: {  	v2 =	vor.u32 $0x2019, v0  }
0x3d6: {  	v1 =	vtrunc.f32 v1  }
0x3d7: {  	v1 =	vcvt.f32.s32 v1;
	_ =	sdelay $0x1  }
0x3d8: {  	[tilespmem:$0x4CB0] =	vst v1  }
0x3d9: {  	v1 =	vld.idx.msk [tilespmem:v2+s1+$0x0], $0xffff;
	_ =	sdelay $0x3  }
0x3da: {  	v2 =	vor.u32 $0x2819, v0  }
0x3db: {  	v1 =	vtrunc.f32 v1  }
0x3dc: {  	v1 =	vcvt.f32.s32 v1;
	_ =	sdelay $0x1  }
0x3dd: {  	[tilespmem:$0x4CC0] =	vst v1  }
0x3de: {  	v1 =	vld.idx.msk [tilespmem:v2+s1+$0x0], $0xffff;
	_ =	sdelay $0x3  }
0x3df: {  	v2 =	vor.u32 $0x3019, v0  }
0x3e0: {  	v1 =	vtrunc.f32 v1  }
0x3e1: {  	v1 =	vcvt.f32.s32 v1;
	_ =	sdelay $0x1  }
0x3e2: {  	[tilespmem:$0x4CD0] =	vst v1  }
0x3e3: {  	v1 =	vld.idx.msk [tilespmem:v2+s1+$0x0], $0xffff;
	_ =	sdelay $0x3  }
0x3e4: {  	v2 =	vor.u32 $0x3819, v0  }
0x3e5: {  	v1 =	vtrunc.f32 v1  }
0x3e6: {  	v1 =	vcvt.f32.s32 v1;
	_ =	sdelay $0x1  }
0x3e7: {  	[tilespmem:$0x4CE0] =	vst v1  }
0x3e8: {  	v1 =	vld.idx.msk [tilespmem:v2+s1+$0x0], $0xffff;
	_ =	sdelay $0x4  }
0x3e9: {  	v1 =	vtrunc.f32 v1  }
0x3ea: {  	v1 =	vcvt.f32.s32 v1;
	_ =	sdelay $0x1  }
0x3eb: {  	[tilespmem:$0x4CF0] =	vst v1  }
0x3ec: {  	[tilespmem:s13], [sflag:$0x1] =	stream.indirect.gather [hbm4b:s3+s11], $0x40, s12, s11, $0xb8;
	[tilespmem:$0x11D00] =	vst v63  }
0x3ed: {  	_ =	swait.ge [sflag:s14], $0xD000  }
0x3ee: {  	[sflag:s14] =	ssyncset.done $0x0  }
0x3ef: {  	[sflag:s14] =	ssyncadd.s32 $0xFFFF3000  }
0x3f0: {  	[hbm4b:s5+s1] =	stream.linear.scatter [tilespmem:s13], [sflag:$0x2], $0xD000, $0x38;
	[tilespmem:$0x11D00] =	vst v63  }
0x3f1: {  	_ =	swait.ge [sflag:s10], $0xD000  }
0x3f2: {  	[sflag:s10] =	ssyncset.done $0x0  }
0x3f3: {  	[sflag:s10] =	ssyncadd.s32 $0xFFFF3000  }
0x3f4: {  	[tilespmem:s13], [sflag:$0x1] =	stream.indirect.gather [hbm4b:s3+s11], $0x40, s15, s11, $0xb8;
	[tilespmem:$0x11D00] =	vst v63  }
0x3f5: {  	_ =	swait.ge [sflag:s14], $0xD000  }
0x3f6: {  	[sflag:s14] =	ssyncset.done $0x0  }
0x3f7: {  	[sflag:s14] =	ssyncadd.s32 $0xFFFF3000  }
0x3f8: {  	[hbm4b:s6+s1] =	stream.linear.scatter [tilespmem:s13], [sflag:$0x2], $0xD000, $0x38;
	[tilespmem:$0x11D00] =	vst v63  }
0x3f9: {  	_ =	swait.ge [sflag:s10], $0xD000  }
0x3fa: {  	[sflag:s10] =	ssyncset.done $0x0  }
0x3fb: {  	[sflag:s10] =	ssyncadd.s32 $0xFFFF3000  }
0x3fc: {  	[tilespmem:s13], [sflag:$0x1] =	stream.indirect.gather [hbm4b:s3+s11], $0x40, s16, s11, $0xb8;
	[tilespmem:$0x11D00] =	vst v63  }
0x3fd: {  	_ =	swait.ge [sflag:s14], $0xD000  }
0x3fe: {  	[sflag:s14] =	ssyncset.done $0x0  }
0x3ff: {  	[sflag:s14] =	ssyncadd.s32 $0xFFFF3000  }
0x400: {  	[hbm4b:s7+s1] =	stream.linear.scatter [tilespmem:s13], [sflag:$0x2], $0xD000, $0x38;
	[tilespmem:$0x11D00] =	vst v63  }
0x401: {  	_ =	swait.ge [sflag:s10], $0xD000  }
0x402: {  	[sflag:s10] =	ssyncset.done $0x0  }
0x403: {  	[sflag:s10] =	ssyncadd.s32 $0xFFFF3000  }
0x404: {  	[tilespmem:s13], [sflag:$0x1] =	stream.indirect.gather [hbm4b:s3+s11], $0x40, s17, s11, $0xb8;
	[tilespmem:$0x11D00] =	vst v63  }
0x405: {  	_ =	swait.ge [sflag:s14], $0xD000  }
0x406: {  	p0 =	sne.s32 s9, $0x1;
	[sflag:s14] =	ssyncset.done $0x0  }
.Ltmp0:
0x407: {  	[sflag:s14] =	ssyncadd.s32 $0xFFFF3000;
	(pc) =	sbr.rel @p0 .LBB2_1-.Ltmp0, $4  }
0x408: {  	[hbm4b:s8+s1] =	stream.linear.scatter [tilespmem:s13], [sflag:$0x2], $0xD000, $0x38;
	[tilespmem:$0x11D00] =	vst v63  }
0x409: {  	_ =	swait.ge [sflag:s10], $0xD000  }
0x40a: {  	[sflag:s10] =	ssyncset.done $0x0  }
0x40b: {  	s9 =	sadd.s32 $0xFFFFFFFF, s9;
	[sflag:s10] =	ssyncadd.s32 $0xFFFF3000  }
0x40c: {  	_ =	sfence.sel $0x180000  }
0x40d: {  	[bflag:$0x0] =	sbarrier.arrive $0xFFFF  }
0x40e: {  	p0 =	sne.s32 s2, $0x0;
	_ =	strace $0x90000047  }
0x40f: {  	s0 =	sadd.s32 @!p0 $0x100000, s0;
	[bflag:$0x2] =	sbarrier.arrive $0xFFFF  }
0x410: {  	[sflag:s0] =	ssyncadd.tile.s32 @!p0 $0x1;
	_ =	shalt  }
.Lfunc_end2:
_tile_overlayer_lowered:
.L_overlay_start_2:
0x411: {  	(tag) =	ssettag $0x2  }
0x412: {  	s0 =	rddreg [dreg:$0x0];
	s2 =	stileid.u32  }
0x413: {  	s1 =	rddreg [dreg:$0x1];
	p0 =	sne.s32 s2, $0x0  }
0x414: {  	s3 =	rddreg [dreg:$0x2];
	[bflag:$0x3] =	sbarrier.arrive $0xFFFF;
	s2 =	simm.s32 @!p0 $0x1C02  }
0x415: {  	[timem:s3], [sflag:s2] =	dma.local @!p0 [hbm:s0], s1  }
0x416: {  	s0 =	simm.s32 @!p0 $0x2  }
0x417: {  	_ =	swait.ge @!p0 [sflag:s0], s1  }
0x418: {  	s1 =	ssub.s32 @!p0 $0x0, s1;
	[sflag:s0] =	ssyncset.done @!p0 $0x0  }
0x419: {  	[sflag:s0] =	ssyncadd.s32 @!p0 s1  }
0x41a: {  	[bflag:$0x3] =	sbarrier.arrive $0xFFFF  }
0x41b: {  	_ =	shalt  }

</sc_bundles>
